<compile_context>
chip_gen: v7x
topology: tpu7x:2x2x1
jax: 0.10.2.dev20260603
libtpu: 0.0.44.dev20260713+nightly
codegen_flags: <defaults>
</compile_context>

<pallas_src>
import functools

import jax
import jax.numpy as jnp
from jax import lax
from jax.experimental import layout as jlayout
from jax.experimental import pallas as pl
from jax.experimental.pallas import tpu as pltpu
from jax.experimental.pallas import tpu_sc as plsc

N = 10000
E = 160000
D = 300
DP = 512
CW = 128
NCH = DP // CW
DREM = D - 2 * CW
L = 16
NS = 16
NC = 2
SUB = 64
S1 = (E // SUB) // NS
R1T = E // SUB - NS * S1
S2 = (E // NC // SUB) // NS
R2T = E // NC // SUB - NS * S2
RPT = 624
RREM = N - NS * RPT


def _prep_body(x_ref, wm_ref, b_ref, we_ref, h_ref, init_ref, w2_ref):
    wmq = wm_ref[...]
    hq = lax.dot_general(x_ref[...], wmq, (((0,), (1,)), ((), ())),
                         preferred_element_type=jnp.float32) + b_ref[...]
    w2q = lax.dot_general(we_ref[...], wmq, (((1,), (1,)), ((), ())),
                          preferred_element_type=jnp.float32)
    h_ref[...] = hq
    init_ref[...] = jnp.maximum(hq + 4.0 * w2q[1:2, :], 0.0)
    w2_ref[...] = jnp.pad(w2q, ((0, 6), (0, 0)))


def _prep(x, W_mlp, b_mlp, W_edge):
    b_pad = jnp.pad(b_mlp, (0, DP - D)).reshape(1, DP)
    wm_pad = jnp.pad(W_mlp, ((0, DP - D), (0, 0)))
    return pl.pallas_call(
        _prep_body,
        grid=(NCH,),
        in_specs=[
            pl.BlockSpec((D, N), lambda q: (0, 0)),
            pl.BlockSpec((CW, D), lambda q: (q, 0)),
            pl.BlockSpec((1, CW), lambda q: (0, q)),
            pl.BlockSpec((2, D), lambda q: (0, 0)),
        ],
        out_specs=[
            pl.BlockSpec((N, CW), lambda q: (q, 0)),
            pl.BlockSpec((N, CW), lambda q: (q, 0)),
            pl.BlockSpec((8, CW), lambda q: (q, 0)),
        ],
        out_shape=[
            jax.ShapeDtypeStruct((NCH * N, CW), jnp.float32),
            jax.ShapeDtypeStruct((NCH * N, CW), jnp.float32),
            jax.ShapeDtypeStruct((NCH * 8, CW), jnp.float32),
        ],
    )(x.T, wm_pad, b_pad, W_edge)


def _sc_body(src_hbm, dst_hbm, ea0_hbm, ea1_hbm, h_hbm, init_hbm, w2_hbm,
             out1_hbm, out2_hbm,
             sidx_all, didx, ea0b, ea1b, rows, w2_v, acc, gs, ds, es, ss):
    cid = lax.axis_index("c")
    sid = lax.axis_index("s")

    def seed(init_row):
        pltpu.sync_copy(init_hbm.at[pl.ds(init_row + sid * RPT, RPT)],
                        acc.at[pl.ds(sid * RPT, RPT)])

        @pl.when(sid == NS - 1)
        def _():
            pltpu.sync_copy(init_hbm.at[pl.ds(init_row + NS * RPT, RREM)],
                            acc.at[pl.ds(NS * RPT, RREM)])

    def drain(out_hbm):
        out_row = cid * N
        pltpu.sync_copy(acc.at[pl.ds(sid * RPT, RPT)],
                        out_hbm.at[pl.ds(out_row + sid * RPT, RPT)])

        @pl.when(sid == NS - 1)
        def _():
            pltpu.sync_copy(acc.at[pl.ds(NS * RPT, RREM)],
                            out_hbm.at[pl.ds(out_row + NS * RPT, RREM)])

    def phase(nsub, ebase, goff, w2_row, init_row, out_hbm,
              rem_tiles, rem_base):
        assert nsub % 3 == 0
        seed(init_row)
        pltpu.sync_copy(w2_hbm.at[pl.ds(w2_row, 8)], w2_v)
        ne = nsub * SUB
        pltpu.sync_copy(src_hbm.at[pl.ds(ebase, ne)],
                        sidx_all.at[pl.ds(0, ne)])

        def add_off(k, c):
            sidx_all[pl.ds(k * L, L)] = sidx_all[pl.ds(k * L, L)] + goff
            return c

        lax.fori_loop(0, ne // L, add_off, 0)

        w0v = [w2_v[0, pl.ds(j * L, L)] for j in range(CW // L)]
        w1v = [w2_v[1, pl.ds(j * L, L)] for j in range(CW // L)]

        def compute(i):
            def edge_body(e, c):
                a0 = ea0b[i][pl.ds(e, L)][0]
                a1 = ea1b[i][pl.ds(e, L)][0]
                for j in range(CW // L):
                    sl = pl.ds(j * L, L)
                    rows[i][e, sl] = jnp.maximum(
                        rows[i][e, sl] + a0 * w0v[j] + a1 * w1v[j], 0.0)
                return c

            lax.fori_loop(0, SUB, edge_body, 0)

        def start_g(b, i):
            pltpu.async_copy(h_hbm.at[sidx_all.at[pl.ds(b * SUB, SUB)]],
                             rows[i], gs[i])
            pltpu.async_copy(dst_hbm.at[pl.ds(ebase + b * SUB, SUB)],
                             didx[i], ds[i])
            pltpu.async_copy(ea0_hbm.at[pl.ds(ebase + b * SUB, SUB)],
                             ea0b[i].at[pl.ds(0, SUB)], es[i])
            pltpu.async_copy(ea1_hbm.at[pl.ds(ebase + b * SUB, SUB)],
                             ea1b[i].at[pl.ds(0, SUB)], es[i])

        def wait_in(b, i):
            pltpu.make_async_copy(h_hbm.at[sidx_all.at[pl.ds(b * SUB, SUB)]],
                                  rows[i], gs[i]).wait()
            pltpu.make_async_copy(ea0_hbm.at[pl.ds(ebase + b * SUB, SUB)],
                                  ea0b[i].at[pl.ds(0, SUB)], es[i]).wait()
            pltpu.make_async_copy(ea1_hbm.at[pl.ds(ebase + b * SUB, SUB)],
                                  ea1b[i].at[pl.ds(0, SUB)], es[i]).wait()

        def wait_d(b, i):
            pltpu.make_async_copy(dst_hbm.at[pl.ds(ebase + b * SUB, SUB)],
                                  didx[i], ds[i]).wait()

        def scat_start(i):
            pltpu.async_copy(rows[i], acc.at[didx[i]], ss[i], add=True)

        def scat_wait(i):
            pltpu.make_async_copy(rows[i], acc.at[didx[i]], ss[i]).wait()

        plsc.subcore_barrier()

        start_g(0, 0)
        start_g(1, 1)

        def triple(p, c):
            b0 = 3 * p
            for i in range(3):
                b = b0 + i
                wait_in(b, i)
                compute(i)
                wait_d(b, i)
                scat_start(i)
                prev = (i + 2) % 3
                if i == 0:
                    @pl.when(p > 0)
                    def _():
                        scat_wait(prev)

                    start_g(b + 2, prev)
                else:
                    scat_wait(prev)

                    @pl.when(b + 2 < nsub)
                    def _():
                        start_g(b + 2, prev)
            return c

        lax.fori_loop(0, nsub // 3, triple, 0)
        scat_wait(2)

        @pl.when(sid < rem_tiles)
        def _():
            pltpu.sync_copy(src_hbm.at[pl.ds(rem_base, SUB)],
                            sidx_all.at[pl.ds(0, SUB)])
            pltpu.sync_copy(ea0_hbm.at[pl.ds(rem_base, SUB)],
                            ea0b[0].at[pl.ds(0, SUB)])
            pltpu.sync_copy(ea1_hbm.at[pl.ds(rem_base, SUB)],
                            ea1b[0].at[pl.ds(0, SUB)])
            lax.fori_loop(0, SUB // L, add_off, 0)
            pltpu.async_copy(h_hbm.at[sidx_all.at[pl.ds(0, SUB)]],
                             rows[0], gs[0]).wait()
            compute(0)
            pltpu.sync_copy(dst_hbm.at[pl.ds(rem_base, SUB)], didx[0])
            pltpu.sync_copy(rows[0], acc.at[didx[0]], add=True)

        plsc.subcore_barrier()
        drain(out_hbm)

    phase(S1, sid * (S1 * SUB), cid * N, cid * 8, cid * N, out1_hbm,
          R1T, (NS * S1 + sid) * SUB)
    half = cid * (E // NC)
    phase(S2, half + sid * (S2 * SUB), 2 * N, 16, (2 + cid) * N, out2_hbm,
          R2T, half + (NS * S2 + sid) * SUB)


def _sc_call(src, dst, ea0, ea1, h_cat, init_cat, w2_cat):
    mesh = plsc.VectorSubcoreMesh(core_axis_name="c", subcore_axis_name="s")
    return pl.kernel(
        _sc_body,
        out_type=[
            jax.ShapeDtypeStruct((2 * N, CW), jnp.float32),
            jax.ShapeDtypeStruct((2 * N, CW), jnp.float32),
        ],
        mesh=mesh,
        scratch_types=[
            pltpu.VMEM((S1 * SUB,), jnp.int32),
            [pltpu.VMEM((SUB,), jnp.int32) for _ in range(3)],
            [pltpu.VMEM((SUB + L,), jnp.float32) for _ in range(3)],
            [pltpu.VMEM((SUB + L,), jnp.float32) for _ in range(3)],
            [pltpu.VMEM((SUB, CW), jnp.float32) for _ in range(3)],
            pltpu.VMEM((8, CW), jnp.float32),
            pltpu.VMEM_SHARED((N, CW), jnp.float32),
            [pltpu.SemaphoreType.DMA for _ in range(3)],
            [pltpu.SemaphoreType.DMA for _ in range(3)],
            [pltpu.SemaphoreType.DMA for _ in range(3)],
            [pltpu.SemaphoreType.DMA for _ in range(3)],
        ],
    )(src, dst, ea0, ea1, h_cat, init_cat, w2_cat)


@jax.jit
def kernel(x, edge_index, edge_attr, W_edge, W_mlp, b_mlp):
    h_cat, init_cat, w2_cat = _prep(x, W_mlp, b_mlp, W_edge)
    out1, out2 = _sc_call(edge_index[0], edge_index[1],
                          edge_attr[:, 0], edge_attr[:, 1],
                          h_cat, init_cat, w2_cat)
    out_t = jnp.concatenate(
        [out1[:N].T, out1[N:].T, (out2[:N] + out2[N:])[:, :DREM].T], axis=0)
    return out_t.T

# --- scband reference (transcript-rebuilt; emitter-appended) ---
"""Pipeline reference for scband-scnet-60069412602441 (READ-ONLY COPY).

The authoritative reference and input builder live on the scoring server;
editing this copy changes nothing except your own understanding.
"""

import jax, jax.numpy as jnp
import numpy as np

N = 10000
E = 160000
D = 300


def setup_inputs(seed: int = 0) -> dict:
    key = jax.random.key(seed)
    k1, k2, k3, k4, k5, k6 = jax.random.split(key, 6)
    x = jax.random.normal(k1, (N, D), dtype=jnp.float32)
    edge_index = jax.random.randint(k2, (2, E), 0, N, dtype=jnp.int32)
    edge_attr = jax.random.uniform(k3, (E, 2), dtype=jnp.float32)
    # Parameters (xavier-uniform style init)
    def xavier(k, shape):
        fan_in, fan_out = shape[1], shape[0]
        a = float(np.sqrt(6.0 / (fan_in + fan_out)))
        return jax.random.uniform(k, shape, dtype=jnp.float32, minval=-a, maxval=a)
    W_edge = xavier(k4, (2, D))          # self.edge_weight1, used as edge_attr @ W_edge
    W_mlp = xavier(k5, (D, D))           # Linear(in_channels, out_channels) weight [out, in]
    b_mlp = jnp.zeros((D,), dtype=jnp.float32)
    return {"x": x, "edge_index": edge_index, "edge_attr": edge_attr,
            "W_edge": W_edge, "W_mlp": W_mlp, "b_mlp": b_mlp}


def reference(x, edge_index, edge_attr, W_edge, W_mlp, b_mlp):
    n = x.shape[0]
    # add_self_loops
    loop = jnp.arange(n, dtype=edge_index.dtype)
    ei = jnp.concatenate([edge_index, jnp.stack([loop, loop], axis=0)], axis=1)
    # self-loop edge attributes: zeros with column 1 set to 4
    sl_attr = jnp.zeros((n, 2), dtype=edge_attr.dtype).at[:, 1].set(4.0)
    ea = jnp.concatenate([edge_attr, sl_attr], axis=0)
    # edge feature projection
    edge_fea = ea @ W_edge                      # [E+N, D]
    # gcn_norm is computed in the original forward but its weights are DISCARDED
    # (edge_index, _ = gcn_norm(edge_index)), so no normalization is applied.
    src = ei[0]
    dst = ei[1]
    # message: mlp(x_j + edge_attr) with mlp = Linear + ReLU; x_j = x[src]
    msg = jax.nn.relu((x[src] + edge_fea) @ W_mlp.T + b_mlp)   # [E+N, D]
    # aggr='add': scatter-add messages to destination nodes
    out = jax.ops.segment_sum(msg, dst, num_segments=n)
    return out

if __name__ == "__main__":
    import jax
    _d = setup_inputs()
    print(jax.jit(kernel)(*tuple(_d.values())))

</pallas_src>

<mosaic_0001>
#map = affine_map<(d0, d1) -> (0)>
#map1 = affine_map<(d0, d1) -> (0, 0)>
module attributes {stable_mosaic.version = 14 : i64} {
  func.func @_sc_body(%arg0: i32, %arg1: i32, %arg2: memref<160000xi32, #tpu.memory_space<hbm>>, %arg3: memref<160000xi32, #tpu.memory_space<hbm>>, %arg4: memref<160000xf32, #tpu.memory_space<hbm>>, %arg5: memref<160000xf32, #tpu.memory_space<hbm>>, %arg6: memref<40000x128xf32, #tpu.memory_space<hbm>>, %arg7: memref<40000x128xf32, #tpu.memory_space<hbm>>, %arg8: memref<32x128xf32, #tpu.memory_space<hbm>>, %arg9: memref<20000x128xf32, #tpu.memory_space<hbm>>, %arg10: memref<20000x128xf32, #tpu.memory_space<hbm>>, %arg11: memref<9984xi32, #tpu.memory_space<vmem>>, %arg12: memref<64xi32, #tpu.memory_space<vmem>>, %arg13: memref<64xi32, #tpu.memory_space<vmem>>, %arg14: memref<64xi32, #tpu.memory_space<vmem>>, %arg15: memref<80xf32, #tpu.memory_space<vmem>>, %arg16: memref<80xf32, #tpu.memory_space<vmem>>, %arg17: memref<80xf32, #tpu.memory_space<vmem>>, %arg18: memref<80xf32, #tpu.memory_space<vmem>>, %arg19: memref<80xf32, #tpu.memory_space<vmem>>, %arg20: memref<80xf32, #tpu.memory_space<vmem>>, %arg21: memref<64x128xf32, #tpu.memory_space<vmem>>, %arg22: memref<64x128xf32, #tpu.memory_space<vmem>>, %arg23: memref<64x128xf32, #tpu.memory_space<vmem>>, %arg24: memref<8x128xf32, #tpu.memory_space<vmem>>, %arg25: memref<10000x128xf32, #tpu.memory_space<vmem_shared>>, %arg26: memref<!tpu.dma_semaphore, #tpu.memory_space<semaphore_mem>>, %arg27: memref<!tpu.dma_semaphore, #tpu.memory_space<semaphore_mem>>, %arg28: memref<!tpu.dma_semaphore, #tpu.memory_space<semaphore_mem>>, %arg29: memref<!tpu.dma_semaphore, #tpu.memory_space<semaphore_mem>>, %arg30: memref<!tpu.dma_semaphore, #tpu.memory_space<semaphore_mem>>, %arg31: memref<!tpu.dma_semaphore, #tpu.memory_space<semaphore_mem>>, %arg32: memref<!tpu.dma_semaphore, #tpu.memory_space<semaphore_mem>>, %arg33: memref<!tpu.dma_semaphore, #tpu.memory_space<semaphore_mem>>, %arg34: memref<!tpu.dma_semaphore, #tpu.memory_space<semaphore_mem>>, %arg35: memref<!tpu.dma_semaphore, #tpu.memory_space<semaphore_mem>>, %arg36: memref<!tpu.dma_semaphore, #tpu.memory_space<semaphore_mem>>, %arg37: memref<!tpu.dma_semaphore, #tpu.memory_space<semaphore_mem>>) attributes {dimension_semantics = [#tpu.dimension_semantics<core_parallel>, #tpu.dimension_semantics<subcore_parallel>], iteration_bounds = array<i64: 2, 16>, scalar_prefetch = 0 : i64, scratch_operands = 27 : i64, tpu.core_type = #tpu.core_type<sc_vector_subcore>, window_params = [{transform_indices = #map}, {transform_indices = #map}, {transform_indices = #map}, {transform_indices = #map}, {transform_indices = #map1}, {transform_indices = #map1}, {transform_indices = #map1}, {transform_indices = #map1}, {transform_indices = #map1}]} {
    %mul3A = arith.constant 9984 : i32
    %mul3A_0 = arith.muli %arg1, %mul3A : i32
    %mul3A_1 = arith.constant 10000 : i32
    %mul3A_2 = arith.muli %arg0, %mul3A_1 : i32
    %mul3A_3 = arith.constant 8 : i32
    %mul3A_4 = arith.muli %arg0, %mul3A_3 : i32
    %mul3A_5 = arith.constant 10000 : i32
    %mul3A_6 = arith.muli %arg0, %mul3A_5 : i32
    %add3A = arith.constant 2496 : i32
    %add3A_7 = arith.addi %add3A, %arg1 : i32
    %mul3A_8 = arith.constant 64 : i32
    %mul3A_9 = arith.muli %add3A_7, %mul3A_8 : i32
    %mul3A_10 = arith.constant 624 : i32
    %mul3A_11 = arith.muli %arg1, %mul3A_10 : i32
    %add3A_12 = arith.addi %mul3A_6, %mul3A_11 : i32
    %mul3A_13 = arith.constant 624 : i32
    %mul3A_14 = arith.muli %arg1, %mul3A_13 : i32
    "tpu.region"() ({
      %run_scoped3A = tpu.sem_alloc : memref<!tpu.dma_semaphore, #tpu.memory_space<semaphore_mem>>
      %dma_start3A_363 = arith.constant 0 : i32
      %dma_start3A_364 = tpu.memref_slice %arg25[%mul3A_14, %dma_start3A_363] : memref<10000x128xf32, #tpu.memory_space<vmem_shared>> -> memref<624x128xf32, #tpu.memory_space<vmem_shared>>
      %dma_start3A_365 = arith.constant 0 : i32
      %dma_start3A_366 = tpu.memref_slice %arg7[%add3A_12, %dma_start3A_365] : memref<40000x128xf32, #tpu.memory_space<hbm>> -> memref<624x128xf32, #tpu.memory_space<hbm>>
      tpu.enqueue_dma source(%dma_start3A_366 : memref<624x128xf32, #tpu.memory_space<hbm>>) target(%dma_start3A_364 : memref<624x128xf32, #tpu.memory_space<vmem_shared>>) target_semaphore(%run_scoped3A : memref<!tpu.dma_semaphore, #tpu.memory_space<semaphore_mem>>)
      %dma_wait3A_367 = arith.constant 0 : i32
      %dma_wait3A_368 = tpu.memref_slice %arg25[%mul3A_14, %dma_wait3A_367] : memref<10000x128xf32, #tpu.memory_space<vmem_shared>> -> memref<624x128xf32, #tpu.memory_space<vmem_shared>>
      %dma_wait3A_369 = arith.constant 0 : i32
      %dma_wait3A_370 = tpu.memref_slice %arg7[%add3A_12, %dma_wait3A_369] : memref<40000x128xf32, #tpu.memory_space<hbm>> -> memref<624x128xf32, #tpu.memory_space<hbm>>
      tpu.wait_dma2 semaphore(%run_scoped3A : memref<!tpu.dma_semaphore, #tpu.memory_space<semaphore_mem>>) src(%dma_wait3A_370 : memref<624x128xf32, #tpu.memory_space<hbm>>) dst(%dma_wait3A_368 : memref<624x128xf32, #tpu.memory_space<vmem_shared>>)
      tpu.yield
    }) : () -> ()
    %eq3A = arith.constant 15 : i32
    %eq3A_15 = arith.cmpi eq, %arg1, %eq3A : i32
    %convert_element_type3A = arith.extui %eq3A_15 : i1 to i32
    %cond3A = arith.constant 0 : i32
    %cond3A_16 = arith.cmpi ne, %convert_element_type3A, %cond3A : i32
    scf.if %cond3A_16 {
      %add3A_363 = arith.constant 9984 : i32
      %add3A_364 = arith.addi %mul3A_6, %add3A_363 : i32
      "tpu.region"() ({
        %run_scoped3A = tpu.sem_alloc : memref<!tpu.dma_semaphore, #tpu.memory_space<semaphore_mem>>
        %dma_start3A_365 = arith.constant 9984 : i32
        %dma_start3A_366 = arith.constant 0 : i32
        %dma_start3A_367 = tpu.memref_slice %arg25[%dma_start3A_365, %dma_start3A_366] : memref<10000x128xf32, #tpu.memory_space<vmem_shared>> -> memref<16x128xf32, #tpu.memory_space<vmem_shared>>
        %dma_start3A_368 = arith.constant 0 : i32
        %dma_start3A_369 = tpu.memref_slice %arg7[%add3A_364, %dma_start3A_368] : memref<40000x128xf32, #tpu.memory_space<hbm>> -> memref<16x128xf32, #tpu.memory_space<hbm>>
        tpu.enqueue_dma source(%dma_start3A_369 : memref<16x128xf32, #tpu.memory_space<hbm>>) target(%dma_start3A_367 : memref<16x128xf32, #tpu.memory_space<vmem_shared>>) target_semaphore(%run_scoped3A : memref<!tpu.dma_semaphore, #tpu.memory_space<semaphore_mem>>)
        %dma_wait3A_370 = arith.constant 9984 : i32
        %dma_wait3A_371 = arith.constant 0 : i32
        %dma_wait3A_372 = tpu.memref_slice %arg25[%dma_wait3A_370, %dma_wait3A_371] : memref<10000x128xf32, #tpu.memory_space<vmem_shared>> -> memref<16x128xf32, #tpu.memory_space<vmem_shared>>
        %dma_wait3A_373 = arith.constant 0 : i32
        %dma_wait3A_374 = tpu.memref_slice %arg7[%add3A_364, %dma_wait3A_373] : memref<40000x128xf32, #tpu.memory_space<hbm>> -> memref<16x128xf32, #tpu.memory_space<hbm>>
        tpu.wait_dma2 semaphore(%run_scoped3A : memref<!tpu.dma_semaphore, #tpu.memory_space<semaphore_mem>>) src(%dma_wait3A_374 : memref<16x128xf32, #tpu.memory_space<hbm>>) dst(%dma_wait3A_372 : memref<16x128xf32, #tpu.memory_space<vmem_shared>>)
        tpu.yield
      }) : () -> ()
    } else {
    }
    "tpu.region"() ({
      %run_scoped3A = tpu.sem_alloc : memref<!tpu.dma_semaphore, #tpu.memory_space<semaphore_mem>>
      %dma_start3A_363 = arith.constant 0 : i32
      %dma_start3A_364 = tpu.memref_slice %arg8[%mul3A_4, %dma_start3A_363] : memref<32x128xf32, #tpu.memory_space<hbm>> -> memref<8x128xf32, #tpu.memory_space<hbm>>
      %dma_start3A_365 = arith.constant 0 : i32
      %dma_start3A_366 = tpu.memref_slice %arg8[%mul3A_4, %dma_start3A_365] : memref<32x128xf32, #tpu.memory_space<hbm>> -> memref<8x128xf32, #tpu.memory_space<hbm>>
      tpu.enqueue_dma source(%dma_start3A_366 : memref<8x128xf32, #tpu.memory_space<hbm>>) target(%arg24 : memref<8x128xf32, #tpu.memory_space<vmem>>) target_semaphore(%run_scoped3A : memref<!tpu.dma_semaphore, #tpu.memory_space<semaphore_mem>>)
      %dma_wait3A_367 = arith.constant 0 : i32
      %dma_wait3A_368 = tpu.memref_slice %arg8[%mul3A_4, %dma_wait3A_367] : memref<32x128xf32, #tpu.memory_space<hbm>> -> memref<8x128xf32, #tpu.memory_space<hbm>>
      %dma_wait3A_369 = arith.constant 0 : i32
      %dma_wait3A_370 = tpu.memref_slice %arg8[%mul3A_4, %dma_wait3A_369] : memref<32x128xf32, #tpu.memory_space<hbm>> -> memref<8x128xf32, #tpu.memory_space<hbm>>
      tpu.wait_dma2 semaphore(%run_scoped3A : memref<!tpu.dma_semaphore, #tpu.memory_space<semaphore_mem>>) src(%dma_wait3A_370 : memref<8x128xf32, #tpu.memory_space<hbm>>) dst(%arg24 : memref<8x128xf32, #tpu.memory_space<vmem>>)
      tpu.yield
    }) : () -> ()
    "tpu.region"() ({
      %run_scoped3A = tpu.sem_alloc : memref<!tpu.dma_semaphore, #tpu.memory_space<semaphore_mem>>
      %dma_start3A_363 = arith.constant 0 : i32
      %dma_start3A_364 = tpu.memref_slice %arg11[%dma_start3A_363] : memref<9984xi32, #tpu.memory_space<vmem>> -> memref<9984xi32, #tpu.memory_space<vmem>>
      %dma_start3A_365 = tpu.memref_slice %arg2[%mul3A_0] : memref<160000xi32, #tpu.memory_space<hbm>> -> memref<9984xi32, #tpu.memory_space<hbm>>
      %dma_start3A_366 = arith.constant 0 : i32
      %dma_start3A_367 = tpu.memref_slice %arg11[%dma_start3A_366] : memref<9984xi32, #tpu.memory_space<vmem>> -> memref<9984xi32, #tpu.memory_space<vmem>>
      %dma_start3A_368 = tpu.memref_slice %arg2[%mul3A_0] : memref<160000xi32, #tpu.memory_space<hbm>> -> memref<9984xi32, #tpu.memory_space<hbm>>
      tpu.enqueue_dma source(%dma_start3A_368 : memref<9984xi32, #tpu.memory_space<hbm>>) target(%dma_start3A_367 : memref<9984xi32, #tpu.memory_space<vmem>>) target_semaphore(%run_scoped3A : memref<!tpu.dma_semaphore, #tpu.memory_space<semaphore_mem>>)
      %dma_wait3A_369 = arith.constant 0 : i32
      %dma_wait3A_370 = tpu.memref_slice %arg11[%dma_wait3A_369] : memref<9984xi32, #tpu.memory_space<vmem>> -> memref<9984xi32, #tpu.memory_space<vmem>>
      %dma_wait3A_371 = tpu.memref_slice %arg2[%mul3A_0] : memref<160000xi32, #tpu.memory_space<hbm>> -> memref<9984xi32, #tpu.memory_space<hbm>>
      %dma_wait3A_372 = arith.constant 0 : i32
      %dma_wait3A_373 = tpu.memref_slice %arg11[%dma_wait3A_372] : memref<9984xi32, #tpu.memory_space<vmem>> -> memref<9984xi32, #tpu.memory_space<vmem>>
      %dma_wait3A_374 = tpu.memref_slice %arg2[%mul3A_0] : memref<160000xi32, #tpu.memory_space<hbm>> -> memref<9984xi32, #tpu.memory_space<hbm>>
      tpu.wait_dma2 semaphore(%run_scoped3A : memref<!tpu.dma_semaphore, #tpu.memory_space<semaphore_mem>>) src(%dma_wait3A_374 : memref<9984xi32, #tpu.memory_space<hbm>>) dst(%dma_wait3A_373 : memref<9984xi32, #tpu.memory_space<vmem>>)
      tpu.yield
    }) : () -> ()
    %scan3A = arith.constant 0 : i32
    %scan3A_17 = arith.constant 0 : i32
    %scan3A_18 = arith.constant 624 : i32
    %scan3A_19 = arith.addi %scan3A_17, %scan3A_18 : i32
    %scan3A_20 = arith.constant 1 : i32
    scf.for %scan3A_363 = %scan3A_17 to %scan3A_19 step %scan3A_20  : i32 {
      %mul3A_364 = arith.constant 16 : i32
      %mul3A_365 = arith.muli %scan3A_363, %mul3A_364 : i32
      %get3A_366 = arith.index_cast %mul3A_365 : i32 to index
      %get3A_367 = tpu.vector_load %arg11[%get3A_366] {strides = array<i32>} : memref<9984xi32, #tpu.memory_space<vmem>>, vector<16xi32>,
      %get3A_368 = vector.shape_cast %get3A_367 : vector<16xi32> to vector<16xi32>
      %add3A_369 = vector.broadcast %mul3A_2 : i32 to vector<16xi32>
      %add3A_370 = arith.addi %get3A_368, %add3A_369 : vector<16xi32>
      %mul3A_371 = arith.constant 16 : i32
      %mul3A_372 = arith.muli %scan3A_363, %mul3A_371 : i32
      %swap3A = arith.index_cast %mul3A_372 : i32 to index
      %swap3A_373 = tpu.vector_load %arg11[%swap3A] {strides = array<i32>} : memref<9984xi32, #tpu.memory_space<vmem>>, vector<16xi32>,
      %swap3A_374 = vector.shape_cast %swap3A_373 : vector<16xi32> to vector<16xi32>
      %swap3A_375 = vector.shape_cast %add3A_370 : vector<16xi32> to vector<16xi32>
      tpu.vector_store %arg11[%swap3A], %swap3A_375 {strides = array<i32>} : memref<9984xi32, #tpu.memory_space<vmem>>, vector<16xi32>,
    }
    %scan3A_21 = arith.constant 624 : i32
    %get3A = arith.constant 0 : i32
    %get3A_22 = arith.index_cast %get3A : i32 to index
    %get3A_23 = arith.constant 0 : index
    %get3A_24 = tpu.vector_load %arg24[%get3A_22, %get3A_23] {strides = array<i32>} : memref<8x128xf32, #tpu.memory_space<vmem>>, vector<1x16xf32>,
    %get3A_25 = vector.shape_cast %get3A_24 : vector<1x16xf32> to vector<16xf32>
    %get3A_26 = arith.constant 0 : i32
    %get3A_27 = arith.index_cast %get3A_26 : i32 to index
    %get3A_28 = arith.constant 16 : index
    %get3A_29 = tpu.vector_load %arg24[%get3A_27, %get3A_28] {strides = array<i32>} : memref<8x128xf32, #tpu.memory_space<vmem>>, vector<1x16xf32>,
    %get3A_30 = vector.shape_cast %get3A_29 : vector<1x16xf32> to vector<16xf32>
    %get3A_31 = arith.constant 0 : i32
    %get3A_32 = arith.index_cast %get3A_31 : i32 to index
    %get3A_33 = arith.constant 32 : index
    %get3A_34 = tpu.vector_load %arg24[%get3A_32, %get3A_33] {strides = array<i32>} : memref<8x128xf32, #tpu.memory_space<vmem>>, vector<1x16xf32>,
    %get3A_35 = vector.shape_cast %get3A_34 : vector<1x16xf32> to vector<16xf32>
    %get3A_36 = arith.constant 0 : i32
    %get3A_37 = arith.index_cast %get3A_36 : i32 to index
    %get3A_38 = arith.constant 48 : index
    %get3A_39 = tpu.vector_load %arg24[%get3A_37, %get3A_38] {strides = array<i32>} : memref<8x128xf32, #tpu.memory_space<vmem>>, vector<1x16xf32>,
    %get3A_40 = vector.shape_cast %get3A_39 : vector<1x16xf32> to vector<16xf32>
    %get3A_41 = arith.constant 0 : i32
    %get3A_42 = arith.index_cast %get3A_41 : i32 to index
    %get3A_43 = arith.constant 64 : index
    %get3A_44 = tpu.vector_load %arg24[%get3A_42, %get3A_43] {strides = array<i32>} : memref<8x128xf32, #tpu.memory_space<vmem>>, vector<1x16xf32>,
    %get3A_45 = vector.shape_cast %get3A_44 : vector<1x16xf32> to vector<16xf32>
    %get3A_46 = arith.constant 0 : i32
    %get3A_47 = arith.index_cast %get3A_46 : i32 to index
    %get3A_48 = arith.constant 80 : index
    %get3A_49 = tpu.vector_load %arg24[%get3A_47, %get3A_48] {strides = array<i32>} : memref<8x128xf32, #tpu.memory_space<vmem>>, vector<1x16xf32>,
    %get3A_50 = vector.shape_cast %get3A_49 : vector<1x16xf32> to vector<16xf32>
    %get3A_51 = arith.constant 0 : i32
    %get3A_52 = arith.index_cast %get3A_51 : i32 to index
    %get3A_53 = arith.constant 96 : index
    %get3A_54 = tpu.vector_load %arg24[%get3A_52, %get3A_53] {strides = array<i32>} : memref<8x128xf32, #tpu.memory_space<vmem>>, vector<1x16xf32>,
    %get3A_55 = vector.shape_cast %get3A_54 : vector<1x16xf32> to vector<16xf32>
    %get3A_56 = arith.constant 0 : i32
    %get3A_57 = arith.index_cast %get3A_56 : i32 to index
    %get3A_58 = arith.constant 112 : index
    %get3A_59 = tpu.vector_load %arg24[%get3A_57, %get3A_58] {strides = array<i32>} : memref<8x128xf32, #tpu.memory_space<vmem>>, vector<1x16xf32>,
    %get3A_60 = vector.shape_cast %get3A_59 : vector<1x16xf32> to vector<16xf32>
    %get3A_61 = arith.constant 1 : i32
    %get3A_62 = arith.index_cast %get3A_61 : i32 to index
    %get3A_63 = arith.constant 0 : index
    %get3A_64 = tpu.vector_load %arg24[%get3A_62, %get3A_63] {strides = array<i32>} : memref<8x128xf32, #tpu.memory_space<vmem>>, vector<1x16xf32>,
    %get3A_65 = vector.shape_cast %get3A_64 : vector<1x16xf32> to vector<16xf32>
    %get3A_66 = arith.constant 1 : i32
    %get3A_67 = arith.index_cast %get3A_66 : i32 to index
    %get3A_68 = arith.constant 16 : index
    %get3A_69 = tpu.vector_load %arg24[%get3A_67, %get3A_68] {strides = array<i32>} : memref<8x128xf32, #tpu.memory_space<vmem>>, vector<1x16xf32>,
    %get3A_70 = vector.shape_cast %get3A_69 : vector<1x16xf32> to vector<16xf32>
    %get3A_71 = arith.constant 1 : i32
    %get3A_72 = arith.index_cast %get3A_71 : i32 to index
    %get3A_73 = arith.constant 32 : index
    %get3A_74 = tpu.vector_load %arg24[%get3A_72, %get3A_73] {strides = array<i32>} : memref<8x128xf32, #tpu.memory_space<vmem>>, vector<1x16xf32>,
    %get3A_75 = vector.shape_cast %get3A_74 : vector<1x16xf32> to vector<16xf32>
    %get3A_76 = arith.constant 1 : i32
    %get3A_77 = arith.index_cast %get3A_76 : i32 to index
    %get3A_78 = arith.constant 48 : index
    %get3A_79 = tpu.vector_load %arg24[%get3A_77, %get3A_78] {strides = array<i32>} : memref<8x128xf32, #tpu.memory_space<vmem>>, vector<1x16xf32>,
    %get3A_80 = vector.shape_cast %get3A_79 : vector<1x16xf32> to vector<16xf32>
    %get3A_81 = arith.constant 1 : i32
    %get3A_82 = arith.index_cast %get3A_81 : i32 to index
    %get3A_83 = arith.constant 64 : index
    %get3A_84 = tpu.vector_load %arg24[%get3A_82, %get3A_83] {strides = array<i32>} : memref<8x128xf32, #tpu.memory_space<vmem>>, vector<1x16xf32>,
    %get3A_85 = vector.shape_cast %get3A_84 : vector<1x16xf32> to vector<16xf32>
    %get3A_86 = arith.constant 1 : i32
    %get3A_87 = arith.index_cast %get3A_86 : i32 to index
    %get3A_88 = arith.constant 80 : index
    %get3A_89 = tpu.vector_load %arg24[%get3A_87, %get3A_88] {strides = array<i32>} : memref<8x128xf32, #tpu.memory_space<vmem>>, vector<1x16xf32>,
    %get3A_90 = vector.shape_cast %get3A_89 : vector<1x16xf32> to vector<16xf32>
    %get3A_91 = arith.constant 1 : i32
    %get3A_92 = arith.index_cast %get3A_91 : i32 to index
    %get3A_93 = arith.constant 96 : index
    %get3A_94 = tpu.vector_load %arg24[%get3A_92, %get3A_93] {strides = array<i32>} : memref<8x128xf32, #tpu.memory_space<vmem>>, vector<1x16xf32>,
    %get3A_95 = vector.shape_cast %get3A_94 : vector<1x16xf32> to vector<16xf32>
    %get3A_96 = arith.constant 1 : i32
    %get3A_97 = arith.index_cast %get3A_96 : i32 to index
    %get3A_98 = arith.constant 112 : index
    %get3A_99 = tpu.vector_load %arg24[%get3A_97, %get3A_98] {strides = array<i32>} : memref<8x128xf32, #tpu.memory_space<vmem>>, vector<1x16xf32>,
    %get3A_100 = vector.shape_cast %get3A_99 : vector<1x16xf32> to vector<16xf32>
    %barrier3A = arith.constant 0 : index
    tpu.barrier barrier_id(%barrier3A)
    %dma_start3A = arith.constant 0 : i32
    %dma_start3A_101 = tpu.memref_slice %arg11[%dma_start3A] : memref<9984xi32, #tpu.memory_space<vmem>> -> memref<64xi32, #tpu.memory_space<vmem>>
    %dma_start3A_102 = arith.constant 0 : i32
    %dma_start3A_103 = arith.constant 0 : i32
    %dma_start3A_104 = tpu.memref_slice %arg6[%dma_start3A_102, %dma_start3A_103] : memref<40000x128xf32, #tpu.memory_space<hbm>> -> memref<40000x128xf32, #tpu.memory_space<hbm>>
    tpu.enqueue_indirect_dma source(%dma_start3A_104 : memref<40000x128xf32, #tpu.memory_space<hbm>>) target(%arg21 : memref<64x128xf32, #tpu.memory_space<vmem>>) offsets(%dma_start3A_101 : memref<64xi32, #tpu.memory_space<vmem>>) semaphore(%arg26 : memref<!tpu.dma_semaphore, #tpu.memory_space<semaphore_mem>>)
    %add3A_105 = arith.constant 0 : i32
    %add3A_106 = arith.addi %mul3A_0, %add3A_105 : i32
    %dma_start3A_107 = tpu.memref_slice %arg3[%add3A_106] : memref<160000xi32, #tpu.memory_space<hbm>> -> memref<64xi32, #tpu.memory_space<hbm>>
    %dma_start3A_108 = tpu.memref_slice %arg3[%add3A_106] : memref<160000xi32, #tpu.memory_space<hbm>> -> memref<64xi32, #tpu.memory_space<hbm>>
    tpu.enqueue_dma source(%dma_start3A_108 : memref<64xi32, #tpu.memory_space<hbm>>) target(%arg12 : memref<64xi32, #tpu.memory_space<vmem>>) target_semaphore(%arg29 : memref<!tpu.dma_semaphore, #tpu.memory_space<semaphore_mem>>)
    %add3A_109 = arith.constant 0 : i32
    %add3A_110 = arith.addi %mul3A_0, %add3A_109 : i32
    %dma_start3A_111 = arith.constant 0 : i32
    %dma_start3A_112 = tpu.memref_slice %arg15[%dma_start3A_111] : memref<80xf32, #tpu.memory_space<vmem>> -> memref<64xf32, #tpu.memory_space<vmem>>
    %dma_start3A_113 = tpu.memref_slice %arg4[%add3A_110] : memref<160000xf32, #tpu.memory_space<hbm>> -> memref<64xf32, #tpu.memory_space<hbm>>
    %dma_start3A_114 = arith.constant 0 : i32
    %dma_start3A_115 = tpu.memref_slice %arg15[%dma_start3A_114] : memref<80xf32, #tpu.memory_space<vmem>> -> memref<64xf32, #tpu.memory_space<vmem>>
    %dma_start3A_116 = tpu.memref_slice %arg4[%add3A_110] : memref<160000xf32, #tpu.memory_space<hbm>> -> memref<64xf32, #tpu.memory_space<hbm>>
    tpu.enqueue_dma source(%dma_start3A_116 : memref<64xf32, #tpu.memory_space<hbm>>) target(%dma_start3A_115 : memref<64xf32, #tpu.memory_space<vmem>>) target_semaphore(%arg32 : memref<!tpu.dma_semaphore, #tpu.memory_space<semaphore_mem>>)
    %add3A_117 = arith.constant 0 : i32
    %add3A_118 = arith.addi %mul3A_0, %add3A_117 : i32
    %dma_start3A_119 = arith.constant 0 : i32
    %dma_start3A_120 = tpu.memref_slice %arg18[%dma_start3A_119] : memref<80xf32, #tpu.memory_space<vmem>> -> memref<64xf32, #tpu.memory_space<vmem>>
    %dma_start3A_121 = tpu.memref_slice %arg5[%add3A_118] : memref<160000xf32, #tpu.memory_space<hbm>> -> memref<64xf32, #tpu.memory_space<hbm>>
    %dma_start3A_122 = arith.constant 0 : i32
    %dma_start3A_123 = tpu.memref_slice %arg18[%dma_start3A_122] : memref<80xf32, #tpu.memory_space<vmem>> -> memref<64xf32, #tpu.memory_space<vmem>>
    %dma_start3A_124 = tpu.memref_slice %arg5[%add3A_118] : memref<160000xf32, #tpu.memory_space<hbm>> -> memref<64xf32, #tpu.memory_space<hbm>>
    tpu.enqueue_dma source(%dma_start3A_124 : memref<64xf32, #tpu.memory_space<hbm>>) target(%dma_start3A_123 : memref<64xf32, #tpu.memory_space<vmem>>) target_semaphore(%arg32 : memref<!tpu.dma_semaphore, #tpu.memory_space<semaphore_mem>>)
    %dma_start3A_125 = arith.constant 64 : i32
    %dma_start3A_126 = tpu.memref_slice %arg11[%dma_start3A_125] : memref<9984xi32, #tpu.memory_space<vmem>> -> memref<64xi32, #tpu.memory_space<vmem>>
    %dma_start3A_127 = arith.constant 0 : i32
    %dma_start3A_128 = arith.constant 0 : i32
    %dma_start3A_129 = tpu.memref_slice %arg6[%dma_start3A_127, %dma_start3A_128] : memref<40000x128xf32, #tpu.memory_space<hbm>> -> memref<40000x128xf32, #tpu.memory_space<hbm>>
    tpu.enqueue_indirect_dma source(%dma_start3A_129 : memref<40000x128xf32, #tpu.memory_space<hbm>>) target(%arg22 : memref<64x128xf32, #tpu.memory_space<vmem>>) offsets(%dma_start3A_126 : memref<64xi32, #tpu.memory_space<vmem>>) semaphore(%arg27 : memref<!tpu.dma_semaphore, #tpu.memory_space<semaphore_mem>>)
    %add3A_130 = arith.constant 64 : i32
    %add3A_131 = arith.addi %mul3A_0, %add3A_130 : i32
    %dma_start3A_132 = tpu.memref_slice %arg3[%add3A_131] : memref<160000xi32, #tpu.memory_space<hbm>> -> memref<64xi32, #tpu.memory_space<hbm>>
    %dma_start3A_133 = tpu.memref_slice %arg3[%add3A_131] : memref<160000xi32, #tpu.memory_space<hbm>> -> memref<64xi32, #tpu.memory_space<hbm>>
    tpu.enqueue_dma source(%dma_start3A_133 : memref<64xi32, #tpu.memory_space<hbm>>) target(%arg13 : memref<64xi32, #tpu.memory_space<vmem>>) target_semaphore(%arg30 : memref<!tpu.dma_semaphore, #tpu.memory_space<semaphore_mem>>)
    %add3A_134 = arith.constant 64 : i32
    %add3A_135 = arith.addi %mul3A_0, %add3A_134 : i32
    %dma_start3A_136 = arith.constant 0 : i32
    %dma_start3A_137 = tpu.memref_slice %arg16[%dma_start3A_136] : memref<80xf32, #tpu.memory_space<vmem>> -> memref<64xf32, #tpu.memory_space<vmem>>
    %dma_start3A_138 = tpu.memref_slice %arg4[%add3A_135] : memref<160000xf32, #tpu.memory_space<hbm>> -> memref<64xf32, #tpu.memory_space<hbm>>
    %dma_start3A_139 = arith.constant 0 : i32
    %dma_start3A_140 = tpu.memref_slice %arg16[%dma_start3A_139] : memref<80xf32, #tpu.memory_space<vmem>> -> memref<64xf32, #tpu.memory_space<vmem>>
    %dma_start3A_141 = tpu.memref_slice %arg4[%add3A_135] : memref<160000xf32, #tpu.memory_space<hbm>> -> memref<64xf32, #tpu.memory_space<hbm>>
    tpu.enqueue_dma source(%dma_start3A_141 : memref<64xf32, #tpu.memory_space<hbm>>) target(%dma_start3A_140 : memref<64xf32, #tpu.memory_space<vmem>>) target_semaphore(%arg33 : memref<!tpu.dma_semaphore, #tpu.memory_space<semaphore_mem>>)
    %add3A_142 = arith.constant 64 : i32
    %add3A_143 = arith.addi %mul3A_0, %add3A_142 : i32
    %dma_start3A_144 = arith.constant 0 : i32
    %dma_start3A_145 = tpu.memref_slice %arg19[%dma_start3A_144] : memref<80xf32, #tpu.memory_space<vmem>> -> memref<64xf32, #tpu.memory_space<vmem>>
    %dma_start3A_146 = tpu.memref_slice %arg5[%add3A_143] : memref<160000xf32, #tpu.memory_space<hbm>> -> memref<64xf32, #tpu.memory_space<hbm>>
    %dma_start3A_147 = arith.constant 0 : i32
    %dma_start3A_148 = tpu.memref_slice %arg19[%dma_start3A_147] : memref<80xf32, #tpu.memory_space<vmem>> -> memref<64xf32, #tpu.memory_space<vmem>>
    %dma_start3A_149 = tpu.memref_slice %arg5[%add3A_143] : memref<160000xf32, #tpu.memory_space<hbm>> -> memref<64xf32, #tpu.memory_space<hbm>>
    tpu.enqueue_dma source(%dma_start3A_149 : memref<64xf32, #tpu.memory_space<hbm>>) target(%dma_start3A_148 : memref<64xf32, #tpu.memory_space<vmem>>) target_semaphore(%arg33 : memref<!tpu.dma_semaphore, #tpu.memory_space<semaphore_mem>>)
    %scan3A_150 = arith.constant 0 : i32
    %scan3A_151 = arith.constant 0 : i32
    %scan3A_152 = arith.constant 52 : i32
    %scan3A_153 = arith.addi %scan3A_151, %scan3A_152 : i32
    %scan3A_154 = arith.constant 1 : i32
    scf.for %scan3A_363 = %scan3A_151 to %scan3A_153 step %scan3A_154  : i32 {
      %mul3A_364 = arith.constant 3 : i32
      %mul3A_365 = arith.muli %mul3A_364, %scan3A_363 : i32
      %add3A_366 = arith.constant 0 : i32
      %add3A_367 = arith.addi %mul3A_365, %add3A_366 : i32
      %mul3A_368 = arith.constant 64 : i32
      %mul3A_369 = arith.muli %add3A_367, %mul3A_368 : i32
      %dma_wait3A_370 = tpu.memref_slice %arg11[%mul3A_369] : memref<9984xi32, #tpu.memory_space<vmem>> -> memref<64xi32, #tpu.memory_space<vmem>>
      %dma_wait3A_371 = arith.constant 0 : i32
      %dma_wait3A_372 = arith.constant 0 : i32
      %dma_wait3A_373 = tpu.memref_slice %arg6[%dma_wait3A_371, %dma_wait3A_372] : memref<40000x128xf32, #tpu.memory_space<hbm>> -> memref<40000x128xf32, #tpu.memory_space<hbm>>
      tpu.wait_indirect_dma semaphore(%arg26 : memref<!tpu.dma_semaphore, #tpu.memory_space<semaphore_mem>>) src(%dma_wait3A_373 : memref<40000x128xf32, #tpu.memory_space<hbm>>) dst(%arg21 : memref<64x128xf32, #tpu.memory_space<vmem>>)
      %mul3A_374 = arith.constant 64 : i32
      %mul3A_375 = arith.muli %add3A_367, %mul3A_374 : i32
      %add3A_376 = arith.addi %mul3A_0, %mul3A_375 : i32
      %dma_wait3A_377 = arith.constant 0 : i32
      %dma_wait3A_378 = tpu.memref_slice %arg15[%dma_wait3A_377] : memref<80xf32, #tpu.memory_space<vmem>> -> memref<64xf32, #tpu.memory_space<vmem>>
      %dma_wait3A_379 = tpu.memref_slice %arg4[%add3A_376] : memref<160000xf32, #tpu.memory_space<hbm>> -> memref<64xf32, #tpu.memory_space<hbm>>
      %dma_wait3A_380 = arith.constant 0 : i32
      %dma_wait3A_381 = tpu.memref_slice %arg15[%dma_wait3A_380] : memref<80xf32, #tpu.memory_space<vmem>> -> memref<64xf32, #tpu.memory_space<vmem>>
      %dma_wait3A_382 = tpu.memref_slice %arg4[%add3A_376] : memref<160000xf32, #tpu.memory_space<hbm>> -> memref<64xf32, #tpu.memory_space<hbm>>
      tpu.wait_dma2 semaphore(%arg32 : memref<!tpu.dma_semaphore, #tpu.memory_space<semaphore_mem>>) src(%dma_wait3A_382 : memref<64xf32, #tpu.memory_space<hbm>>) dst(%dma_wait3A_381 : memref<64xf32, #tpu.memory_space<vmem>>)
      %mul3A_383 = arith.constant 64 : i32
      %mul3A_384 = arith.muli %add3A_367, %mul3A_383 : i32
      %add3A_385 = arith.addi %mul3A_0, %mul3A_384 : i32
      %dma_wait3A_386 = arith.constant 0 : i32
      %dma_wait3A_387 = tpu.memref_slice %arg18[%dma_wait3A_386] : memref<80xf32, #tpu.memory_space<vmem>> -> memref<64xf32, #tpu.memory_space<vmem>>
      %dma_wait3A_388 = tpu.memref_slice %arg5[%add3A_385] : memref<160000xf32, #tpu.memory_space<hbm>> -> memref<64xf32, #tpu.memory_space<hbm>>
      %dma_wait3A_389 = arith.constant 0 : i32
      %dma_wait3A_390 = tpu.memref_slice %arg18[%dma_wait3A_389] : memref<80xf32, #tpu.memory_space<vmem>> -> memref<64xf32, #tpu.memory_space<vmem>>
      %dma_wait3A_391 = tpu.memref_slice %arg5[%add3A_385] : memref<160000xf32, #tpu.memory_space<hbm>> -> memref<64xf32, #tpu.memory_space<hbm>>
      tpu.wait_dma2 semaphore(%arg32 : memref<!tpu.dma_semaphore, #tpu.memory_space<semaphore_mem>>) src(%dma_wait3A_391 : memref<64xf32, #tpu.memory_space<hbm>>) dst(%dma_wait3A_390 : memref<64xf32, #tpu.memory_space<vmem>>)
      %scan3A_392 = arith.constant 0 : i32
      %scan3A_393 = arith.constant 0 : i32
      %scan3A_394 = arith.constant 64 : i32
      %scan3A_395 = arith.addi %scan3A_393, %scan3A_394 : i32
      %scan3A_396 = arith.constant 1 : i32
      scf.for %scan3A_541 = %scan3A_393 to %scan3A_395 step %scan3A_396  : i32 {
        %get3A_542 = arith.index_cast %scan3A_541 : i32 to index
        %get3A_543 = tpu.vector_load %arg15[%get3A_542] {strides = array<i32>} : memref<80xf32, #tpu.memory_space<vmem>>, vector<16xf32>,
        %get3A_544 = vector.shape_cast %get3A_543 : vector<16xf32> to vector<16xf32>
        %slice3A = vector.extract_strided_slice %get3A_544 {offsets = [0], sizes = [1], strides = [1]} : vector<16xf32> to vector<1xf32>
        %squeeze3A = vector.extract %slice3A[0] : f32 from vector<1xf32>
        %get3A_545 = arith.index_cast %scan3A_541 : i32 to index
        %get3A_546 = tpu.vector_load %arg18[%get3A_545] {strides = array<i32>} : memref<80xf32, #tpu.memory_space<vmem>>, vector<16xf32>,
        %get3A_547 = vector.shape_cast %get3A_546 : vector<16xf32> to vector<16xf32>
        %slice3A_548 = vector.extract_strided_slice %get3A_547 {offsets = [0], sizes = [1], strides = [1]} : vector<16xf32> to vector<1xf32>
        %squeeze3A_549 = vector.extract %slice3A_548[0] : f32 from vector<1xf32>
        %get3A_550 = arith.index_cast %scan3A_541 : i32 to index
        %get3A_551 = arith.constant 0 : index
        %get3A_552 = tpu.vector_load %arg21[%get3A_550, %get3A_551] {strides = array<i32>} : memref<64x128xf32, #tpu.memory_space<vmem>>, vector<1x16xf32>,
        %get3A_553 = vector.shape_cast %get3A_552 : vector<1x16xf32> to vector<16xf32>
        %mul3A_554 = vector.broadcast %squeeze3A : f32 to vector<16xf32>
        %mul3A_555 = arith.mulf %mul3A_554, %get3A_25 : vector<16xf32>
        %add3A_556 = arith.addf %get3A_553, %mul3A_555 : vector<16xf32>
        %mul3A_557 = vector.broadcast %squeeze3A_549 : f32 to vector<16xf32>
        %mul3A_558 = arith.mulf %mul3A_557, %get3A_65 : vector<16xf32>
        %add3A_559 = arith.addf %add3A_556, %mul3A_558 : vector<16xf32>
        %max3A = arith.constant 0.000000e+00 : f32
        %max3A_560 = vector.broadcast %max3A : f32 to vector<16xf32>
        %max3A_561 = arith.maximumf %add3A_559, %max3A_560 : vector<16xf32>
        %swap3A = arith.index_cast %scan3A_541 : i32 to index
        %swap3A_562 = arith.constant 0 : index
        %swap3A_563 = tpu.vector_load %arg21[%swap3A, %swap3A_562] {strides = array<i32>} : memref<64x128xf32, #tpu.memory_space<vmem>>, vector<1x16xf32>,
        %swap3A_564 = vector.shape_cast %swap3A_563 : vector<1x16xf32> to vector<16xf32>
        %swap3A_565 = vector.shape_cast %max3A_561 : vector<16xf32> to vector<1x16xf32>
        tpu.vector_store %arg21[%swap3A, %swap3A_562], %swap3A_565 {strides = array<i32>} : memref<64x128xf32, #tpu.memory_space<vmem>>, vector<1x16xf32>,
        %get3A_566 = arith.index_cast %scan3A_541 : i32 to index
        %get3A_567 = arith.constant 16 : index
        %get3A_568 = tpu.vector_load %arg21[%get3A_566, %get3A_567] {strides = array<i32>} : memref<64x128xf32, #tpu.memory_space<vmem>>, vector<1x16xf32>,
        %get3A_569 = vector.shape_cast %get3A_568 : vector<1x16xf32> to vector<16xf32>
        %mul3A_570 = vector.broadcast %squeeze3A : f32 to vector<16xf32>
        %mul3A_571 = arith.mulf %mul3A_570, %get3A_30 : vector<16xf32>
        %add3A_572 = arith.addf %get3A_569, %mul3A_571 : vector<16xf32>
        %mul3A_573 = vector.broadcast %squeeze3A_549 : f32 to vector<16xf32>
        %mul3A_574 = arith.mulf %mul3A_573, %get3A_70 : vector<16xf32>
        %add3A_575 = arith.addf %add3A_572, %mul3A_574 : vector<16xf32>
        %max3A_576 = arith.constant 0.000000e+00 : f32
        %max3A_577 = vector.broadcast %max3A_576 : f32 to vector<16xf32>
        %max3A_578 = arith.maximumf %add3A_575, %max3A_577 : vector<16xf32>
        %swap3A_579 = arith.index_cast %scan3A_541 : i32 to index
        %swap3A_580 = arith.constant 16 : index
        %swap3A_581 = tpu.vector_load %arg21[%swap3A_579, %swap3A_580] {strides = array<i32>} : memref<64x128xf32, #tpu.memory_space<vmem>>, vector<1x16xf32>,
        %swap3A_582 = vector.shape_cast %swap3A_581 : vector<1x16xf32> to vector<16xf32>
        %swap3A_583 = vector.shape_cast %max3A_578 : vector<16xf32> to vector<1x16xf32>
        tpu.vector_store %arg21[%swap3A_579, %swap3A_580], %swap3A_583 {strides = array<i32>} : memref<64x128xf32, #tpu.memory_space<vmem>>, vector<1x16xf32>,
        %get3A_584 = arith.index_cast %scan3A_541 : i32 to index
        %get3A_585 = arith.constant 32 : index
        %get3A_586 = tpu.vector_load %arg21[%get3A_584, %get3A_585] {strides = array<i32>} : memref<64x128xf32, #tpu.memory_space<vmem>>, vector<1x16xf32>,
        %get3A_587 = vector.shape_cast %get3A_586 : vector<1x16xf32> to vector<16xf32>
        %mul3A_588 = vector.broadcast %squeeze3A : f32 to vector<16xf32>
        %mul3A_589 = arith.mulf %mul3A_588, %get3A_35 : vector<16xf32>
        %add3A_590 = arith.addf %get3A_587, %mul3A_589 : vector<16xf32>
        %mul3A_591 = vector.broadcast %squeeze3A_549 : f32 to vector<16xf32>
        %mul3A_592 = arith.mulf %mul3A_591, %get3A_75 : vector<16xf32>
        %add3A_593 = arith.addf %add3A_590, %mul3A_592 : vector<16xf32>
        %max3A_594 = arith.constant 0.000000e+00 : f32
        %max3A_595 = vector.broadcast %max3A_594 : f32 to vector<16xf32>
        %max3A_596 = arith.maximumf %add3A_593, %max3A_595 : vector<16xf32>
        %swap3A_597 = arith.index_cast %scan3A_541 : i32 to index
        %swap3A_598 = arith.constant 32 : index
        %swap3A_599 = tpu.vector_load %arg21[%swap3A_597, %swap3A_598] {strides = array<i32>} : memref<64x128xf32, #tpu.memory_space<vmem>>, vector<1x16xf32>,
        %swap3A_600 = vector.shape_cast %swap3A_599 : vector<1x16xf32> to vector<16xf32>
        %swap3A_601 = vector.shape_cast %max3A_596 : vector<16xf32> to vector<1x16xf32>
        tpu.vector_store %arg21[%swap3A_597, %swap3A_598], %swap3A_601 {strides = array<i32>} : memref<64x128xf32, #tpu.memory_space<vmem>>, vector<1x16xf32>,
        %get3A_602 = arith.index_cast %scan3A_541 : i32 to index
        %get3A_603 = arith.constant 48 : index
        %get3A_604 = tpu.vector_load %arg21[%get3A_602, %get3A_603] {strides = array<i32>} : memref<64x128xf32, #tpu.memory_space<vmem>>, vector<1x16xf32>,
        %get3A_605 = vector.shape_cast %get3A_604 : vector<1x16xf32> to vector<16xf32>
        %mul3A_606 = vector.broadcast %squeeze3A : f32 to vector<16xf32>
        %mul3A_607 = arith.mulf %mul3A_606, %get3A_40 : vector<16xf32>
        %add3A_608 = arith.addf %get3A_605, %mul3A_607 : vector<16xf32>
        %mul3A_609 = vector.broadcast %squeeze3A_549 : f32 to vector<16xf32>
        %mul3A_610 = arith.mulf %mul3A_609, %get3A_80 : vector<16xf32>
        %add3A_611 = arith.addf %add3A_608, %mul3A_610 : vector<16xf32>
        %max3A_612 = arith.constant 0.000000e+00 : f32
        %max3A_613 = vector.broadcast %max3A_612 : f32 to vector<16xf32>
        %max3A_614 = arith.maximumf %add3A_611, %max3A_613 : vector<16xf32>
        %swap3A_615 = arith.index_cast %scan3A_541 : i32 to index
        %swap3A_616 = arith.constant 48 : index
        %swap3A_617 = tpu.vector_load %arg21[%swap3A_615, %swap3A_616] {strides = array<i32>} : memref<64x128xf32, #tpu.memory_space<vmem>>, vector<1x16xf32>,
        %swap3A_618 = vector.shape_cast %swap3A_617 : vector<1x16xf32> to vector<16xf32>
        %swap3A_619 = vector.shape_cast %max3A_614 : vector<16xf32> to vector<1x16xf32>
        tpu.vector_store %arg21[%swap3A_615, %swap3A_616], %swap3A_619 {strides = array<i32>} : memref<64x128xf32, #tpu.memory_space<vmem>>, vector<1x16xf32>,
        %get3A_620 = arith.index_cast %scan3A_541 : i32 to index
        %get3A_621 = arith.constant 64 : index
        %get3A_622 = tpu.vector_load %arg21[%get3A_620, %get3A_621] {strides = array<i32>} : memref<64x128xf32, #tpu.memory_space<vmem>>, vector<1x16xf32>,
        %get3A_623 = vector.shape_cast %get3A_622 : vector<1x16xf32> to vector<16xf32>
        %mul3A_624 = vector.broadcast %squeeze3A : f32 to vector<16xf32>
        %mul3A_625 = arith.mulf %mul3A_624, %get3A_45 : vector<16xf32>
        %add3A_626 = arith.addf %get3A_623, %mul3A_625 : vector<16xf32>
        %mul3A_627 = vector.broadcast %squeeze3A_549 : f32 to vector<16xf32>
        %mul3A_628 = arith.mulf %mul3A_627, %get3A_85 : vector<16xf32>
        %add3A_629 = arith.addf %add3A_626, %mul3A_628 : vector<16xf32>
        %max3A_630 = arith.constant 0.000000e+00 : f32
        %max3A_631 = vector.broadcast %max3A_630 : f32 to vector<16xf32>
        %max3A_632 = arith.maximumf %add3A_629, %max3A_631 : vector<16xf32>
        %swap3A_633 = arith.index_cast %scan3A_541 : i32 to index
        %swap3A_634 = arith.constant 64 : index
        %swap3A_635 = tpu.vector_load %arg21[%swap3A_633, %swap3A_634] {strides = array<i32>} : memref<64x128xf32, #tpu.memory_space<vmem>>, vector<1x16xf32>,
        %swap3A_636 = vector.shape_cast %swap3A_635 : vector<1x16xf32> to vector<16xf32>
        %swap3A_637 = vector.shape_cast %max3A_632 : vector<16xf32> to vector<1x16xf32>
        tpu.vector_store %arg21[%swap3A_633, %swap3A_634], %swap3A_637 {strides = array<i32>} : memref<64x128xf32, #tpu.memory_space<vmem>>, vector<1x16xf32>,
        %get3A_638 = arith.index_cast %scan3A_541 : i32 to index
        %get3A_639 = arith.constant 80 : index
        %get3A_640 = tpu.vector_load %arg21[%get3A_638, %get3A_639] {strides = array<i32>} : memref<64x128xf32, #tpu.memory_space<vmem>>, vector<1x16xf32>,
        %get3A_641 = vector.shape_cast %get3A_640 : vector<1x16xf32> to vector<16xf32>
        %mul3A_642 = vector.broadcast %squeeze3A : f32 to vector<16xf32>
        %mul3A_643 = arith.mulf %mul3A_642, %get3A_50 : vector<16xf32>
        %add3A_644 = arith.addf %get3A_641, %mul3A_643 : vector<16xf32>
        %mul3A_645 = vector.broadcast %squeeze3A_549 : f32 to vector<16xf32>
        %mul3A_646 = arith.mulf %mul3A_645, %get3A_90 : vector<16xf32>
        %add3A_647 = arith.addf %add3A_644, %mul3A_646 : vector<16xf32>
        %max3A_648 = arith.constant 0.000000e+00 : f32
        %max3A_649 = vector.broadcast %max3A_648 : f32 to vector<16xf32>
        %max3A_650 = arith.maximumf %add3A_647, %max3A_649 : vector<16xf32>
        %swap3A_651 = arith.index_cast %scan3A_541 : i32 to index
        %swap3A_652 = arith.constant 80 : index
        %swap3A_653 = tpu.vector_load %arg21[%swap3A_651, %swap3A_652] {strides = array<i32>} : memref<64x128xf32, #tpu.memory_space<vmem>>, vector<1x16xf32>,
        %swap3A_654 = vector.shape_cast %swap3A_653 : vector<1x16xf32> to vector<16xf32>
        %swap3A_655 = vector.shape_cast %max3A_650 : vector<16xf32> to vector<1x16xf32>
        tpu.vector_store %arg21[%swap3A_651, %swap3A_652], %swap3A_655 {strides = array<i32>} : memref<64x128xf32, #tpu.memory_space<vmem>>, vector<1x16xf32>,
        %get3A_656 = arith.index_cast %scan3A_541 : i32 to index
        %get3A_657 = arith.constant 96 : index
        %get3A_658 = tpu.vector_load %arg21[%get3A_656, %get3A_657] {strides = array<i32>} : memref<64x128xf32, #tpu.memory_space<vmem>>, vector<1x16xf32>,
        %get3A_659 = vector.shape_cast %get3A_658 : vector<1x16xf32> to vector<16xf32>
        %mul3A_660 = vector.broadcast %squeeze3A : f32 to vector<16xf32>
        %mul3A_661 = arith.mulf %mul3A_660, %get3A_55 : vector<16xf32>
        %add3A_662 = arith.addf %get3A_659, %mul3A_661 : vector<16xf32>
        %mul3A_663 = vector.broadcast %squeeze3A_549 : f32 to vector<16xf32>
        %mul3A_664 = arith.mulf %mul3A_663, %get3A_95 : vector<16xf32>
        %add3A_665 = arith.addf %add3A_662, %mul3A_664 : vector<16xf32>
        %max3A_666 = arith.constant 0.000000e+00 : f32
        %max3A_667 = vector.broadcast %max3A_666 : f32 to vector<16xf32>
        %max3A_668 = arith.maximumf %add3A_665, %max3A_667 : vector<16xf32>
        %swap3A_669 = arith.index_cast %scan3A_541 : i32 to index
        %swap3A_670 = arith.constant 96 : index
        %swap3A_671 = tpu.vector_load %arg21[%swap3A_669, %swap3A_670] {strides = array<i32>} : memref<64x128xf32, #tpu.memory_space<vmem>>, vector<1x16xf32>,
        %swap3A_672 = vector.shape_cast %swap3A_671 : vector<1x16xf32> to vector<16xf32>
        %swap3A_673 = vector.shape_cast %max3A_668 : vector<16xf32> to vector<1x16xf32>
        tpu.vector_store %arg21[%swap3A_669, %swap3A_670], %swap3A_673 {strides = array<i32>} : memref<64x128xf32, #tpu.memory_space<vmem>>, vector<1x16xf32>,
        %get3A_674 = arith.index_cast %scan3A_541 : i32 to index
        %get3A_675 = arith.constant 112 : index
        %get3A_676 = tpu.vector_load %arg21[%get3A_674, %get3A_675] {strides = array<i32>} : memref<64x128xf32, #tpu.memory_space<vmem>>, vector<1x16xf32>,
        %get3A_677 = vector.shape_cast %get3A_676 : vector<1x16xf32> to vector<16xf32>
        %mul3A_678 = vector.broadcast %squeeze3A : f32 to vector<16xf32>
        %mul3A_679 = arith.mulf %mul3A_678, %get3A_60 : vector<16xf32>
        %add3A_680 = arith.addf %get3A_677, %mul3A_679 : vector<16xf32>
        %mul3A_681 = vector.broadcast %squeeze3A_549 : f32 to vector<16xf32>
        %mul3A_682 = arith.mulf %mul3A_681, %get3A_100 : vector<16xf32>
        %add3A_683 = arith.addf %add3A_680, %mul3A_682 : vector<16xf32>
        %max3A_684 = arith.constant 0.000000e+00 : f32
        %max3A_685 = vector.broadcast %max3A_684 : f32 to vector<16xf32>
        %max3A_686 = arith.maximumf %add3A_683, %max3A_685 : vector<16xf32>
        %swap3A_687 = arith.index_cast %scan3A_541 : i32 to index
        %swap3A_688 = arith.constant 112 : index
        %swap3A_689 = tpu.vector_load %arg21[%swap3A_687, %swap3A_688] {strides = array<i32>} : memref<64x128xf32, #tpu.memory_space<vmem>>, vector<1x16xf32>,
        %swap3A_690 = vector.shape_cast %swap3A_689 : vector<1x16xf32> to vector<16xf32>
        %swap3A_691 = vector.shape_cast %max3A_686 : vector<16xf32> to vector<1x16xf32>
        tpu.vector_store %arg21[%swap3A_687, %swap3A_688], %swap3A_691 {strides = array<i32>} : memref<64x128xf32, #tpu.memory_space<vmem>>, vector<1x16xf32>,
      }
      %scan3A_397 = arith.constant 64 : i32
      %mul3A_398 = arith.constant 64 : i32
      %mul3A_399 = arith.muli %add3A_367, %mul3A_398 : i32
      %add3A_400 = arith.addi %mul3A_0, %mul3A_399 : i32
      %dma_wait3A_401 = tpu.memref_slice %arg3[%add3A_400] : memref<160000xi32, #tpu.memory_space<hbm>> -> memref<64xi32, #tpu.memory_space<hbm>>
      %dma_wait3A_402 = tpu.memref_slice %arg3[%add3A_400] : memref<160000xi32, #tpu.memory_space<hbm>> -> memref<64xi32, #tpu.memory_space<hbm>>
      tpu.wait_dma2 semaphore(%arg29 : memref<!tpu.dma_semaphore, #tpu.memory_space<semaphore_mem>>) src(%dma_wait3A_402 : memref<64xi32, #tpu.memory_space<hbm>>) dst(%arg12 : memref<64xi32, #tpu.memory_space<vmem>>)
      %dma_start3A_403 = arith.constant 0 : i32
      %dma_start3A_404 = arith.constant 0 : i32
      %dma_start3A_405 = tpu.memref_slice %arg25[%dma_start3A_403, %dma_start3A_404] : memref<10000x128xf32, #tpu.memory_space<vmem_shared>> -> memref<10000x128xf32, #tpu.memory_space<vmem_shared>>
      tpu.enqueue_indirect_dma source(%arg21 : memref<64x128xf32, #tpu.memory_space<vmem>>) target(%dma_start3A_405 : memref<10000x128xf32, #tpu.memory_space<vmem_shared>>) offsets(%arg12 : memref<64xi32, #tpu.memory_space<vmem>>) semaphore(%arg35 : memref<!tpu.dma_semaphore, #tpu.memory_space<semaphore_mem>>) {add = true}
      %gt3A = arith.constant 0 : i32
      %gt3A_406 = arith.cmpi sgt, %scan3A_363, %gt3A : i32
      %convert_element_type3A_407 = arith.extui %gt3A_406 : i1 to i32
      %cond3A_408 = arith.constant 0 : i32
      %cond3A_409 = arith.cmpi ne, %convert_element_type3A_407, %cond3A_408 : i32
      scf.if %cond3A_409 {
        %dma_wait3A_541 = arith.constant 0 : i32
        %dma_wait3A_542 = arith.constant 0 : i32
        %dma_wait3A_543 = tpu.memref_slice %arg25[%dma_wait3A_541, %dma_wait3A_542] : memref<10000x128xf32, #tpu.memory_space<vmem_shared>> -> memref<10000x128xf32, #tpu.memory_space<vmem_shared>>
        tpu.wait_indirect_dma semaphore(%arg37 : memref<!tpu.dma_semaphore, #tpu.memory_space<semaphore_mem>>) src(%arg23 : memref<64x128xf32, #tpu.memory_space<vmem>>) dst(%dma_wait3A_543 : memref<10000x128xf32, #tpu.memory_space<vmem_shared>>)
      } else {
      }
      %add3A_410 = arith.constant 2 : i32
      %add3A_411 = arith.addi %add3A_367, %add3A_410 : i32
      %mul3A_412 = arith.constant 64 : i32
      %mul3A_413 = arith.muli %add3A_411, %mul3A_412 : i32
      %dma_start3A_414 = tpu.memref_slice %arg11[%mul3A_413] : memref<9984xi32, #tpu.memory_space<vmem>> -> memref<64xi32, #tpu.memory_space<vmem>>
      %dma_start3A_415 = arith.constant 0 : i32
      %dma_start3A_416 = arith.constant 0 : i32
      %dma_start3A_417 = tpu.memref_slice %arg6[%dma_start3A_415, %dma_start3A_416] : memref<40000x128xf32, #tpu.memory_space<hbm>> -> memref<40000x128xf32, #tpu.memory_space<hbm>>
      tpu.enqueue_indirect_dma source(%dma_start3A_417 : memref<40000x128xf32, #tpu.memory_space<hbm>>) target(%arg23 : memref<64x128xf32, #tpu.memory_space<vmem>>) offsets(%dma_start3A_414 : memref<64xi32, #tpu.memory_space<vmem>>) semaphore(%arg28 : memref<!tpu.dma_semaphore, #tpu.memory_space<semaphore_mem>>)
      %mul3A_418 = arith.constant 64 : i32
      %mul3A_419 = arith.muli %add3A_411, %mul3A_418 : i32
      %add3A_420 = arith.addi %mul3A_0, %mul3A_419 : i32
      %dma_start3A_421 = tpu.memref_slice %arg3[%add3A_420] : memref<160000xi32, #tpu.memory_space<hbm>> -> memref<64xi32, #tpu.memory_space<hbm>>
      %dma_start3A_422 = tpu.memref_slice %arg3[%add3A_420] : memref<160000xi32, #tpu.memory_space<hbm>> -> memref<64xi32, #tpu.memory_space<hbm>>
      tpu.enqueue_dma source(%dma_start3A_422 : memref<64xi32, #tpu.memory_space<hbm>>) target(%arg14 : memref<64xi32, #tpu.memory_space<vmem>>) target_semaphore(%arg31 : memref<!tpu.dma_semaphore, #tpu.memory_space<semaphore_mem>>)
      %mul3A_423 = arith.constant 64 : i32
      %mul3A_424 = arith.muli %add3A_411, %mul3A_423 : i32
      %add3A_425 = arith.addi %mul3A_0, %mul3A_424 : i32
      %dma_start3A_426 = arith.constant 0 : i32
      %dma_start3A_427 = tpu.memref_slice %arg17[%dma_start3A_426] : memref<80xf32, #tpu.memory_space<vmem>> -> memref<64xf32, #tpu.memory_space<vmem>>
      %dma_start3A_428 = tpu.memref_slice %arg4[%add3A_425] : memref<160000xf32, #tpu.memory_space<hbm>> -> memref<64xf32, #tpu.memory_space<hbm>>
      %dma_start3A_429 = arith.constant 0 : i32
      %dma_start3A_430 = tpu.memref_slice %arg17[%dma_start3A_429] : memref<80xf32, #tpu.memory_space<vmem>> -> memref<64xf32, #tpu.memory_space<vmem>>
      %dma_start3A_431 = tpu.memref_slice %arg4[%add3A_425] : memref<160000xf32, #tpu.memory_space<hbm>> -> memref<64xf32, #tpu.memory_space<hbm>>
      tpu.enqueue_dma source(%dma_start3A_431 : memref<64xf32, #tpu.memory_space<hbm>>) target(%dma_start3A_430 : memref<64xf32, #tpu.memory_space<vmem>>) target_semaphore(%arg34 : memref<!tpu.dma_semaphore, #tpu.memory_space<semaphore_mem>>)
      %mul3A_432 = arith.constant 64 : i32
      %mul3A_433 = arith.muli %add3A_411, %mul3A_432 : i32
      %add3A_434 = arith.addi %mul3A_0, %mul3A_433 : i32
      %dma_start3A_435 = arith.constant 0 : i32
      %dma_start3A_436 = tpu.memref_slice %arg20[%dma_start3A_435] : memref<80xf32, #tpu.memory_space<vmem>> -> memref<64xf32, #tpu.memory_space<vmem>>
      %dma_start3A_437 = tpu.memref_slice %arg5[%add3A_434] : memref<160000xf32, #tpu.memory_space<hbm>> -> memref<64xf32, #tpu.memory_space<hbm>>
      %dma_start3A_438 = arith.constant 0 : i32
      %dma_start3A_439 = tpu.memref_slice %arg20[%dma_start3A_438] : memref<80xf32, #tpu.memory_space<vmem>> -> memref<64xf32, #tpu.memory_space<vmem>>
      %dma_start3A_440 = tpu.memref_slice %arg5[%add3A_434] : memref<160000xf32, #tpu.memory_space<hbm>> -> memref<64xf32, #tpu.memory_space<hbm>>
      tpu.enqueue_dma source(%dma_start3A_440 : memref<64xf32, #tpu.memory_space<hbm>>) target(%dma_start3A_439 : memref<64xf32, #tpu.memory_space<vmem>>) target_semaphore(%arg34 : memref<!tpu.dma_semaphore, #tpu.memory_space<semaphore_mem>>)
      %add3A_441 = arith.constant 1 : i32
      %add3A_442 = arith.addi %mul3A_365, %add3A_441 : i32
      %mul3A_443 = arith.constant 64 : i32
      %mul3A_444 = arith.muli %add3A_442, %mul3A_443 : i32
      %dma_wait3A_445 = tpu.memref_slice %arg11[%mul3A_444] : memref<9984xi32, #tpu.memory_space<vmem>> -> memref<64xi32, #tpu.memory_space<vmem>>
      %dma_wait3A_446 = arith.constant 0 : i32
      %dma_wait3A_447 = arith.constant 0 : i32
      %dma_wait3A_448 = tpu.memref_slice %arg6[%dma_wait3A_446, %dma_wait3A_447] : memref<40000x128xf32, #tpu.memory_space<hbm>> -> memref<40000x128xf32, #tpu.memory_space<hbm>>
      tpu.wait_indirect_dma semaphore(%arg27 : memref<!tpu.dma_semaphore, #tpu.memory_space<semaphore_mem>>) src(%dma_wait3A_448 : memref<40000x128xf32, #tpu.memory_space<hbm>>) dst(%arg22 : memref<64x128xf32, #tpu.memory_space<vmem>>)
      %mul3A_449 = arith.constant 64 : i32
      %mul3A_450 = arith.muli %add3A_442, %mul3A_449 : i32
      %add3A_451 = arith.addi %mul3A_0, %mul3A_450 : i32
      %dma_wait3A_452 = arith.constant 0 : i32
      %dma_wait3A_453 = tpu.memref_slice %arg16[%dma_wait3A_452] : memref<80xf32, #tpu.memory_space<vmem>> -> memref<64xf32, #tpu.memory_space<vmem>>
      %dma_wait3A_454 = tpu.memref_slice %arg4[%add3A_451] : memref<160000xf32, #tpu.memory_space<hbm>> -> memref<64xf32, #tpu.memory_space<hbm>>
      %dma_wait3A_455 = arith.constant 0 : i32
      %dma_wait3A_456 = tpu.memref_slice %arg16[%dma_wait3A_455] : memref<80xf32, #tpu.memory_space<vmem>> -> memref<64xf32, #tpu.memory_space<vmem>>
      %dma_wait3A_457 = tpu.memref_slice %arg4[%add3A_451] : memref<160000xf32, #tpu.memory_space<hbm>> -> memref<64xf32, #tpu.memory_space<hbm>>
      tpu.wait_dma2 semaphore(%arg33 : memref<!tpu.dma_semaphore, #tpu.memory_space<semaphore_mem>>) src(%dma_wait3A_457 : memref<64xf32, #tpu.memory_space<hbm>>) dst(%dma_wait3A_456 : memref<64xf32, #tpu.memory_space<vmem>>)
      %mul3A_458 = arith.constant 64 : i32
      %mul3A_459 = arith.muli %add3A_442, %mul3A_458 : i32
      %add3A_460 = arith.addi %mul3A_0, %mul3A_459 : i32
      %dma_wait3A_461 = arith.constant 0 : i32
      %dma_wait3A_462 = tpu.memref_slice %arg19[%dma_wait3A_461] : memref<80xf32, #tpu.memory_space<vmem>> -> memref<64xf32, #tpu.memory_space<vmem>>
      %dma_wait3A_463 = tpu.memref_slice %arg5[%add3A_460] : memref<160000xf32, #tpu.memory_space<hbm>> -> memref<64xf32, #tpu.memory_space<hbm>>
      %dma_wait3A_464 = arith.constant 0 : i32
      %dma_wait3A_465 = tpu.memref_slice %arg19[%dma_wait3A_464] : memref<80xf32, #tpu.memory_space<vmem>> -> memref<64xf32, #tpu.memory_space<vmem>>
      %dma_wait3A_466 = tpu.memref_slice %arg5[%add3A_460] : memref<160000xf32, #tpu.memory_space<hbm>> -> memref<64xf32, #tpu.memory_space<hbm>>
      tpu.wait_dma2 semaphore(%arg33 : memref<!tpu.dma_semaphore, #tpu.memory_space<semaphore_mem>>) src(%dma_wait3A_466 : memref<64xf32, #tpu.memory_space<hbm>>) dst(%dma_wait3A_465 : memref<64xf32, #tpu.memory_space<vmem>>)
      %scan3A_467 = arith.constant 0 : i32
      %scan3A_468 = arith.constant 0 : i32
      %scan3A_469 = arith.constant 64 : i32
      %scan3A_470 = arith.addi %scan3A_468, %scan3A_469 : i32
      %scan3A_471 = arith.constant 1 : i32
      scf.for %scan3A_541 = %scan3A_468 to %scan3A_470 step %scan3A_471  : i32 {
        %get3A_542 = arith.index_cast %scan3A_541 : i32 to index
        %get3A_543 = tpu.vector_load %arg16[%get3A_542] {strides = array<i32>} : memref<80xf32, #tpu.memory_space<vmem>>, vector<16xf32>,
        %get3A_544 = vector.shape_cast %get3A_543 : vector<16xf32> to vector<16xf32>
        %slice3A = vector.extract_strided_slice %get3A_544 {offsets = [0], sizes = [1], strides = [1]} : vector<16xf32> to vector<1xf32>
        %squeeze3A = vector.extract %slice3A[0] : f32 from vector<1xf32>
        %get3A_545 = arith.index_cast %scan3A_541 : i32 to index
        %get3A_546 = tpu.vector_load %arg19[%get3A_545] {strides = array<i32>} : memref<80xf32, #tpu.memory_space<vmem>>, vector<16xf32>,
        %get3A_547 = vector.shape_cast %get3A_546 : vector<16xf32> to vector<16xf32>
        %slice3A_548 = vector.extract_strided_slice %get3A_547 {offsets = [0], sizes = [1], strides = [1]} : vector<16xf32> to vector<1xf32>
        %squeeze3A_549 = vector.extract %slice3A_548[0] : f32 from vector<1xf32>
        %get3A_550 = arith.index_cast %scan3A_541 : i32 to index
        %get3A_551 = arith.constant 0 : index
        %get3A_552 = tpu.vector_load %arg22[%get3A_550, %get3A_551] {strides = array<i32>} : memref<64x128xf32, #tpu.memory_space<vmem>>, vector<1x16xf32>,
        %get3A_553 = vector.shape_cast %get3A_552 : vector<1x16xf32> to vector<16xf32>
        %mul3A_554 = vector.broadcast %squeeze3A : f32 to vector<16xf32>
        %mul3A_555 = arith.mulf %mul3A_554, %get3A_25 : vector<16xf32>
        %add3A_556 = arith.addf %get3A_553, %mul3A_555 : vector<16xf32>
        %mul3A_557 = vector.broadcast %squeeze3A_549 : f32 to vector<16xf32>
        %mul3A_558 = arith.mulf %mul3A_557, %get3A_65 : vector<16xf32>
        %add3A_559 = arith.addf %add3A_556, %mul3A_558 : vector<16xf32>
        %max3A = arith.constant 0.000000e+00 : f32
        %max3A_560 = vector.broadcast %max3A : f32 to vector<16xf32>
        %max3A_561 = arith.maximumf %add3A_559, %max3A_560 : vector<16xf32>
        %swap3A = arith.index_cast %scan3A_541 : i32 to index
        %swap3A_562 = arith.constant 0 : index
        %swap3A_563 = tpu.vector_load %arg22[%swap3A, %swap3A_562] {strides = array<i32>} : memref<64x128xf32, #tpu.memory_space<vmem>>, vector<1x16xf32>,
        %swap3A_564 = vector.shape_cast %swap3A_563 : vector<1x16xf32> to vector<16xf32>
        %swap3A_565 = vector.shape_cast %max3A_561 : vector<16xf32> to vector<1x16xf32>
        tpu.vector_store %arg22[%swap3A, %swap3A_562], %swap3A_565 {strides = array<i32>} : memref<64x128xf32, #tpu.memory_space<vmem>>, vector<1x16xf32>,
        %get3A_566 = arith.index_cast %scan3A_541 : i32 to index
        %get3A_567 = arith.constant 16 : index
        %get3A_568 = tpu.vector_load %arg22[%get3A_566, %get3A_567] {strides = array<i32>} : memref<64x128xf32, #tpu.memory_space<vmem>>, vector<1x16xf32>,
        %get3A_569 = vector.shape_cast %get3A_568 : vector<1x16xf32> to vector<16xf32>
        %mul3A_570 = vector.broadcast %squeeze3A : f32 to vector<16xf32>
        %mul3A_571 = arith.mulf %mul3A_570, %get3A_30 : vector<16xf32>
        %add3A_572 = arith.addf %get3A_569, %mul3A_571 : vector<16xf32>
        %mul3A_573 = vector.broadcast %squeeze3A_549 : f32 to vector<16xf32>
        %mul3A_574 = arith.mulf %mul3A_573, %get3A_70 : vector<16xf32>
        %add3A_575 = arith.addf %add3A_572, %mul3A_574 : vector<16xf32>
        %max3A_576 = arith.constant 0.000000e+00 : f32
        %max3A_577 = vector.broadcast %max3A_576 : f32 to vector<16xf32>
        %max3A_578 = arith.maximumf %add3A_575, %max3A_577 : vector<16xf32>
        %swap3A_579 = arith.index_cast %scan3A_541 : i32 to index
        %swap3A_580 = arith.constant 16 : index
        %swap3A_581 = tpu.vector_load %arg22[%swap3A_579, %swap3A_580] {strides = array<i32>} : memref<64x128xf32, #tpu.memory_space<vmem>>, vector<1x16xf32>,
        %swap3A_582 = vector.shape_cast %swap3A_581 : vector<1x16xf32> to vector<16xf32>
        %swap3A_583 = vector.shape_cast %max3A_578 : vector<16xf32> to vector<1x16xf32>
        tpu.vector_store %arg22[%swap3A_579, %swap3A_580], %swap3A_583 {strides = array<i32>} : memref<64x128xf32, #tpu.memory_space<vmem>>, vector<1x16xf32>,
        %get3A_584 = arith.index_cast %scan3A_541 : i32 to index
        %get3A_585 = arith.constant 32 : index
        %get3A_586 = tpu.vector_load %arg22[%get3A_584, %get3A_585] {strides = array<i32>} : memref<64x128xf32, #tpu.memory_space<vmem>>, vector<1x16xf32>,
        %get3A_587 = vector.shape_cast %get3A_586 : vector<1x16xf32> to vector<16xf32>
        %mul3A_588 = vector.broadcast %squeeze3A : f32 to vector<16xf32>
        %mul3A_589 = arith.mulf %mul3A_588, %get3A_35 : vector<16xf32>
        %add3A_590 = arith.addf %get3A_587, %mul3A_589 : vector<16xf32>
        %mul3A_591 = vector.broadcast %squeeze3A_549 : f32 to vector<16xf32>
        %mul3A_592 = arith.mulf %mul3A_591, %get3A_75 : vector<16xf32>
        %add3A_593 = arith.addf %add3A_590, %mul3A_592 : vector<16xf32>
        %max3A_594 = arith.constant 0.000000e+00 : f32
        %max3A_595 = vector.broadcast %max3A_594 : f32 to vector<16xf32>
        %max3A_596 = arith.maximumf %add3A_593, %max3A_595 : vector<16xf32>
        %swap3A_597 = arith.index_cast %scan3A_541 : i32 to index
        %swap3A_598 = arith.constant 32 : index
        %swap3A_599 = tpu.vector_load %arg22[%swap3A_597, %swap3A_598] {strides = array<i32>} : memref<64x128xf32, #tpu.memory_space<vmem>>, vector<1x16xf32>,
        %swap3A_600 = vector.shape_cast %swap3A_599 : vector<1x16xf32> to vector<16xf32>
        %swap3A_601 = vector.shape_cast %max3A_596 : vector<16xf32> to vector<1x16xf32>
        tpu.vector_store %arg22[%swap3A_597, %swap3A_598], %swap3A_601 {strides = array<i32>} : memref<64x128xf32, #tpu.memory_space<vmem>>, vector<1x16xf32>,
        %get3A_602 = arith.index_cast %scan3A_541 : i32 to index
        %get3A_603 = arith.constant 48 : index
        %get3A_604 = tpu.vector_load %arg22[%get3A_602, %get3A_603] {strides = array<i32>} : memref<64x128xf32, #tpu.memory_space<vmem>>, vector<1x16xf32>,
        %get3A_605 = vector.shape_cast %get3A_604 : vector<1x16xf32> to vector<16xf32>
        %mul3A_606 = vector.broadcast %squeeze3A : f32 to vector<16xf32>
        %mul3A_607 = arith.mulf %mul3A_606, %get3A_40 : vector<16xf32>
        %add3A_608 = arith.addf %get3A_605, %mul3A_607 : vector<16xf32>
        %mul3A_609 = vector.broadcast %squeeze3A_549 : f32 to vector<16xf32>
        %mul3A_610 = arith.mulf %mul3A_609, %get3A_80 : vector<16xf32>
        %add3A_611 = arith.addf %add3A_608, %mul3A_610 : vector<16xf32>
        %max3A_612 = arith.constant 0.000000e+00 : f32
        %max3A_613 = vector.broadcast %max3A_612 : f32 to vector<16xf32>
        %max3A_614 = arith.maximumf %add3A_611, %max3A_613 : vector<16xf32>
        %swap3A_615 = arith.index_cast %scan3A_541 : i32 to index
        %swap3A_616 = arith.constant 48 : index
        %swap3A_617 = tpu.vector_load %arg22[%swap3A_615, %swap3A_616] {strides = array<i32>} : memref<64x128xf32, #tpu.memory_space<vmem>>, vector<1x16xf32>,
        %swap3A_618 = vector.shape_cast %swap3A_617 : vector<1x16xf32> to vector<16xf32>
        %swap3A_619 = vector.shape_cast %max3A_614 : vector<16xf32> to vector<1x16xf32>
        tpu.vector_store %arg22[%swap3A_615, %swap3A_616], %swap3A_619 {strides = array<i32>} : memref<64x128xf32, #tpu.memory_space<vmem>>, vector<1x16xf32>,
        %get3A_620 = arith.index_cast %scan3A_541 : i32 to index
        %get3A_621 = arith.constant 64 : index
        %get3A_622 = tpu.vector_load %arg22[%get3A_620, %get3A_621] {strides = array<i32>} : memref<64x128xf32, #tpu.memory_space<vmem>>, vector<1x16xf32>,
        %get3A_623 = vector.shape_cast %get3A_622 : vector<1x16xf32> to vector<16xf32>
        %mul3A_624 = vector.broadcast %squeeze3A : f32 to vector<16xf32>
        %mul3A_625 = arith.mulf %mul3A_624, %get3A_45 : vector<16xf32>
        %add3A_626 = arith.addf %get3A_623, %mul3A_625 : vector<16xf32>
        %mul3A_627 = vector.broadcast %squeeze3A_549 : f32 to vector<16xf32>
        %mul3A_628 = arith.mulf %mul3A_627, %get3A_85 : vector<16xf32>
        %add3A_629 = arith.addf %add3A_626, %mul3A_628 : vector<16xf32>
        %max3A_630 = arith.constant 0.000000e+00 : f32
        %max3A_631 = vector.broadcast %max3A_630 : f32 to vector<16xf32>
        %max3A_632 = arith.maximumf %add3A_629, %max3A_631 : vector<16xf32>
        %swap3A_633 = arith.index_cast %scan3A_541 : i32 to index
        %swap3A_634 = arith.constant 64 : index
        %swap3A_635 = tpu.vector_load %arg22[%swap3A_633, %swap3A_634] {strides = array<i32>} : memref<64x128xf32, #tpu.memory_space<vmem>>, vector<1x16xf32>,
        %swap3A_636 = vector.shape_cast %swap3A_635 : vector<1x16xf32> to vector<16xf32>
        %swap3A_637 = vector.shape_cast %max3A_632 : vector<16xf32> to vector<1x16xf32>
        tpu.vector_store %arg22[%swap3A_633, %swap3A_634], %swap3A_637 {strides = array<i32>} : memref<64x128xf32, #tpu.memory_space<vmem>>, vector<1x16xf32>,
        %get3A_638 = arith.index_cast %scan3A_541 : i32 to index
        %get3A_639 = arith.constant 80 : index
        %get3A_640 = tpu.vector_load %arg22[%get3A_638, %get3A_639] {strides = array<i32>} : memref<64x128xf32, #tpu.memory_space<vmem>>, vector<1x16xf32>,
        %get3A_641 = vector.shape_cast %get3A_640 : vector<1x16xf32> to vector<16xf32>
        %mul3A_642 = vector.broadcast %squeeze3A : f32 to vector<16xf32>
        %mul3A_643 = arith.mulf %mul3A_642, %get3A_50 : vector<16xf32>
        %add3A_644 = arith.addf %get3A_641, %mul3A_643 : vector<16xf32>
        %mul3A_645 = vector.broadcast %squeeze3A_549 : f32 to vector<16xf32>
        %mul3A_646 = arith.mulf %mul3A_645, %get3A_90 : vector<16xf32>
        %add3A_647 = arith.addf %add3A_644, %mul3A_646 : vector<16xf32>
        %max3A_648 = arith.constant 0.000000e+00 : f32
        %max3A_649 = vector.broadcast %max3A_648 : f32 to vector<16xf32>
        %max3A_650 = arith.maximumf %add3A_647, %max3A_649 : vector<16xf32>
        %swap3A_651 = arith.index_cast %scan3A_541 : i32 to index
        %swap3A_652 = arith.constant 80 : index
        %swap3A_653 = tpu.vector_load %arg22[%swap3A_651, %swap3A_652] {strides = array<i32>} : memref<64x128xf32, #tpu.memory_space<vmem>>, vector<1x16xf32>,
        %swap3A_654 = vector.shape_cast %swap3A_653 : vector<1x16xf32> to vector<16xf32>
        %swap3A_655 = vector.shape_cast %max3A_650 : vector<16xf32> to vector<1x16xf32>
        tpu.vector_store %arg22[%swap3A_651, %swap3A_652], %swap3A_655 {strides = array<i32>} : memref<64x128xf32, #tpu.memory_space<vmem>>, vector<1x16xf32>,
        %get3A_656 = arith.index_cast %scan3A_541 : i32 to index
        %get3A_657 = arith.constant 96 : index
        %get3A_658 = tpu.vector_load %arg22[%get3A_656, %get3A_657] {strides = array<i32>} : memref<64x128xf32, #tpu.memory_space<vmem>>, vector<1x16xf32>,
        %get3A_659 = vector.shape_cast %get3A_658 : vector<1x16xf32> to vector<16xf32>
        %mul3A_660 = vector.broadcast %squeeze3A : f32 to vector<16xf32>
        %mul3A_661 = arith.mulf %mul3A_660, %get3A_55 : vector<16xf32>
        %add3A_662 = arith.addf %get3A_659, %mul3A_661 : vector<16xf32>
        %mul3A_663 = vector.broadcast %squeeze3A_549 : f32 to vector<16xf32>
        %mul3A_664 = arith.mulf %mul3A_663, %get3A_95 : vector<16xf32>
        %add3A_665 = arith.addf %add3A_662, %mul3A_664 : vector<16xf32>
        %max3A_666 = arith.constant 0.000000e+00 : f32
        %max3A_667 = vector.broadcast %max3A_666 : f32 to vector<16xf32>
        %max3A_668 = arith.maximumf %add3A_665, %max3A_667 : vector<16xf32>
        %swap3A_669 = arith.index_cast %scan3A_541 : i32 to index
        %swap3A_670 = arith.constant 96 : index
        %swap3A_671 = tpu.vector_load %arg22[%swap3A_669, %swap3A_670] {strides = array<i32>} : memref<64x128xf32, #tpu.memory_space<vmem>>, vector<1x16xf32>,
        %swap3A_672 = vector.shape_cast %swap3A_671 : vector<1x16xf32> to vector<16xf32>
        %swap3A_673 = vector.shape_cast %max3A_668 : vector<16xf32> to vector<1x16xf32>
        tpu.vector_store %arg22[%swap3A_669, %swap3A_670], %swap3A_673 {strides = array<i32>} : memref<64x128xf32, #tpu.memory_space<vmem>>, vector<1x16xf32>,
        %get3A_674 = arith.index_cast %scan3A_541 : i32 to index
        %get3A_675 = arith.constant 112 : index
        %get3A_676 = tpu.vector_load %arg22[%get3A_674, %get3A_675] {strides = array<i32>} : memref<64x128xf32, #tpu.memory_space<vmem>>, vector<1x16xf32>,
        %get3A_677 = vector.shape_cast %get3A_676 : vector<1x16xf32> to vector<16xf32>
        %mul3A_678 = vector.broadcast %squeeze3A : f32 to vector<16xf32>
        %mul3A_679 = arith.mulf %mul3A_678, %get3A_60 : vector<16xf32>
        %add3A_680 = arith.addf %get3A_677, %mul3A_679 : vector<16xf32>
        %mul3A_681 = vector.broadcast %squeeze3A_549 : f32 to vector<16xf32>
        %mul3A_682 = arith.mulf %mul3A_681, %get3A_100 : vector<16xf32>
        %add3A_683 = arith.addf %add3A_680, %mul3A_682 : vector<16xf32>
        %max3A_684 = arith.constant 0.000000e+00 : f32
        %max3A_685 = vector.broadcast %max3A_684 : f32 to vector<16xf32>
        %max3A_686 = arith.maximumf %add3A_683, %max3A_685 : vector<16xf32>
        %swap3A_687 = arith.index_cast %scan3A_541 : i32 to index
        %swap3A_688 = arith.constant 112 : index
        %swap3A_689 = tpu.vector_load %arg22[%swap3A_687, %swap3A_688] {strides = array<i32>} : memref<64x128xf32, #tpu.memory_space<vmem>>, vector<1x16xf32>,
        %swap3A_690 = vector.shape_cast %swap3A_689 : vector<1x16xf32> to vector<16xf32>
        %swap3A_691 = vector.shape_cast %max3A_686 : vector<16xf32> to vector<1x16xf32>
        tpu.vector_store %arg22[%swap3A_687, %swap3A_688], %swap3A_691 {strides = array<i32>} : memref<64x128xf32, #tpu.memory_space<vmem>>, vector<1x16xf32>,
      }
      %scan3A_472 = arith.constant 64 : i32
      %mul3A_473 = arith.constant 64 : i32
      %mul3A_474 = arith.muli %add3A_442, %mul3A_473 : i32
      %add3A_475 = arith.addi %mul3A_0, %mul3A_474 : i32
      %dma_wait3A_476 = tpu.memref_slice %arg3[%add3A_475] : memref<160000xi32, #tpu.memory_space<hbm>> -> memref<64xi32, #tpu.memory_space<hbm>>
      %dma_wait3A_477 = tpu.memref_slice %arg3[%add3A_475] : memref<160000xi32, #tpu.memory_space<hbm>> -> memref<64xi32, #tpu.memory_space<hbm>>
      tpu.wait_dma2 semaphore(%arg30 : memref<!tpu.dma_semaphore, #tpu.memory_space<semaphore_mem>>) src(%dma_wait3A_477 : memref<64xi32, #tpu.memory_space<hbm>>) dst(%arg13 : memref<64xi32, #tpu.memory_space<vmem>>)
      %dma_start3A_478 = arith.constant 0 : i32
      %dma_start3A_479 = arith.constant 0 : i32
      %dma_start3A_480 = tpu.memref_slice %arg25[%dma_start3A_478, %dma_start3A_479] : memref<10000x128xf32, #tpu.memory_space<vmem_shared>> -> memref<10000x128xf32, #tpu.memory_space<vmem_shared>>
      tpu.enqueue_indirect_dma source(%arg22 : memref<64x128xf32, #tpu.memory_space<vmem>>) target(%dma_start3A_480 : memref<10000x128xf32, #tpu.memory_space<vmem_shared>>) offsets(%arg13 : memref<64xi32, #tpu.memory_space<vmem>>) semaphore(%arg36 : memref<!tpu.dma_semaphore, #tpu.memory_space<semaphore_mem>>) {add = true}
      %dma_wait3A_481 = arith.constant 0 : i32
      %dma_wait3A_482 = arith.constant 0 : i32
      %dma_wait3A_483 = tpu.memref_slice %arg25[%dma_wait3A_481, %dma_wait3A_482] : memref<10000x128xf32, #tpu.memory_space<vmem_shared>> -> memref<10000x128xf32, #tpu.memory_space<vmem_shared>>
      tpu.wait_indirect_dma semaphore(%arg35 : memref<!tpu.dma_semaphore, #tpu.memory_space<semaphore_mem>>) src(%arg21 : memref<64x128xf32, #tpu.memory_space<vmem>>) dst(%dma_wait3A_483 : memref<10000x128xf32, #tpu.memory_space<vmem_shared>>)
      %add3A_484 = arith.constant 2 : i32
      %add3A_485 = arith.addi %add3A_442, %add3A_484 : i32
      %lt3A_486 = arith.constant 156 : i32
      %lt3A_487 = arith.cmpi slt, %add3A_485, %lt3A_486 : i32
      %convert_element_type3A_488 = arith.extui %lt3A_487 : i1 to i32
      %cond3A_489 = arith.constant 0 : i32
      %cond3A_490 = arith.cmpi ne, %convert_element_type3A_488, %cond3A_489 : i32
      scf.if %cond3A_490 {
        %add3A_541 = arith.constant 2 : i32
        %add3A_542 = arith.addi %add3A_442, %add3A_541 : i32
        %mul3A_543 = arith.constant 64 : i32
        %mul3A_544 = arith.muli %add3A_542, %mul3A_543 : i32
        %dma_start3A_545 = tpu.memref_slice %arg11[%mul3A_544] : memref<9984xi32, #tpu.memory_space<vmem>> -> memref<64xi32, #tpu.memory_space<vmem>>
        %dma_start3A_546 = arith.constant 0 : i32
        %dma_start3A_547 = arith.constant 0 : i32
        %dma_start3A_548 = tpu.memref_slice %arg6[%dma_start3A_546, %dma_start3A_547] : memref<40000x128xf32, #tpu.memory_space<hbm>> -> memref<40000x128xf32, #tpu.memory_space<hbm>>
        tpu.enqueue_indirect_dma source(%dma_start3A_548 : memref<40000x128xf32, #tpu.memory_space<hbm>>) target(%arg21 : memref<64x128xf32, #tpu.memory_space<vmem>>) offsets(%dma_start3A_545 : memref<64xi32, #tpu.memory_space<vmem>>) semaphore(%arg26 : memref<!tpu.dma_semaphore, #tpu.memory_space<semaphore_mem>>)
        %mul3A_549 = arith.constant 64 : i32
        %mul3A_550 = arith.muli %add3A_542, %mul3A_549 : i32
        %add3A_551 = arith.addi %mul3A_0, %mul3A_550 : i32
        %dma_start3A_552 = tpu.memref_slice %arg3[%add3A_551] : memref<160000xi32, #tpu.memory_space<hbm>> -> memref<64xi32, #tpu.memory_space<hbm>>
        %dma_start3A_553 = tpu.memref_slice %arg3[%add3A_551] : memref<160000xi32, #tpu.memory_space<hbm>> -> memref<64xi32, #tpu.memory_space<hbm>>
        tpu.enqueue_dma source(%dma_start3A_553 : memref<64xi32, #tpu.memory_space<hbm>>) target(%arg12 : memref<64xi32, #tpu.memory_space<vmem>>) target_semaphore(%arg29 : memref<!tpu.dma_semaphore, #tpu.memory_space<semaphore_mem>>)
        %mul3A_554 = arith.constant 64 : i32
        %mul3A_555 = arith.muli %add3A_542, %mul3A_554 : i32
        %add3A_556 = arith.addi %mul3A_0, %mul3A_555 : i32
        %dma_start3A_557 = arith.constant 0 : i32
        %dma_start3A_558 = tpu.memref_slice %arg15[%dma_start3A_557] : memref<80xf32, #tpu.memory_space<vmem>> -> memref<64xf32, #tpu.memory_space<vmem>>
        %dma_start3A_559 = tpu.memref_slice %arg4[%add3A_556] : memref<160000xf32, #tpu.memory_space<hbm>> -> memref<64xf32, #tpu.memory_space<hbm>>
        %dma_start3A_560 = arith.constant 0 : i32
        %dma_start3A_561 = tpu.memref_slice %arg15[%dma_start3A_560] : memref<80xf32, #tpu.memory_space<vmem>> -> memref<64xf32, #tpu.memory_space<vmem>>
        %dma_start3A_562 = tpu.memref_slice %arg4[%add3A_556] : memref<160000xf32, #tpu.memory_space<hbm>> -> memref<64xf32, #tpu.memory_space<hbm>>
        tpu.enqueue_dma source(%dma_start3A_562 : memref<64xf32, #tpu.memory_space<hbm>>) target(%dma_start3A_561 : memref<64xf32, #tpu.memory_space<vmem>>) target_semaphore(%arg32 : memref<!tpu.dma_semaphore, #tpu.memory_space<semaphore_mem>>)
        %mul3A_563 = arith.constant 64 : i32
        %mul3A_564 = arith.muli %add3A_542, %mul3A_563 : i32
        %add3A_565 = arith.addi %mul3A_0, %mul3A_564 : i32
        %dma_start3A_566 = arith.constant 0 : i32
        %dma_start3A_567 = tpu.memref_slice %arg18[%dma_start3A_566] : memref<80xf32, #tpu.memory_space<vmem>> -> memref<64xf32, #tpu.memory_space<vmem>>
        %dma_start3A_568 = tpu.memref_slice %arg5[%add3A_565] : memref<160000xf32, #tpu.memory_space<hbm>> -> memref<64xf32, #tpu.memory_space<hbm>>
        %dma_start3A_569 = arith.constant 0 : i32
        %dma_start3A_570 = tpu.memref_slice %arg18[%dma_start3A_569] : memref<80xf32, #tpu.memory_space<vmem>> -> memref<64xf32, #tpu.memory_space<vmem>>
        %dma_start3A_571 = tpu.memref_slice %arg5[%add3A_565] : memref<160000xf32, #tpu.memory_space<hbm>> -> memref<64xf32, #tpu.memory_space<hbm>>
        tpu.enqueue_dma source(%dma_start3A_571 : memref<64xf32, #tpu.memory_space<hbm>>) target(%dma_start3A_570 : memref<64xf32, #tpu.memory_space<vmem>>) target_semaphore(%arg32 : memref<!tpu.dma_semaphore, #tpu.memory_space<semaphore_mem>>)
      } else {
      }
      %add3A_491 = arith.constant 2 : i32
      %add3A_492 = arith.addi %mul3A_365, %add3A_491 : i32
      %mul3A_493 = arith.constant 64 : i32
      %mul3A_494 = arith.muli %add3A_492, %mul3A_493 : i32
      %dma_wait3A_495 = tpu.memref_slice %arg11[%mul3A_494] : memref<9984xi32, #tpu.memory_space<vmem>> -> memref<64xi32, #tpu.memory_space<vmem>>
      %dma_wait3A_496 = arith.constant 0 : i32
      %dma_wait3A_497 = arith.constant 0 : i32
      %dma_wait3A_498 = tpu.memref_slice %arg6[%dma_wait3A_496, %dma_wait3A_497] : memref<40000x128xf32, #tpu.memory_space<hbm>> -> memref<40000x128xf32, #tpu.memory_space<hbm>>
      tpu.wait_indirect_dma semaphore(%arg28 : memref<!tpu.dma_semaphore, #tpu.memory_space<semaphore_mem>>) src(%dma_wait3A_498 : memref<40000x128xf32, #tpu.memory_space<hbm>>) dst(%arg23 : memref<64x128xf32, #tpu.memory_space<vmem>>)
      %mul3A_499 = arith.constant 64 : i32
      %mul3A_500 = arith.muli %add3A_492, %mul3A_499 : i32
      %add3A_501 = arith.addi %mul3A_0, %mul3A_500 : i32
      %dma_wait3A_502 = arith.constant 0 : i32
      %dma_wait3A_503 = tpu.memref_slice %arg17[%dma_wait3A_502] : memref<80xf32, #tpu.memory_space<vmem>> -> memref<64xf32, #tpu.memory_space<vmem>>
      %dma_wait3A_504 = tpu.memref_slice %arg4[%add3A_501] : memref<160000xf32, #tpu.memory_space<hbm>> -> memref<64xf32, #tpu.memory_space<hbm>>
      %dma_wait3A_505 = arith.constant 0 : i32
      %dma_wait3A_506 = tpu.memref_slice %arg17[%dma_wait3A_505] : memref<80xf32, #tpu.memory_space<vmem>> -> memref<64xf32, #tpu.memory_space<vmem>>
      %dma_wait3A_507 = tpu.memref_slice %arg4[%add3A_501] : memref<160000xf32, #tpu.memory_space<hbm>> -> memref<64xf32, #tpu.memory_space<hbm>>
      tpu.wait_dma2 semaphore(%arg34 : memref<!tpu.dma_semaphore, #tpu.memory_space<semaphore_mem>>) src(%dma_wait3A_507 : memref<64xf32, #tpu.memory_space<hbm>>) dst(%dma_wait3A_506 : memref<64xf32, #tpu.memory_space<vmem>>)
      %mul3A_508 = arith.constant 64 : i32
      %mul3A_509 = arith.muli %add3A_492, %mul3A_508 : i32
      %add3A_510 = arith.addi %mul3A_0, %mul3A_509 : i32
      %dma_wait3A_511 = arith.constant 0 : i32
      %dma_wait3A_512 = tpu.memref_slice %arg20[%dma_wait3A_511] : memref<80xf32, #tpu.memory_space<vmem>> -> memref<64xf32, #tpu.memory_space<vmem>>
      %dma_wait3A_513 = tpu.memref_slice %arg5[%add3A_510] : memref<160000xf32, #tpu.memory_space<hbm>> -> memref<64xf32, #tpu.memory_space<hbm>>
      %dma_wait3A_514 = arith.constant 0 : i32
      %dma_wait3A_515 = tpu.memref_slice %arg20[%dma_wait3A_514] : memref<80xf32, #tpu.memory_space<vmem>> -> memref<64xf32, #tpu.memory_space<vmem>>
      %dma_wait3A_516 = tpu.memref_slice %arg5[%add3A_510] : memref<160000xf32, #tpu.memory_space<hbm>> -> memref<64xf32, #tpu.memory_space<hbm>>
      tpu.wait_dma2 semaphore(%arg34 : memref<!tpu.dma_semaphore, #tpu.memory_space<semaphore_mem>>) src(%dma_wait3A_516 : memref<64xf32, #tpu.memory_space<hbm>>) dst(%dma_wait3A_515 : memref<64xf32, #tpu.memory_space<vmem>>)
      %scan3A_517 = arith.constant 0 : i32
      %scan3A_518 = arith.constant 0 : i32
      %scan3A_519 = arith.constant 64 : i32
      %scan3A_520 = arith.addi %scan3A_518, %scan3A_519 : i32
      %scan3A_521 = arith.constant 1 : i32
      scf.for %scan3A_541 = %scan3A_518 to %scan3A_520 step %scan3A_521  : i32 {
        %get3A_542 = arith.index_cast %scan3A_541 : i32 to index
        %get3A_543 = tpu.vector_load %arg17[%get3A_542] {strides = array<i32>} : memref<80xf32, #tpu.memory_space<vmem>>, vector<16xf32>,
        %get3A_544 = vector.shape_cast %get3A_543 : vector<16xf32> to vector<16xf32>
        %slice3A = vector.extract_strided_slice %get3A_544 {offsets = [0], sizes = [1], strides = [1]} : vector<16xf32> to vector<1xf32>
        %squeeze3A = vector.extract %slice3A[0] : f32 from vector<1xf32>
        %get3A_545 = arith.index_cast %scan3A_541 : i32 to index
        %get3A_546 = tpu.vector_load %arg20[%get3A_545] {strides = array<i32>} : memref<80xf32, #tpu.memory_space<vmem>>, vector<16xf32>,
        %get3A_547 = vector.shape_cast %get3A_546 : vector<16xf32> to vector<16xf32>
        %slice3A_548 = vector.extract_strided_slice %get3A_547 {offsets = [0], sizes = [1], strides = [1]} : vector<16xf32> to vector<1xf32>
        %squeeze3A_549 = vector.extract %slice3A_548[0] : f32 from vector<1xf32>
        %get3A_550 = arith.index_cast %scan3A_541 : i32 to index
        %get3A_551 = arith.constant 0 : index
        %get3A_552 = tpu.vector_load %arg23[%get3A_550, %get3A_551] {strides = array<i32>} : memref<64x128xf32, #tpu.memory_space<vmem>>, vector<1x16xf32>,
        %get3A_553 = vector.shape_cast %get3A_552 : vector<1x16xf32> to vector<16xf32>
        %mul3A_554 = vector.broadcast %squeeze3A : f32 to vector<16xf32>
        %mul3A_555 = arith.mulf %mul3A_554, %get3A_25 : vector<16xf32>
        %add3A_556 = arith.addf %get3A_553, %mul3A_555 : vector<16xf32>
        %mul3A_557 = vector.broadcast %squeeze3A_549 : f32 to vector<16xf32>
        %mul3A_558 = arith.mulf %mul3A_557, %get3A_65 : vector<16xf32>
        %add3A_559 = arith.addf %add3A_556, %mul3A_558 : vector<16xf32>
        %max3A = arith.constant 0.000000e+00 : f32
        %max3A_560 = vector.broadcast %max3A : f32 to vector<16xf32>
        %max3A_561 = arith.maximumf %add3A_559, %max3A_560 : vector<16xf32>
        %swap3A = arith.index_cast %scan3A_541 : i32 to index
        %swap3A_562 = arith.constant 0 : index
        %swap3A_563 = tpu.vector_load %arg23[%swap3A, %swap3A_562] {strides = array<i32>} : memref<64x128xf32, #tpu.memory_space<vmem>>, vector<1x16xf32>,
        %swap3A_564 = vector.shape_cast %swap3A_563 : vector<1x16xf32> to vector<16xf32>
        %swap3A_565 = vector.shape_cast %max3A_561 : vector<16xf32> to vector<1x16xf32>
        tpu.vector_store %arg23[%swap3A, %swap3A_562], %swap3A_565 {strides = array<i32>} : memref<64x128xf32, #tpu.memory_space<vmem>>, vector<1x16xf32>,
        %get3A_566 = arith.index_cast %scan3A_541 : i32 to index
        %get3A_567 = arith.constant 16 : index
        %get3A_568 = tpu.vector_load %arg23[%get3A_566, %get3A_567] {strides = array<i32>} : memref<64x128xf32, #tpu.memory_space<vmem>>, vector<1x16xf32>,
        %get3A_569 = vector.shape_cast %get3A_568 : vector<1x16xf32> to vector<16xf32>
        %mul3A_570 = vector.broadcast %squeeze3A : f32 to vector<16xf32>
        %mul3A_571 = arith.mulf %mul3A_570, %get3A_30 : vector<16xf32>
        %add3A_572 = arith.addf %get3A_569, %mul3A_571 : vector<16xf32>
        %mul3A_573 = vector.broadcast %squeeze3A_549 : f32 to vector<16xf32>
        %mul3A_574 = arith.mulf %mul3A_573, %get3A_70 : vector<16xf32>
        %add3A_575 = arith.addf %add3A_572, %mul3A_574 : vector<16xf32>
        %max3A_576 = arith.constant 0.000000e+00 : f32
        %max3A_577 = vector.broadcast %max3A_576 : f32 to vector<16xf32>
        %max3A_578 = arith.maximumf %add3A_575, %max3A_577 : vector<16xf32>
        %swap3A_579 = arith.index_cast %scan3A_541 : i32 to index
        %swap3A_580 = arith.constant 16 : index
        %swap3A_581 = tpu.vector_load %arg23[%swap3A_579, %swap3A_580] {strides = array<i32>} : memref<64x128xf32, #tpu.memory_space<vmem>>, vector<1x16xf32>,
        %swap3A_582 = vector.shape_cast %swap3A_581 : vector<1x16xf32> to vector<16xf32>
        %swap3A_583 = vector.shape_cast %max3A_578 : vector<16xf32> to vector<1x16xf32>
        tpu.vector_store %arg23[%swap3A_579, %swap3A_580], %swap3A_583 {strides = array<i32>} : memref<64x128xf32, #tpu.memory_space<vmem>>, vector<1x16xf32>,
        %get3A_584 = arith.index_cast %scan3A_541 : i32 to index
        %get3A_585 = arith.constant 32 : index
        %get3A_586 = tpu.vector_load %arg23[%get3A_584, %get3A_585] {strides = array<i32>} : memref<64x128xf32, #tpu.memory_space<vmem>>, vector<1x16xf32>,
        %get3A_587 = vector.shape_cast %get3A_586 : vector<1x16xf32> to vector<16xf32>
        %mul3A_588 = vector.broadcast %squeeze3A : f32 to vector<16xf32>
        %mul3A_589 = arith.mulf %mul3A_588, %get3A_35 : vector<16xf32>
        %add3A_590 = arith.addf %get3A_587, %mul3A_589 : vector<16xf32>
        %mul3A_591 = vector.broadcast %squeeze3A_549 : f32 to vector<16xf32>
        %mul3A_592 = arith.mulf %mul3A_591, %get3A_75 : vector<16xf32>
        %add3A_593 = arith.addf %add3A_590, %mul3A_592 : vector<16xf32>
        %max3A_594 = arith.constant 0.000000e+00 : f32
        %max3A_595 = vector.broadcast %max3A_594 : f32 to vector<16xf32>
        %max3A_596 = arith.maximumf %add3A_593, %max3A_595 : vector<16xf32>
        %swap3A_597 = arith.index_cast %scan3A_541 : i32 to index
        %swap3A_598 = arith.constant 32 : index
        %swap3A_599 = tpu.vector_load %arg23[%swap3A_597, %swap3A_598] {strides = array<i32>} : memref<64x128xf32, #tpu.memory_space<vmem>>, vector<1x16xf32>,
        %swap3A_600 = vector.shape_cast %swap3A_599 : vector<1x16xf32> to vector<16xf32>
        %swap3A_601 = vector.shape_cast %max3A_596 : vector<16xf32> to vector<1x16xf32>
        tpu.vector_store %arg23[%swap3A_597, %swap3A_598], %swap3A_601 {strides = array<i32>} : memref<64x128xf32, #tpu.memory_space<vmem>>, vector<1x16xf32>,
        %get3A_602 = arith.index_cast %scan3A_541 : i32 to index
        %get3A_603 = arith.constant 48 : index
        %get3A_604 = tpu.vector_load %arg23[%get3A_602, %get3A_603] {strides = array<i32>} : memref<64x128xf32, #tpu.memory_space<vmem>>, vector<1x16xf32>,
        %get3A_605 = vector.shape_cast %get3A_604 : vector<1x16xf32> to vector<16xf32>
        %mul3A_606 = vector.broadcast %squeeze3A : f32 to vector<16xf32>
        %mul3A_607 = arith.mulf %mul3A_606, %get3A_40 : vector<16xf32>
        %add3A_608 = arith.addf %get3A_605, %mul3A_607 : vector<16xf32>
        %mul3A_609 = vector.broadcast %squeeze3A_549 : f32 to vector<16xf32>
        %mul3A_610 = arith.mulf %mul3A_609, %get3A_80 : vector<16xf32>
        %add3A_611 = arith.addf %add3A_608, %mul3A_610 : vector<16xf32>
        %max3A_612 = arith.constant 0.000000e+00 : f32
        %max3A_613 = vector.broadcast %max3A_612 : f32 to vector<16xf32>
        %max3A_614 = arith.maximumf %add3A_611, %max3A_613 : vector<16xf32>
        %swap3A_615 = arith.index_cast %scan3A_541 : i32 to index
        %swap3A_616 = arith.constant 48 : index
        %swap3A_617 = tpu.vector_load %arg23[%swap3A_615, %swap3A_616] {strides = array<i32>} : memref<64x128xf32, #tpu.memory_space<vmem>>, vector<1x16xf32>,
        %swap3A_618 = vector.shape_cast %swap3A_617 : vector<1x16xf32> to vector<16xf32>
        %swap3A_619 = vector.shape_cast %max3A_614 : vector<16xf32> to vector<1x16xf32>
        tpu.vector_store %arg23[%swap3A_615, %swap3A_616], %swap3A_619 {strides = array<i32>} : memref<64x128xf32, #tpu.memory_space<vmem>>, vector<1x16xf32>,
        %get3A_620 = arith.index_cast %scan3A_541 : i32 to index
        %get3A_621 = arith.constant 64 : index
        %get3A_622 = tpu.vector_load %arg23[%get3A_620, %get3A_621] {strides = array<i32>} : memref<64x128xf32, #tpu.memory_space<vmem>>, vector<1x16xf32>,
        %get3A_623 = vector.shape_cast %get3A_622 : vector<1x16xf32> to vector<16xf32>
        %mul3A_624 = vector.broadcast %squeeze3A : f32 to vector<16xf32>
        %mul3A_625 = arith.mulf %mul3A_624, %get3A_45 : vector<16xf32>
        %add3A_626 = arith.addf %get3A_623, %mul3A_625 : vector<16xf32>
        %mul3A_627 = vector.broadcast %squeeze3A_549 : f32 to vector<16xf32>
        %mul3A_628 = arith.mulf %mul3A_627, %get3A_85 : vector<16xf32>
        %add3A_629 = arith.addf %add3A_626, %mul3A_628 : vector<16xf32>
        %max3A_630 = arith.constant 0.000000e+00 : f32
        %max3A_631 = vector.broadcast %max3A_630 : f32 to vector<16xf32>
        %max3A_632 = arith.maximumf %add3A_629, %max3A_631 : vector<16xf32>
        %swap3A_633 = arith.index_cast %scan3A_541 : i32 to index
        %swap3A_634 = arith.constant 64 : index
        %swap3A_635 = tpu.vector_load %arg23[%swap3A_633, %swap3A_634] {strides = array<i32>} : memref<64x128xf32, #tpu.memory_space<vmem>>, vector<1x16xf32>,
        %swap3A_636 = vector.shape_cast %swap3A_635 : vector<1x16xf32> to vector<16xf32>
        %swap3A_637 = vector.shape_cast %max3A_632 : vector<16xf32> to vector<1x16xf32>
        tpu.vector_store %arg23[%swap3A_633, %swap3A_634], %swap3A_637 {strides = array<i32>} : memref<64x128xf32, #tpu.memory_space<vmem>>, vector<1x16xf32>,
        %get3A_638 = arith.index_cast %scan3A_541 : i32 to index
        %get3A_639 = arith.constant 80 : index
        %get3A_640 = tpu.vector_load %arg23[%get3A_638, %get3A_639] {strides = array<i32>} : memref<64x128xf32, #tpu.memory_space<vmem>>, vector<1x16xf32>,
        %get3A_641 = vector.shape_cast %get3A_640 : vector<1x16xf32> to vector<16xf32>
        %mul3A_642 = vector.broadcast %squeeze3A : f32 to vector<16xf32>
        %mul3A_643 = arith.mulf %mul3A_642, %get3A_50 : vector<16xf32>
        %add3A_644 = arith.addf %get3A_641, %mul3A_643 : vector<16xf32>
        %mul3A_645 = vector.broadcast %squeeze3A_549 : f32 to vector<16xf32>
        %mul3A_646 = arith.mulf %mul3A_645, %get3A_90 : vector<16xf32>
        %add3A_647 = arith.addf %add3A_644, %mul3A_646 : vector<16xf32>
        %max3A_648 = arith.constant 0.000000e+00 : f32
        %max3A_649 = vector.broadcast %max3A_648 : f32 to vector<16xf32>
        %max3A_650 = arith.maximumf %add3A_647, %max3A_649 : vector<16xf32>
        %swap3A_651 = arith.index_cast %scan3A_541 : i32 to index
        %swap3A_652 = arith.constant 80 : index
        %swap3A_653 = tpu.vector_load %arg23[%swap3A_651, %swap3A_652] {strides = array<i32>} : memref<64x128xf32, #tpu.memory_space<vmem>>, vector<1x16xf32>,
        %swap3A_654 = vector.shape_cast %swap3A_653 : vector<1x16xf32> to vector<16xf32>
        %swap3A_655 = vector.shape_cast %max3A_650 : vector<16xf32> to vector<1x16xf32>
        tpu.vector_store %arg23[%swap3A_651, %swap3A_652], %swap3A_655 {strides = array<i32>} : memref<64x128xf32, #tpu.memory_space<vmem>>, vector<1x16xf32>,
        %get3A_656 = arith.index_cast %scan3A_541 : i32 to index
        %get3A_657 = arith.constant 96 : index
        %get3A_658 = tpu.vector_load %arg23[%get3A_656, %get3A_657] {strides = array<i32>} : memref<64x128xf32, #tpu.memory_space<vmem>>, vector<1x16xf32>,
        %get3A_659 = vector.shape_cast %get3A_658 : vector<1x16xf32> to vector<16xf32>
        %mul3A_660 = vector.broadcast %squeeze3A : f32 to vector<16xf32>
        %mul3A_661 = arith.mulf %mul3A_660, %get3A_55 : vector<16xf32>
        %add3A_662 = arith.addf %get3A_659, %mul3A_661 : vector<16xf32>
        %mul3A_663 = vector.broadcast %squeeze3A_549 : f32 to vector<16xf32>
        %mul3A_664 = arith.mulf %mul3A_663, %get3A_95 : vector<16xf32>
        %add3A_665 = arith.addf %add3A_662, %mul3A_664 : vector<16xf32>
        %max3A_666 = arith.constant 0.000000e+00 : f32
        %max3A_667 = vector.broadcast %max3A_666 : f32 to vector<16xf32>
        %max3A_668 = arith.maximumf %add3A_665, %max3A_667 : vector<16xf32>
        %swap3A_669 = arith.index_cast %scan3A_541 : i32 to index
        %swap3A_670 = arith.constant 96 : index
        %swap3A_671 = tpu.vector_load %arg23[%swap3A_669, %swap3A_670] {strides = array<i32>} : memref<64x128xf32, #tpu.memory_space<vmem>>, vector<1x16xf32>,
        %swap3A_672 = vector.shape_cast %swap3A_671 : vector<1x16xf32> to vector<16xf32>
        %swap3A_673 = vector.shape_cast %max3A_668 : vector<16xf32> to vector<1x16xf32>
        tpu.vector_store %arg23[%swap3A_669, %swap3A_670], %swap3A_673 {strides = array<i32>} : memref<64x128xf32, #tpu.memory_space<vmem>>, vector<1x16xf32>,
        %get3A_674 = arith.index_cast %scan3A_541 : i32 to index
        %get3A_675 = arith.constant 112 : index
        %get3A_676 = tpu.vector_load %arg23[%get3A_674, %get3A_675] {strides = array<i32>} : memref<64x128xf32, #tpu.memory_space<vmem>>, vector<1x16xf32>,
        %get3A_677 = vector.shape_cast %get3A_676 : vector<1x16xf32> to vector<16xf32>
        %mul3A_678 = vector.broadcast %squeeze3A : f32 to vector<16xf32>
        %mul3A_679 = arith.mulf %mul3A_678, %get3A_60 : vector<16xf32>
        %add3A_680 = arith.addf %get3A_677, %mul3A_679 : vector<16xf32>
        %mul3A_681 = vector.broadcast %squeeze3A_549 : f32 to vector<16xf32>
        %mul3A_682 = arith.mulf %mul3A_681, %get3A_100 : vector<16xf32>
        %add3A_683 = arith.addf %add3A_680, %mul3A_682 : vector<16xf32>
        %max3A_684 = arith.constant 0.000000e+00 : f32
        %max3A_685 = vector.broadcast %max3A_684 : f32 to vector<16xf32>
        %max3A_686 = arith.maximumf %add3A_683, %max3A_685 : vector<16xf32>
        %swap3A_687 = arith.index_cast %scan3A_541 : i32 to index
        %swap3A_688 = arith.constant 112 : index
        %swap3A_689 = tpu.vector_load %arg23[%swap3A_687, %swap3A_688] {strides = array<i32>} : memref<64x128xf32, #tpu.memory_space<vmem>>, vector<1x16xf32>,
        %swap3A_690 = vector.shape_cast %swap3A_689 : vector<1x16xf32> to vector<16xf32>
        %swap3A_691 = vector.shape_cast %max3A_686 : vector<16xf32> to vector<1x16xf32>
        tpu.vector_store %arg23[%swap3A_687, %swap3A_688], %swap3A_691 {strides = array<i32>} : memref<64x128xf32, #tpu.memory_space<vmem>>, vector<1x16xf32>,
      }
      %scan3A_522 = arith.constant 64 : i32
      %mul3A_523 = arith.constant 64 : i32
      %mul3A_524 = arith.muli %add3A_492, %mul3A_523 : i32
      %add3A_525 = arith.addi %mul3A_0, %mul3A_524 : i32
      %dma_wait3A_526 = tpu.memref_slice %arg3[%add3A_525] : memref<160000xi32, #tpu.memory_space<hbm>> -> memref<64xi32, #tpu.memory_space<hbm>>
      %dma_wait3A_527 = tpu.memref_slice %arg3[%add3A_525] : memref<160000xi32, #tpu.memory_space<hbm>> -> memref<64xi32, #tpu.memory_space<hbm>>
      tpu.wait_dma2 semaphore(%arg31 : memref<!tpu.dma_semaphore, #tpu.memory_space<semaphore_mem>>) src(%dma_wait3A_527 : memref<64xi32, #tpu.memory_space<hbm>>) dst(%arg14 : memref<64xi32, #tpu.memory_space<vmem>>)
      %dma_start3A_528 = arith.constant 0 : i32
      %dma_start3A_529 = arith.constant 0 : i32
      %dma_start3A_530 = tpu.memref_slice %arg25[%dma_start3A_528, %dma_start3A_529] : memref<10000x128xf32, #tpu.memory_space<vmem_shared>> -> memref<10000x128xf32, #tpu.memory_space<vmem_shared>>
      tpu.enqueue_indirect_dma source(%arg23 : memref<64x128xf32, #tpu.memory_space<vmem>>) target(%dma_start3A_530 : memref<10000x128xf32, #tpu.memory_space<vmem_shared>>) offsets(%arg14 : memref<64xi32, #tpu.memory_space<vmem>>) semaphore(%arg37 : memref<!tpu.dma_semaphore, #tpu.memory_space<semaphore_mem>>) {add = true}
      %dma_wait3A_531 = arith.constant 0 : i32
      %dma_wait3A_532 = arith.constant 0 : i32
      %dma_wait3A_533 = tpu.memref_slice %arg25[%dma_wait3A_531, %dma_wait3A_532] : memref<10000x128xf32, #tpu.memory_space<vmem_shared>> -> memref<10000x128xf32, #tpu.memory_space<vmem_shared>>
      tpu.wait_indirect_dma semaphore(%arg36 : memref<!tpu.dma_semaphore, #tpu.memory_space<semaphore_mem>>) src(%arg22 : memref<64x128xf32, #tpu.memory_space<vmem>>) dst(%dma_wait3A_533 : memref<10000x128xf32, #tpu.memory_space<vmem_shared>>)
      %add3A_534 = arith.constant 2 : i32
      %add3A_535 = arith.addi %add3A_492, %add3A_534 : i32
      %lt3A_536 = arith.constant 156 : i32
      %lt3A_537 = arith.cmpi slt, %add3A_535, %lt3A_536 : i32
      %convert_element_type3A_538 = arith.extui %lt3A_537 : i1 to i32
      %cond3A_539 = arith.constant 0 : i32
      %cond3A_540 = arith.cmpi ne, %convert_element_type3A_538, %cond3A_539 : i32
      scf.if %cond3A_540 {
        %add3A_541 = arith.constant 2 : i32
        %add3A_542 = arith.addi %add3A_492, %add3A_541 : i32
        %mul3A_543 = arith.constant 64 : i32
        %mul3A_544 = arith.muli %add3A_542, %mul3A_543 : i32
        %dma_start3A_545 = tpu.memref_slice %arg11[%mul3A_544] : memref<9984xi32, #tpu.memory_space<vmem>> -> memref<64xi32, #tpu.memory_space<vmem>>
        %dma_start3A_546 = arith.constant 0 : i32
        %dma_start3A_547 = arith.constant 0 : i32
        %dma_start3A_548 = tpu.memref_slice %arg6[%dma_start3A_546, %dma_start3A_547] : memref<40000x128xf32, #tpu.memory_space<hbm>> -> memref<40000x128xf32, #tpu.memory_space<hbm>>
        tpu.enqueue_indirect_dma source(%dma_start3A_548 : memref<40000x128xf32, #tpu.memory_space<hbm>>) target(%arg22 : memref<64x128xf32, #tpu.memory_space<vmem>>) offsets(%dma_start3A_545 : memref<64xi32, #tpu.memory_space<vmem>>) semaphore(%arg27 : memref<!tpu.dma_semaphore, #tpu.memory_space<semaphore_mem>>)
        %mul3A_549 = arith.constant 64 : i32
        %mul3A_550 = arith.muli %add3A_542, %mul3A_549 : i32
        %add3A_551 = arith.addi %mul3A_0, %mul3A_550 : i32
        %dma_start3A_552 = tpu.memref_slice %arg3[%add3A_551] : memref<160000xi32, #tpu.memory_space<hbm>> -> memref<64xi32, #tpu.memory_space<hbm>>
        %dma_start3A_553 = tpu.memref_slice %arg3[%add3A_551] : memref<160000xi32, #tpu.memory_space<hbm>> -> memref<64xi32, #tpu.memory_space<hbm>>
        tpu.enqueue_dma source(%dma_start3A_553 : memref<64xi32, #tpu.memory_space<hbm>>) target(%arg13 : memref<64xi32, #tpu.memory_space<vmem>>) target_semaphore(%arg30 : memref<!tpu.dma_semaphore, #tpu.memory_space<semaphore_mem>>)
        %mul3A_554 = arith.constant 64 : i32
        %mul3A_555 = arith.muli %add3A_542, %mul3A_554 : i32
        %add3A_556 = arith.addi %mul3A_0, %mul3A_555 : i32
        %dma_start3A_557 = arith.constant 0 : i32
        %dma_start3A_558 = tpu.memref_slice %arg16[%dma_start3A_557] : memref<80xf32, #tpu.memory_space<vmem>> -> memref<64xf32, #tpu.memory_space<vmem>>
        %dma_start3A_559 = tpu.memref_slice %arg4[%add3A_556] : memref<160000xf32, #tpu.memory_space<hbm>> -> memref<64xf32, #tpu.memory_space<hbm>>
        %dma_start3A_560 = arith.constant 0 : i32
        %dma_start3A_561 = tpu.memref_slice %arg16[%dma_start3A_560] : memref<80xf32, #tpu.memory_space<vmem>> -> memref<64xf32, #tpu.memory_space<vmem>>
        %dma_start3A_562 = tpu.memref_slice %arg4[%add3A_556] : memref<160000xf32, #tpu.memory_space<hbm>> -> memref<64xf32, #tpu.memory_space<hbm>>
        tpu.enqueue_dma source(%dma_start3A_562 : memref<64xf32, #tpu.memory_space<hbm>>) target(%dma_start3A_561 : memref<64xf32, #tpu.memory_space<vmem>>) target_semaphore(%arg33 : memref<!tpu.dma_semaphore, #tpu.memory_space<semaphore_mem>>)
        %mul3A_563 = arith.constant 64 : i32
        %mul3A_564 = arith.muli %add3A_542, %mul3A_563 : i32
        %add3A_565 = arith.addi %mul3A_0, %mul3A_564 : i32
        %dma_start3A_566 = arith.constant 0 : i32
        %dma_start3A_567 = tpu.memref_slice %arg19[%dma_start3A_566] : memref<80xf32, #tpu.memory_space<vmem>> -> memref<64xf32, #tpu.memory_space<vmem>>
        %dma_start3A_568 = tpu.memref_slice %arg5[%add3A_565] : memref<160000xf32, #tpu.memory_space<hbm>> -> memref<64xf32, #tpu.memory_space<hbm>>
        %dma_start3A_569 = arith.constant 0 : i32
        %dma_start3A_570 = tpu.memref_slice %arg19[%dma_start3A_569] : memref<80xf32, #tpu.memory_space<vmem>> -> memref<64xf32, #tpu.memory_space<vmem>>
        %dma_start3A_571 = tpu.memref_slice %arg5[%add3A_565] : memref<160000xf32, #tpu.memory_space<hbm>> -> memref<64xf32, #tpu.memory_space<hbm>>
        tpu.enqueue_dma source(%dma_start3A_571 : memref<64xf32, #tpu.memory_space<hbm>>) target(%dma_start3A_570 : memref<64xf32, #tpu.memory_space<vmem>>) target_semaphore(%arg33 : memref<!tpu.dma_semaphore, #tpu.memory_space<semaphore_mem>>)
      } else {
      }
    }
    %scan3A_155 = arith.constant 52 : i32
    %dma_wait3A = arith.constant 0 : i32
    %dma_wait3A_156 = arith.constant 0 : i32
    %dma_wait3A_157 = tpu.memref_slice %arg25[%dma_wait3A, %dma_wait3A_156] : memref<10000x128xf32, #tpu.memory_space<vmem_shared>> -> memref<10000x128xf32, #tpu.memory_space<vmem_shared>>
    tpu.wait_indirect_dma semaphore(%arg37 : memref<!tpu.dma_semaphore, #tpu.memory_space<semaphore_mem>>) src(%arg23 : memref<64x128xf32, #tpu.memory_space<vmem>>) dst(%dma_wait3A_157 : memref<10000x128xf32, #tpu.memory_space<vmem_shared>>)
    %lt3A = arith.constant 4 : i32
    %lt3A_158 = arith.cmpi slt, %arg1, %lt3A : i32
    %convert_element_type3A_159 = arith.extui %lt3A_158 : i1 to i32
    %cond3A_160 = arith.constant 0 : i32
    %cond3A_161 = arith.cmpi ne, %convert_element_type3A_159, %cond3A_160 : i32
    scf.if %cond3A_161 {
      "tpu.region"() ({
        %run_scoped3A = tpu.sem_alloc : memref<!tpu.dma_semaphore, #tpu.memory_space<semaphore_mem>>
        %dma_start3A_385 = arith.constant 0 : i32
        %dma_start3A_386 = tpu.memref_slice %arg11[%dma_start3A_385] : memref<9984xi32, #tpu.memory_space<vmem>> -> memref<64xi32, #tpu.memory_space<vmem>>
        %dma_start3A_387 = tpu.memref_slice %arg2[%mul3A_9] : memref<160000xi32, #tpu.memory_space<hbm>> -> memref<64xi32, #tpu.memory_space<hbm>>
        %dma_start3A_388 = arith.constant 0 : i32
        %dma_start3A_389 = tpu.memref_slice %arg11[%dma_start3A_388] : memref<9984xi32, #tpu.memory_space<vmem>> -> memref<64xi32, #tpu.memory_space<vmem>>
        %dma_start3A_390 = tpu.memref_slice %arg2[%mul3A_9] : memref<160000xi32, #tpu.memory_space<hbm>> -> memref<64xi32, #tpu.memory_space<hbm>>
        tpu.enqueue_dma source(%dma_start3A_390 : memref<64xi32, #tpu.memory_space<hbm>>) target(%dma_start3A_389 : memref<64xi32, #tpu.memory_space<vmem>>) target_semaphore(%run_scoped3A : memref<!tpu.dma_semaphore, #tpu.memory_space<semaphore_mem>>)
        %dma_wait3A_391 = arith.constant 0 : i32
        %dma_wait3A_392 = tpu.memref_slice %arg11[%dma_wait3A_391] : memref<9984xi32, #tpu.memory_space<vmem>> -> memref<64xi32, #tpu.memory_space<vmem>>
        %dma_wait3A_393 = tpu.memref_slice %arg2[%mul3A_9] : memref<160000xi32, #tpu.memory_space<hbm>> -> memref<64xi32, #tpu.memory_space<hbm>>
        %dma_wait3A_394 = arith.constant 0 : i32
        %dma_wait3A_395 = tpu.memref_slice %arg11[%dma_wait3A_394] : memref<9984xi32, #tpu.memory_space<vmem>> -> memref<64xi32, #tpu.memory_space<vmem>>
        %dma_wait3A_396 = tpu.memref_slice %arg2[%mul3A_9] : memref<160000xi32, #tpu.memory_space<hbm>> -> memref<64xi32, #tpu.memory_space<hbm>>
        tpu.wait_dma2 semaphore(%run_scoped3A : memref<!tpu.dma_semaphore, #tpu.memory_space<semaphore_mem>>) src(%dma_wait3A_396 : memref<64xi32, #tpu.memory_space<hbm>>) dst(%dma_wait3A_395 : memref<64xi32, #tpu.memory_space<vmem>>)
        tpu.yield
      }) : () -> ()
      "tpu.region"() ({
        %run_scoped3A = tpu.sem_alloc : memref<!tpu.dma_semaphore, #tpu.memory_space<semaphore_mem>>
        %dma_start3A_385 = arith.constant 0 : i32
        %dma_start3A_386 = tpu.memref_slice %arg15[%dma_start3A_385] : memref<80xf32, #tpu.memory_space<vmem>> -> memref<64xf32, #tpu.memory_space<vmem>>
        %dma_start3A_387 = tpu.memref_slice %arg4[%mul3A_9] : memref<160000xf32, #tpu.memory_space<hbm>> -> memref<64xf32, #tpu.memory_space<hbm>>
        %dma_start3A_388 = arith.constant 0 : i32
        %dma_start3A_389 = tpu.memref_slice %arg15[%dma_start3A_388] : memref<80xf32, #tpu.memory_space<vmem>> -> memref<64xf32, #tpu.memory_space<vmem>>
        %dma_start3A_390 = tpu.memref_slice %arg4[%mul3A_9] : memref<160000xf32, #tpu.memory_space<hbm>> -> memref<64xf32, #tpu.memory_space<hbm>>
        tpu.enqueue_dma source(%dma_start3A_390 : memref<64xf32, #tpu.memory_space<hbm>>) target(%dma_start3A_389 : memref<64xf32, #tpu.memory_space<vmem>>) target_semaphore(%run_scoped3A : memref<!tpu.dma_semaphore, #tpu.memory_space<semaphore_mem>>)
        %dma_wait3A_391 = arith.constant 0 : i32
        %dma_wait3A_392 = tpu.memref_slice %arg15[%dma_wait3A_391] : memref<80xf32, #tpu.memory_space<vmem>> -> memref<64xf32, #tpu.memory_space<vmem>>
        %dma_wait3A_393 = tpu.memref_slice %arg4[%mul3A_9] : memref<160000xf32, #tpu.memory_space<hbm>> -> memref<64xf32, #tpu.memory_space<hbm>>
        %dma_wait3A_394 = arith.constant 0 : i32
        %dma_wait3A_395 = tpu.memref_slice %arg15[%dma_wait3A_394] : memref<80xf32, #tpu.memory_space<vmem>> -> memref<64xf32, #tpu.memory_space<vmem>>
        %dma_wait3A_396 = tpu.memref_slice %arg4[%mul3A_9] : memref<160000xf32, #tpu.memory_space<hbm>> -> memref<64xf32, #tpu.memory_space<hbm>>
        tpu.wait_dma2 semaphore(%run_scoped3A : memref<!tpu.dma_semaphore, #tpu.memory_space<semaphore_mem>>) src(%dma_wait3A_396 : memref<64xf32, #tpu.memory_space<hbm>>) dst(%dma_wait3A_395 : memref<64xf32, #tpu.memory_space<vmem>>)
        tpu.yield
      }) : () -> ()
      "tpu.region"() ({
        %run_scoped3A = tpu.sem_alloc : memref<!tpu.dma_semaphore, #tpu.memory_space<semaphore_mem>>
        %dma_start3A_385 = arith.constant 0 : i32
        %dma_start3A_386 = tpu.memref_slice %arg18[%dma_start3A_385] : memref<80xf32, #tpu.memory_space<vmem>> -> memref<64xf32, #tpu.memory_space<vmem>>
        %dma_start3A_387 = tpu.memref_slice %arg5[%mul3A_9] : memref<160000xf32, #tpu.memory_space<hbm>> -> memref<64xf32, #tpu.memory_space<hbm>>
        %dma_start3A_388 = arith.constant 0 : i32
        %dma_start3A_389 = tpu.memref_slice %arg18[%dma_start3A_388] : memref<80xf32, #tpu.memory_space<vmem>> -> memref<64xf32, #tpu.memory_space<vmem>>
        %dma_start3A_390 = tpu.memref_slice %arg5[%mul3A_9] : memref<160000xf32, #tpu.memory_space<hbm>> -> memref<64xf32, #tpu.memory_space<hbm>>
        tpu.enqueue_dma source(%dma_start3A_390 : memref<64xf32, #tpu.memory_space<hbm>>) target(%dma_start3A_389 : memref<64xf32, #tpu.memory_space<vmem>>) target_semaphore(%run_scoped3A : memref<!tpu.dma_semaphore, #tpu.memory_space<semaphore_mem>>)
        %dma_wait3A_391 = arith.constant 0 : i32
        %dma_wait3A_392 = tpu.memref_slice %arg18[%dma_wait3A_391] : memref<80xf32, #tpu.memory_space<vmem>> -> memref<64xf32, #tpu.memory_space<vmem>>
        %dma_wait3A_393 = tpu.memref_slice %arg5[%mul3A_9] : memref<160000xf32, #tpu.memory_space<hbm>> -> memref<64xf32, #tpu.memory_space<hbm>>
        %dma_wait3A_394 = arith.constant 0 : i32
        %dma_wait3A_395 = tpu.memref_slice %arg18[%dma_wait3A_394] : memref<80xf32, #tpu.memory_space<vmem>> -> memref<64xf32, #tpu.memory_space<vmem>>
        %dma_wait3A_396 = tpu.memref_slice %arg5[%mul3A_9] : memref<160000xf32, #tpu.memory_space<hbm>> -> memref<64xf32, #tpu.memory_space<hbm>>
        tpu.wait_dma2 semaphore(%run_scoped3A : memref<!tpu.dma_semaphore, #tpu.memory_space<semaphore_mem>>) src(%dma_wait3A_396 : memref<64xf32, #tpu.memory_space<hbm>>) dst(%dma_wait3A_395 : memref<64xf32, #tpu.memory_space<vmem>>)
        tpu.yield
      }) : () -> ()
      %scan3A_363 = arith.constant 0 : i32
      %scan3A_364 = arith.constant 0 : i32
      %scan3A_365 = arith.constant 4 : i32
      %scan3A_366 = arith.addi %scan3A_364, %scan3A_365 : i32
      %scan3A_367 = arith.constant 1 : i32
      scf.for %scan3A_385 = %scan3A_364 to %scan3A_366 step %scan3A_367  : i32 {
        %mul3A_386 = arith.constant 16 : i32
        %mul3A_387 = arith.muli %scan3A_385, %mul3A_386 : i32
        %get3A_388 = arith.index_cast %mul3A_387 : i32 to index
        %get3A_389 = tpu.vector_load %arg11[%get3A_388] {strides = array<i32>} : memref<9984xi32, #tpu.memory_space<vmem>>, vector<16xi32>,
        %get3A_390 = vector.shape_cast %get3A_389 : vector<16xi32> to vector<16xi32>
        %add3A_391 = vector.broadcast %mul3A_2 : i32 to vector<16xi32>
        %add3A_392 = arith.addi %get3A_390, %add3A_391 : vector<16xi32>
        %mul3A_393 = arith.constant 16 : i32
        %mul3A_394 = arith.muli %scan3A_385, %mul3A_393 : i32
        %swap3A = arith.index_cast %mul3A_394 : i32 to index
        %swap3A_395 = tpu.vector_load %arg11[%swap3A] {strides = array<i32>} : memref<9984xi32, #tpu.memory_space<vmem>>, vector<16xi32>,
        %swap3A_396 = vector.shape_cast %swap3A_395 : vector<16xi32> to vector<16xi32>
        %swap3A_397 = vector.shape_cast %add3A_392 : vector<16xi32> to vector<16xi32>
        tpu.vector_store %arg11[%swap3A], %swap3A_397 {strides = array<i32>} : memref<9984xi32, #tpu.memory_space<vmem>>, vector<16xi32>,
      }
      %scan3A_368 = arith.constant 4 : i32
      %dma_start3A_369 = arith.constant 0 : i32
      %dma_start3A_370 = tpu.memref_slice %arg11[%dma_start3A_369] : memref<9984xi32, #tpu.memory_space<vmem>> -> memref<64xi32, #tpu.memory_space<vmem>>
      %dma_start3A_371 = arith.constant 0 : i32
      %dma_start3A_372 = arith.constant 0 : i32
      %dma_start3A_373 = tpu.memref_slice %arg6[%dma_start3A_371, %dma_start3A_372] : memref<40000x128xf32, #tpu.memory_space<hbm>> -> memref<40000x128xf32, #tpu.memory_space<hbm>>
      tpu.enqueue_indirect_dma source(%dma_start3A_373 : memref<40000x128xf32, #tpu.memory_space<hbm>>) target(%arg21 : memref<64x128xf32, #tpu.memory_space<vmem>>) offsets(%dma_start3A_370 : memref<64xi32, #tpu.memory_space<vmem>>) semaphore(%arg26 : memref<!tpu.dma_semaphore, #tpu.memory_space<semaphore_mem>>)
      %dma_wait3A_374 = arith.constant 0 : i32
      %dma_wait3A_375 = tpu.memref_slice %arg11[%dma_wait3A_374] : memref<9984xi32, #tpu.memory_space<vmem>> -> memref<64xi32, #tpu.memory_space<vmem>>
      %dma_wait3A_376 = arith.constant 0 : i32
      %dma_wait3A_377 = arith.constant 0 : i32
      %dma_wait3A_378 = tpu.memref_slice %arg6[%dma_wait3A_376, %dma_wait3A_377] : memref<40000x128xf32, #tpu.memory_space<hbm>> -> memref<40000x128xf32, #tpu.memory_space<hbm>>
      tpu.wait_indirect_dma semaphore(%arg26 : memref<!tpu.dma_semaphore, #tpu.memory_space<semaphore_mem>>) src(%dma_wait3A_378 : memref<40000x128xf32, #tpu.memory_space<hbm>>) dst(%arg21 : memref<64x128xf32, #tpu.memory_space<vmem>>)
      %scan3A_379 = arith.constant 0 : i32
      %scan3A_380 = arith.constant 0 : i32
      %scan3A_381 = arith.constant 64 : i32
      %scan3A_382 = arith.addi %scan3A_380, %scan3A_381 : i32
      %scan3A_383 = arith.constant 1 : i32
      scf.for %scan3A_385 = %scan3A_380 to %scan3A_382 step %scan3A_383  : i32 {
        %get3A_386 = arith.index_cast %scan3A_385 : i32 to index
        %get3A_387 = tpu.vector_load %arg15[%get3A_386] {strides = array<i32>} : memref<80xf32, #tpu.memory_space<vmem>>, vector<16xf32>,
        %get3A_388 = vector.shape_cast %get3A_387 : vector<16xf32> to vector<16xf32>
        %slice3A = vector.extract_strided_slice %get3A_388 {offsets = [0], sizes = [1], strides = [1]} : vector<16xf32> to vector<1xf32>
        %squeeze3A = vector.extract %slice3A[0] : f32 from vector<1xf32>
        %get3A_389 = arith.index_cast %scan3A_385 : i32 to index
        %get3A_390 = tpu.vector_load %arg18[%get3A_389] {strides = array<i32>} : memref<80xf32, #tpu.memory_space<vmem>>, vector<16xf32>,
        %get3A_391 = vector.shape_cast %get3A_390 : vector<16xf32> to vector<16xf32>
        %slice3A_392 = vector.extract_strided_slice %get3A_391 {offsets = [0], sizes = [1], strides = [1]} : vector<16xf32> to vector<1xf32>
        %squeeze3A_393 = vector.extract %slice3A_392[0] : f32 from vector<1xf32>
        %get3A_394 = arith.index_cast %scan3A_385 : i32 to index
        %get3A_395 = arith.constant 0 : index
        %get3A_396 = tpu.vector_load %arg21[%get3A_394, %get3A_395] {strides = array<i32>} : memref<64x128xf32, #tpu.memory_space<vmem>>, vector<1x16xf32>,
        %get3A_397 = vector.shape_cast %get3A_396 : vector<1x16xf32> to vector<16xf32>
        %mul3A_398 = vector.broadcast %squeeze3A : f32 to vector<16xf32>
        %mul3A_399 = arith.mulf %mul3A_398, %get3A_25 : vector<16xf32>
        %add3A_400 = arith.addf %get3A_397, %mul3A_399 : vector<16xf32>
        %mul3A_401 = vector.broadcast %squeeze3A_393 : f32 to vector<16xf32>
        %mul3A_402 = arith.mulf %mul3A_401, %get3A_65 : vector<16xf32>
        %add3A_403 = arith.addf %add3A_400, %mul3A_402 : vector<16xf32>
        %max3A = arith.constant 0.000000e+00 : f32
        %max3A_404 = vector.broadcast %max3A : f32 to vector<16xf32>
        %max3A_405 = arith.maximumf %add3A_403, %max3A_404 : vector<16xf32>
        %swap3A = arith.index_cast %scan3A_385 : i32 to index
        %swap3A_406 = arith.constant 0 : index
        %swap3A_407 = tpu.vector_load %arg21[%swap3A, %swap3A_406] {strides = array<i32>} : memref<64x128xf32, #tpu.memory_space<vmem>>, vector<1x16xf32>,
        %swap3A_408 = vector.shape_cast %swap3A_407 : vector<1x16xf32> to vector<16xf32>
        %swap3A_409 = vector.shape_cast %max3A_405 : vector<16xf32> to vector<1x16xf32>
        tpu.vector_store %arg21[%swap3A, %swap3A_406], %swap3A_409 {strides = array<i32>} : memref<64x128xf32, #tpu.memory_space<vmem>>, vector<1x16xf32>,
        %get3A_410 = arith.index_cast %scan3A_385 : i32 to index
        %get3A_411 = arith.constant 16 : index
        %get3A_412 = tpu.vector_load %arg21[%get3A_410, %get3A_411] {strides = array<i32>} : memref<64x128xf32, #tpu.memory_space<vmem>>, vector<1x16xf32>,
        %get3A_413 = vector.shape_cast %get3A_412 : vector<1x16xf32> to vector<16xf32>
        %mul3A_414 = vector.broadcast %squeeze3A : f32 to vector<16xf32>
        %mul3A_415 = arith.mulf %mul3A_414, %get3A_30 : vector<16xf32>
        %add3A_416 = arith.addf %get3A_413, %mul3A_415 : vector<16xf32>
        %mul3A_417 = vector.broadcast %squeeze3A_393 : f32 to vector<16xf32>
        %mul3A_418 = arith.mulf %mul3A_417, %get3A_70 : vector<16xf32>
        %add3A_419 = arith.addf %add3A_416, %mul3A_418 : vector<16xf32>
        %max3A_420 = arith.constant 0.000000e+00 : f32
        %max3A_421 = vector.broadcast %max3A_420 : f32 to vector<16xf32>
        %max3A_422 = arith.maximumf %add3A_419, %max3A_421 : vector<16xf32>
        %swap3A_423 = arith.index_cast %scan3A_385 : i32 to index
        %swap3A_424 = arith.constant 16 : index
        %swap3A_425 = tpu.vector_load %arg21[%swap3A_423, %swap3A_424] {strides = array<i32>} : memref<64x128xf32, #tpu.memory_space<vmem>>, vector<1x16xf32>,
        %swap3A_426 = vector.shape_cast %swap3A_425 : vector<1x16xf32> to vector<16xf32>
        %swap3A_427 = vector.shape_cast %max3A_422 : vector<16xf32> to vector<1x16xf32>
        tpu.vector_store %arg21[%swap3A_423, %swap3A_424], %swap3A_427 {strides = array<i32>} : memref<64x128xf32, #tpu.memory_space<vmem>>, vector<1x16xf32>,
        %get3A_428 = arith.index_cast %scan3A_385 : i32 to index
        %get3A_429 = arith.constant 32 : index
        %get3A_430 = tpu.vector_load %arg21[%get3A_428, %get3A_429] {strides = array<i32>} : memref<64x128xf32, #tpu.memory_space<vmem>>, vector<1x16xf32>,
        %get3A_431 = vector.shape_cast %get3A_430 : vector<1x16xf32> to vector<16xf32>
        %mul3A_432 = vector.broadcast %squeeze3A : f32 to vector<16xf32>
        %mul3A_433 = arith.mulf %mul3A_432, %get3A_35 : vector<16xf32>
        %add3A_434 = arith.addf %get3A_431, %mul3A_433 : vector<16xf32>
        %mul3A_435 = vector.broadcast %squeeze3A_393 : f32 to vector<16xf32>
        %mul3A_436 = arith.mulf %mul3A_435, %get3A_75 : vector<16xf32>
        %add3A_437 = arith.addf %add3A_434, %mul3A_436 : vector<16xf32>
        %max3A_438 = arith.constant 0.000000e+00 : f32
        %max3A_439 = vector.broadcast %max3A_438 : f32 to vector<16xf32>
        %max3A_440 = arith.maximumf %add3A_437, %max3A_439 : vector<16xf32>
        %swap3A_441 = arith.index_cast %scan3A_385 : i32 to index
        %swap3A_442 = arith.constant 32 : index
        %swap3A_443 = tpu.vector_load %arg21[%swap3A_441, %swap3A_442] {strides = array<i32>} : memref<64x128xf32, #tpu.memory_space<vmem>>, vector<1x16xf32>,
        %swap3A_444 = vector.shape_cast %swap3A_443 : vector<1x16xf32> to vector<16xf32>
        %swap3A_445 = vector.shape_cast %max3A_440 : vector<16xf32> to vector<1x16xf32>
        tpu.vector_store %arg21[%swap3A_441, %swap3A_442], %swap3A_445 {strides = array<i32>} : memref<64x128xf32, #tpu.memory_space<vmem>>, vector<1x16xf32>,
        %get3A_446 = arith.index_cast %scan3A_385 : i32 to index
        %get3A_447 = arith.constant 48 : index
        %get3A_448 = tpu.vector_load %arg21[%get3A_446, %get3A_447] {strides = array<i32>} : memref<64x128xf32, #tpu.memory_space<vmem>>, vector<1x16xf32>,
        %get3A_449 = vector.shape_cast %get3A_448 : vector<1x16xf32> to vector<16xf32>
        %mul3A_450 = vector.broadcast %squeeze3A : f32 to vector<16xf32>
        %mul3A_451 = arith.mulf %mul3A_450, %get3A_40 : vector<16xf32>
        %add3A_452 = arith.addf %get3A_449, %mul3A_451 : vector<16xf32>
        %mul3A_453 = vector.broadcast %squeeze3A_393 : f32 to vector<16xf32>
        %mul3A_454 = arith.mulf %mul3A_453, %get3A_80 : vector<16xf32>
        %add3A_455 = arith.addf %add3A_452, %mul3A_454 : vector<16xf32>
        %max3A_456 = arith.constant 0.000000e+00 : f32
        %max3A_457 = vector.broadcast %max3A_456 : f32 to vector<16xf32>
        %max3A_458 = arith.maximumf %add3A_455, %max3A_457 : vector<16xf32>
        %swap3A_459 = arith.index_cast %scan3A_385 : i32 to index
        %swap3A_460 = arith.constant 48 : index
        %swap3A_461 = tpu.vector_load %arg21[%swap3A_459, %swap3A_460] {strides = array<i32>} : memref<64x128xf32, #tpu.memory_space<vmem>>, vector<1x16xf32>,
        %swap3A_462 = vector.shape_cast %swap3A_461 : vector<1x16xf32> to vector<16xf32>
        %swap3A_463 = vector.shape_cast %max3A_458 : vector<16xf32> to vector<1x16xf32>
        tpu.vector_store %arg21[%swap3A_459, %swap3A_460], %swap3A_463 {strides = array<i32>} : memref<64x128xf32, #tpu.memory_space<vmem>>, vector<1x16xf32>,
        %get3A_464 = arith.index_cast %scan3A_385 : i32 to index
        %get3A_465 = arith.constant 64 : index
        %get3A_466 = tpu.vector_load %arg21[%get3A_464, %get3A_465] {strides = array<i32>} : memref<64x128xf32, #tpu.memory_space<vmem>>, vector<1x16xf32>,
        %get3A_467 = vector.shape_cast %get3A_466 : vector<1x16xf32> to vector<16xf32>
        %mul3A_468 = vector.broadcast %squeeze3A : f32 to vector<16xf32>
        %mul3A_469 = arith.mulf %mul3A_468, %get3A_45 : vector<16xf32>
        %add3A_470 = arith.addf %get3A_467, %mul3A_469 : vector<16xf32>
        %mul3A_471 = vector.broadcast %squeeze3A_393 : f32 to vector<16xf32>
        %mul3A_472 = arith.mulf %mul3A_471, %get3A_85 : vector<16xf32>
        %add3A_473 = arith.addf %add3A_470, %mul3A_472 : vector<16xf32>
        %max3A_474 = arith.constant 0.000000e+00 : f32
        %max3A_475 = vector.broadcast %max3A_474 : f32 to vector<16xf32>
        %max3A_476 = arith.maximumf %add3A_473, %max3A_475 : vector<16xf32>
        %swap3A_477 = arith.index_cast %scan3A_385 : i32 to index
        %swap3A_478 = arith.constant 64 : index
        %swap3A_479 = tpu.vector_load %arg21[%swap3A_477, %swap3A_478] {strides = array<i32>} : memref<64x128xf32, #tpu.memory_space<vmem>>, vector<1x16xf32>,
        %swap3A_480 = vector.shape_cast %swap3A_479 : vector<1x16xf32> to vector<16xf32>
        %swap3A_481 = vector.shape_cast %max3A_476 : vector<16xf32> to vector<1x16xf32>
        tpu.vector_store %arg21[%swap3A_477, %swap3A_478], %swap3A_481 {strides = array<i32>} : memref<64x128xf32, #tpu.memory_space<vmem>>, vector<1x16xf32>,
        %get3A_482 = arith.index_cast %scan3A_385 : i32 to index
        %get3A_483 = arith.constant 80 : index
        %get3A_484 = tpu.vector_load %arg21[%get3A_482, %get3A_483] {strides = array<i32>} : memref<64x128xf32, #tpu.memory_space<vmem>>, vector<1x16xf32>,
        %get3A_485 = vector.shape_cast %get3A_484 : vector<1x16xf32> to vector<16xf32>
        %mul3A_486 = vector.broadcast %squeeze3A : f32 to vector<16xf32>
        %mul3A_487 = arith.mulf %mul3A_486, %get3A_50 : vector<16xf32>
        %add3A_488 = arith.addf %get3A_485, %mul3A_487 : vector<16xf32>
        %mul3A_489 = vector.broadcast %squeeze3A_393 : f32 to vector<16xf32>
        %mul3A_490 = arith.mulf %mul3A_489, %get3A_90 : vector<16xf32>
        %add3A_491 = arith.addf %add3A_488, %mul3A_490 : vector<16xf32>
        %max3A_492 = arith.constant 0.000000e+00 : f32
        %max3A_493 = vector.broadcast %max3A_492 : f32 to vector<16xf32>
        %max3A_494 = arith.maximumf %add3A_491, %max3A_493 : vector<16xf32>
        %swap3A_495 = arith.index_cast %scan3A_385 : i32 to index
        %swap3A_496 = arith.constant 80 : index
        %swap3A_497 = tpu.vector_load %arg21[%swap3A_495, %swap3A_496] {strides = array<i32>} : memref<64x128xf32, #tpu.memory_space<vmem>>, vector<1x16xf32>,
        %swap3A_498 = vector.shape_cast %swap3A_497 : vector<1x16xf32> to vector<16xf32>
        %swap3A_499 = vector.shape_cast %max3A_494 : vector<16xf32> to vector<1x16xf32>
        tpu.vector_store %arg21[%swap3A_495, %swap3A_496], %swap3A_499 {strides = array<i32>} : memref<64x128xf32, #tpu.memory_space<vmem>>, vector<1x16xf32>,
        %get3A_500 = arith.index_cast %scan3A_385 : i32 to index
        %get3A_501 = arith.constant 96 : index
        %get3A_502 = tpu.vector_load %arg21[%get3A_500, %get3A_501] {strides = array<i32>} : memref<64x128xf32, #tpu.memory_space<vmem>>, vector<1x16xf32>,
        %get3A_503 = vector.shape_cast %get3A_502 : vector<1x16xf32> to vector<16xf32>
        %mul3A_504 = vector.broadcast %squeeze3A : f32 to vector<16xf32>
        %mul3A_505 = arith.mulf %mul3A_504, %get3A_55 : vector<16xf32>
        %add3A_506 = arith.addf %get3A_503, %mul3A_505 : vector<16xf32>
        %mul3A_507 = vector.broadcast %squeeze3A_393 : f32 to vector<16xf32>
        %mul3A_508 = arith.mulf %mul3A_507, %get3A_95 : vector<16xf32>
        %add3A_509 = arith.addf %add3A_506, %mul3A_508 : vector<16xf32>
        %max3A_510 = arith.constant 0.000000e+00 : f32
        %max3A_511 = vector.broadcast %max3A_510 : f32 to vector<16xf32>
        %max3A_512 = arith.maximumf %add3A_509, %max3A_511 : vector<16xf32>
        %swap3A_513 = arith.index_cast %scan3A_385 : i32 to index
        %swap3A_514 = arith.constant 96 : index
        %swap3A_515 = tpu.vector_load %arg21[%swap3A_513, %swap3A_514] {strides = array<i32>} : memref<64x128xf32, #tpu.memory_space<vmem>>, vector<1x16xf32>,
        %swap3A_516 = vector.shape_cast %swap3A_515 : vector<1x16xf32> to vector<16xf32>
        %swap3A_517 = vector.shape_cast %max3A_512 : vector<16xf32> to vector<1x16xf32>
        tpu.vector_store %arg21[%swap3A_513, %swap3A_514], %swap3A_517 {strides = array<i32>} : memref<64x128xf32, #tpu.memory_space<vmem>>, vector<1x16xf32>,
        %get3A_518 = arith.index_cast %scan3A_385 : i32 to index
        %get3A_519 = arith.constant 112 : index
        %get3A_520 = tpu.vector_load %arg21[%get3A_518, %get3A_519] {strides = array<i32>} : memref<64x128xf32, #tpu.memory_space<vmem>>, vector<1x16xf32>,
        %get3A_521 = vector.shape_cast %get3A_520 : vector<1x16xf32> to vector<16xf32>
        %mul3A_522 = vector.broadcast %squeeze3A : f32 to vector<16xf32>
        %mul3A_523 = arith.mulf %mul3A_522, %get3A_60 : vector<16xf32>
        %add3A_524 = arith.addf %get3A_521, %mul3A_523 : vector<16xf32>
        %mul3A_525 = vector.broadcast %squeeze3A_393 : f32 to vector<16xf32>
        %mul3A_526 = arith.mulf %mul3A_525, %get3A_100 : vector<16xf32>
        %add3A_527 = arith.addf %add3A_524, %mul3A_526 : vector<16xf32>
        %max3A_528 = arith.constant 0.000000e+00 : f32
        %max3A_529 = vector.broadcast %max3A_528 : f32 to vector<16xf32>
        %max3A_530 = arith.maximumf %add3A_527, %max3A_529 : vector<16xf32>
        %swap3A_531 = arith.index_cast %scan3A_385 : i32 to index
        %swap3A_532 = arith.constant 112 : index
        %swap3A_533 = tpu.vector_load %arg21[%swap3A_531, %swap3A_532] {strides = array<i32>} : memref<64x128xf32, #tpu.memory_space<vmem>>, vector<1x16xf32>,
        %swap3A_534 = vector.shape_cast %swap3A_533 : vector<1x16xf32> to vector<16xf32>
        %swap3A_535 = vector.shape_cast %max3A_530 : vector<16xf32> to vector<1x16xf32>
        tpu.vector_store %arg21[%swap3A_531, %swap3A_532], %swap3A_535 {strides = array<i32>} : memref<64x128xf32, #tpu.memory_space<vmem>>, vector<1x16xf32>,
      }
      %scan3A_384 = arith.constant 64 : i32
      "tpu.region"() ({
        %run_scoped3A = tpu.sem_alloc : memref<!tpu.dma_semaphore, #tpu.memory_space<semaphore_mem>>
        %dma_start3A_385 = tpu.memref_slice %arg3[%mul3A_9] : memref<160000xi32, #tpu.memory_space<hbm>> -> memref<64xi32, #tpu.memory_space<hbm>>
        %dma_start3A_386 = tpu.memref_slice %arg3[%mul3A_9] : memref<160000xi32, #tpu.memory_space<hbm>> -> memref<64xi32, #tpu.memory_space<hbm>>
        tpu.enqueue_dma source(%dma_start3A_386 : memref<64xi32, #tpu.memory_space<hbm>>) target(%arg12 : memref<64xi32, #tpu.memory_space<vmem>>) target_semaphore(%run_scoped3A : memref<!tpu.dma_semaphore, #tpu.memory_space<semaphore_mem>>)
        %dma_wait3A_387 = tpu.memref_slice %arg3[%mul3A_9] : memref<160000xi32, #tpu.memory_space<hbm>> -> memref<64xi32, #tpu.memory_space<hbm>>
        %dma_wait3A_388 = tpu.memref_slice %arg3[%mul3A_9] : memref<160000xi32, #tpu.memory_space<hbm>> -> memref<64xi32, #tpu.memory_space<hbm>>
        tpu.wait_dma2 semaphore(%run_scoped3A : memref<!tpu.dma_semaphore, #tpu.memory_space<semaphore_mem>>) src(%dma_wait3A_388 : memref<64xi32, #tpu.memory_space<hbm>>) dst(%arg12 : memref<64xi32, #tpu.memory_space<vmem>>)
        tpu.yield
      }) : () -> ()
      "tpu.region"() ({
        %run_scoped3A = tpu.sem_alloc : memref<!tpu.dma_semaphore, #tpu.memory_space<semaphore_mem>>
        %dma_start3A_385 = arith.constant 0 : i32
        %dma_start3A_386 = arith.constant 0 : i32
        %dma_start3A_387 = tpu.memref_slice %arg25[%dma_start3A_385, %dma_start3A_386] : memref<10000x128xf32, #tpu.memory_space<vmem_shared>> -> memref<10000x128xf32, #tpu.memory_space<vmem_shared>>
        tpu.enqueue_indirect_dma source(%arg21 : memref<64x128xf32, #tpu.memory_space<vmem>>) target(%dma_start3A_387 : memref<10000x128xf32, #tpu.memory_space<vmem_shared>>) offsets(%arg12 : memref<64xi32, #tpu.memory_space<vmem>>) semaphore(%run_scoped3A : memref<!tpu.dma_semaphore, #tpu.memory_space<semaphore_mem>>) {add = true}
        %dma_wait3A_388 = arith.constant 0 : i32
        %dma_wait3A_389 = arith.constant 0 : i32
        %dma_wait3A_390 = tpu.memref_slice %arg25[%dma_wait3A_388, %dma_wait3A_389] : memref<10000x128xf32, #tpu.memory_space<vmem_shared>> -> memref<10000x128xf32, #tpu.memory_space<vmem_shared>>
        tpu.wait_indirect_dma semaphore(%run_scoped3A : memref<!tpu.dma_semaphore, #tpu.memory_space<semaphore_mem>>) src(%arg21 : memref<64x128xf32, #tpu.memory_space<vmem>>) dst(%dma_wait3A_390 : memref<10000x128xf32, #tpu.memory_space<vmem_shared>>)
        tpu.yield
      }) : () -> ()
    } else {
    }
    %barrier3A_162 = arith.constant 0 : index
    tpu.barrier barrier_id(%barrier3A_162)
    %mul3A_163 = arith.constant 10000 : i32
    %mul3A_164 = arith.muli %arg0, %mul3A_163 : i32
    %mul3A_165 = arith.constant 624 : i32
    %mul3A_166 = arith.muli %arg1, %mul3A_165 : i32
    %mul3A_167 = arith.constant 624 : i32
    %mul3A_168 = arith.muli %arg1, %mul3A_167 : i32
    %add3A_169 = arith.addi %mul3A_164, %mul3A_168 : i32
    "tpu.region"() ({
      %run_scoped3A = tpu.sem_alloc : memref<!tpu.dma_semaphore, #tpu.memory_space<semaphore_mem>>
      %dma_start3A_363 = arith.constant 0 : i32
      %dma_start3A_364 = tpu.memref_slice %arg9[%add3A_169, %dma_start3A_363] : memref<20000x128xf32, #tpu.memory_space<hbm>> -> memref<624x128xf32, #tpu.memory_space<hbm>>
      %dma_start3A_365 = arith.constant 0 : i32
      %dma_start3A_366 = tpu.memref_slice %arg25[%mul3A_166, %dma_start3A_365] : memref<10000x128xf32, #tpu.memory_space<vmem_shared>> -> memref<624x128xf32, #tpu.memory_space<vmem_shared>>
      tpu.enqueue_dma source(%dma_start3A_366 : memref<624x128xf32, #tpu.memory_space<vmem_shared>>) target(%dma_start3A_364 : memref<624x128xf32, #tpu.memory_space<hbm>>) target_semaphore(%run_scoped3A : memref<!tpu.dma_semaphore, #tpu.memory_space<semaphore_mem>>)
      %dma_wait3A_367 = arith.constant 0 : i32
      %dma_wait3A_368 = tpu.memref_slice %arg9[%add3A_169, %dma_wait3A_367] : memref<20000x128xf32, #tpu.memory_space<hbm>> -> memref<624x128xf32, #tpu.memory_space<hbm>>
      %dma_wait3A_369 = arith.constant 0 : i32
      %dma_wait3A_370 = tpu.memref_slice %arg25[%mul3A_166, %dma_wait3A_369] : memref<10000x128xf32, #tpu.memory_space<vmem_shared>> -> memref<624x128xf32, #tpu.memory_space<vmem_shared>>
      tpu.wait_dma2 semaphore(%run_scoped3A : memref<!tpu.dma_semaphore, #tpu.memory_space<semaphore_mem>>) src(%dma_wait3A_370 : memref<624x128xf32, #tpu.memory_space<vmem_shared>>) dst(%dma_wait3A_368 : memref<624x128xf32, #tpu.memory_space<hbm>>)
      tpu.yield
    }) : () -> ()
    %eq3A_170 = arith.constant 15 : i32
    %eq3A_171 = arith.cmpi eq, %arg1, %eq3A_170 : i32
    %convert_element_type3A_172 = arith.extui %eq3A_171 : i1 to i32
    %cond3A_173 = arith.constant 0 : i32
    %cond3A_174 = arith.cmpi ne, %convert_element_type3A_172, %cond3A_173 : i32
    scf.if %cond3A_174 {
      %add3A_363 = arith.constant 9984 : i32
      %add3A_364 = arith.addi %mul3A_164, %add3A_363 : i32
      "tpu.region"() ({
        %run_scoped3A = tpu.sem_alloc : memref<!tpu.dma_semaphore, #tpu.memory_space<semaphore_mem>>
        %dma_start3A_365 = arith.constant 0 : i32
        %dma_start3A_366 = tpu.memref_slice %arg9[%add3A_364, %dma_start3A_365] : memref<20000x128xf32, #tpu.memory_space<hbm>> -> memref<16x128xf32, #tpu.memory_space<hbm>>
        %dma_start3A_367 = arith.constant 9984 : i32
        %dma_start3A_368 = arith.constant 0 : i32
        %dma_start3A_369 = tpu.memref_slice %arg25[%dma_start3A_367, %dma_start3A_368] : memref<10000x128xf32, #tpu.memory_space<vmem_shared>> -> memref<16x128xf32, #tpu.memory_space<vmem_shared>>
        tpu.enqueue_dma source(%dma_start3A_369 : memref<16x128xf32, #tpu.memory_space<vmem_shared>>) target(%dma_start3A_366 : memref<16x128xf32, #tpu.memory_space<hbm>>) target_semaphore(%run_scoped3A : memref<!tpu.dma_semaphore, #tpu.memory_space<semaphore_mem>>)
        %dma_wait3A_370 = arith.constant 0 : i32
        %dma_wait3A_371 = tpu.memref_slice %arg9[%add3A_364, %dma_wait3A_370] : memref<20000x128xf32, #tpu.memory_space<hbm>> -> memref<16x128xf32, #tpu.memory_space<hbm>>
        %dma_wait3A_372 = arith.constant 9984 : i32
        %dma_wait3A_373 = arith.constant 0 : i32
        %dma_wait3A_374 = tpu.memref_slice %arg25[%dma_wait3A_372, %dma_wait3A_373] : memref<10000x128xf32, #tpu.memory_space<vmem_shared>> -> memref<16x128xf32, #tpu.memory_space<vmem_shared>>
        tpu.wait_dma2 semaphore(%run_scoped3A : memref<!tpu.dma_semaphore, #tpu.memory_space<semaphore_mem>>) src(%dma_wait3A_374 : memref<16x128xf32, #tpu.memory_space<vmem_shared>>) dst(%dma_wait3A_371 : memref<16x128xf32, #tpu.memory_space<hbm>>)
        tpu.yield
      }) : () -> ()
    } else {
    }
    %mul3A_175 = arith.constant 80000 : i32
    %mul3A_176 = arith.muli %arg0, %mul3A_175 : i32
    %mul3A_177 = arith.constant 4992 : i32
    %mul3A_178 = arith.muli %arg1, %mul3A_177 : i32
    %add3A_179 = arith.addi %mul3A_176, %mul3A_178 : i32
    %add3A_180 = arith.constant 2 : i32
    %add3A_181 = arith.addi %add3A_180, %arg0 : i32
    %mul3A_182 = arith.constant 10000 : i32
    %mul3A_183 = arith.muli %add3A_181, %mul3A_182 : i32
    %add3A_184 = arith.constant 1248 : i32
    %add3A_185 = arith.addi %add3A_184, %arg1 : i32
    %mul3A_186 = arith.constant 64 : i32
    %mul3A_187 = arith.muli %add3A_185, %mul3A_186 : i32
    %add3A_188 = arith.addi %mul3A_176, %mul3A_187 : i32
    %mul3A_189 = arith.constant 624 : i32
    %mul3A_190 = arith.muli %arg1, %mul3A_189 : i32
    %add3A_191 = arith.addi %mul3A_183, %mul3A_190 : i32
    %mul3A_192 = arith.constant 624 : i32
    %mul3A_193 = arith.muli %arg1, %mul3A_192 : i32
    "tpu.region"() ({
      %run_scoped3A = tpu.sem_alloc : memref<!tpu.dma_semaphore, #tpu.memory_space<semaphore_mem>>
      %dma_start3A_363 = arith.constant 0 : i32
      %dma_start3A_364 = tpu.memref_slice %arg25[%mul3A_193, %dma_start3A_363] : memref<10000x128xf32, #tpu.memory_space<vmem_shared>> -> memref<624x128xf32, #tpu.memory_space<vmem_shared>>
      %dma_start3A_365 = arith.constant 0 : i32
      %dma_start3A_366 = tpu.memref_slice %arg7[%add3A_191, %dma_start3A_365] : memref<40000x128xf32, #tpu.memory_space<hbm>> -> memref<624x128xf32, #tpu.memory_space<hbm>>
      tpu.enqueue_dma source(%dma_start3A_366 : memref<624x128xf32, #tpu.memory_space<hbm>>) target(%dma_start3A_364 : memref<624x128xf32, #tpu.memory_space<vmem_shared>>) target_semaphore(%run_scoped3A : memref<!tpu.dma_semaphore, #tpu.memory_space<semaphore_mem>>)
      %dma_wait3A_367 = arith.constant 0 : i32
      %dma_wait3A_368 = tpu.memref_slice %arg25[%mul3A_193, %dma_wait3A_367] : memref<10000x128xf32, #tpu.memory_space<vmem_shared>> -> memref<624x128xf32, #tpu.memory_space<vmem_shared>>
      %dma_wait3A_369 = arith.constant 0 : i32
      %dma_wait3A_370 = tpu.memref_slice %arg7[%add3A_191, %dma_wait3A_369] : memref<40000x128xf32, #tpu.memory_space<hbm>> -> memref<624x128xf32, #tpu.memory_space<hbm>>
      tpu.wait_dma2 semaphore(%run_scoped3A : memref<!tpu.dma_semaphore, #tpu.memory_space<semaphore_mem>>) src(%dma_wait3A_370 : memref<624x128xf32, #tpu.memory_space<hbm>>) dst(%dma_wait3A_368 : memref<624x128xf32, #tpu.memory_space<vmem_shared>>)
      tpu.yield
    }) : () -> ()
    %eq3A_194 = arith.constant 15 : i32
    %eq3A_195 = arith.cmpi eq, %arg1, %eq3A_194 : i32
    %convert_element_type3A_196 = arith.extui %eq3A_195 : i1 to i32
    %cond3A_197 = arith.constant 0 : i32
    %cond3A_198 = arith.cmpi ne, %convert_element_type3A_196, %cond3A_197 : i32
    scf.if %cond3A_198 {
      %add3A_363 = arith.constant 9984 : i32
      %add3A_364 = arith.addi %mul3A_183, %add3A_363 : i32
      "tpu.region"() ({
        %run_scoped3A = tpu.sem_alloc : memref<!tpu.dma_semaphore, #tpu.memory_space<semaphore_mem>>
        %dma_start3A_365 = arith.constant 9984 : i32
        %dma_start3A_366 = arith.constant 0 : i32
        %dma_start3A_367 = tpu.memref_slice %arg25[%dma_start3A_365, %dma_start3A_366] : memref<10000x128xf32, #tpu.memory_space<vmem_shared>> -> memref<16x128xf32, #tpu.memory_space<vmem_shared>>
        %dma_start3A_368 = arith.constant 0 : i32
        %dma_start3A_369 = tpu.memref_slice %arg7[%add3A_364, %dma_start3A_368] : memref<40000x128xf32, #tpu.memory_space<hbm>> -> memref<16x128xf32, #tpu.memory_space<hbm>>
        tpu.enqueue_dma source(%dma_start3A_369 : memref<16x128xf32, #tpu.memory_space<hbm>>) target(%dma_start3A_367 : memref<16x128xf32, #tpu.memory_space<vmem_shared>>) target_semaphore(%run_scoped3A : memref<!tpu.dma_semaphore, #tpu.memory_space<semaphore_mem>>)
        %dma_wait3A_370 = arith.constant 9984 : i32
        %dma_wait3A_371 = arith.constant 0 : i32
        %dma_wait3A_372 = tpu.memref_slice %arg25[%dma_wait3A_370, %dma_wait3A_371] : memref<10000x128xf32, #tpu.memory_space<vmem_shared>> -> memref<16x128xf32, #tpu.memory_space<vmem_shared>>
        %dma_wait3A_373 = arith.constant 0 : i32
        %dma_wait3A_374 = tpu.memref_slice %arg7[%add3A_364, %dma_wait3A_373] : memref<40000x128xf32, #tpu.memory_space<hbm>> -> memref<16x128xf32, #tpu.memory_space<hbm>>
        tpu.wait_dma2 semaphore(%run_scoped3A : memref<!tpu.dma_semaphore, #tpu.memory_space<semaphore_mem>>) src(%dma_wait3A_374 : memref<16x128xf32, #tpu.memory_space<hbm>>) dst(%dma_wait3A_372 : memref<16x128xf32, #tpu.memory_space<vmem_shared>>)
        tpu.yield
      }) : () -> ()
    } else {
    }
    "tpu.region"() ({
      %run_scoped3A = tpu.sem_alloc : memref<!tpu.dma_semaphore, #tpu.memory_space<semaphore_mem>>
      %dma_start3A_363 = arith.constant 16 : i32
      %dma_start3A_364 = arith.constant 0 : i32
      %dma_start3A_365 = tpu.memref_slice %arg8[%dma_start3A_363, %dma_start3A_364] : memref<32x128xf32, #tpu.memory_space<hbm>> -> memref<8x128xf32, #tpu.memory_space<hbm>>
      %dma_start3A_366 = arith.constant 16 : i32
      %dma_start3A_367 = arith.constant 0 : i32
      %dma_start3A_368 = tpu.memref_slice %arg8[%dma_start3A_366, %dma_start3A_367] : memref<32x128xf32, #tpu.memory_space<hbm>> -> memref<8x128xf32, #tpu.memory_space<hbm>>
      tpu.enqueue_dma source(%dma_start3A_368 : memref<8x128xf32, #tpu.memory_space<hbm>>) target(%arg24 : memref<8x128xf32, #tpu.memory_space<vmem>>) target_semaphore(%run_scoped3A : memref<!tpu.dma_semaphore, #tpu.memory_space<semaphore_mem>>)
      %dma_wait3A_369 = arith.constant 16 : i32
      %dma_wait3A_370 = arith.constant 0 : i32
      %dma_wait3A_371 = tpu.memref_slice %arg8[%dma_wait3A_369, %dma_wait3A_370] : memref<32x128xf32, #tpu.memory_space<hbm>> -> memref<8x128xf32, #tpu.memory_space<hbm>>
      %dma_wait3A_372 = arith.constant 16 : i32
      %dma_wait3A_373 = arith.constant 0 : i32
      %dma_wait3A_374 = tpu.memref_slice %arg8[%dma_wait3A_372, %dma_wait3A_373] : memref<32x128xf32, #tpu.memory_space<hbm>> -> memref<8x128xf32, #tpu.memory_space<hbm>>
      tpu.wait_dma2 semaphore(%run_scoped3A : memref<!tpu.dma_semaphore, #tpu.memory_space<semaphore_mem>>) src(%dma_wait3A_374 : memref<8x128xf32, #tpu.memory_space<hbm>>) dst(%arg24 : memref<8x128xf32, #tpu.memory_space<vmem>>)
      tpu.yield
    }) : () -> ()
    "tpu.region"() ({
      %run_scoped3A = tpu.sem_alloc : memref<!tpu.dma_semaphore, #tpu.memory_space<semaphore_mem>>
      %dma_start3A_363 = arith.constant 0 : i32
      %dma_start3A_364 = tpu.memref_slice %arg11[%dma_start3A_363] : memref<9984xi32, #tpu.memory_space<vmem>> -> memref<4992xi32, #tpu.memory_space<vmem>>
      %dma_start3A_365 = tpu.memref_slice %arg2[%add3A_179] : memref<160000xi32, #tpu.memory_space<hbm>> -> memref<4992xi32, #tpu.memory_space<hbm>>
      %dma_start3A_366 = arith.constant 0 : i32
      %dma_start3A_367 = tpu.memref_slice %arg11[%dma_start3A_366] : memref<9984xi32, #tpu.memory_space<vmem>> -> memref<4992xi32, #tpu.memory_space<vmem>>
      %dma_start3A_368 = tpu.memref_slice %arg2[%add3A_179] : memref<160000xi32, #tpu.memory_space<hbm>> -> memref<4992xi32, #tpu.memory_space<hbm>>
      tpu.enqueue_dma source(%dma_start3A_368 : memref<4992xi32, #tpu.memory_space<hbm>>) target(%dma_start3A_367 : memref<4992xi32, #tpu.memory_space<vmem>>) target_semaphore(%run_scoped3A : memref<!tpu.dma_semaphore, #tpu.memory_space<semaphore_mem>>)
      %dma_wait3A_369 = arith.constant 0 : i32
      %dma_wait3A_370 = tpu.memref_slice %arg11[%dma_wait3A_369] : memref<9984xi32, #tpu.memory_space<vmem>> -> memref<4992xi32, #tpu.memory_space<vmem>>
      %dma_wait3A_371 = tpu.memref_slice %arg2[%add3A_179] : memref<160000xi32, #tpu.memory_space<hbm>> -> memref<4992xi32, #tpu.memory_space<hbm>>
      %dma_wait3A_372 = arith.constant 0 : i32
      %dma_wait3A_373 = tpu.memref_slice %arg11[%dma_wait3A_372] : memref<9984xi32, #tpu.memory_space<vmem>> -> memref<4992xi32, #tpu.memory_space<vmem>>
      %dma_wait3A_374 = tpu.memref_slice %arg2[%add3A_179] : memref<160000xi32, #tpu.memory_space<hbm>> -> memref<4992xi32, #tpu.memory_space<hbm>>
      tpu.wait_dma2 semaphore(%run_scoped3A : memref<!tpu.dma_semaphore, #tpu.memory_space<semaphore_mem>>) src(%dma_wait3A_374 : memref<4992xi32, #tpu.memory_space<hbm>>) dst(%dma_wait3A_373 : memref<4992xi32, #tpu.memory_space<vmem>>)
      tpu.yield
    }) : () -> ()
    %scan3A_199 = arith.constant 0 : i32
    %scan3A_200 = arith.constant 0 : i32
    %scan3A_201 = arith.constant 312 : i32
    %scan3A_202 = arith.addi %scan3A_200, %scan3A_201 : i32
    %scan3A_203 = arith.constant 1 : i32
    scf.for %scan3A_363 = %scan3A_200 to %scan3A_202 step %scan3A_203  : i32 {
      %mul3A_364 = arith.constant 16 : i32
      %mul3A_365 = arith.muli %scan3A_363, %mul3A_364 : i32
      %get3A_366 = arith.index_cast %mul3A_365 : i32 to index
      %get3A_367 = tpu.vector_load %arg11[%get3A_366] {strides = array<i32>} : memref<9984xi32, #tpu.memory_space<vmem>>, vector<16xi32>,
      %get3A_368 = vector.shape_cast %get3A_367 : vector<16xi32> to vector<16xi32>
      %add3A_369 = arith.constant 20000 : i32
      %add3A_370 = vector.broadcast %add3A_369 : i32 to vector<16xi32>
      %add3A_371 = arith.addi %get3A_368, %add3A_370 : vector<16xi32>
      %mul3A_372 = arith.constant 16 : i32
      %mul3A_373 = arith.muli %scan3A_363, %mul3A_372 : i32
      %swap3A = arith.index_cast %mul3A_373 : i32 to index
      %swap3A_374 = tpu.vector_load %arg11[%swap3A] {strides = array<i32>} : memref<9984xi32, #tpu.memory_space<vmem>>, vector<16xi32>,
      %swap3A_375 = vector.shape_cast %swap3A_374 : vector<16xi32> to vector<16xi32>
      %swap3A_376 = vector.shape_cast %add3A_371 : vector<16xi32> to vector<16xi32>
      tpu.vector_store %arg11[%swap3A], %swap3A_376 {strides = array<i32>} : memref<9984xi32, #tpu.memory_space<vmem>>, vector<16xi32>,
    }
    %scan3A_204 = arith.constant 312 : i32
    %get3A_205 = arith.constant 0 : i32
    %get3A_206 = arith.index_cast %get3A_205 : i32 to index
    %get3A_207 = arith.constant 0 : index
    %get3A_208 = tpu.vector_load %arg24[%get3A_206, %get3A_207] {strides = array<i32>} : memref<8x128xf32, #tpu.memory_space<vmem>>, vector<1x16xf32>,
    %get3A_209 = vector.shape_cast %get3A_208 : vector<1x16xf32> to vector<16xf32>
    %get3A_210 = arith.constant 0 : i32
    %get3A_211 = arith.index_cast %get3A_210 : i32 to index
    %get3A_212 = arith.constant 16 : index
    %get3A_213 = tpu.vector_load %arg24[%get3A_211, %get3A_212] {strides = array<i32>} : memref<8x128xf32, #tpu.memory_space<vmem>>, vector<1x16xf32>,
    %get3A_214 = vector.shape_cast %get3A_213 : vector<1x16xf32> to vector<16xf32>
    %get3A_215 = arith.constant 0 : i32
    %get3A_216 = arith.index_cast %get3A_215 : i32 to index
    %get3A_217 = arith.constant 32 : index
    %get3A_218 = tpu.vector_load %arg24[%get3A_216, %get3A_217] {strides = array<i32>} : memref<8x128xf32, #tpu.memory_space<vmem>>, vector<1x16xf32>,
    %get3A_219 = vector.shape_cast %get3A_218 : vector<1x16xf32> to vector<16xf32>
    %get3A_220 = arith.constant 0 : i32
    %get3A_221 = arith.index_cast %get3A_220 : i32 to index
    %get3A_222 = arith.constant 48 : index
    %get3A_223 = tpu.vector_load %arg24[%get3A_221, %get3A_222] {strides = array<i32>} : memref<8x128xf32, #tpu.memory_space<vmem>>, vector<1x16xf32>,
    %get3A_224 = vector.shape_cast %get3A_223 : vector<1x16xf32> to vector<16xf32>
    %get3A_225 = arith.constant 0 : i32
    %get3A_226 = arith.index_cast %get3A_225 : i32 to index
    %get3A_227 = arith.constant 64 : index
    %get3A_228 = tpu.vector_load %arg24[%get3A_226, %get3A_227] {strides = array<i32>} : memref<8x128xf32, #tpu.memory_space<vmem>>, vector<1x16xf32>,
    %get3A_229 = vector.shape_cast %get3A_228 : vector<1x16xf32> to vector<16xf32>
    %get3A_230 = arith.constant 0 : i32
    %get3A_231 = arith.index_cast %get3A_230 : i32 to index
    %get3A_232 = arith.constant 80 : index
    %get3A_233 = tpu.vector_load %arg24[%get3A_231, %get3A_232] {strides = array<i32>} : memref<8x128xf32, #tpu.memory_space<vmem>>, vector<1x16xf32>,
    %get3A_234 = vector.shape_cast %get3A_233 : vector<1x16xf32> to vector<16xf32>
    %get3A_235 = arith.constant 0 : i32
    %get3A_236 = arith.index_cast %get3A_235 : i32 to index
    %get3A_237 = arith.constant 96 : index
    %get3A_238 = tpu.vector_load %arg24[%get3A_236, %get3A_237] {strides = array<i32>} : memref<8x128xf32, #tpu.memory_space<vmem>>, vector<1x16xf32>,
    %get3A_239 = vector.shape_cast %get3A_238 : vector<1x16xf32> to vector<16xf32>
    %get3A_240 = arith.constant 0 : i32
    %get3A_241 = arith.index_cast %get3A_240 : i32 to index
    %get3A_242 = arith.constant 112 : index
    %get3A_243 = tpu.vector_load %arg24[%get3A_241, %get3A_242] {strides = array<i32>} : memref<8x128xf32, #tpu.memory_space<vmem>>, vector<1x16xf32>,
    %get3A_244 = vector.shape_cast %get3A_243 : vector<1x16xf32> to vector<16xf32>
    %get3A_245 = arith.constant 1 : i32
    %get3A_246 = arith.index_cast %get3A_245 : i32 to index
    %get3A_247 = arith.constant 0 : index
    %get3A_248 = tpu.vector_load %arg24[%get3A_246, %get3A_247] {strides = array<i32>} : memref<8x128xf32, #tpu.memory_space<vmem>>, vector<1x16xf32>,
    %get3A_249 = vector.shape_cast %get3A_248 : vector<1x16xf32> to vector<16xf32>
    %get3A_250 = arith.constant 1 : i32
    %get3A_251 = arith.index_cast %get3A_250 : i32 to index
    %get3A_252 = arith.constant 16 : index
    %get3A_253 = tpu.vector_load %arg24[%get3A_251, %get3A_252] {strides = array<i32>} : memref<8x128xf32, #tpu.memory_space<vmem>>, vector<1x16xf32>,
    %get3A_254 = vector.shape_cast %get3A_253 : vector<1x16xf32> to vector<16xf32>
    %get3A_255 = arith.constant 1 : i32
    %get3A_256 = arith.index_cast %get3A_255 : i32 to index
    %get3A_257 = arith.constant 32 : index
    %get3A_258 = tpu.vector_load %arg24[%get3A_256, %get3A_257] {strides = array<i32>} : memref<8x128xf32, #tpu.memory_space<vmem>>, vector<1x16xf32>,
    %get3A_259 = vector.shape_cast %get3A_258 : vector<1x16xf32> to vector<16xf32>
    %get3A_260 = arith.constant 1 : i32
    %get3A_261 = arith.index_cast %get3A_260 : i32 to index
    %get3A_262 = arith.constant 48 : index
    %get3A_263 = tpu.vector_load %arg24[%get3A_261, %get3A_262] {strides = array<i32>} : memref<8x128xf32, #tpu.memory_space<vmem>>, vector<1x16xf32>,
    %get3A_264 = vector.shape_cast %get3A_263 : vector<1x16xf32> to vector<16xf32>
    %get3A_265 = arith.constant 1 : i32
    %get3A_266 = arith.index_cast %get3A_265 : i32 to index
    %get3A_267 = arith.constant 64 : index
    %get3A_268 = tpu.vector_load %arg24[%get3A_266, %get3A_267] {strides = array<i32>} : memref<8x128xf32, #tpu.memory_space<vmem>>, vector<1x16xf32>,
    %get3A_269 = vector.shape_cast %get3A_268 : vector<1x16xf32> to vector<16xf32>
    %get3A_270 = arith.constant 1 : i32
    %get3A_271 = arith.index_cast %get3A_270 : i32 to index
    %get3A_272 = arith.constant 80 : index
    %get3A_273 = tpu.vector_load %arg24[%get3A_271, %get3A_272] {strides = array<i32>} : memref<8x128xf32, #tpu.memory_space<vmem>>, vector<1x16xf32>,
    %get3A_274 = vector.shape_cast %get3A_273 : vector<1x16xf32> to vector<16xf32>
    %get3A_275 = arith.constant 1 : i32
    %get3A_276 = arith.index_cast %get3A_275 : i32 to index
    %get3A_277 = arith.constant 96 : index
    %get3A_278 = tpu.vector_load %arg24[%get3A_276, %get3A_277] {strides = array<i32>} : memref<8x128xf32, #tpu.memory_space<vmem>>, vector<1x16xf32>,
    %get3A_279 = vector.shape_cast %get3A_278 : vector<1x16xf32> to vector<16xf32>
    %get3A_280 = arith.constant 1 : i32
    %get3A_281 = arith.index_cast %get3A_280 : i32 to index
    %get3A_282 = arith.constant 112 : index
    %get3A_283 = tpu.vector_load %arg24[%get3A_281, %get3A_282] {strides = array<i32>} : memref<8x128xf32, #tpu.memory_space<vmem>>, vector<1x16xf32>,
    %get3A_284 = vector.shape_cast %get3A_283 : vector<1x16xf32> to vector<16xf32>
    %barrier3A_285 = arith.constant 0 : index
    tpu.barrier barrier_id(%barrier3A_285)
    %dma_start3A_286 = arith.constant 0 : i32
    %dma_start3A_287 = tpu.memref_slice %arg11[%dma_start3A_286] : memref<9984xi32, #tpu.memory_space<vmem>> -> memref<64xi32, #tpu.memory_space<vmem>>
    %dma_start3A_288 = arith.constant 0 : i32
    %dma_start3A_289 = arith.constant 0 : i32
    %dma_start3A_290 = tpu.memref_slice %arg6[%dma_start3A_288, %dma_start3A_289] : memref<40000x128xf32, #tpu.memory_space<hbm>> -> memref<40000x128xf32, #tpu.memory_space<hbm>>
    tpu.enqueue_indirect_dma source(%dma_start3A_290 : memref<40000x128xf32, #tpu.memory_space<hbm>>) target(%arg21 : memref<64x128xf32, #tpu.memory_space<vmem>>) offsets(%dma_start3A_287 : memref<64xi32, #tpu.memory_space<vmem>>) semaphore(%arg26 : memref<!tpu.dma_semaphore, #tpu.memory_space<semaphore_mem>>)
    %add3A_291 = arith.constant 0 : i32
    %add3A_292 = arith.addi %add3A_179, %add3A_291 : i32
    %dma_start3A_293 = tpu.memref_slice %arg3[%add3A_292] : memref<160000xi32, #tpu.memory_space<hbm>> -> memref<64xi32, #tpu.memory_space<hbm>>
    %dma_start3A_294 = tpu.memref_slice %arg3[%add3A_292] : memref<160000xi32, #tpu.memory_space<hbm>> -> memref<64xi32, #tpu.memory_space<hbm>>
    tpu.enqueue_dma source(%dma_start3A_294 : memref<64xi32, #tpu.memory_space<hbm>>) target(%arg12 : memref<64xi32, #tpu.memory_space<vmem>>) target_semaphore(%arg29 : memref<!tpu.dma_semaphore, #tpu.memory_space<semaphore_mem>>)
    %add3A_295 = arith.constant 0 : i32
    %add3A_296 = arith.addi %add3A_179, %add3A_295 : i32
    %dma_start3A_297 = arith.constant 0 : i32
    %dma_start3A_298 = tpu.memref_slice %arg15[%dma_start3A_297] : memref<80xf32, #tpu.memory_space<vmem>> -> memref<64xf32, #tpu.memory_space<vmem>>
    %dma_start3A_299 = tpu.memref_slice %arg4[%add3A_296] : memref<160000xf32, #tpu.memory_space<hbm>> -> memref<64xf32, #tpu.memory_space<hbm>>
    %dma_start3A_300 = arith.constant 0 : i32
    %dma_start3A_301 = tpu.memref_slice %arg15[%dma_start3A_300] : memref<80xf32, #tpu.memory_space<vmem>> -> memref<64xf32, #tpu.memory_space<vmem>>
    %dma_start3A_302 = tpu.memref_slice %arg4[%add3A_296] : memref<160000xf32, #tpu.memory_space<hbm>> -> memref<64xf32, #tpu.memory_space<hbm>>
    tpu.enqueue_dma source(%dma_start3A_302 : memref<64xf32, #tpu.memory_space<hbm>>) target(%dma_start3A_301 : memref<64xf32, #tpu.memory_space<vmem>>) target_semaphore(%arg32 : memref<!tpu.dma_semaphore, #tpu.memory_space<semaphore_mem>>)
    %add3A_303 = arith.constant 0 : i32
    %add3A_304 = arith.addi %add3A_179, %add3A_303 : i32
    %dma_start3A_305 = arith.constant 0 : i32
    %dma_start3A_306 = tpu.memref_slice %arg18[%dma_start3A_305] : memref<80xf32, #tpu.memory_space<vmem>> -> memref<64xf32, #tpu.memory_space<vmem>>
    %dma_start3A_307 = tpu.memref_slice %arg5[%add3A_304] : memref<160000xf32, #tpu.memory_space<hbm>> -> memref<64xf32, #tpu.memory_space<hbm>>
    %dma_start3A_308 = arith.constant 0 : i32
    %dma_start3A_309 = tpu.memref_slice %arg18[%dma_start3A_308] : memref<80xf32, #tpu.memory_space<vmem>> -> memref<64xf32, #tpu.memory_space<vmem>>
    %dma_start3A_310 = tpu.memref_slice %arg5[%add3A_304] : memref<160000xf32, #tpu.memory_space<hbm>> -> memref<64xf32, #tpu.memory_space<hbm>>
    tpu.enqueue_dma source(%dma_start3A_310 : memref<64xf32, #tpu.memory_space<hbm>>) target(%dma_start3A_309 : memref<64xf32, #tpu.memory_space<vmem>>) target_semaphore(%arg32 : memref<!tpu.dma_semaphore, #tpu.memory_space<semaphore_mem>>)
    %dma_start3A_311 = arith.constant 64 : i32
    %dma_start3A_312 = tpu.memref_slice %arg11[%dma_start3A_311] : memref<9984xi32, #tpu.memory_space<vmem>> -> memref<64xi32, #tpu.memory_space<vmem>>
    %dma_start3A_313 = arith.constant 0 : i32
    %dma_start3A_314 = arith.constant 0 : i32
    %dma_start3A_315 = tpu.memref_slice %arg6[%dma_start3A_313, %dma_start3A_314] : memref<40000x128xf32, #tpu.memory_space<hbm>> -> memref<40000x128xf32, #tpu.memory_space<hbm>>
    tpu.enqueue_indirect_dma source(%dma_start3A_315 : memref<40000x128xf32, #tpu.memory_space<hbm>>) target(%arg22 : memref<64x128xf32, #tpu.memory_space<vmem>>) offsets(%dma_start3A_312 : memref<64xi32, #tpu.memory_space<vmem>>) semaphore(%arg27 : memref<!tpu.dma_semaphore, #tpu.memory_space<semaphore_mem>>)
    %add3A_316 = arith.constant 64 : i32
    %add3A_317 = arith.addi %add3A_179, %add3A_316 : i32
    %dma_start3A_318 = tpu.memref_slice %arg3[%add3A_317] : memref<160000xi32, #tpu.memory_space<hbm>> -> memref<64xi32, #tpu.memory_space<hbm>>
    %dma_start3A_319 = tpu.memref_slice %arg3[%add3A_317] : memref<160000xi32, #tpu.memory_space<hbm>> -> memref<64xi32, #tpu.memory_space<hbm>>
    tpu.enqueue_dma source(%dma_start3A_319 : memref<64xi32, #tpu.memory_space<hbm>>) target(%arg13 : memref<64xi32, #tpu.memory_space<vmem>>) target_semaphore(%arg30 : memref<!tpu.dma_semaphore, #tpu.memory_space<semaphore_mem>>)
    %add3A_320 = arith.constant 64 : i32
    %add3A_321 = arith.addi %add3A_179, %add3A_320 : i32
    %dma_start3A_322 = arith.constant 0 : i32
    %dma_start3A_323 = tpu.memref_slice %arg16[%dma_start3A_322] : memref<80xf32, #tpu.memory_space<vmem>> -> memref<64xf32, #tpu.memory_space<vmem>>
    %dma_start3A_324 = tpu.memref_slice %arg4[%add3A_321] : memref<160000xf32, #tpu.memory_space<hbm>> -> memref<64xf32, #tpu.memory_space<hbm>>
    %dma_start3A_325 = arith.constant 0 : i32
    %dma_start3A_326 = tpu.memref_slice %arg16[%dma_start3A_325] : memref<80xf32, #tpu.memory_space<vmem>> -> memref<64xf32, #tpu.memory_space<vmem>>
    %dma_start3A_327 = tpu.memref_slice %arg4[%add3A_321] : memref<160000xf32, #tpu.memory_space<hbm>> -> memref<64xf32, #tpu.memory_space<hbm>>
    tpu.enqueue_dma source(%dma_start3A_327 : memref<64xf32, #tpu.memory_space<hbm>>) target(%dma_start3A_326 : memref<64xf32, #tpu.memory_space<vmem>>) target_semaphore(%arg33 : memref<!tpu.dma_semaphore, #tpu.memory_space<semaphore_mem>>)
    %add3A_328 = arith.constant 64 : i32
    %add3A_329 = arith.addi %add3A_179, %add3A_328 : i32
    %dma_start3A_330 = arith.constant 0 : i32
    %dma_start3A_331 = tpu.memref_slice %arg19[%dma_start3A_330] : memref<80xf32, #tpu.memory_space<vmem>> -> memref<64xf32, #tpu.memory_space<vmem>>
    %dma_start3A_332 = tpu.memref_slice %arg5[%add3A_329] : memref<160000xf32, #tpu.memory_space<hbm>> -> memref<64xf32, #tpu.memory_space<hbm>>
    %dma_start3A_333 = arith.constant 0 : i32
    %dma_start3A_334 = tpu.memref_slice %arg19[%dma_start3A_333] : memref<80xf32, #tpu.memory_space<vmem>> -> memref<64xf32, #tpu.memory_space<vmem>>
    %dma_start3A_335 = tpu.memref_slice %arg5[%add3A_329] : memref<160000xf32, #tpu.memory_space<hbm>> -> memref<64xf32, #tpu.memory_space<hbm>>
    tpu.enqueue_dma source(%dma_start3A_335 : memref<64xf32, #tpu.memory_space<hbm>>) target(%dma_start3A_334 : memref<64xf32, #tpu.memory_space<vmem>>) target_semaphore(%arg33 : memref<!tpu.dma_semaphore, #tpu.memory_space<semaphore_mem>>)
    %scan3A_336 = arith.constant 0 : i32
    %scan3A_337 = arith.constant 0 : i32
    %scan3A_338 = arith.constant 26 : i32
    %scan3A_339 = arith.addi %scan3A_337, %scan3A_338 : i32
    %scan3A_340 = arith.constant 1 : i32
    scf.for %scan3A_363 = %scan3A_337 to %scan3A_339 step %scan3A_340  : i32 {
      %mul3A_364 = arith.constant 3 : i32
      %mul3A_365 = arith.muli %mul3A_364, %scan3A_363 : i32
      %add3A_366 = arith.constant 0 : i32
      %add3A_367 = arith.addi %mul3A_365, %add3A_366 : i32
      %mul3A_368 = arith.constant 64 : i32
      %mul3A_369 = arith.muli %add3A_367, %mul3A_368 : i32
      %dma_wait3A_370 = tpu.memref_slice %arg11[%mul3A_369] : memref<9984xi32, #tpu.memory_space<vmem>> -> memref<64xi32, #tpu.memory_space<vmem>>
      %dma_wait3A_371 = arith.constant 0 : i32
      %dma_wait3A_372 = arith.constant 0 : i32
      %dma_wait3A_373 = tpu.memref_slice %arg6[%dma_wait3A_371, %dma_wait3A_372] : memref<40000x128xf32, #tpu.memory_space<hbm>> -> memref<40000x128xf32, #tpu.memory_space<hbm>>
      tpu.wait_indirect_dma semaphore(%arg26 : memref<!tpu.dma_semaphore, #tpu.memory_space<semaphore_mem>>) src(%dma_wait3A_373 : memref<40000x128xf32, #tpu.memory_space<hbm>>) dst(%arg21 : memref<64x128xf32, #tpu.memory_space<vmem>>)
      %mul3A_374 = arith.constant 64 : i32
      %mul3A_375 = arith.muli %add3A_367, %mul3A_374 : i32
      %add3A_376 = arith.addi %add3A_179, %mul3A_375 : i32
      %dma_wait3A_377 = arith.constant 0 : i32
      %dma_wait3A_378 = tpu.memref_slice %arg15[%dma_wait3A_377] : memref<80xf32, #tpu.memory_space<vmem>> -> memref<64xf32, #tpu.memory_space<vmem>>
      %dma_wait3A_379 = tpu.memref_slice %arg4[%add3A_376] : memref<160000xf32, #tpu.memory_space<hbm>> -> memref<64xf32, #tpu.memory_space<hbm>>
      %dma_wait3A_380 = arith.constant 0 : i32
      %dma_wait3A_381 = tpu.memref_slice %arg15[%dma_wait3A_380] : memref<80xf32, #tpu.memory_space<vmem>> -> memref<64xf32, #tpu.memory_space<vmem>>
      %dma_wait3A_382 = tpu.memref_slice %arg4[%add3A_376] : memref<160000xf32, #tpu.memory_space<hbm>> -> memref<64xf32, #tpu.memory_space<hbm>>
      tpu.wait_dma2 semaphore(%arg32 : memref<!tpu.dma_semaphore, #tpu.memory_space<semaphore_mem>>) src(%dma_wait3A_382 : memref<64xf32, #tpu.memory_space<hbm>>) dst(%dma_wait3A_381 : memref<64xf32, #tpu.memory_space<vmem>>)
      %mul3A_383 = arith.constant 64 : i32
      %mul3A_384 = arith.muli %add3A_367, %mul3A_383 : i32
      %add3A_385 = arith.addi %add3A_179, %mul3A_384 : i32
      %dma_wait3A_386 = arith.constant 0 : i32
      %dma_wait3A_387 = tpu.memref_slice %arg18[%dma_wait3A_386] : memref<80xf32, #tpu.memory_space<vmem>> -> memref<64xf32, #tpu.memory_space<vmem>>
      %dma_wait3A_388 = tpu.memref_slice %arg5[%add3A_385] : memref<160000xf32, #tpu.memory_space<hbm>> -> memref<64xf32, #tpu.memory_space<hbm>>
      %dma_wait3A_389 = arith.constant 0 : i32
      %dma_wait3A_390 = tpu.memref_slice %arg18[%dma_wait3A_389] : memref<80xf32, #tpu.memory_space<vmem>> -> memref<64xf32, #tpu.memory_space<vmem>>
      %dma_wait3A_391 = tpu.memref_slice %arg5[%add3A_385] : memref<160000xf32, #tpu.memory_space<hbm>> -> memref<64xf32, #tpu.memory_space<hbm>>
      tpu.wait_dma2 semaphore(%arg32 : memref<!tpu.dma_semaphore, #tpu.memory_space<semaphore_mem>>) src(%dma_wait3A_391 : memref<64xf32, #tpu.memory_space<hbm>>) dst(%dma_wait3A_390 : memref<64xf32, #tpu.memory_space<vmem>>)
      %scan3A_392 = arith.constant 0 : i32
      %scan3A_393 = arith.constant 0 : i32
      %scan3A_394 = arith.constant 64 : i32
      %scan3A_395 = arith.addi %scan3A_393, %scan3A_394 : i32
      %scan3A_396 = arith.constant 1 : i32
      scf.for %scan3A_541 = %scan3A_393 to %scan3A_395 step %scan3A_396  : i32 {
        %get3A_542 = arith.index_cast %scan3A_541 : i32 to index
        %get3A_543 = tpu.vector_load %arg15[%get3A_542] {strides = array<i32>} : memref<80xf32, #tpu.memory_space<vmem>>, vector<16xf32>,
        %get3A_544 = vector.shape_cast %get3A_543 : vector<16xf32> to vector<16xf32>
        %slice3A = vector.extract_strided_slice %get3A_544 {offsets = [0], sizes = [1], strides = [1]} : vector<16xf32> to vector<1xf32>
        %squeeze3A = vector.extract %slice3A[0] : f32 from vector<1xf32>
        %get3A_545 = arith.index_cast %scan3A_541 : i32 to index
        %get3A_546 = tpu.vector_load %arg18[%get3A_545] {strides = array<i32>} : memref<80xf32, #tpu.memory_space<vmem>>, vector<16xf32>,
        %get3A_547 = vector.shape_cast %get3A_546 : vector<16xf32> to vector<16xf32>
        %slice3A_548 = vector.extract_strided_slice %get3A_547 {offsets = [0], sizes = [1], strides = [1]} : vector<16xf32> to vector<1xf32>
        %squeeze3A_549 = vector.extract %slice3A_548[0] : f32 from vector<1xf32>
        %get3A_550 = arith.index_cast %scan3A_541 : i32 to index
        %get3A_551 = arith.constant 0 : index
        %get3A_552 = tpu.vector_load %arg21[%get3A_550, %get3A_551] {strides = array<i32>} : memref<64x128xf32, #tpu.memory_space<vmem>>, vector<1x16xf32>,
        %get3A_553 = vector.shape_cast %get3A_552 : vector<1x16xf32> to vector<16xf32>
        %mul3A_554 = vector.broadcast %squeeze3A : f32 to vector<16xf32>
        %mul3A_555 = arith.mulf %mul3A_554, %get3A_209 : vector<16xf32>
        %add3A_556 = arith.addf %get3A_553, %mul3A_555 : vector<16xf32>
        %mul3A_557 = vector.broadcast %squeeze3A_549 : f32 to vector<16xf32>
        %mul3A_558 = arith.mulf %mul3A_557, %get3A_249 : vector<16xf32>
        %add3A_559 = arith.addf %add3A_556, %mul3A_558 : vector<16xf32>
        %max3A = arith.constant 0.000000e+00 : f32
        %max3A_560 = vector.broadcast %max3A : f32 to vector<16xf32>
        %max3A_561 = arith.maximumf %add3A_559, %max3A_560 : vector<16xf32>
        %swap3A = arith.index_cast %scan3A_541 : i32 to index
        %swap3A_562 = arith.constant 0 : index
        %swap3A_563 = tpu.vector_load %arg21[%swap3A, %swap3A_562] {strides = array<i32>} : memref<64x128xf32, #tpu.memory_space<vmem>>, vector<1x16xf32>,
        %swap3A_564 = vector.shape_cast %swap3A_563 : vector<1x16xf32> to vector<16xf32>
        %swap3A_565 = vector.shape_cast %max3A_561 : vector<16xf32> to vector<1x16xf32>
        tpu.vector_store %arg21[%swap3A, %swap3A_562], %swap3A_565 {strides = array<i32>} : memref<64x128xf32, #tpu.memory_space<vmem>>, vector<1x16xf32>,
        %get3A_566 = arith.index_cast %scan3A_541 : i32 to index
        %get3A_567 = arith.constant 16 : index
        %get3A_568 = tpu.vector_load %arg21[%get3A_566, %get3A_567] {strides = array<i32>} : memref<64x128xf32, #tpu.memory_space<vmem>>, vector<1x16xf32>,
        %get3A_569 = vector.shape_cast %get3A_568 : vector<1x16xf32> to vector<16xf32>
        %mul3A_570 = vector.broadcast %squeeze3A : f32 to vector<16xf32>
        %mul3A_571 = arith.mulf %mul3A_570, %get3A_214 : vector<16xf32>
        %add3A_572 = arith.addf %get3A_569, %mul3A_571 : vector<16xf32>
        %mul3A_573 = vector.broadcast %squeeze3A_549 : f32 to vector<16xf32>
        %mul3A_574 = arith.mulf %mul3A_573, %get3A_254 : vector<16xf32>
        %add3A_575 = arith.addf %add3A_572, %mul3A_574 : vector<16xf32>
        %max3A_576 = arith.constant 0.000000e+00 : f32
        %max3A_577 = vector.broadcast %max3A_576 : f32 to vector<16xf32>
        %max3A_578 = arith.maximumf %add3A_575, %max3A_577 : vector<16xf32>
        %swap3A_579 = arith.index_cast %scan3A_541 : i32 to index
        %swap3A_580 = arith.constant 16 : index
        %swap3A_581 = tpu.vector_load %arg21[%swap3A_579, %swap3A_580] {strides = array<i32>} : memref<64x128xf32, #tpu.memory_space<vmem>>, vector<1x16xf32>,
        %swap3A_582 = vector.shape_cast %swap3A_581 : vector<1x16xf32> to vector<16xf32>
        %swap3A_583 = vector.shape_cast %max3A_578 : vector<16xf32> to vector<1x16xf32>
        tpu.vector_store %arg21[%swap3A_579, %swap3A_580], %swap3A_583 {strides = array<i32>} : memref<64x128xf32, #tpu.memory_space<vmem>>, vector<1x16xf32>,
        %get3A_584 = arith.index_cast %scan3A_541 : i32 to index
        %get3A_585 = arith.constant 32 : index
        %get3A_586 = tpu.vector_load %arg21[%get3A_584, %get3A_585] {strides = array<i32>} : memref<64x128xf32, #tpu.memory_space<vmem>>, vector<1x16xf32>,
        %get3A_587 = vector.shape_cast %get3A_586 : vector<1x16xf32> to vector<16xf32>
        %mul3A_588 = vector.broadcast %squeeze3A : f32 to vector<16xf32>
        %mul3A_589 = arith.mulf %mul3A_588, %get3A_219 : vector<16xf32>
        %add3A_590 = arith.addf %get3A_587, %mul3A_589 : vector<16xf32>
        %mul3A_591 = vector.broadcast %squeeze3A_549 : f32 to vector<16xf32>
        %mul3A_592 = arith.mulf %mul3A_591, %get3A_259 : vector<16xf32>
        %add3A_593 = arith.addf %add3A_590, %mul3A_592 : vector<16xf32>
        %max3A_594 = arith.constant 0.000000e+00 : f32
        %max3A_595 = vector.broadcast %max3A_594 : f32 to vector<16xf32>
        %max3A_596 = arith.maximumf %add3A_593, %max3A_595 : vector<16xf32>
        %swap3A_597 = arith.index_cast %scan3A_541 : i32 to index
        %swap3A_598 = arith.constant 32 : index
        %swap3A_599 = tpu.vector_load %arg21[%swap3A_597, %swap3A_598] {strides = array<i32>} : memref<64x128xf32, #tpu.memory_space<vmem>>, vector<1x16xf32>,
        %swap3A_600 = vector.shape_cast %swap3A_599 : vector<1x16xf32> to vector<16xf32>
        %swap3A_601 = vector.shape_cast %max3A_596 : vector<16xf32> to vector<1x16xf32>
        tpu.vector_store %arg21[%swap3A_597, %swap3A_598], %swap3A_601 {strides = array<i32>} : memref<64x128xf32, #tpu.memory_space<vmem>>, vector<1x16xf32>,
        %get3A_602 = arith.index_cast %scan3A_541 : i32 to index
        %get3A_603 = arith.constant 48 : index
        %get3A_604 = tpu.vector_load %arg21[%get3A_602, %get3A_603] {strides = array<i32>} : memref<64x128xf32, #tpu.memory_space<vmem>>, vector<1x16xf32>,
        %get3A_605 = vector.shape_cast %get3A_604 : vector<1x16xf32> to vector<16xf32>
        %mul3A_606 = vector.broadcast %squeeze3A : f32 to vector<16xf32>
        %mul3A_607 = arith.mulf %mul3A_606, %get3A_224 : vector<16xf32>
        %add3A_608 = arith.addf %get3A_605, %mul3A_607 : vector<16xf32>
        %mul3A_609 = vector.broadcast %squeeze3A_549 : f32 to vector<16xf32>
        %mul3A_610 = arith.mulf %mul3A_609, %get3A_264 : vector<16xf32>
        %add3A_611 = arith.addf %add3A_608, %mul3A_610 : vector<16xf32>
        %max3A_612 = arith.constant 0.000000e+00 : f32
        %max3A_613 = vector.broadcast %max3A_612 : f32 to vector<16xf32>
        %max3A_614 = arith.maximumf %add3A_611, %max3A_613 : vector<16xf32>
        %swap3A_615 = arith.index_cast %scan3A_541 : i32 to index
        %swap3A_616 = arith.constant 48 : index
        %swap3A_617 = tpu.vector_load %arg21[%swap3A_615, %swap3A_616] {strides = array<i32>} : memref<64x128xf32, #tpu.memory_space<vmem>>, vector<1x16xf32>,
        %swap3A_618 = vector.shape_cast %swap3A_617 : vector<1x16xf32> to vector<16xf32>
        %swap3A_619 = vector.shape_cast %max3A_614 : vector<16xf32> to vector<1x16xf32>
        tpu.vector_store %arg21[%swap3A_615, %swap3A_616], %swap3A_619 {strides = array<i32>} : memref<64x128xf32, #tpu.memory_space<vmem>>, vector<1x16xf32>,
        %get3A_620 = arith.index_cast %scan3A_541 : i32 to index
        %get3A_621 = arith.constant 64 : index
        %get3A_622 = tpu.vector_load %arg21[%get3A_620, %get3A_621] {strides = array<i32>} : memref<64x128xf32, #tpu.memory_space<vmem>>, vector<1x16xf32>,
        %get3A_623 = vector.shape_cast %get3A_622 : vector<1x16xf32> to vector<16xf32>
        %mul3A_624 = vector.broadcast %squeeze3A : f32 to vector<16xf32>
        %mul3A_625 = arith.mulf %mul3A_624, %get3A_229 : vector<16xf32>
        %add3A_626 = arith.addf %get3A_623, %mul3A_625 : vector<16xf32>
        %mul3A_627 = vector.broadcast %squeeze3A_549 : f32 to vector<16xf32>
        %mul3A_628 = arith.mulf %mul3A_627, %get3A_269 : vector<16xf32>
        %add3A_629 = arith.addf %add3A_626, %mul3A_628 : vector<16xf32>
        %max3A_630 = arith.constant 0.000000e+00 : f32
        %max3A_631 = vector.broadcast %max3A_630 : f32 to vector<16xf32>
        %max3A_632 = arith.maximumf %add3A_629, %max3A_631 : vector<16xf32>
        %swap3A_633 = arith.index_cast %scan3A_541 : i32 to index
        %swap3A_634 = arith.constant 64 : index
        %swap3A_635 = tpu.vector_load %arg21[%swap3A_633, %swap3A_634] {strides = array<i32>} : memref<64x128xf32, #tpu.memory_space<vmem>>, vector<1x16xf32>,
        %swap3A_636 = vector.shape_cast %swap3A_635 : vector<1x16xf32> to vector<16xf32>
        %swap3A_637 = vector.shape_cast %max3A_632 : vector<16xf32> to vector<1x16xf32>
        tpu.vector_store %arg21[%swap3A_633, %swap3A_634], %swap3A_637 {strides = array<i32>} : memref<64x128xf32, #tpu.memory_space<vmem>>, vector<1x16xf32>,
        %get3A_638 = arith.index_cast %scan3A_541 : i32 to index
        %get3A_639 = arith.constant 80 : index
        %get3A_640 = tpu.vector_load %arg21[%get3A_638, %get3A_639] {strides = array<i32>} : memref<64x128xf32, #tpu.memory_space<vmem>>, vector<1x16xf32>,
        %get3A_641 = vector.shape_cast %get3A_640 : vector<1x16xf32> to vector<16xf32>
        %mul3A_642 = vector.broadcast %squeeze3A : f32 to vector<16xf32>
        %mul3A_643 = arith.mulf %mul3A_642, %get3A_234 : vector<16xf32>
        %add3A_644 = arith.addf %get3A_641, %mul3A_643 : vector<16xf32>
        %mul3A_645 = vector.broadcast %squeeze3A_549 : f32 to vector<16xf32>
        %mul3A_646 = arith.mulf %mul3A_645, %get3A_274 : vector<16xf32>
        %add3A_647 = arith.addf %add3A_644, %mul3A_646 : vector<16xf32>
        %max3A_648 = arith.constant 0.000000e+00 : f32
        %max3A_649 = vector.broadcast %max3A_648 : f32 to vector<16xf32>
        %max3A_650 = arith.maximumf %add3A_647, %max3A_649 : vector<16xf32>
        %swap3A_651 = arith.index_cast %scan3A_541 : i32 to index
        %swap3A_652 = arith.constant 80 : index
        %swap3A_653 = tpu.vector_load %arg21[%swap3A_651, %swap3A_652] {strides = array<i32>} : memref<64x128xf32, #tpu.memory_space<vmem>>, vector<1x16xf32>,
        %swap3A_654 = vector.shape_cast %swap3A_653 : vector<1x16xf32> to vector<16xf32>
        %swap3A_655 = vector.shape_cast %max3A_650 : vector<16xf32> to vector<1x16xf32>
        tpu.vector_store %arg21[%swap3A_651, %swap3A_652], %swap3A_655 {strides = array<i32>} : memref<64x128xf32, #tpu.memory_space<vmem>>, vector<1x16xf32>,
        %get3A_656 = arith.index_cast %scan3A_541 : i32 to index
        %get3A_657 = arith.constant 96 : index
        %get3A_658 = tpu.vector_load %arg21[%get3A_656, %get3A_657] {strides = array<i32>} : memref<64x128xf32, #tpu.memory_space<vmem>>, vector<1x16xf32>,
        %get3A_659 = vector.shape_cast %get3A_658 : vector<1x16xf32> to vector<16xf32>
        %mul3A_660 = vector.broadcast %squeeze3A : f32 to vector<16xf32>
        %mul3A_661 = arith.mulf %mul3A_660, %get3A_239 : vector<16xf32>
        %add3A_662 = arith.addf %get3A_659, %mul3A_661 : vector<16xf32>
        %mul3A_663 = vector.broadcast %squeeze3A_549 : f32 to vector<16xf32>
        %mul3A_664 = arith.mulf %mul3A_663, %get3A_279 : vector<16xf32>
        %add3A_665 = arith.addf %add3A_662, %mul3A_664 : vector<16xf32>
        %max3A_666 = arith.constant 0.000000e+00 : f32
        %max3A_667 = vector.broadcast %max3A_666 : f32 to vector<16xf32>
        %max3A_668 = arith.maximumf %add3A_665, %max3A_667 : vector<16xf32>
        %swap3A_669 = arith.index_cast %scan3A_541 : i32 to index
        %swap3A_670 = arith.constant 96 : index
        %swap3A_671 = tpu.vector_load %arg21[%swap3A_669, %swap3A_670] {strides = array<i32>} : memref<64x128xf32, #tpu.memory_space<vmem>>, vector<1x16xf32>,
        %swap3A_672 = vector.shape_cast %swap3A_671 : vector<1x16xf32> to vector<16xf32>
        %swap3A_673 = vector.shape_cast %max3A_668 : vector<16xf32> to vector<1x16xf32>
        tpu.vector_store %arg21[%swap3A_669, %swap3A_670], %swap3A_673 {strides = array<i32>} : memref<64x128xf32, #tpu.memory_space<vmem>>, vector<1x16xf32>,
        %get3A_674 = arith.index_cast %scan3A_541 : i32 to index
        %get3A_675 = arith.constant 112 : index
        %get3A_676 = tpu.vector_load %arg21[%get3A_674, %get3A_675] {strides = array<i32>} : memref<64x128xf32, #tpu.memory_space<vmem>>, vector<1x16xf32>,
        %get3A_677 = vector.shape_cast %get3A_676 : vector<1x16xf32> to vector<16xf32>
        %mul3A_678 = vector.broadcast %squeeze3A : f32 to vector<16xf32>
        %mul3A_679 = arith.mulf %mul3A_678, %get3A_244 : vector<16xf32>
        %add3A_680 = arith.addf %get3A_677, %mul3A_679 : vector<16xf32>
        %mul3A_681 = vector.broadcast %squeeze3A_549 : f32 to vector<16xf32>
        %mul3A_682 = arith.mulf %mul3A_681, %get3A_284 : vector<16xf32>
        %add3A_683 = arith.addf %add3A_680, %mul3A_682 : vector<16xf32>
        %max3A_684 = arith.constant 0.000000e+00 : f32
        %max3A_685 = vector.broadcast %max3A_684 : f32 to vector<16xf32>
        %max3A_686 = arith.maximumf %add3A_683, %max3A_685 : vector<16xf32>
        %swap3A_687 = arith.index_cast %scan3A_541 : i32 to index
        %swap3A_688 = arith.constant 112 : index
        %swap3A_689 = tpu.vector_load %arg21[%swap3A_687, %swap3A_688] {strides = array<i32>} : memref<64x128xf32, #tpu.memory_space<vmem>>, vector<1x16xf32>,
        %swap3A_690 = vector.shape_cast %swap3A_689 : vector<1x16xf32> to vector<16xf32>
        %swap3A_691 = vector.shape_cast %max3A_686 : vector<16xf32> to vector<1x16xf32>
        tpu.vector_store %arg21[%swap3A_687, %swap3A_688], %swap3A_691 {strides = array<i32>} : memref<64x128xf32, #tpu.memory_space<vmem>>, vector<1x16xf32>,
      }
      %scan3A_397 = arith.constant 64 : i32
      %mul3A_398 = arith.constant 64 : i32
      %mul3A_399 = arith.muli %add3A_367, %mul3A_398 : i32
      %add3A_400 = arith.addi %add3A_179, %mul3A_399 : i32
      %dma_wait3A_401 = tpu.memref_slice %arg3[%add3A_400] : memref<160000xi32, #tpu.memory_space<hbm>> -> memref<64xi32, #tpu.memory_space<hbm>>
      %dma_wait3A_402 = tpu.memref_slice %arg3[%add3A_400] : memref<160000xi32, #tpu.memory_space<hbm>> -> memref<64xi32, #tpu.memory_space<hbm>>
      tpu.wait_dma2 semaphore(%arg29 : memref<!tpu.dma_semaphore, #tpu.memory_space<semaphore_mem>>) src(%dma_wait3A_402 : memref<64xi32, #tpu.memory_space<hbm>>) dst(%arg12 : memref<64xi32, #tpu.memory_space<vmem>>)
      %dma_start3A_403 = arith.constant 0 : i32
      %dma_start3A_404 = arith.constant 0 : i32
      %dma_start3A_405 = tpu.memref_slice %arg25[%dma_start3A_403, %dma_start3A_404] : memref<10000x128xf32, #tpu.memory_space<vmem_shared>> -> memref<10000x128xf32, #tpu.memory_space<vmem_shared>>
      tpu.enqueue_indirect_dma source(%arg21 : memref<64x128xf32, #tpu.memory_space<vmem>>) target(%dma_start3A_405 : memref<10000x128xf32, #tpu.memory_space<vmem_shared>>) offsets(%arg12 : memref<64xi32, #tpu.memory_space<vmem>>) semaphore(%arg35 : memref<!tpu.dma_semaphore, #tpu.memory_space<semaphore_mem>>) {add = true}
      %gt3A = arith.constant 0 : i32
      %gt3A_406 = arith.cmpi sgt, %scan3A_363, %gt3A : i32
      %convert_element_type3A_407 = arith.extui %gt3A_406 : i1 to i32
      %cond3A_408 = arith.constant 0 : i32
      %cond3A_409 = arith.cmpi ne, %convert_element_type3A_407, %cond3A_408 : i32
      scf.if %cond3A_409 {
        %dma_wait3A_541 = arith.constant 0 : i32
        %dma_wait3A_542 = arith.constant 0 : i32
        %dma_wait3A_543 = tpu.memref_slice %arg25[%dma_wait3A_541, %dma_wait3A_542] : memref<10000x128xf32, #tpu.memory_space<vmem_shared>> -> memref<10000x128xf32, #tpu.memory_space<vmem_shared>>
        tpu.wait_indirect_dma semaphore(%arg37 : memref<!tpu.dma_semaphore, #tpu.memory_space<semaphore_mem>>) src(%arg23 : memref<64x128xf32, #tpu.memory_space<vmem>>) dst(%dma_wait3A_543 : memref<10000x128xf32, #tpu.memory_space<vmem_shared>>)
      } else {
      }
      %add3A_410 = arith.constant 2 : i32
      %add3A_411 = arith.addi %add3A_367, %add3A_410 : i32
      %mul3A_412 = arith.constant 64 : i32
      %mul3A_413 = arith.muli %add3A_411, %mul3A_412 : i32
      %dma_start3A_414 = tpu.memref_slice %arg11[%mul3A_413] : memref<9984xi32, #tpu.memory_space<vmem>> -> memref<64xi32, #tpu.memory_space<vmem>>
      %dma_start3A_415 = arith.constant 0 : i32
      %dma_start3A_416 = arith.constant 0 : i32
      %dma_start3A_417 = tpu.memref_slice %arg6[%dma_start3A_415, %dma_start3A_416] : memref<40000x128xf32, #tpu.memory_space<hbm>> -> memref<40000x128xf32, #tpu.memory_space<hbm>>
      tpu.enqueue_indirect_dma source(%dma_start3A_417 : memref<40000x128xf32, #tpu.memory_space<hbm>>) target(%arg23 : memref<64x128xf32, #tpu.memory_space<vmem>>) offsets(%dma_start3A_414 : memref<64xi32, #tpu.memory_space<vmem>>) semaphore(%arg28 : memref<!tpu.dma_semaphore, #tpu.memory_space<semaphore_mem>>)
      %mul3A_418 = arith.constant 64 : i32
      %mul3A_419 = arith.muli %add3A_411, %mul3A_418 : i32
      %add3A_420 = arith.addi %add3A_179, %mul3A_419 : i32
      %dma_start3A_421 = tpu.memref_slice %arg3[%add3A_420] : memref<160000xi32, #tpu.memory_space<hbm>> -> memref<64xi32, #tpu.memory_space<hbm>>
      %dma_start3A_422 = tpu.memref_slice %arg3[%add3A_420] : memref<160000xi32, #tpu.memory_space<hbm>> -> memref<64xi32, #tpu.memory_space<hbm>>
      tpu.enqueue_dma source(%dma_start3A_422 : memref<64xi32, #tpu.memory_space<hbm>>) target(%arg14 : memref<64xi32, #tpu.memory_space<vmem>>) target_semaphore(%arg31 : memref<!tpu.dma_semaphore, #tpu.memory_space<semaphore_mem>>)
      %mul3A_423 = arith.constant 64 : i32
      %mul3A_424 = arith.muli %add3A_411, %mul3A_423 : i32
      %add3A_425 = arith.addi %add3A_179, %mul3A_424 : i32
      %dma_start3A_426 = arith.constant 0 : i32
      %dma_start3A_427 = tpu.memref_slice %arg17[%dma_start3A_426] : memref<80xf32, #tpu.memory_space<vmem>> -> memref<64xf32, #tpu.memory_space<vmem>>
      %dma_start3A_428 = tpu.memref_slice %arg4[%add3A_425] : memref<160000xf32, #tpu.memory_space<hbm>> -> memref<64xf32, #tpu.memory_space<hbm>>
      %dma_start3A_429 = arith.constant 0 : i32
      %dma_start3A_430 = tpu.memref_slice %arg17[%dma_start3A_429] : memref<80xf32, #tpu.memory_space<vmem>> -> memref<64xf32, #tpu.memory_space<vmem>>
      %dma_start3A_431 = tpu.memref_slice %arg4[%add3A_425] : memref<160000xf32, #tpu.memory_space<hbm>> -> memref<64xf32, #tpu.memory_space<hbm>>
      tpu.enqueue_dma source(%dma_start3A_431 : memref<64xf32, #tpu.memory_space<hbm>>) target(%dma_start3A_430 : memref<64xf32, #tpu.memory_space<vmem>>) target_semaphore(%arg34 : memref<!tpu.dma_semaphore, #tpu.memory_space<semaphore_mem>>)
      %mul3A_432 = arith.constant 64 : i32
      %mul3A_433 = arith.muli %add3A_411, %mul3A_432 : i32
      %add3A_434 = arith.addi %add3A_179, %mul3A_433 : i32
      %dma_start3A_435 = arith.constant 0 : i32
      %dma_start3A_436 = tpu.memref_slice %arg20[%dma_start3A_435] : memref<80xf32, #tpu.memory_space<vmem>> -> memref<64xf32, #tpu.memory_space<vmem>>
      %dma_start3A_437 = tpu.memref_slice %arg5[%add3A_434] : memref<160000xf32, #tpu.memory_space<hbm>> -> memref<64xf32, #tpu.memory_space<hbm>>
      %dma_start3A_438 = arith.constant 0 : i32
      %dma_start3A_439 = tpu.memref_slice %arg20[%dma_start3A_438] : memref<80xf32, #tpu.memory_space<vmem>> -> memref<64xf32, #tpu.memory_space<vmem>>
      %dma_start3A_440 = tpu.memref_slice %arg5[%add3A_434] : memref<160000xf32, #tpu.memory_space<hbm>> -> memref<64xf32, #tpu.memory_space<hbm>>
      tpu.enqueue_dma source(%dma_start3A_440 : memref<64xf32, #tpu.memory_space<hbm>>) target(%dma_start3A_439 : memref<64xf32, #tpu.memory_space<vmem>>) target_semaphore(%arg34 : memref<!tpu.dma_semaphore, #tpu.memory_space<semaphore_mem>>)
      %add3A_441 = arith.constant 1 : i32
      %add3A_442 = arith.addi %mul3A_365, %add3A_441 : i32
      %mul3A_443 = arith.constant 64 : i32
      %mul3A_444 = arith.muli %add3A_442, %mul3A_443 : i32
      %dma_wait3A_445 = tpu.memref_slice %arg11[%mul3A_444] : memref<9984xi32, #tpu.memory_space<vmem>> -> memref<64xi32, #tpu.memory_space<vmem>>
      %dma_wait3A_446 = arith.constant 0 : i32
      %dma_wait3A_447 = arith.constant 0 : i32
      %dma_wait3A_448 = tpu.memref_slice %arg6[%dma_wait3A_446, %dma_wait3A_447] : memref<40000x128xf32, #tpu.memory_space<hbm>> -> memref<40000x128xf32, #tpu.memory_space<hbm>>
      tpu.wait_indirect_dma semaphore(%arg27 : memref<!tpu.dma_semaphore, #tpu.memory_space<semaphore_mem>>) src(%dma_wait3A_448 : memref<40000x128xf32, #tpu.memory_space<hbm>>) dst(%arg22 : memref<64x128xf32, #tpu.memory_space<vmem>>)
      %mul3A_449 = arith.constant 64 : i32
      %mul3A_450 = arith.muli %add3A_442, %mul3A_449 : i32
      %add3A_451 = arith.addi %add3A_179, %mul3A_450 : i32
      %dma_wait3A_452 = arith.constant 0 : i32
      %dma_wait3A_453 = tpu.memref_slice %arg16[%dma_wait3A_452] : memref<80xf32, #tpu.memory_space<vmem>> -> memref<64xf32, #tpu.memory_space<vmem>>
      %dma_wait3A_454 = tpu.memref_slice %arg4[%add3A_451] : memref<160000xf32, #tpu.memory_space<hbm>> -> memref<64xf32, #tpu.memory_space<hbm>>
      %dma_wait3A_455 = arith.constant 0 : i32
      %dma_wait3A_456 = tpu.memref_slice %arg16[%dma_wait3A_455] : memref<80xf32, #tpu.memory_space<vmem>> -> memref<64xf32, #tpu.memory_space<vmem>>
      %dma_wait3A_457 = tpu.memref_slice %arg4[%add3A_451] : memref<160000xf32, #tpu.memory_space<hbm>> -> memref<64xf32, #tpu.memory_space<hbm>>
      tpu.wait_dma2 semaphore(%arg33 : memref<!tpu.dma_semaphore, #tpu.memory_space<semaphore_mem>>) src(%dma_wait3A_457 : memref<64xf32, #tpu.memory_space<hbm>>) dst(%dma_wait3A_456 : memref<64xf32, #tpu.memory_space<vmem>>)
      %mul3A_458 = arith.constant 64 : i32
      %mul3A_459 = arith.muli %add3A_442, %mul3A_458 : i32
      %add3A_460 = arith.addi %add3A_179, %mul3A_459 : i32
      %dma_wait3A_461 = arith.constant 0 : i32
      %dma_wait3A_462 = tpu.memref_slice %arg19[%dma_wait3A_461] : memref<80xf32, #tpu.memory_space<vmem>> -> memref<64xf32, #tpu.memory_space<vmem>>
      %dma_wait3A_463 = tpu.memref_slice %arg5[%add3A_460] : memref<160000xf32, #tpu.memory_space<hbm>> -> memref<64xf32, #tpu.memory_space<hbm>>
      %dma_wait3A_464 = arith.constant 0 : i32
      %dma_wait3A_465 = tpu.memref_slice %arg19[%dma_wait3A_464] : memref<80xf32, #tpu.memory_space<vmem>> -> memref<64xf32, #tpu.memory_space<vmem>>
      %dma_wait3A_466 = tpu.memref_slice %arg5[%add3A_460] : memref<160000xf32, #tpu.memory_space<hbm>> -> memref<64xf32, #tpu.memory_space<hbm>>
      tpu.wait_dma2 semaphore(%arg33 : memref<!tpu.dma_semaphore, #tpu.memory_space<semaphore_mem>>) src(%dma_wait3A_466 : memref<64xf32, #tpu.memory_space<hbm>>) dst(%dma_wait3A_465 : memref<64xf32, #tpu.memory_space<vmem>>)
      %scan3A_467 = arith.constant 0 : i32
      %scan3A_468 = arith.constant 0 : i32
      %scan3A_469 = arith.constant 64 : i32
      %scan3A_470 = arith.addi %scan3A_468, %scan3A_469 : i32
      %scan3A_471 = arith.constant 1 : i32
      scf.for %scan3A_541 = %scan3A_468 to %scan3A_470 step %scan3A_471  : i32 {
        %get3A_542 = arith.index_cast %scan3A_541 : i32 to index
        %get3A_543 = tpu.vector_load %arg16[%get3A_542] {strides = array<i32>} : memref<80xf32, #tpu.memory_space<vmem>>, vector<16xf32>,
        %get3A_544 = vector.shape_cast %get3A_543 : vector<16xf32> to vector<16xf32>
        %slice3A = vector.extract_strided_slice %get3A_544 {offsets = [0], sizes = [1], strides = [1]} : vector<16xf32> to vector<1xf32>
        %squeeze3A = vector.extract %slice3A[0] : f32 from vector<1xf32>
        %get3A_545 = arith.index_cast %scan3A_541 : i32 to index
        %get3A_546 = tpu.vector_load %arg19[%get3A_545] {strides = array<i32>} : memref<80xf32, #tpu.memory_space<vmem>>, vector<16xf32>,
        %get3A_547 = vector.shape_cast %get3A_546 : vector<16xf32> to vector<16xf32>
        %slice3A_548 = vector.extract_strided_slice %get3A_547 {offsets = [0], sizes = [1], strides = [1]} : vector<16xf32> to vector<1xf32>
        %squeeze3A_549 = vector.extract %slice3A_548[0] : f32 from vector<1xf32>
        %get3A_550 = arith.index_cast %scan3A_541 : i32 to index
        %get3A_551 = arith.constant 0 : index
        %get3A_552 = tpu.vector_load %arg22[%get3A_550, %get3A_551] {strides = array<i32>} : memref<64x128xf32, #tpu.memory_space<vmem>>, vector<1x16xf32>,
        %get3A_553 = vector.shape_cast %get3A_552 : vector<1x16xf32> to vector<16xf32>
        %mul3A_554 = vector.broadcast %squeeze3A : f32 to vector<16xf32>
        %mul3A_555 = arith.mulf %mul3A_554, %get3A_209 : vector<16xf32>
        %add3A_556 = arith.addf %get3A_553, %mul3A_555 : vector<16xf32>
        %mul3A_557 = vector.broadcast %squeeze3A_549 : f32 to vector<16xf32>
        %mul3A_558 = arith.mulf %mul3A_557, %get3A_249 : vector<16xf32>
        %add3A_559 = arith.addf %add3A_556, %mul3A_558 : vector<16xf32>
        %max3A = arith.constant 0.000000e+00 : f32
        %max3A_560 = vector.broadcast %max3A : f32 to vector<16xf32>
        %max3A_561 = arith.maximumf %add3A_559, %max3A_560 : vector<16xf32>
        %swap3A = arith.index_cast %scan3A_541 : i32 to index
        %swap3A_562 = arith.constant 0 : index
        %swap3A_563 = tpu.vector_load %arg22[%swap3A, %swap3A_562] {strides = array<i32>} : memref<64x128xf32, #tpu.memory_space<vmem>>, vector<1x16xf32>,
        %swap3A_564 = vector.shape_cast %swap3A_563 : vector<1x16xf32> to vector<16xf32>
        %swap3A_565 = vector.shape_cast %max3A_561 : vector<16xf32> to vector<1x16xf32>
        tpu.vector_store %arg22[%swap3A, %swap3A_562], %swap3A_565 {strides = array<i32>} : memref<64x128xf32, #tpu.memory_space<vmem>>, vector<1x16xf32>,
        %get3A_566 = arith.index_cast %scan3A_541 : i32 to index
        %get3A_567 = arith.constant 16 : index
        %get3A_568 = tpu.vector_load %arg22[%get3A_566, %get3A_567] {strides = array<i32>} : memref<64x128xf32, #tpu.memory_space<vmem>>, vector<1x16xf32>,
        %get3A_569 = vector.shape_cast %get3A_568 : vector<1x16xf32> to vector<16xf32>
        %mul3A_570 = vector.broadcast %squeeze3A : f32 to vector<16xf32>
        %mul3A_571 = arith.mulf %mul3A_570, %get3A_214 : vector<16xf32>
        %add3A_572 = arith.addf %get3A_569, %mul3A_571 : vector<16xf32>
        %mul3A_573 = vector.broadcast %squeeze3A_549 : f32 to vector<16xf32>
        %mul3A_574 = arith.mulf %mul3A_573, %get3A_254 : vector<16xf32>
        %add3A_575 = arith.addf %add3A_572, %mul3A_574 : vector<16xf32>
        %max3A_576 = arith.constant 0.000000e+00 : f32
        %max3A_577 = vector.broadcast %max3A_576 : f32 to vector<16xf32>
        %max3A_578 = arith.maximumf %add3A_575, %max3A_577 : vector<16xf32>
        %swap3A_579 = arith.index_cast %scan3A_541 : i32 to index
        %swap3A_580 = arith.constant 16 : index
        %swap3A_581 = tpu.vector_load %arg22[%swap3A_579, %swap3A_580] {strides = array<i32>} : memref<64x128xf32, #tpu.memory_space<vmem>>, vector<1x16xf32>,
        %swap3A_582 = vector.shape_cast %swap3A_581 : vector<1x16xf32> to vector<16xf32>
        %swap3A_583 = vector.shape_cast %max3A_578 : vector<16xf32> to vector<1x16xf32>
        tpu.vector_store %arg22[%swap3A_579, %swap3A_580], %swap3A_583 {strides = array<i32>} : memref<64x128xf32, #tpu.memory_space<vmem>>, vector<1x16xf32>,
        %get3A_584 = arith.index_cast %scan3A_541 : i32 to index
        %get3A_585 = arith.constant 32 : index
        %get3A_586 = tpu.vector_load %arg22[%get3A_584, %get3A_585] {strides = array<i32>} : memref<64x128xf32, #tpu.memory_space<vmem>>, vector<1x16xf32>,
        %get3A_587 = vector.shape_cast %get3A_586 : vector<1x16xf32> to vector<16xf32>
        %mul3A_588 = vector.broadcast %squeeze3A : f32 to vector<16xf32>
        %mul3A_589 = arith.mulf %mul3A_588, %get3A_219 : vector<16xf32>
        %add3A_590 = arith.addf %get3A_587, %mul3A_589 : vector<16xf32>
        %mul3A_591 = vector.broadcast %squeeze3A_549 : f32 to vector<16xf32>
        %mul3A_592 = arith.mulf %mul3A_591, %get3A_259 : vector<16xf32>
        %add3A_593 = arith.addf %add3A_590, %mul3A_592 : vector<16xf32>
        %max3A_594 = arith.constant 0.000000e+00 : f32
        %max3A_595 = vector.broadcast %max3A_594 : f32 to vector<16xf32>
        %max3A_596 = arith.maximumf %add3A_593, %max3A_595 : vector<16xf32>
        %swap3A_597 = arith.index_cast %scan3A_541 : i32 to index
        %swap3A_598 = arith.constant 32 : index
        %swap3A_599 = tpu.vector_load %arg22[%swap3A_597, %swap3A_598] {strides = array<i32>} : memref<64x128xf32, #tpu.memory_space<vmem>>, vector<1x16xf32>,
        %swap3A_600 = vector.shape_cast %swap3A_599 : vector<1x16xf32> to vector<16xf32>
        %swap3A_601 = vector.shape_cast %max3A_596 : vector<16xf32> to vector<1x16xf32>
        tpu.vector_store %arg22[%swap3A_597, %swap3A_598], %swap3A_601 {strides = array<i32>} : memref<64x128xf32, #tpu.memory_space<vmem>>, vector<1x16xf32>,
        %get3A_602 = arith.index_cast %scan3A_541 : i32 to index
        %get3A_603 = arith.constant 48 : index
        %get3A_604 = tpu.vector_load %arg22[%get3A_602, %get3A_603] {strides = array<i32>} : memref<64x128xf32, #tpu.memory_space<vmem>>, vector<1x16xf32>,
        %get3A_605 = vector.shape_cast %get3A_604 : vector<1x16xf32> to vector<16xf32>
        %mul3A_606 = vector.broadcast %squeeze3A : f32 to vector<16xf32>
        %mul3A_607 = arith.mulf %mul3A_606, %get3A_224 : vector<16xf32>
        %add3A_608 = arith.addf %get3A_605, %mul3A_607 : vector<16xf32>
        %mul3A_609 = vector.broadcast %squeeze3A_549 : f32 to vector<16xf32>
        %mul3A_610 = arith.mulf %mul3A_609, %get3A_264 : vector<16xf32>
        %add3A_611 = arith.addf %add3A_608, %mul3A_610 : vector<16xf32>
        %max3A_612 = arith.constant 0.000000e+00 : f32
        %max3A_613 = vector.broadcast %max3A_612 : f32 to vector<16xf32>
        %max3A_614 = arith.maximumf %add3A_611, %max3A_613 : vector<16xf32>
        %swap3A_615 = arith.index_cast %scan3A_541 : i32 to index
        %swap3A_616 = arith.constant 48 : index
        %swap3A_617 = tpu.vector_load %arg22[%swap3A_615, %swap3A_616] {strides = array<i32>} : memref<64x128xf32, #tpu.memory_space<vmem>>, vector<1x16xf32>,
        %swap3A_618 = vector.shape_cast %swap3A_617 : vector<1x16xf32> to vector<16xf32>
        %swap3A_619 = vector.shape_cast %max3A_614 : vector<16xf32> to vector<1x16xf32>
        tpu.vector_store %arg22[%swap3A_615, %swap3A_616], %swap3A_619 {strides = array<i32>} : memref<64x128xf32, #tpu.memory_space<vmem>>, vector<1x16xf32>,
        %get3A_620 = arith.index_cast %scan3A_541 : i32 to index
        %get3A_621 = arith.constant 64 : index
        %get3A_622 = tpu.vector_load %arg22[%get3A_620, %get3A_621] {strides = array<i32>} : memref<64x128xf32, #tpu.memory_space<vmem>>, vector<1x16xf32>,
        %get3A_623 = vector.shape_cast %get3A_622 : vector<1x16xf32> to vector<16xf32>
        %mul3A_624 = vector.broadcast %squeeze3A : f32 to vector<16xf32>
        %mul3A_625 = arith.mulf %mul3A_624, %get3A_229 : vector<16xf32>
        %add3A_626 = arith.addf %get3A_623, %mul3A_625 : vector<16xf32>
        %mul3A_627 = vector.broadcast %squeeze3A_549 : f32 to vector<16xf32>
        %mul3A_628 = arith.mulf %mul3A_627, %get3A_269 : vector<16xf32>
        %add3A_629 = arith.addf %add3A_626, %mul3A_628 : vector<16xf32>
        %max3A_630 = arith.constant 0.000000e+00 : f32
        %max3A_631 = vector.broadcast %max3A_630 : f32 to vector<16xf32>
        %max3A_632 = arith.maximumf %add3A_629, %max3A_631 : vector<16xf32>
        %swap3A_633 = arith.index_cast %scan3A_541 : i32 to index
        %swap3A_634 = arith.constant 64 : index
        %swap3A_635 = tpu.vector_load %arg22[%swap3A_633, %swap3A_634] {strides = array<i32>} : memref<64x128xf32, #tpu.memory_space<vmem>>, vector<1x16xf32>,
        %swap3A_636 = vector.shape_cast %swap3A_635 : vector<1x16xf32> to vector<16xf32>
        %swap3A_637 = vector.shape_cast %max3A_632 : vector<16xf32> to vector<1x16xf32>
        tpu.vector_store %arg22[%swap3A_633, %swap3A_634], %swap3A_637 {strides = array<i32>} : memref<64x128xf32, #tpu.memory_space<vmem>>, vector<1x16xf32>,
        %get3A_638 = arith.index_cast %scan3A_541 : i32 to index
        %get3A_639 = arith.constant 80 : index
        %get3A_640 = tpu.vector_load %arg22[%get3A_638, %get3A_639] {strides = array<i32>} : memref<64x128xf32, #tpu.memory_space<vmem>>, vector<1x16xf32>,
        %get3A_641 = vector.shape_cast %get3A_640 : vector<1x16xf32> to vector<16xf32>
        %mul3A_642 = vector.broadcast %squeeze3A : f32 to vector<16xf32>
        %mul3A_643 = arith.mulf %mul3A_642, %get3A_234 : vector<16xf32>
        %add3A_644 = arith.addf %get3A_641, %mul3A_643 : vector<16xf32>
        %mul3A_645 = vector.broadcast %squeeze3A_549 : f32 to vector<16xf32>
        %mul3A_646 = arith.mulf %mul3A_645, %get3A_274 : vector<16xf32>
        %add3A_647 = arith.addf %add3A_644, %mul3A_646 : vector<16xf32>
        %max3A_648 = arith.constant 0.000000e+00 : f32
        %max3A_649 = vector.broadcast %max3A_648 : f32 to vector<16xf32>
        %max3A_650 = arith.maximumf %add3A_647, %max3A_649 : vector<16xf32>
        %swap3A_651 = arith.index_cast %scan3A_541 : i32 to index
        %swap3A_652 = arith.constant 80 : index
        %swap3A_653 = tpu.vector_load %arg22[%swap3A_651, %swap3A_652] {strides = array<i32>} : memref<64x128xf32, #tpu.memory_space<vmem>>, vector<1x16xf32>,
        %swap3A_654 = vector.shape_cast %swap3A_653 : vector<1x16xf32> to vector<16xf32>
        %swap3A_655 = vector.shape_cast %max3A_650 : vector<16xf32> to vector<1x16xf32>
        tpu.vector_store %arg22[%swap3A_651, %swap3A_652], %swap3A_655 {strides = array<i32>} : memref<64x128xf32, #tpu.memory_space<vmem>>, vector<1x16xf32>,
        %get3A_656 = arith.index_cast %scan3A_541 : i32 to index
        %get3A_657 = arith.constant 96 : index
        %get3A_658 = tpu.vector_load %arg22[%get3A_656, %get3A_657] {strides = array<i32>} : memref<64x128xf32, #tpu.memory_space<vmem>>, vector<1x16xf32>,
        %get3A_659 = vector.shape_cast %get3A_658 : vector<1x16xf32> to vector<16xf32>
        %mul3A_660 = vector.broadcast %squeeze3A : f32 to vector<16xf32>
        %mul3A_661 = arith.mulf %mul3A_660, %get3A_239 : vector<16xf32>
        %add3A_662 = arith.addf %get3A_659, %mul3A_661 : vector<16xf32>
        %mul3A_663 = vector.broadcast %squeeze3A_549 : f32 to vector<16xf32>
        %mul3A_664 = arith.mulf %mul3A_663, %get3A_279 : vector<16xf32>
        %add3A_665 = arith.addf %add3A_662, %mul3A_664 : vector<16xf32>
        %max3A_666 = arith.constant 0.000000e+00 : f32
        %max3A_667 = vector.broadcast %max3A_666 : f32 to vector<16xf32>
        %max3A_668 = arith.maximumf %add3A_665, %max3A_667 : vector<16xf32>
        %swap3A_669 = arith.index_cast %scan3A_541 : i32 to index
        %swap3A_670 = arith.constant 96 : index
        %swap3A_671 = tpu.vector_load %arg22[%swap3A_669, %swap3A_670] {strides = array<i32>} : memref<64x128xf32, #tpu.memory_space<vmem>>, vector<1x16xf32>,
        %swap3A_672 = vector.shape_cast %swap3A_671 : vector<1x16xf32> to vector<16xf32>
        %swap3A_673 = vector.shape_cast %max3A_668 : vector<16xf32> to vector<1x16xf32>
        tpu.vector_store %arg22[%swap3A_669, %swap3A_670], %swap3A_673 {strides = array<i32>} : memref<64x128xf32, #tpu.memory_space<vmem>>, vector<1x16xf32>,
        %get3A_674 = arith.index_cast %scan3A_541 : i32 to index
        %get3A_675 = arith.constant 112 : index
        %get3A_676 = tpu.vector_load %arg22[%get3A_674, %get3A_675] {strides = array<i32>} : memref<64x128xf32, #tpu.memory_space<vmem>>, vector<1x16xf32>,
        %get3A_677 = vector.shape_cast %get3A_676 : vector<1x16xf32> to vector<16xf32>
        %mul3A_678 = vector.broadcast %squeeze3A : f32 to vector<16xf32>
        %mul3A_679 = arith.mulf %mul3A_678, %get3A_244 : vector<16xf32>
        %add3A_680 = arith.addf %get3A_677, %mul3A_679 : vector<16xf32>
        %mul3A_681 = vector.broadcast %squeeze3A_549 : f32 to vector<16xf32>
        %mul3A_682 = arith.mulf %mul3A_681, %get3A_284 : vector<16xf32>
        %add3A_683 = arith.addf %add3A_680, %mul3A_682 : vector<16xf32>
        %max3A_684 = arith.constant 0.000000e+00 : f32
        %max3A_685 = vector.broadcast %max3A_684 : f32 to vector<16xf32>
        %max3A_686 = arith.maximumf %add3A_683, %max3A_685 : vector<16xf32>
        %swap3A_687 = arith.index_cast %scan3A_541 : i32 to index
        %swap3A_688 = arith.constant 112 : index
        %swap3A_689 = tpu.vector_load %arg22[%swap3A_687, %swap3A_688] {strides = array<i32>} : memref<64x128xf32, #tpu.memory_space<vmem>>, vector<1x16xf32>,
        %swap3A_690 = vector.shape_cast %swap3A_689 : vector<1x16xf32> to vector<16xf32>
        %swap3A_691 = vector.shape_cast %max3A_686 : vector<16xf32> to vector<1x16xf32>
        tpu.vector_store %arg22[%swap3A_687, %swap3A_688], %swap3A_691 {strides = array<i32>} : memref<64x128xf32, #tpu.memory_space<vmem>>, vector<1x16xf32>,
      }
      %scan3A_472 = arith.constant 64 : i32
      %mul3A_473 = arith.constant 64 : i32
      %mul3A_474 = arith.muli %add3A_442, %mul3A_473 : i32
      %add3A_475 = arith.addi %add3A_179, %mul3A_474 : i32
      %dma_wait3A_476 = tpu.memref_slice %arg3[%add3A_475] : memref<160000xi32, #tpu.memory_space<hbm>> -> memref<64xi32, #tpu.memory_space<hbm>>
      %dma_wait3A_477 = tpu.memref_slice %arg3[%add3A_475] : memref<160000xi32, #tpu.memory_space<hbm>> -> memref<64xi32, #tpu.memory_space<hbm>>
      tpu.wait_dma2 semaphore(%arg30 : memref<!tpu.dma_semaphore, #tpu.memory_space<semaphore_mem>>) src(%dma_wait3A_477 : memref<64xi32, #tpu.memory_space<hbm>>) dst(%arg13 : memref<64xi32, #tpu.memory_space<vmem>>)
      %dma_start3A_478 = arith.constant 0 : i32
      %dma_start3A_479 = arith.constant 0 : i32
      %dma_start3A_480 = tpu.memref_slice %arg25[%dma_start3A_478, %dma_start3A_479] : memref<10000x128xf32, #tpu.memory_space<vmem_shared>> -> memref<10000x128xf32, #tpu.memory_space<vmem_shared>>
      tpu.enqueue_indirect_dma source(%arg22 : memref<64x128xf32, #tpu.memory_space<vmem>>) target(%dma_start3A_480 : memref<10000x128xf32, #tpu.memory_space<vmem_shared>>) offsets(%arg13 : memref<64xi32, #tpu.memory_space<vmem>>) semaphore(%arg36 : memref<!tpu.dma_semaphore, #tpu.memory_space<semaphore_mem>>) {add = true}
      %dma_wait3A_481 = arith.constant 0 : i32
      %dma_wait3A_482 = arith.constant 0 : i32
      %dma_wait3A_483 = tpu.memref_slice %arg25[%dma_wait3A_481, %dma_wait3A_482] : memref<10000x128xf32, #tpu.memory_space<vmem_shared>> -> memref<10000x128xf32, #tpu.memory_space<vmem_shared>>
      tpu.wait_indirect_dma semaphore(%arg35 : memref<!tpu.dma_semaphore, #tpu.memory_space<semaphore_mem>>) src(%arg21 : memref<64x128xf32, #tpu.memory_space<vmem>>) dst(%dma_wait3A_483 : memref<10000x128xf32, #tpu.memory_space<vmem_shared>>)
      %add3A_484 = arith.constant 2 : i32
      %add3A_485 = arith.addi %add3A_442, %add3A_484 : i32
      %lt3A_486 = arith.constant 78 : i32
      %lt3A_487 = arith.cmpi slt, %add3A_485, %lt3A_486 : i32
      %convert_element_type3A_488 = arith.extui %lt3A_487 : i1 to i32
      %cond3A_489 = arith.constant 0 : i32
      %cond3A_490 = arith.cmpi ne, %convert_element_type3A_488, %cond3A_489 : i32
      scf.if %cond3A_490 {
        %add3A_541 = arith.constant 2 : i32
        %add3A_542 = arith.addi %add3A_442, %add3A_541 : i32
        %mul3A_543 = arith.constant 64 : i32
        %mul3A_544 = arith.muli %add3A_542, %mul3A_543 : i32
        %dma_start3A_545 = tpu.memref_slice %arg11[%mul3A_544] : memref<9984xi32, #tpu.memory_space<vmem>> -> memref<64xi32, #tpu.memory_space<vmem>>
        %dma_start3A_546 = arith.constant 0 : i32
        %dma_start3A_547 = arith.constant 0 : i32
        %dma_start3A_548 = tpu.memref_slice %arg6[%dma_start3A_546, %dma_start3A_547] : memref<40000x128xf32, #tpu.memory_space<hbm>> -> memref<40000x128xf32, #tpu.memory_space<hbm>>
        tpu.enqueue_indirect_dma source(%dma_start3A_548 : memref<40000x128xf32, #tpu.memory_space<hbm>>) target(%arg21 : memref<64x128xf32, #tpu.memory_space<vmem>>) offsets(%dma_start3A_545 : memref<64xi32, #tpu.memory_space<vmem>>) semaphore(%arg26 : memref<!tpu.dma_semaphore, #tpu.memory_space<semaphore_mem>>)
        %mul3A_549 = arith.constant 64 : i32
        %mul3A_550 = arith.muli %add3A_542, %mul3A_549 : i32
        %add3A_551 = arith.addi %add3A_179, %mul3A_550 : i32
        %dma_start3A_552 = tpu.memref_slice %arg3[%add3A_551] : memref<160000xi32, #tpu.memory_space<hbm>> -> memref<64xi32, #tpu.memory_space<hbm>>
        %dma_start3A_553 = tpu.memref_slice %arg3[%add3A_551] : memref<160000xi32, #tpu.memory_space<hbm>> -> memref<64xi32, #tpu.memory_space<hbm>>
        tpu.enqueue_dma source(%dma_start3A_553 : memref<64xi32, #tpu.memory_space<hbm>>) target(%arg12 : memref<64xi32, #tpu.memory_space<vmem>>) target_semaphore(%arg29 : memref<!tpu.dma_semaphore, #tpu.memory_space<semaphore_mem>>)
        %mul3A_554 = arith.constant 64 : i32
        %mul3A_555 = arith.muli %add3A_542, %mul3A_554 : i32
        %add3A_556 = arith.addi %add3A_179, %mul3A_555 : i32
        %dma_start3A_557 = arith.constant 0 : i32
        %dma_start3A_558 = tpu.memref_slice %arg15[%dma_start3A_557] : memref<80xf32, #tpu.memory_space<vmem>> -> memref<64xf32, #tpu.memory_space<vmem>>
        %dma_start3A_559 = tpu.memref_slice %arg4[%add3A_556] : memref<160000xf32, #tpu.memory_space<hbm>> -> memref<64xf32, #tpu.memory_space<hbm>>
        %dma_start3A_560 = arith.constant 0 : i32
        %dma_start3A_561 = tpu.memref_slice %arg15[%dma_start3A_560] : memref<80xf32, #tpu.memory_space<vmem>> -> memref<64xf32, #tpu.memory_space<vmem>>
        %dma_start3A_562 = tpu.memref_slice %arg4[%add3A_556] : memref<160000xf32, #tpu.memory_space<hbm>> -> memref<64xf32, #tpu.memory_space<hbm>>
        tpu.enqueue_dma source(%dma_start3A_562 : memref<64xf32, #tpu.memory_space<hbm>>) target(%dma_start3A_561 : memref<64xf32, #tpu.memory_space<vmem>>) target_semaphore(%arg32 : memref<!tpu.dma_semaphore, #tpu.memory_space<semaphore_mem>>)
        %mul3A_563 = arith.constant 64 : i32
        %mul3A_564 = arith.muli %add3A_542, %mul3A_563 : i32
        %add3A_565 = arith.addi %add3A_179, %mul3A_564 : i32
        %dma_start3A_566 = arith.constant 0 : i32
        %dma_start3A_567 = tpu.memref_slice %arg18[%dma_start3A_566] : memref<80xf32, #tpu.memory_space<vmem>> -> memref<64xf32, #tpu.memory_space<vmem>>
        %dma_start3A_568 = tpu.memref_slice %arg5[%add3A_565] : memref<160000xf32, #tpu.memory_space<hbm>> -> memref<64xf32, #tpu.memory_space<hbm>>
        %dma_start3A_569 = arith.constant 0 : i32
        %dma_start3A_570 = tpu.memref_slice %arg18[%dma_start3A_569] : memref<80xf32, #tpu.memory_space<vmem>> -> memref<64xf32, #tpu.memory_space<vmem>>
        %dma_start3A_571 = tpu.memref_slice %arg5[%add3A_565] : memref<160000xf32, #tpu.memory_space<hbm>> -> memref<64xf32, #tpu.memory_space<hbm>>
        tpu.enqueue_dma source(%dma_start3A_571 : memref<64xf32, #tpu.memory_space<hbm>>) target(%dma_start3A_570 : memref<64xf32, #tpu.memory_space<vmem>>) target_semaphore(%arg32 : memref<!tpu.dma_semaphore, #tpu.memory_space<semaphore_mem>>)
      } else {
      }
      %add3A_491 = arith.constant 2 : i32
      %add3A_492 = arith.addi %mul3A_365, %add3A_491 : i32
      %mul3A_493 = arith.constant 64 : i32
      %mul3A_494 = arith.muli %add3A_492, %mul3A_493 : i32
      %dma_wait3A_495 = tpu.memref_slice %arg11[%mul3A_494] : memref<9984xi32, #tpu.memory_space<vmem>> -> memref<64xi32, #tpu.memory_space<vmem>>
      %dma_wait3A_496 = arith.constant 0 : i32
      %dma_wait3A_497 = arith.constant 0 : i32
      %dma_wait3A_498 = tpu.memref_slice %arg6[%dma_wait3A_496, %dma_wait3A_497] : memref<40000x128xf32, #tpu.memory_space<hbm>> -> memref<40000x128xf32, #tpu.memory_space<hbm>>
      tpu.wait_indirect_dma semaphore(%arg28 : memref<!tpu.dma_semaphore, #tpu.memory_space<semaphore_mem>>) src(%dma_wait3A_498 : memref<40000x128xf32, #tpu.memory_space<hbm>>) dst(%arg23 : memref<64x128xf32, #tpu.memory_space<vmem>>)
      %mul3A_499 = arith.constant 64 : i32
      %mul3A_500 = arith.muli %add3A_492, %mul3A_499 : i32
      %add3A_501 = arith.addi %add3A_179, %mul3A_500 : i32
      %dma_wait3A_502 = arith.constant 0 : i32
      %dma_wait3A_503 = tpu.memref_slice %arg17[%dma_wait3A_502] : memref<80xf32, #tpu.memory_space<vmem>> -> memref<64xf32, #tpu.memory_space<vmem>>
      %dma_wait3A_504 = tpu.memref_slice %arg4[%add3A_501] : memref<160000xf32, #tpu.memory_space<hbm>> -> memref<64xf32, #tpu.memory_space<hbm>>
      %dma_wait3A_505 = arith.constant 0 : i32
      %dma_wait3A_506 = tpu.memref_slice %arg17[%dma_wait3A_505] : memref<80xf32, #tpu.memory_space<vmem>> -> memref<64xf32, #tpu.memory_space<vmem>>
      %dma_wait3A_507 = tpu.memref_slice %arg4[%add3A_501] : memref<160000xf32, #tpu.memory_space<hbm>> -> memref<64xf32, #tpu.memory_space<hbm>>
      tpu.wait_dma2 semaphore(%arg34 : memref<!tpu.dma_semaphore, #tpu.memory_space<semaphore_mem>>) src(%dma_wait3A_507 : memref<64xf32, #tpu.memory_space<hbm>>) dst(%dma_wait3A_506 : memref<64xf32, #tpu.memory_space<vmem>>)
      %mul3A_508 = arith.constant 64 : i32
      %mul3A_509 = arith.muli %add3A_492, %mul3A_508 : i32
      %add3A_510 = arith.addi %add3A_179, %mul3A_509 : i32
      %dma_wait3A_511 = arith.constant 0 : i32
      %dma_wait3A_512 = tpu.memref_slice %arg20[%dma_wait3A_511] : memref<80xf32, #tpu.memory_space<vmem>> -> memref<64xf32, #tpu.memory_space<vmem>>
      %dma_wait3A_513 = tpu.memref_slice %arg5[%add3A_510] : memref<160000xf32, #tpu.memory_space<hbm>> -> memref<64xf32, #tpu.memory_space<hbm>>
      %dma_wait3A_514 = arith.constant 0 : i32
      %dma_wait3A_515 = tpu.memref_slice %arg20[%dma_wait3A_514] : memref<80xf32, #tpu.memory_space<vmem>> -> memref<64xf32, #tpu.memory_space<vmem>>
      %dma_wait3A_516 = tpu.memref_slice %arg5[%add3A_510] : memref<160000xf32, #tpu.memory_space<hbm>> -> memref<64xf32, #tpu.memory_space<hbm>>
      tpu.wait_dma2 semaphore(%arg34 : memref<!tpu.dma_semaphore, #tpu.memory_space<semaphore_mem>>) src(%dma_wait3A_516 : memref<64xf32, #tpu.memory_space<hbm>>) dst(%dma_wait3A_515 : memref<64xf32, #tpu.memory_space<vmem>>)
      %scan3A_517 = arith.constant 0 : i32
      %scan3A_518 = arith.constant 0 : i32
      %scan3A_519 = arith.constant 64 : i32
      %scan3A_520 = arith.addi %scan3A_518, %scan3A_519 : i32
      %scan3A_521 = arith.constant 1 : i32
      scf.for %scan3A_541 = %scan3A_518 to %scan3A_520 step %scan3A_521  : i32 {
        %get3A_542 = arith.index_cast %scan3A_541 : i32 to index
        %get3A_543 = tpu.vector_load %arg17[%get3A_542] {strides = array<i32>} : memref<80xf32, #tpu.memory_space<vmem>>, vector<16xf32>,
        %get3A_544 = vector.shape_cast %get3A_543 : vector<16xf32> to vector<16xf32>
        %slice3A = vector.extract_strided_slice %get3A_544 {offsets = [0], sizes = [1], strides = [1]} : vector<16xf32> to vector<1xf32>
        %squeeze3A = vector.extract %slice3A[0] : f32 from vector<1xf32>
        %get3A_545 = arith.index_cast %scan3A_541 : i32 to index
        %get3A_546 = tpu.vector_load %arg20[%get3A_545] {strides = array<i32>} : memref<80xf32, #tpu.memory_space<vmem>>, vector<16xf32>,
        %get3A_547 = vector.shape_cast %get3A_546 : vector<16xf32> to vector<16xf32>
        %slice3A_548 = vector.extract_strided_slice %get3A_547 {offsets = [0], sizes = [1], strides = [1]} : vector<16xf32> to vector<1xf32>
        %squeeze3A_549 = vector.extract %slice3A_548[0] : f32 from vector<1xf32>
        %get3A_550 = arith.index_cast %scan3A_541 : i32 to index
        %get3A_551 = arith.constant 0 : index
        %get3A_552 = tpu.vector_load %arg23[%get3A_550, %get3A_551] {strides = array<i32>} : memref<64x128xf32, #tpu.memory_space<vmem>>, vector<1x16xf32>,
        %get3A_553 = vector.shape_cast %get3A_552 : vector<1x16xf32> to vector<16xf32>
        %mul3A_554 = vector.broadcast %squeeze3A : f32 to vector<16xf32>
        %mul3A_555 = arith.mulf %mul3A_554, %get3A_209 : vector<16xf32>
        %add3A_556 = arith.addf %get3A_553, %mul3A_555 : vector<16xf32>
        %mul3A_557 = vector.broadcast %squeeze3A_549 : f32 to vector<16xf32>
        %mul3A_558 = arith.mulf %mul3A_557, %get3A_249 : vector<16xf32>
        %add3A_559 = arith.addf %add3A_556, %mul3A_558 : vector<16xf32>
        %max3A = arith.constant 0.000000e+00 : f32
        %max3A_560 = vector.broadcast %max3A : f32 to vector<16xf32>
        %max3A_561 = arith.maximumf %add3A_559, %max3A_560 : vector<16xf32>
        %swap3A = arith.index_cast %scan3A_541 : i32 to index
        %swap3A_562 = arith.constant 0 : index
        %swap3A_563 = tpu.vector_load %arg23[%swap3A, %swap3A_562] {strides = array<i32>} : memref<64x128xf32, #tpu.memory_space<vmem>>, vector<1x16xf32>,
        %swap3A_564 = vector.shape_cast %swap3A_563 : vector<1x16xf32> to vector<16xf32>
        %swap3A_565 = vector.shape_cast %max3A_561 : vector<16xf32> to vector<1x16xf32>
        tpu.vector_store %arg23[%swap3A, %swap3A_562], %swap3A_565 {strides = array<i32>} : memref<64x128xf32, #tpu.memory_space<vmem>>, vector<1x16xf32>,
        %get3A_566 = arith.index_cast %scan3A_541 : i32 to index
        %get3A_567 = arith.constant 16 : index
        %get3A_568 = tpu.vector_load %arg23[%get3A_566, %get3A_567] {strides = array<i32>} : memref<64x128xf32, #tpu.memory_space<vmem>>, vector<1x16xf32>,
        %get3A_569 = vector.shape_cast %get3A_568 : vector<1x16xf32> to vector<16xf32>
        %mul3A_570 = vector.broadcast %squeeze3A : f32 to vector<16xf32>
        %mul3A_571 = arith.mulf %mul3A_570, %get3A_214 : vector<16xf32>
        %add3A_572 = arith.addf %get3A_569, %mul3A_571 : vector<16xf32>
        %mul3A_573 = vector.broadcast %squeeze3A_549 : f32 to vector<16xf32>
        %mul3A_574 = arith.mulf %mul3A_573, %get3A_254 : vector<16xf32>
        %add3A_575 = arith.addf %add3A_572, %mul3A_574 : vector<16xf32>
        %max3A_576 = arith.constant 0.000000e+00 : f32
        %max3A_577 = vector.broadcast %max3A_576 : f32 to vector<16xf32>
        %max3A_578 = arith.maximumf %add3A_575, %max3A_577 : vector<16xf32>
        %swap3A_579 = arith.index_cast %scan3A_541 : i32 to index
        %swap3A_580 = arith.constant 16 : index
        %swap3A_581 = tpu.vector_load %arg23[%swap3A_579, %swap3A_580] {strides = array<i32>} : memref<64x128xf32, #tpu.memory_space<vmem>>, vector<1x16xf32>,
        %swap3A_582 = vector.shape_cast %swap3A_581 : vector<1x16xf32> to vector<16xf32>
        %swap3A_583 = vector.shape_cast %max3A_578 : vector<16xf32> to vector<1x16xf32>
        tpu.vector_store %arg23[%swap3A_579, %swap3A_580], %swap3A_583 {strides = array<i32>} : memref<64x128xf32, #tpu.memory_space<vmem>>, vector<1x16xf32>,
        %get3A_584 = arith.index_cast %scan3A_541 : i32 to index
        %get3A_585 = arith.constant 32 : index
        %get3A_586 = tpu.vector_load %arg23[%get3A_584, %get3A_585] {strides = array<i32>} : memref<64x128xf32, #tpu.memory_space<vmem>>, vector<1x16xf32>,
        %get3A_587 = vector.shape_cast %get3A_586 : vector<1x16xf32> to vector<16xf32>
        %mul3A_588 = vector.broadcast %squeeze3A : f32 to vector<16xf32>
        %mul3A_589 = arith.mulf %mul3A_588, %get3A_219 : vector<16xf32>
        %add3A_590 = arith.addf %get3A_587, %mul3A_589 : vector<16xf32>
        %mul3A_591 = vector.broadcast %squeeze3A_549 : f32 to vector<16xf32>
        %mul3A_592 = arith.mulf %mul3A_591, %get3A_259 : vector<16xf32>
        %add3A_593 = arith.addf %add3A_590, %mul3A_592 : vector<16xf32>
        %max3A_594 = arith.constant 0.000000e+00 : f32
        %max3A_595 = vector.broadcast %max3A_594 : f32 to vector<16xf32>
        %max3A_596 = arith.maximumf %add3A_593, %max3A_595 : vector<16xf32>
        %swap3A_597 = arith.index_cast %scan3A_541 : i32 to index
        %swap3A_598 = arith.constant 32 : index
        %swap3A_599 = tpu.vector_load %arg23[%swap3A_597, %swap3A_598] {strides = array<i32>} : memref<64x128xf32, #tpu.memory_space<vmem>>, vector<1x16xf32>,
        %swap3A_600 = vector.shape_cast %swap3A_599 : vector<1x16xf32> to vector<16xf32>
        %swap3A_601 = vector.shape_cast %max3A_596 : vector<16xf32> to vector<1x16xf32>
        tpu.vector_store %arg23[%swap3A_597, %swap3A_598], %swap3A_601 {strides = array<i32>} : memref<64x128xf32, #tpu.memory_space<vmem>>, vector<1x16xf32>,
        %get3A_602 = arith.index_cast %scan3A_541 : i32 to index
        %get3A_603 = arith.constant 48 : index
        %get3A_604 = tpu.vector_load %arg23[%get3A_602, %get3A_603] {strides = array<i32>} : memref<64x128xf32, #tpu.memory_space<vmem>>, vector<1x16xf32>,
        %get3A_605 = vector.shape_cast %get3A_604 : vector<1x16xf32> to vector<16xf32>
        %mul3A_606 = vector.broadcast %squeeze3A : f32 to vector<16xf32>
        %mul3A_607 = arith.mulf %mul3A_606, %get3A_224 : vector<16xf32>
        %add3A_608 = arith.addf %get3A_605, %mul3A_607 : vector<16xf32>
        %mul3A_609 = vector.broadcast %squeeze3A_549 : f32 to vector<16xf32>
        %mul3A_610 = arith.mulf %mul3A_609, %get3A_264 : vector<16xf32>
        %add3A_611 = arith.addf %add3A_608, %mul3A_610 : vector<16xf32>
        %max3A_612 = arith.constant 0.000000e+00 : f32
        %max3A_613 = vector.broadcast %max3A_612 : f32 to vector<16xf32>
        %max3A_614 = arith.maximumf %add3A_611, %max3A_613 : vector<16xf32>
        %swap3A_615 = arith.index_cast %scan3A_541 : i32 to index
        %swap3A_616 = arith.constant 48 : index
        %swap3A_617 = tpu.vector_load %arg23[%swap3A_615, %swap3A_616] {strides = array<i32>} : memref<64x128xf32, #tpu.memory_space<vmem>>, vector<1x16xf32>,
        %swap3A_618 = vector.shape_cast %swap3A_617 : vector<1x16xf32> to vector<16xf32>
        %swap3A_619 = vector.shape_cast %max3A_614 : vector<16xf32> to vector<1x16xf32>
        tpu.vector_store %arg23[%swap3A_615, %swap3A_616], %swap3A_619 {strides = array<i32>} : memref<64x128xf32, #tpu.memory_space<vmem>>, vector<1x16xf32>,
        %get3A_620 = arith.index_cast %scan3A_541 : i32 to index
        %get3A_621 = arith.constant 64 : index
        %get3A_622 = tpu.vector_load %arg23[%get3A_620, %get3A_621] {strides = array<i32>} : memref<64x128xf32, #tpu.memory_space<vmem>>, vector<1x16xf32>,
        %get3A_623 = vector.shape_cast %get3A_622 : vector<1x16xf32> to vector<16xf32>
        %mul3A_624 = vector.broadcast %squeeze3A : f32 to vector<16xf32>
        %mul3A_625 = arith.mulf %mul3A_624, %get3A_229 : vector<16xf32>
        %add3A_626 = arith.addf %get3A_623, %mul3A_625 : vector<16xf32>
        %mul3A_627 = vector.broadcast %squeeze3A_549 : f32 to vector<16xf32>
        %mul3A_628 = arith.mulf %mul3A_627, %get3A_269 : vector<16xf32>
        %add3A_629 = arith.addf %add3A_626, %mul3A_628 : vector<16xf32>
        %max3A_630 = arith.constant 0.000000e+00 : f32
        %max3A_631 = vector.broadcast %max3A_630 : f32 to vector<16xf32>
        %max3A_632 = arith.maximumf %add3A_629, %max3A_631 : vector<16xf32>
        %swap3A_633 = arith.index_cast %scan3A_541 : i32 to index
        %swap3A_634 = arith.constant 64 : index
        %swap3A_635 = tpu.vector_load %arg23[%swap3A_633, %swap3A_634] {strides = array<i32>} : memref<64x128xf32, #tpu.memory_space<vmem>>, vector<1x16xf32>,
        %swap3A_636 = vector.shape_cast %swap3A_635 : vector<1x16xf32> to vector<16xf32>
        %swap3A_637 = vector.shape_cast %max3A_632 : vector<16xf32> to vector<1x16xf32>
        tpu.vector_store %arg23[%swap3A_633, %swap3A_634], %swap3A_637 {strides = array<i32>} : memref<64x128xf32, #tpu.memory_space<vmem>>, vector<1x16xf32>,
        %get3A_638 = arith.index_cast %scan3A_541 : i32 to index
        %get3A_639 = arith.constant 80 : index
        %get3A_640 = tpu.vector_load %arg23[%get3A_638, %get3A_639] {strides = array<i32>} : memref<64x128xf32, #tpu.memory_space<vmem>>, vector<1x16xf32>,
        %get3A_641 = vector.shape_cast %get3A_640 : vector<1x16xf32> to vector<16xf32>
        %mul3A_642 = vector.broadcast %squeeze3A : f32 to vector<16xf32>
        %mul3A_643 = arith.mulf %mul3A_642, %get3A_234 : vector<16xf32>
        %add3A_644 = arith.addf %get3A_641, %mul3A_643 : vector<16xf32>
        %mul3A_645 = vector.broadcast %squeeze3A_549 : f32 to vector<16xf32>
        %mul3A_646 = arith.mulf %mul3A_645, %get3A_274 : vector<16xf32>
        %add3A_647 = arith.addf %add3A_644, %mul3A_646 : vector<16xf32>
        %max3A_648 = arith.constant 0.000000e+00 : f32
        %max3A_649 = vector.broadcast %max3A_648 : f32 to vector<16xf32>
        %max3A_650 = arith.maximumf %add3A_647, %max3A_649 : vector<16xf32>
        %swap3A_651 = arith.index_cast %scan3A_541 : i32 to index
        %swap3A_652 = arith.constant 80 : index
        %swap3A_653 = tpu.vector_load %arg23[%swap3A_651, %swap3A_652] {strides = array<i32>} : memref<64x128xf32, #tpu.memory_space<vmem>>, vector<1x16xf32>,
        %swap3A_654 = vector.shape_cast %swap3A_653 : vector<1x16xf32> to vector<16xf32>
        %swap3A_655 = vector.shape_cast %max3A_650 : vector<16xf32> to vector<1x16xf32>
        tpu.vector_store %arg23[%swap3A_651, %swap3A_652], %swap3A_655 {strides = array<i32>} : memref<64x128xf32, #tpu.memory_space<vmem>>, vector<1x16xf32>,
        %get3A_656 = arith.index_cast %scan3A_541 : i32 to index
        %get3A_657 = arith.constant 96 : index
        %get3A_658 = tpu.vector_load %arg23[%get3A_656, %get3A_657] {strides = array<i32>} : memref<64x128xf32, #tpu.memory_space<vmem>>, vector<1x16xf32>,
        %get3A_659 = vector.shape_cast %get3A_658 : vector<1x16xf32> to vector<16xf32>
        %mul3A_660 = vector.broadcast %squeeze3A : f32 to vector<16xf32>
        %mul3A_661 = arith.mulf %mul3A_660, %get3A_239 : vector<16xf32>
        %add3A_662 = arith.addf %get3A_659, %mul3A_661 : vector<16xf32>
        %mul3A_663 = vector.broadcast %squeeze3A_549 : f32 to vector<16xf32>
        %mul3A_664 = arith.mulf %mul3A_663, %get3A_279 : vector<16xf32>
        %add3A_665 = arith.addf %add3A_662, %mul3A_664 : vector<16xf32>
        %max3A_666 = arith.constant 0.000000e+00 : f32
        %max3A_667 = vector.broadcast %max3A_666 : f32 to vector<16xf32>
        %max3A_668 = arith.maximumf %add3A_665, %max3A_667 : vector<16xf32>
        %swap3A_669 = arith.index_cast %scan3A_541 : i32 to index
        %swap3A_670 = arith.constant 96 : index
        %swap3A_671 = tpu.vector_load %arg23[%swap3A_669, %swap3A_670] {strides = array<i32>} : memref<64x128xf32, #tpu.memory_space<vmem>>, vector<1x16xf32>,
        %swap3A_672 = vector.shape_cast %swap3A_671 : vector<1x16xf32> to vector<16xf32>
        %swap3A_673 = vector.shape_cast %max3A_668 : vector<16xf32> to vector<1x16xf32>
        tpu.vector_store %arg23[%swap3A_669, %swap3A_670], %swap3A_673 {strides = array<i32>} : memref<64x128xf32, #tpu.memory_space<vmem>>, vector<1x16xf32>,
        %get3A_674 = arith.index_cast %scan3A_541 : i32 to index
        %get3A_675 = arith.constant 112 : index
        %get3A_676 = tpu.vector_load %arg23[%get3A_674, %get3A_675] {strides = array<i32>} : memref<64x128xf32, #tpu.memory_space<vmem>>, vector<1x16xf32>,
        %get3A_677 = vector.shape_cast %get3A_676 : vector<1x16xf32> to vector<16xf32>
        %mul3A_678 = vector.broadcast %squeeze3A : f32 to vector<16xf32>
        %mul3A_679 = arith.mulf %mul3A_678, %get3A_244 : vector<16xf32>
        %add3A_680 = arith.addf %get3A_677, %mul3A_679 : vector<16xf32>
        %mul3A_681 = vector.broadcast %squeeze3A_549 : f32 to vector<16xf32>
        %mul3A_682 = arith.mulf %mul3A_681, %get3A_284 : vector<16xf32>
        %add3A_683 = arith.addf %add3A_680, %mul3A_682 : vector<16xf32>
        %max3A_684 = arith.constant 0.000000e+00 : f32
        %max3A_685 = vector.broadcast %max3A_684 : f32 to vector<16xf32>
        %max3A_686 = arith.maximumf %add3A_683, %max3A_685 : vector<16xf32>
        %swap3A_687 = arith.index_cast %scan3A_541 : i32 to index
        %swap3A_688 = arith.constant 112 : index
        %swap3A_689 = tpu.vector_load %arg23[%swap3A_687, %swap3A_688] {strides = array<i32>} : memref<64x128xf32, #tpu.memory_space<vmem>>, vector<1x16xf32>,
        %swap3A_690 = vector.shape_cast %swap3A_689 : vector<1x16xf32> to vector<16xf32>
        %swap3A_691 = vector.shape_cast %max3A_686 : vector<16xf32> to vector<1x16xf32>
        tpu.vector_store %arg23[%swap3A_687, %swap3A_688], %swap3A_691 {strides = array<i32>} : memref<64x128xf32, #tpu.memory_space<vmem>>, vector<1x16xf32>,
      }
      %scan3A_522 = arith.constant 64 : i32
      %mul3A_523 = arith.constant 64 : i32
      %mul3A_524 = arith.muli %add3A_492, %mul3A_523 : i32
      %add3A_525 = arith.addi %add3A_179, %mul3A_524 : i32
      %dma_wait3A_526 = tpu.memref_slice %arg3[%add3A_525] : memref<160000xi32, #tpu.memory_space<hbm>> -> memref<64xi32, #tpu.memory_space<hbm>>
      %dma_wait3A_527 = tpu.memref_slice %arg3[%add3A_525] : memref<160000xi32, #tpu.memory_space<hbm>> -> memref<64xi32, #tpu.memory_space<hbm>>
      tpu.wait_dma2 semaphore(%arg31 : memref<!tpu.dma_semaphore, #tpu.memory_space<semaphore_mem>>) src(%dma_wait3A_527 : memref<64xi32, #tpu.memory_space<hbm>>) dst(%arg14 : memref<64xi32, #tpu.memory_space<vmem>>)
      %dma_start3A_528 = arith.constant 0 : i32
      %dma_start3A_529 = arith.constant 0 : i32
      %dma_start3A_530 = tpu.memref_slice %arg25[%dma_start3A_528, %dma_start3A_529] : memref<10000x128xf32, #tpu.memory_space<vmem_shared>> -> memref<10000x128xf32, #tpu.memory_space<vmem_shared>>
      tpu.enqueue_indirect_dma source(%arg23 : memref<64x128xf32, #tpu.memory_space<vmem>>) target(%dma_start3A_530 : memref<10000x128xf32, #tpu.memory_space<vmem_shared>>) offsets(%arg14 : memref<64xi32, #tpu.memory_space<vmem>>) semaphore(%arg37 : memref<!tpu.dma_semaphore, #tpu.memory_space<semaphore_mem>>) {add = true}
      %dma_wait3A_531 = arith.constant 0 : i32
      %dma_wait3A_532 = arith.constant 0 : i32
      %dma_wait3A_533 = tpu.memref_slice %arg25[%dma_wait3A_531, %dma_wait3A_532] : memref<10000x128xf32, #tpu.memory_space<vmem_shared>> -> memref<10000x128xf32, #tpu.memory_space<vmem_shared>>
      tpu.wait_indirect_dma semaphore(%arg36 : memref<!tpu.dma_semaphore, #tpu.memory_space<semaphore_mem>>) src(%arg22 : memref<64x128xf32, #tpu.memory_space<vmem>>) dst(%dma_wait3A_533 : memref<10000x128xf32, #tpu.memory_space<vmem_shared>>)
      %add3A_534 = arith.constant 2 : i32
      %add3A_535 = arith.addi %add3A_492, %add3A_534 : i32
      %lt3A_536 = arith.constant 78 : i32
      %lt3A_537 = arith.cmpi slt, %add3A_535, %lt3A_536 : i32
      %convert_element_type3A_538 = arith.extui %lt3A_537 : i1 to i32
      %cond3A_539 = arith.constant 0 : i32
      %cond3A_540 = arith.cmpi ne, %convert_element_type3A_538, %cond3A_539 : i32
      scf.if %cond3A_540 {
        %add3A_541 = arith.constant 2 : i32
        %add3A_542 = arith.addi %add3A_492, %add3A_541 : i32
        %mul3A_543 = arith.constant 64 : i32
        %mul3A_544 = arith.muli %add3A_542, %mul3A_543 : i32
        %dma_start3A_545 = tpu.memref_slice %arg11[%mul3A_544] : memref<9984xi32, #tpu.memory_space<vmem>> -> memref<64xi32, #tpu.memory_space<vmem>>
        %dma_start3A_546 = arith.constant 0 : i32
        %dma_start3A_547 = arith.constant 0 : i32
        %dma_start3A_548 = tpu.memref_slice %arg6[%dma_start3A_546, %dma_start3A_547] : memref<40000x128xf32, #tpu.memory_space<hbm>> -> memref<40000x128xf32, #tpu.memory_space<hbm>>
        tpu.enqueue_indirect_dma source(%dma_start3A_548 : memref<40000x128xf32, #tpu.memory_space<hbm>>) target(%arg22 : memref<64x128xf32, #tpu.memory_space<vmem>>) offsets(%dma_start3A_545 : memref<64xi32, #tpu.memory_space<vmem>>) semaphore(%arg27 : memref<!tpu.dma_semaphore, #tpu.memory_space<semaphore_mem>>)
        %mul3A_549 = arith.constant 64 : i32
        %mul3A_550 = arith.muli %add3A_542, %mul3A_549 : i32
        %add3A_551 = arith.addi %add3A_179, %mul3A_550 : i32
        %dma_start3A_552 = tpu.memref_slice %arg3[%add3A_551] : memref<160000xi32, #tpu.memory_space<hbm>> -> memref<64xi32, #tpu.memory_space<hbm>>
        %dma_start3A_553 = tpu.memref_slice %arg3[%add3A_551] : memref<160000xi32, #tpu.memory_space<hbm>> -> memref<64xi32, #tpu.memory_space<hbm>>
        tpu.enqueue_dma source(%dma_start3A_553 : memref<64xi32, #tpu.memory_space<hbm>>) target(%arg13 : memref<64xi32, #tpu.memory_space<vmem>>) target_semaphore(%arg30 : memref<!tpu.dma_semaphore, #tpu.memory_space<semaphore_mem>>)
        %mul3A_554 = arith.constant 64 : i32
        %mul3A_555 = arith.muli %add3A_542, %mul3A_554 : i32
        %add3A_556 = arith.addi %add3A_179, %mul3A_555 : i32
        %dma_start3A_557 = arith.constant 0 : i32
        %dma_start3A_558 = tpu.memref_slice %arg16[%dma_start3A_557] : memref<80xf32, #tpu.memory_space<vmem>> -> memref<64xf32, #tpu.memory_space<vmem>>
        %dma_start3A_559 = tpu.memref_slice %arg4[%add3A_556] : memref<160000xf32, #tpu.memory_space<hbm>> -> memref<64xf32, #tpu.memory_space<hbm>>
        %dma_start3A_560 = arith.constant 0 : i32
        %dma_start3A_561 = tpu.memref_slice %arg16[%dma_start3A_560] : memref<80xf32, #tpu.memory_space<vmem>> -> memref<64xf32, #tpu.memory_space<vmem>>
        %dma_start3A_562 = tpu.memref_slice %arg4[%add3A_556] : memref<160000xf32, #tpu.memory_space<hbm>> -> memref<64xf32, #tpu.memory_space<hbm>>
        tpu.enqueue_dma source(%dma_start3A_562 : memref<64xf32, #tpu.memory_space<hbm>>) target(%dma_start3A_561 : memref<64xf32, #tpu.memory_space<vmem>>) target_semaphore(%arg33 : memref<!tpu.dma_semaphore, #tpu.memory_space<semaphore_mem>>)
        %mul3A_563 = arith.constant 64 : i32
        %mul3A_564 = arith.muli %add3A_542, %mul3A_563 : i32
        %add3A_565 = arith.addi %add3A_179, %mul3A_564 : i32
        %dma_start3A_566 = arith.constant 0 : i32
        %dma_start3A_567 = tpu.memref_slice %arg19[%dma_start3A_566] : memref<80xf32, #tpu.memory_space<vmem>> -> memref<64xf32, #tpu.memory_space<vmem>>
        %dma_start3A_568 = tpu.memref_slice %arg5[%add3A_565] : memref<160000xf32, #tpu.memory_space<hbm>> -> memref<64xf32, #tpu.memory_space<hbm>>
        %dma_start3A_569 = arith.constant 0 : i32
        %dma_start3A_570 = tpu.memref_slice %arg19[%dma_start3A_569] : memref<80xf32, #tpu.memory_space<vmem>> -> memref<64xf32, #tpu.memory_space<vmem>>
        %dma_start3A_571 = tpu.memref_slice %arg5[%add3A_565] : memref<160000xf32, #tpu.memory_space<hbm>> -> memref<64xf32, #tpu.memory_space<hbm>>
        tpu.enqueue_dma source(%dma_start3A_571 : memref<64xf32, #tpu.memory_space<hbm>>) target(%dma_start3A_570 : memref<64xf32, #tpu.memory_space<vmem>>) target_semaphore(%arg33 : memref<!tpu.dma_semaphore, #tpu.memory_space<semaphore_mem>>)
      } else {
      }
    }
    %scan3A_341 = arith.constant 26 : i32
    %dma_wait3A_342 = arith.constant 0 : i32
    %dma_wait3A_343 = arith.constant 0 : i32
    %dma_wait3A_344 = tpu.memref_slice %arg25[%dma_wait3A_342, %dma_wait3A_343] : memref<10000x128xf32, #tpu.memory_space<vmem_shared>> -> memref<10000x128xf32, #tpu.memory_space<vmem_shared>>
    tpu.wait_indirect_dma semaphore(%arg37 : memref<!tpu.dma_semaphore, #tpu.memory_space<semaphore_mem>>) src(%arg23 : memref<64x128xf32, #tpu.memory_space<vmem>>) dst(%dma_wait3A_344 : memref<10000x128xf32, #tpu.memory_space<vmem_shared>>)
    %lt3A_345 = arith.constant 2 : i32
    %lt3A_346 = arith.cmpi slt, %arg1, %lt3A_345 : i32
    %convert_element_type3A_347 = arith.extui %lt3A_346 : i1 to i32
    %cond3A_348 = arith.constant 0 : i32
    %cond3A_349 = arith.cmpi ne, %convert_element_type3A_347, %cond3A_348 : i32
    scf.if %cond3A_349 {
      "tpu.region"() ({
        %run_scoped3A = tpu.sem_alloc : memref<!tpu.dma_semaphore, #tpu.memory_space<semaphore_mem>>
        %dma_start3A_385 = arith.constant 0 : i32
        %dma_start3A_386 = tpu.memref_slice %arg11[%dma_start3A_385] : memref<9984xi32, #tpu.memory_space<vmem>> -> memref<64xi32, #tpu.memory_space<vmem>>
        %dma_start3A_387 = tpu.memref_slice %arg2[%add3A_188] : memref<160000xi32, #tpu.memory_space<hbm>> -> memref<64xi32, #tpu.memory_space<hbm>>
        %dma_start3A_388 = arith.constant 0 : i32
        %dma_start3A_389 = tpu.memref_slice %arg11[%dma_start3A_388] : memref<9984xi32, #tpu.memory_space<vmem>> -> memref<64xi32, #tpu.memory_space<vmem>>
        %dma_start3A_390 = tpu.memref_slice %arg2[%add3A_188] : memref<160000xi32, #tpu.memory_space<hbm>> -> memref<64xi32, #tpu.memory_space<hbm>>
        tpu.enqueue_dma source(%dma_start3A_390 : memref<64xi32, #tpu.memory_space<hbm>>) target(%dma_start3A_389 : memref<64xi32, #tpu.memory_space<vmem>>) target_semaphore(%run_scoped3A : memref<!tpu.dma_semaphore, #tpu.memory_space<semaphore_mem>>)
        %dma_wait3A_391 = arith.constant 0 : i32
        %dma_wait3A_392 = tpu.memref_slice %arg11[%dma_wait3A_391] : memref<9984xi32, #tpu.memory_space<vmem>> -> memref<64xi32, #tpu.memory_space<vmem>>
        %dma_wait3A_393 = tpu.memref_slice %arg2[%add3A_188] : memref<160000xi32, #tpu.memory_space<hbm>> -> memref<64xi32, #tpu.memory_space<hbm>>
        %dma_wait3A_394 = arith.constant 0 : i32
        %dma_wait3A_395 = tpu.memref_slice %arg11[%dma_wait3A_394] : memref<9984xi32, #tpu.memory_space<vmem>> -> memref<64xi32, #tpu.memory_space<vmem>>
        %dma_wait3A_396 = tpu.memref_slice %arg2[%add3A_188] : memref<160000xi32, #tpu.memory_space<hbm>> -> memref<64xi32, #tpu.memory_space<hbm>>
        tpu.wait_dma2 semaphore(%run_scoped3A : memref<!tpu.dma_semaphore, #tpu.memory_space<semaphore_mem>>) src(%dma_wait3A_396 : memref<64xi32, #tpu.memory_space<hbm>>) dst(%dma_wait3A_395 : memref<64xi32, #tpu.memory_space<vmem>>)
        tpu.yield
      }) : () -> ()
      "tpu.region"() ({
        %run_scoped3A = tpu.sem_alloc : memref<!tpu.dma_semaphore, #tpu.memory_space<semaphore_mem>>
        %dma_start3A_385 = arith.constant 0 : i32
        %dma_start3A_386 = tpu.memref_slice %arg15[%dma_start3A_385] : memref<80xf32, #tpu.memory_space<vmem>> -> memref<64xf32, #tpu.memory_space<vmem>>
        %dma_start3A_387 = tpu.memref_slice %arg4[%add3A_188] : memref<160000xf32, #tpu.memory_space<hbm>> -> memref<64xf32, #tpu.memory_space<hbm>>
        %dma_start3A_388 = arith.constant 0 : i32
        %dma_start3A_389 = tpu.memref_slice %arg15[%dma_start3A_388] : memref<80xf32, #tpu.memory_space<vmem>> -> memref<64xf32, #tpu.memory_space<vmem>>
        %dma_start3A_390 = tpu.memref_slice %arg4[%add3A_188] : memref<160000xf32, #tpu.memory_space<hbm>> -> memref<64xf32, #tpu.memory_space<hbm>>
        tpu.enqueue_dma source(%dma_start3A_390 : memref<64xf32, #tpu.memory_space<hbm>>) target(%dma_start3A_389 : memref<64xf32, #tpu.memory_space<vmem>>) target_semaphore(%run_scoped3A : memref<!tpu.dma_semaphore, #tpu.memory_space<semaphore_mem>>)
        %dma_wait3A_391 = arith.constant 0 : i32
        %dma_wait3A_392 = tpu.memref_slice %arg15[%dma_wait3A_391] : memref<80xf32, #tpu.memory_space<vmem>> -> memref<64xf32, #tpu.memory_space<vmem>>
        %dma_wait3A_393 = tpu.memref_slice %arg4[%add3A_188] : memref<160000xf32, #tpu.memory_space<hbm>> -> memref<64xf32, #tpu.memory_space<hbm>>
        %dma_wait3A_394 = arith.constant 0 : i32
        %dma_wait3A_395 = tpu.memref_slice %arg15[%dma_wait3A_394] : memref<80xf32, #tpu.memory_space<vmem>> -> memref<64xf32, #tpu.memory_space<vmem>>
        %dma_wait3A_396 = tpu.memref_slice %arg4[%add3A_188] : memref<160000xf32, #tpu.memory_space<hbm>> -> memref<64xf32, #tpu.memory_space<hbm>>
        tpu.wait_dma2 semaphore(%run_scoped3A : memref<!tpu.dma_semaphore, #tpu.memory_space<semaphore_mem>>) src(%dma_wait3A_396 : memref<64xf32, #tpu.memory_space<hbm>>) dst(%dma_wait3A_395 : memref<64xf32, #tpu.memory_space<vmem>>)
        tpu.yield
      }) : () -> ()
      "tpu.region"() ({
        %run_scoped3A = tpu.sem_alloc : memref<!tpu.dma_semaphore, #tpu.memory_space<semaphore_mem>>
        %dma_start3A_385 = arith.constant 0 : i32
        %dma_start3A_386 = tpu.memref_slice %arg18[%dma_start3A_385] : memref<80xf32, #tpu.memory_space<vmem>> -> memref<64xf32, #tpu.memory_space<vmem>>
        %dma_start3A_387 = tpu.memref_slice %arg5[%add3A_188] : memref<160000xf32, #tpu.memory_space<hbm>> -> memref<64xf32, #tpu.memory_space<hbm>>
        %dma_start3A_388 = arith.constant 0 : i32
        %dma_start3A_389 = tpu.memref_slice %arg18[%dma_start3A_388] : memref<80xf32, #tpu.memory_space<vmem>> -> memref<64xf32, #tpu.memory_space<vmem>>
        %dma_start3A_390 = tpu.memref_slice %arg5[%add3A_188] : memref<160000xf32, #tpu.memory_space<hbm>> -> memref<64xf32, #tpu.memory_space<hbm>>
        tpu.enqueue_dma source(%dma_start3A_390 : memref<64xf32, #tpu.memory_space<hbm>>) target(%dma_start3A_389 : memref<64xf32, #tpu.memory_space<vmem>>) target_semaphore(%run_scoped3A : memref<!tpu.dma_semaphore, #tpu.memory_space<semaphore_mem>>)
        %dma_wait3A_391 = arith.constant 0 : i32
        %dma_wait3A_392 = tpu.memref_slice %arg18[%dma_wait3A_391] : memref<80xf32, #tpu.memory_space<vmem>> -> memref<64xf32, #tpu.memory_space<vmem>>
        %dma_wait3A_393 = tpu.memref_slice %arg5[%add3A_188] : memref<160000xf32, #tpu.memory_space<hbm>> -> memref<64xf32, #tpu.memory_space<hbm>>
        %dma_wait3A_394 = arith.constant 0 : i32
        %dma_wait3A_395 = tpu.memref_slice %arg18[%dma_wait3A_394] : memref<80xf32, #tpu.memory_space<vmem>> -> memref<64xf32, #tpu.memory_space<vmem>>
        %dma_wait3A_396 = tpu.memref_slice %arg5[%add3A_188] : memref<160000xf32, #tpu.memory_space<hbm>> -> memref<64xf32, #tpu.memory_space<hbm>>
        tpu.wait_dma2 semaphore(%run_scoped3A : memref<!tpu.dma_semaphore, #tpu.memory_space<semaphore_mem>>) src(%dma_wait3A_396 : memref<64xf32, #tpu.memory_space<hbm>>) dst(%dma_wait3A_395 : memref<64xf32, #tpu.memory_space<vmem>>)
        tpu.yield
      }) : () -> ()
      %scan3A_363 = arith.constant 0 : i32
      %scan3A_364 = arith.constant 0 : i32
      %scan3A_365 = arith.constant 4 : i32
      %scan3A_366 = arith.addi %scan3A_364, %scan3A_365 : i32
      %scan3A_367 = arith.constant 1 : i32
      scf.for %scan3A_385 = %scan3A_364 to %scan3A_366 step %scan3A_367  : i32 {
        %mul3A_386 = arith.constant 16 : i32
        %mul3A_387 = arith.muli %scan3A_385, %mul3A_386 : i32
        %get3A_388 = arith.index_cast %mul3A_387 : i32 to index
        %get3A_389 = tpu.vector_load %arg11[%get3A_388] {strides = array<i32>} : memref<9984xi32, #tpu.memory_space<vmem>>, vector<16xi32>,
        %get3A_390 = vector.shape_cast %get3A_389 : vector<16xi32> to vector<16xi32>
        %add3A_391 = arith.constant 20000 : i32
        %add3A_392 = vector.broadcast %add3A_391 : i32 to vector<16xi32>
        %add3A_393 = arith.addi %get3A_390, %add3A_392 : vector<16xi32>
        %mul3A_394 = arith.constant 16 : i32
        %mul3A_395 = arith.muli %scan3A_385, %mul3A_394 : i32
        %swap3A = arith.index_cast %mul3A_395 : i32 to index
        %swap3A_396 = tpu.vector_load %arg11[%swap3A] {strides = array<i32>} : memref<9984xi32, #tpu.memory_space<vmem>>, vector<16xi32>,
        %swap3A_397 = vector.shape_cast %swap3A_396 : vector<16xi32> to vector<16xi32>
        %swap3A_398 = vector.shape_cast %add3A_393 : vector<16xi32> to vector<16xi32>
        tpu.vector_store %arg11[%swap3A], %swap3A_398 {strides = array<i32>} : memref<9984xi32, #tpu.memory_space<vmem>>, vector<16xi32>,
      }
      %scan3A_368 = arith.constant 4 : i32
      %dma_start3A_369 = arith.constant 0 : i32
      %dma_start3A_370 = tpu.memref_slice %arg11[%dma_start3A_369] : memref<9984xi32, #tpu.memory_space<vmem>> -> memref<64xi32, #tpu.memory_space<vmem>>
      %dma_start3A_371 = arith.constant 0 : i32
      %dma_start3A_372 = arith.constant 0 : i32
      %dma_start3A_373 = tpu.memref_slice %arg6[%dma_start3A_371, %dma_start3A_372] : memref<40000x128xf32, #tpu.memory_space<hbm>> -> memref<40000x128xf32, #tpu.memory_space<hbm>>
      tpu.enqueue_indirect_dma source(%dma_start3A_373 : memref<40000x128xf32, #tpu.memory_space<hbm>>) target(%arg21 : memref<64x128xf32, #tpu.memory_space<vmem>>) offsets(%dma_start3A_370 : memref<64xi32, #tpu.memory_space<vmem>>) semaphore(%arg26 : memref<!tpu.dma_semaphore, #tpu.memory_space<semaphore_mem>>)
      %dma_wait3A_374 = arith.constant 0 : i32
      %dma_wait3A_375 = tpu.memref_slice %arg11[%dma_wait3A_374] : memref<9984xi32, #tpu.memory_space<vmem>> -> memref<64xi32, #tpu.memory_space<vmem>>
      %dma_wait3A_376 = arith.constant 0 : i32
      %dma_wait3A_377 = arith.constant 0 : i32
      %dma_wait3A_378 = tpu.memref_slice %arg6[%dma_wait3A_376, %dma_wait3A_377] : memref<40000x128xf32, #tpu.memory_space<hbm>> -> memref<40000x128xf32, #tpu.memory_space<hbm>>
      tpu.wait_indirect_dma semaphore(%arg26 : memref<!tpu.dma_semaphore, #tpu.memory_space<semaphore_mem>>) src(%dma_wait3A_378 : memref<40000x128xf32, #tpu.memory_space<hbm>>) dst(%arg21 : memref<64x128xf32, #tpu.memory_space<vmem>>)
      %scan3A_379 = arith.constant 0 : i32
      %scan3A_380 = arith.constant 0 : i32
      %scan3A_381 = arith.constant 64 : i32
      %scan3A_382 = arith.addi %scan3A_380, %scan3A_381 : i32
      %scan3A_383 = arith.constant 1 : i32
      scf.for %scan3A_385 = %scan3A_380 to %scan3A_382 step %scan3A_383  : i32 {
        %get3A_386 = arith.index_cast %scan3A_385 : i32 to index
        %get3A_387 = tpu.vector_load %arg15[%get3A_386] {strides = array<i32>} : memref<80xf32, #tpu.memory_space<vmem>>, vector<16xf32>,
        %get3A_388 = vector.shape_cast %get3A_387 : vector<16xf32> to vector<16xf32>
        %slice3A = vector.extract_strided_slice %get3A_388 {offsets = [0], sizes = [1], strides = [1]} : vector<16xf32> to vector<1xf32>
        %squeeze3A = vector.extract %slice3A[0] : f32 from vector<1xf32>
        %get3A_389 = arith.index_cast %scan3A_385 : i32 to index
        %get3A_390 = tpu.vector_load %arg18[%get3A_389] {strides = array<i32>} : memref<80xf32, #tpu.memory_space<vmem>>, vector<16xf32>,
        %get3A_391 = vector.shape_cast %get3A_390 : vector<16xf32> to vector<16xf32>
        %slice3A_392 = vector.extract_strided_slice %get3A_391 {offsets = [0], sizes = [1], strides = [1]} : vector<16xf32> to vector<1xf32>
        %squeeze3A_393 = vector.extract %slice3A_392[0] : f32 from vector<1xf32>
        %get3A_394 = arith.index_cast %scan3A_385 : i32 to index
        %get3A_395 = arith.constant 0 : index
        %get3A_396 = tpu.vector_load %arg21[%get3A_394, %get3A_395] {strides = array<i32>} : memref<64x128xf32, #tpu.memory_space<vmem>>, vector<1x16xf32>,
        %get3A_397 = vector.shape_cast %get3A_396 : vector<1x16xf32> to vector<16xf32>
        %mul3A_398 = vector.broadcast %squeeze3A : f32 to vector<16xf32>
        %mul3A_399 = arith.mulf %mul3A_398, %get3A_209 : vector<16xf32>
        %add3A_400 = arith.addf %get3A_397, %mul3A_399 : vector<16xf32>
        %mul3A_401 = vector.broadcast %squeeze3A_393 : f32 to vector<16xf32>
        %mul3A_402 = arith.mulf %mul3A_401, %get3A_249 : vector<16xf32>
        %add3A_403 = arith.addf %add3A_400, %mul3A_402 : vector<16xf32>
        %max3A = arith.constant 0.000000e+00 : f32
        %max3A_404 = vector.broadcast %max3A : f32 to vector<16xf32>
        %max3A_405 = arith.maximumf %add3A_403, %max3A_404 : vector<16xf32>
        %swap3A = arith.index_cast %scan3A_385 : i32 to index
        %swap3A_406 = arith.constant 0 : index
        %swap3A_407 = tpu.vector_load %arg21[%swap3A, %swap3A_406] {strides = array<i32>} : memref<64x128xf32, #tpu.memory_space<vmem>>, vector<1x16xf32>,
        %swap3A_408 = vector.shape_cast %swap3A_407 : vector<1x16xf32> to vector<16xf32>
        %swap3A_409 = vector.shape_cast %max3A_405 : vector<16xf32> to vector<1x16xf32>
        tpu.vector_store %arg21[%swap3A, %swap3A_406], %swap3A_409 {strides = array<i32>} : memref<64x128xf32, #tpu.memory_space<vmem>>, vector<1x16xf32>,
        %get3A_410 = arith.index_cast %scan3A_385 : i32 to index
        %get3A_411 = arith.constant 16 : index
        %get3A_412 = tpu.vector_load %arg21[%get3A_410, %get3A_411] {strides = array<i32>} : memref<64x128xf32, #tpu.memory_space<vmem>>, vector<1x16xf32>,
        %get3A_413 = vector.shape_cast %get3A_412 : vector<1x16xf32> to vector<16xf32>
        %mul3A_414 = vector.broadcast %squeeze3A : f32 to vector<16xf32>
        %mul3A_415 = arith.mulf %mul3A_414, %get3A_214 : vector<16xf32>
        %add3A_416 = arith.addf %get3A_413, %mul3A_415 : vector<16xf32>
        %mul3A_417 = vector.broadcast %squeeze3A_393 : f32 to vector<16xf32>
        %mul3A_418 = arith.mulf %mul3A_417, %get3A_254 : vector<16xf32>
        %add3A_419 = arith.addf %add3A_416, %mul3A_418 : vector<16xf32>
        %max3A_420 = arith.constant 0.000000e+00 : f32
        %max3A_421 = vector.broadcast %max3A_420 : f32 to vector<16xf32>
        %max3A_422 = arith.maximumf %add3A_419, %max3A_421 : vector<16xf32>
        %swap3A_423 = arith.index_cast %scan3A_385 : i32 to index
        %swap3A_424 = arith.constant 16 : index
        %swap3A_425 = tpu.vector_load %arg21[%swap3A_423, %swap3A_424] {strides = array<i32>} : memref<64x128xf32, #tpu.memory_space<vmem>>, vector<1x16xf32>,
        %swap3A_426 = vector.shape_cast %swap3A_425 : vector<1x16xf32> to vector<16xf32>
        %swap3A_427 = vector.shape_cast %max3A_422 : vector<16xf32> to vector<1x16xf32>
        tpu.vector_store %arg21[%swap3A_423, %swap3A_424], %swap3A_427 {strides = array<i32>} : memref<64x128xf32, #tpu.memory_space<vmem>>, vector<1x16xf32>,
        %get3A_428 = arith.index_cast %scan3A_385 : i32 to index
        %get3A_429 = arith.constant 32 : index
        %get3A_430 = tpu.vector_load %arg21[%get3A_428, %get3A_429] {strides = array<i32>} : memref<64x128xf32, #tpu.memory_space<vmem>>, vector<1x16xf32>,
        %get3A_431 = vector.shape_cast %get3A_430 : vector<1x16xf32> to vector<16xf32>
        %mul3A_432 = vector.broadcast %squeeze3A : f32 to vector<16xf32>
        %mul3A_433 = arith.mulf %mul3A_432, %get3A_219 : vector<16xf32>
        %add3A_434 = arith.addf %get3A_431, %mul3A_433 : vector<16xf32>
        %mul3A_435 = vector.broadcast %squeeze3A_393 : f32 to vector<16xf32>
        %mul3A_436 = arith.mulf %mul3A_435, %get3A_259 : vector<16xf32>
        %add3A_437 = arith.addf %add3A_434, %mul3A_436 : vector<16xf32>
        %max3A_438 = arith.constant 0.000000e+00 : f32
        %max3A_439 = vector.broadcast %max3A_438 : f32 to vector<16xf32>
        %max3A_440 = arith.maximumf %add3A_437, %max3A_439 : vector<16xf32>
        %swap3A_441 = arith.index_cast %scan3A_385 : i32 to index
        %swap3A_442 = arith.constant 32 : index
        %swap3A_443 = tpu.vector_load %arg21[%swap3A_441, %swap3A_442] {strides = array<i32>} : memref<64x128xf32, #tpu.memory_space<vmem>>, vector<1x16xf32>,
        %swap3A_444 = vector.shape_cast %swap3A_443 : vector<1x16xf32> to vector<16xf32>
        %swap3A_445 = vector.shape_cast %max3A_440 : vector<16xf32> to vector<1x16xf32>
        tpu.vector_store %arg21[%swap3A_441, %swap3A_442], %swap3A_445 {strides = array<i32>} : memref<64x128xf32, #tpu.memory_space<vmem>>, vector<1x16xf32>,
        %get3A_446 = arith.index_cast %scan3A_385 : i32 to index
        %get3A_447 = arith.constant 48 : index
        %get3A_448 = tpu.vector_load %arg21[%get3A_446, %get3A_447] {strides = array<i32>} : memref<64x128xf32, #tpu.memory_space<vmem>>, vector<1x16xf32>,
        %get3A_449 = vector.shape_cast %get3A_448 : vector<1x16xf32> to vector<16xf32>
        %mul3A_450 = vector.broadcast %squeeze3A : f32 to vector<16xf32>
        %mul3A_451 = arith.mulf %mul3A_450, %get3A_224 : vector<16xf32>
        %add3A_452 = arith.addf %get3A_449, %mul3A_451 : vector<16xf32>
        %mul3A_453 = vector.broadcast %squeeze3A_393 : f32 to vector<16xf32>
        %mul3A_454 = arith.mulf %mul3A_453, %get3A_264 : vector<16xf32>
        %add3A_455 = arith.addf %add3A_452, %mul3A_454 : vector<16xf32>
        %max3A_456 = arith.constant 0.000000e+00 : f32
        %max3A_457 = vector.broadcast %max3A_456 : f32 to vector<16xf32>
        %max3A_458 = arith.maximumf %add3A_455, %max3A_457 : vector<16xf32>
        %swap3A_459 = arith.index_cast %scan3A_385 : i32 to index
        %swap3A_460 = arith.constant 48 : index
        %swap3A_461 = tpu.vector_load %arg21[%swap3A_459, %swap3A_460] {strides = array<i32>} : memref<64x128xf32, #tpu.memory_space<vmem>>, vector<1x16xf32>,
        %swap3A_462 = vector.shape_cast %swap3A_461 : vector<1x16xf32> to vector<16xf32>
        %swap3A_463 = vector.shape_cast %max3A_458 : vector<16xf32> to vector<1x16xf32>
        tpu.vector_store %arg21[%swap3A_459, %swap3A_460], %swap3A_463 {strides = array<i32>} : memref<64x128xf32, #tpu.memory_space<vmem>>, vector<1x16xf32>,
        %get3A_464 = arith.index_cast %scan3A_385 : i32 to index
        %get3A_465 = arith.constant 64 : index
        %get3A_466 = tpu.vector_load %arg21[%get3A_464, %get3A_465] {strides = array<i32>} : memref<64x128xf32, #tpu.memory_space<vmem>>, vector<1x16xf32>,
        %get3A_467 = vector.shape_cast %get3A_466 : vector<1x16xf32> to vector<16xf32>
        %mul3A_468 = vector.broadcast %squeeze3A : f32 to vector<16xf32>
        %mul3A_469 = arith.mulf %mul3A_468, %get3A_229 : vector<16xf32>
        %add3A_470 = arith.addf %get3A_467, %mul3A_469 : vector<16xf32>
        %mul3A_471 = vector.broadcast %squeeze3A_393 : f32 to vector<16xf32>
        %mul3A_472 = arith.mulf %mul3A_471, %get3A_269 : vector<16xf32>
        %add3A_473 = arith.addf %add3A_470, %mul3A_472 : vector<16xf32>
        %max3A_474 = arith.constant 0.000000e+00 : f32
        %max3A_475 = vector.broadcast %max3A_474 : f32 to vector<16xf32>
        %max3A_476 = arith.maximumf %add3A_473, %max3A_475 : vector<16xf32>
        %swap3A_477 = arith.index_cast %scan3A_385 : i32 to index
        %swap3A_478 = arith.constant 64 : index
        %swap3A_479 = tpu.vector_load %arg21[%swap3A_477, %swap3A_478] {strides = array<i32>} : memref<64x128xf32, #tpu.memory_space<vmem>>, vector<1x16xf32>,
        %swap3A_480 = vector.shape_cast %swap3A_479 : vector<1x16xf32> to vector<16xf32>
        %swap3A_481 = vector.shape_cast %max3A_476 : vector<16xf32> to vector<1x16xf32>
        tpu.vector_store %arg21[%swap3A_477, %swap3A_478], %swap3A_481 {strides = array<i32>} : memref<64x128xf32, #tpu.memory_space<vmem>>, vector<1x16xf32>,
        %get3A_482 = arith.index_cast %scan3A_385 : i32 to index
        %get3A_483 = arith.constant 80 : index
        %get3A_484 = tpu.vector_load %arg21[%get3A_482, %get3A_483] {strides = array<i32>} : memref<64x128xf32, #tpu.memory_space<vmem>>, vector<1x16xf32>,
        %get3A_485 = vector.shape_cast %get3A_484 : vector<1x16xf32> to vector<16xf32>
        %mul3A_486 = vector.broadcast %squeeze3A : f32 to vector<16xf32>
        %mul3A_487 = arith.mulf %mul3A_486, %get3A_234 : vector<16xf32>
        %add3A_488 = arith.addf %get3A_485, %mul3A_487 : vector<16xf32>
        %mul3A_489 = vector.broadcast %squeeze3A_393 : f32 to vector<16xf32>
        %mul3A_490 = arith.mulf %mul3A_489, %get3A_274 : vector<16xf32>
        %add3A_491 = arith.addf %add3A_488, %mul3A_490 : vector<16xf32>
        %max3A_492 = arith.constant 0.000000e+00 : f32
        %max3A_493 = vector.broadcast %max3A_492 : f32 to vector<16xf32>
        %max3A_494 = arith.maximumf %add3A_491, %max3A_493 : vector<16xf32>
        %swap3A_495 = arith.index_cast %scan3A_385 : i32 to index
        %swap3A_496 = arith.constant 80 : index
        %swap3A_497 = tpu.vector_load %arg21[%swap3A_495, %swap3A_496] {strides = array<i32>} : memref<64x128xf32, #tpu.memory_space<vmem>>, vector<1x16xf32>,
        %swap3A_498 = vector.shape_cast %swap3A_497 : vector<1x16xf32> to vector<16xf32>
        %swap3A_499 = vector.shape_cast %max3A_494 : vector<16xf32> to vector<1x16xf32>
        tpu.vector_store %arg21[%swap3A_495, %swap3A_496], %swap3A_499 {strides = array<i32>} : memref<64x128xf32, #tpu.memory_space<vmem>>, vector<1x16xf32>,
        %get3A_500 = arith.index_cast %scan3A_385 : i32 to index
        %get3A_501 = arith.constant 96 : index
        %get3A_502 = tpu.vector_load %arg21[%get3A_500, %get3A_501] {strides = array<i32>} : memref<64x128xf32, #tpu.memory_space<vmem>>, vector<1x16xf32>,
        %get3A_503 = vector.shape_cast %get3A_502 : vector<1x16xf32> to vector<16xf32>
        %mul3A_504 = vector.broadcast %squeeze3A : f32 to vector<16xf32>
        %mul3A_505 = arith.mulf %mul3A_504, %get3A_239 : vector<16xf32>
        %add3A_506 = arith.addf %get3A_503, %mul3A_505 : vector<16xf32>
        %mul3A_507 = vector.broadcast %squeeze3A_393 : f32 to vector<16xf32>
        %mul3A_508 = arith.mulf %mul3A_507, %get3A_279 : vector<16xf32>
        %add3A_509 = arith.addf %add3A_506, %mul3A_508 : vector<16xf32>
        %max3A_510 = arith.constant 0.000000e+00 : f32
        %max3A_511 = vector.broadcast %max3A_510 : f32 to vector<16xf32>
        %max3A_512 = arith.maximumf %add3A_509, %max3A_511 : vector<16xf32>
        %swap3A_513 = arith.index_cast %scan3A_385 : i32 to index
        %swap3A_514 = arith.constant 96 : index
        %swap3A_515 = tpu.vector_load %arg21[%swap3A_513, %swap3A_514] {strides = array<i32>} : memref<64x128xf32, #tpu.memory_space<vmem>>, vector<1x16xf32>,
        %swap3A_516 = vector.shape_cast %swap3A_515 : vector<1x16xf32> to vector<16xf32>
        %swap3A_517 = vector.shape_cast %max3A_512 : vector<16xf32> to vector<1x16xf32>
        tpu.vector_store %arg21[%swap3A_513, %swap3A_514], %swap3A_517 {strides = array<i32>} : memref<64x128xf32, #tpu.memory_space<vmem>>, vector<1x16xf32>,
        %get3A_518 = arith.index_cast %scan3A_385 : i32 to index
        %get3A_519 = arith.constant 112 : index
        %get3A_520 = tpu.vector_load %arg21[%get3A_518, %get3A_519] {strides = array<i32>} : memref<64x128xf32, #tpu.memory_space<vmem>>, vector<1x16xf32>,
        %get3A_521 = vector.shape_cast %get3A_520 : vector<1x16xf32> to vector<16xf32>
        %mul3A_522 = vector.broadcast %squeeze3A : f32 to vector<16xf32>
        %mul3A_523 = arith.mulf %mul3A_522, %get3A_244 : vector<16xf32>
        %add3A_524 = arith.addf %get3A_521, %mul3A_523 : vector<16xf32>
        %mul3A_525 = vector.broadcast %squeeze3A_393 : f32 to vector<16xf32>
        %mul3A_526 = arith.mulf %mul3A_525, %get3A_284 : vector<16xf32>
        %add3A_527 = arith.addf %add3A_524, %mul3A_526 : vector<16xf32>
        %max3A_528 = arith.constant 0.000000e+00 : f32
        %max3A_529 = vector.broadcast %max3A_528 : f32 to vector<16xf32>
        %max3A_530 = arith.maximumf %add3A_527, %max3A_529 : vector<16xf32>
        %swap3A_531 = arith.index_cast %scan3A_385 : i32 to index
        %swap3A_532 = arith.constant 112 : index
        %swap3A_533 = tpu.vector_load %arg21[%swap3A_531, %swap3A_532] {strides = array<i32>} : memref<64x128xf32, #tpu.memory_space<vmem>>, vector<1x16xf32>,
        %swap3A_534 = vector.shape_cast %swap3A_533 : vector<1x16xf32> to vector<16xf32>
        %swap3A_535 = vector.shape_cast %max3A_530 : vector<16xf32> to vector<1x16xf32>
        tpu.vector_store %arg21[%swap3A_531, %swap3A_532], %swap3A_535 {strides = array<i32>} : memref<64x128xf32, #tpu.memory_space<vmem>>, vector<1x16xf32>,
      }
      %scan3A_384 = arith.constant 64 : i32
      "tpu.region"() ({
        %run_scoped3A = tpu.sem_alloc : memref<!tpu.dma_semaphore, #tpu.memory_space<semaphore_mem>>
        %dma_start3A_385 = tpu.memref_slice %arg3[%add3A_188] : memref<160000xi32, #tpu.memory_space<hbm>> -> memref<64xi32, #tpu.memory_space<hbm>>
        %dma_start3A_386 = tpu.memref_slice %arg3[%add3A_188] : memref<160000xi32, #tpu.memory_space<hbm>> -> memref<64xi32, #tpu.memory_space<hbm>>
        tpu.enqueue_dma source(%dma_start3A_386 : memref<64xi32, #tpu.memory_space<hbm>>) target(%arg12 : memref<64xi32, #tpu.memory_space<vmem>>) target_semaphore(%run_scoped3A : memref<!tpu.dma_semaphore, #tpu.memory_space<semaphore_mem>>)
        %dma_wait3A_387 = tpu.memref_slice %arg3[%add3A_188] : memref<160000xi32, #tpu.memory_space<hbm>> -> memref<64xi32, #tpu.memory_space<hbm>>
        %dma_wait3A_388 = tpu.memref_slice %arg3[%add3A_188] : memref<160000xi32, #tpu.memory_space<hbm>> -> memref<64xi32, #tpu.memory_space<hbm>>
        tpu.wait_dma2 semaphore(%run_scoped3A : memref<!tpu.dma_semaphore, #tpu.memory_space<semaphore_mem>>) src(%dma_wait3A_388 : memref<64xi32, #tpu.memory_space<hbm>>) dst(%arg12 : memref<64xi32, #tpu.memory_space<vmem>>)
        tpu.yield
      }) : () -> ()
      "tpu.region"() ({
        %run_scoped3A = tpu.sem_alloc : memref<!tpu.dma_semaphore, #tpu.memory_space<semaphore_mem>>
        %dma_start3A_385 = arith.constant 0 : i32
        %dma_start3A_386 = arith.constant 0 : i32
        %dma_start3A_387 = tpu.memref_slice %arg25[%dma_start3A_385, %dma_start3A_386] : memref<10000x128xf32, #tpu.memory_space<vmem_shared>> -> memref<10000x128xf32, #tpu.memory_space<vmem_shared>>
        tpu.enqueue_indirect_dma source(%arg21 : memref<64x128xf32, #tpu.memory_space<vmem>>) target(%dma_start3A_387 : memref<10000x128xf32, #tpu.memory_space<vmem_shared>>) offsets(%arg12 : memref<64xi32, #tpu.memory_space<vmem>>) semaphore(%run_scoped3A : memref<!tpu.dma_semaphore, #tpu.memory_space<semaphore_mem>>) {add = true}
        %dma_wait3A_388 = arith.constant 0 : i32
        %dma_wait3A_389 = arith.constant 0 : i32
        %dma_wait3A_390 = tpu.memref_slice %arg25[%dma_wait3A_388, %dma_wait3A_389] : memref<10000x128xf32, #tpu.memory_space<vmem_shared>> -> memref<10000x128xf32, #tpu.memory_space<vmem_shared>>
        tpu.wait_indirect_dma semaphore(%run_scoped3A : memref<!tpu.dma_semaphore, #tpu.memory_space<semaphore_mem>>) src(%arg21 : memref<64x128xf32, #tpu.memory_space<vmem>>) dst(%dma_wait3A_390 : memref<10000x128xf32, #tpu.memory_space<vmem_shared>>)
        tpu.yield
      }) : () -> ()
    } else {
    }
    %barrier3A_350 = arith.constant 0 : index
    tpu.barrier barrier_id(%barrier3A_350)
    %mul3A_351 = arith.constant 10000 : i32
    %mul3A_352 = arith.muli %arg0, %mul3A_351 : i32
    %mul3A_353 = arith.constant 624 : i32
    %mul3A_354 = arith.muli %arg1, %mul3A_353 : i32
    %mul3A_355 = arith.constant 624 : i32
    %mul3A_356 = arith.muli %arg1, %mul3A_355 : i32
    %add3A_357 = arith.addi %mul3A_352, %mul3A_356 : i32
    "tpu.region"() ({
      %run_scoped3A = tpu.sem_alloc : memref<!tpu.dma_semaphore, #tpu.memory_space<semaphore_mem>>
      %dma_start3A_363 = arith.constant 0 : i32
      %dma_start3A_364 = tpu.memref_slice %arg10[%add3A_357, %dma_start3A_363] : memref<20000x128xf32, #tpu.memory_space<hbm>> -> memref<624x128xf32, #tpu.memory_space<hbm>>
      %dma_start3A_365 = arith.constant 0 : i32
      %dma_start3A_366 = tpu.memref_slice %arg25[%mul3A_354, %dma_start3A_365] : memref<10000x128xf32, #tpu.memory_space<vmem_shared>> -> memref<624x128xf32, #tpu.memory_space<vmem_shared>>
      tpu.enqueue_dma source(%dma_start3A_366 : memref<624x128xf32, #tpu.memory_space<vmem_shared>>) target(%dma_start3A_364 : memref<624x128xf32, #tpu.memory_space<hbm>>) target_semaphore(%run_scoped3A : memref<!tpu.dma_semaphore, #tpu.memory_space<semaphore_mem>>)
      %dma_wait3A_367 = arith.constant 0 : i32
      %dma_wait3A_368 = tpu.memref_slice %arg10[%add3A_357, %dma_wait3A_367] : memref<20000x128xf32, #tpu.memory_space<hbm>> -> memref<624x128xf32, #tpu.memory_space<hbm>>
      %dma_wait3A_369 = arith.constant 0 : i32
      %dma_wait3A_370 = tpu.memref_slice %arg25[%mul3A_354, %dma_wait3A_369] : memref<10000x128xf32, #tpu.memory_space<vmem_shared>> -> memref<624x128xf32, #tpu.memory_space<vmem_shared>>
      tpu.wait_dma2 semaphore(%run_scoped3A : memref<!tpu.dma_semaphore, #tpu.memory_space<semaphore_mem>>) src(%dma_wait3A_370 : memref<624x128xf32, #tpu.memory_space<vmem_shared>>) dst(%dma_wait3A_368 : memref<624x128xf32, #tpu.memory_space<hbm>>)
      tpu.yield
    }) : () -> ()
    %eq3A_358 = arith.constant 15 : i32
    %eq3A_359 = arith.cmpi eq, %arg1, %eq3A_358 : i32
    %convert_element_type3A_360 = arith.extui %eq3A_359 : i1 to i32
    %cond3A_361 = arith.constant 0 : i32
    %cond3A_362 = arith.cmpi ne, %convert_element_type3A_360, %cond3A_361 : i32
    scf.if %cond3A_362 {
      %add3A_363 = arith.constant 9984 : i32
      %add3A_364 = arith.addi %mul3A_352, %add3A_363 : i32
      "tpu.region"() ({
        %run_scoped3A = tpu.sem_alloc : memref<!tpu.dma_semaphore, #tpu.memory_space<semaphore_mem>>
        %dma_start3A_365 = arith.constant 0 : i32
        %dma_start3A_366 = tpu.memref_slice %arg10[%add3A_364, %dma_start3A_365] : memref<20000x128xf32, #tpu.memory_space<hbm>> -> memref<16x128xf32, #tpu.memory_space<hbm>>
        %dma_start3A_367 = arith.constant 9984 : i32
        %dma_start3A_368 = arith.constant 0 : i32
        %dma_start3A_369 = tpu.memref_slice %arg25[%dma_start3A_367, %dma_start3A_368] : memref<10000x128xf32, #tpu.memory_space<vmem_shared>> -> memref<16x128xf32, #tpu.memory_space<vmem_shared>>
        tpu.enqueue_dma source(%dma_start3A_369 : memref<16x128xf32, #tpu.memory_space<vmem_shared>>) target(%dma_start3A_366 : memref<16x128xf32, #tpu.memory_space<hbm>>) target_semaphore(%run_scoped3A : memref<!tpu.dma_semaphore, #tpu.memory_space<semaphore_mem>>)
        %dma_wait3A_370 = arith.constant 0 : i32
        %dma_wait3A_371 = tpu.memref_slice %arg10[%add3A_364, %dma_wait3A_370] : memref<20000x128xf32, #tpu.memory_space<hbm>> -> memref<16x128xf32, #tpu.memory_space<hbm>>
        %dma_wait3A_372 = arith.constant 9984 : i32
        %dma_wait3A_373 = arith.constant 0 : i32
        %dma_wait3A_374 = tpu.memref_slice %arg25[%dma_wait3A_372, %dma_wait3A_373] : memref<10000x128xf32, #tpu.memory_space<vmem_shared>> -> memref<16x128xf32, #tpu.memory_space<vmem_shared>>
        tpu.wait_dma2 semaphore(%run_scoped3A : memref<!tpu.dma_semaphore, #tpu.memory_space<semaphore_mem>>) src(%dma_wait3A_374 : memref<16x128xf32, #tpu.memory_space<vmem_shared>>) dst(%dma_wait3A_371 : memref<16x128xf32, #tpu.memory_space<hbm>>)
        tpu.yield
      }) : () -> ()
    } else {
    }
    return
  }
}

module attributes {stable_mosaic.version = 14 : i64} {
  func.func @_prep_body(%arg0: i32, %arg1: memref<300x10000xf32, #tpu.memory_space<vmem>>, %arg2: memref<128x300xf32, #tpu.memory_space<vmem>>, %arg3: memref<1x128xf32, #tpu.memory_space<vmem>>, %arg4: memref<2x300xf32, #tpu.memory_space<vmem>>, %arg5: memref<10000x128xf32, #tpu.memory_space<vmem>>, %arg6: memref<10000x128xf32, #tpu.memory_space<vmem>>, %arg7: memref<8x128xf32, #tpu.memory_space<vmem>>) attributes {dimension_semantics = [#tpu.dimension_semantics<arbitrary>], iteration_bounds = array<i64: 4>, scalar_prefetch = 0 : i64, scratch_operands = 0 : i64, tpu.core_type = #tpu.core_type<tc>, window_params = [{pipeline_mode = #tpu.pipeline_mode<synchronous>, transform_indices = @transform_0, window_bounds = array<i64: 300, 10000>}, {transform_indices = @transform_1, window_bounds = array<i64: 128, 300>}, {transform_indices = @transform_2, window_bounds = array<i64: 1, 128>}, {pipeline_mode = #tpu.pipeline_mode<synchronous>, transform_indices = @transform_3, window_bounds = array<i64: 2, 300>}, {transform_indices = @transform_4, window_bounds = array<i64: 10000, 128>}, {transform_indices = @transform_5, window_bounds = array<i64: 10000, 128>}, {transform_indices = @transform_6, window_bounds = array<i64: 8, 128>}]} {
    %get3A = arith.constant 0 : index
    %get3A_0 = arith.constant 0 : index
    %get3A_1 = vector.load %arg2[%get3A, %get3A_0] : memref<128x300xf32, #tpu.memory_space<vmem>>, vector<128x300xf32>
    %get3A_2 = arith.constant 0 : index
    %get3A_3 = arith.constant 0 : index
    %get3A_4 = vector.load %arg1[%get3A_2, %get3A_3] : memref<300x10000xf32, #tpu.memory_space<vmem>>, vector<300x10000xf32>
    %dot_general3A = arith.constant dense<0.000000e+00> : vector<10000x128xf32>
    %dot_general3A_5 = tpu.matmul %get3A_4, %get3A_1, %dot_general3A {dimension_numbers = #tpu.dot_dimension_numbers<[0], [1], [1], [0], [0, 1, 1, 0], [], []>, transpose_lhs_hint = false} : vector<300x10000xf32>, vector<128x300xf32>, vector<10000x128xf32> -> vector<10000x128xf32>
    %get3A_6 = arith.constant 0 : index
    %get3A_7 = arith.constant 0 : index
    %get3A_8 = vector.load %arg3[%get3A_6, %get3A_7] : memref<1x128xf32, #tpu.memory_space<vmem>>, vector<1x128xf32>
    %add3A = vector.broadcast %get3A_8 : vector<1x128xf32> to vector<10000x128xf32>
    %add3A_9 = arith.addf %dot_general3A_5, %add3A : vector<10000x128xf32>
    %get3A_10 = arith.constant 0 : index
    %get3A_11 = arith.constant 0 : index
    %get3A_12 = vector.load %arg4[%get3A_10, %get3A_11] : memref<2x300xf32, #tpu.memory_space<vmem>>, vector<2x300xf32>
    %dot_general3A_13 = arith.constant dense<0.000000e+00> : vector<2x128xf32>
    %dot_general3A_14 = tpu.matmul %get3A_12, %get3A_1, %dot_general3A_13 {dimension_numbers = #tpu.dot_dimension_numbers<[1], [1], [0], [0], [0, 0, 1, 0], [], []>, transpose_lhs_hint = false} : vector<2x300xf32>, vector<128x300xf32>, vector<2x128xf32> -> vector<2x128xf32>
    %swap3A = arith.constant 0 : index
    %swap3A_15 = arith.constant 0 : index
    %swap3A_16 = vector.load %arg5[%swap3A, %swap3A_15] : memref<10000x128xf32, #tpu.memory_space<vmem>>, vector<10000x128xf32>
    tpu.vector_store %arg5[%swap3A, %swap3A_15], %add3A_9 {strides = array<i32>} : memref<10000x128xf32, #tpu.memory_space<vmem>>, vector<10000x128xf32>,
    %slice3A = vector.extract_strided_slice %dot_general3A_14 {offsets = [1, 0], sizes = [1, 128], strides = [1, 1]} : vector<2x128xf32> to vector<1x128xf32>
    %mul3A = arith.constant 4.000000e+00 : f32
    %mul3A_17 = vector.broadcast %mul3A : f32 to vector<1x128xf32>
    %mul3A_18 = arith.mulf %mul3A_17, %slice3A : vector<1x128xf32>
    %add3A_19 = vector.broadcast %mul3A_18 : vector<1x128xf32> to vector<10000x128xf32>
    %add3A_20 = arith.addf %add3A_9, %add3A_19 : vector<10000x128xf32>
    %max3A = arith.constant 0.000000e+00 : f32
    %max3A_21 = vector.broadcast %max3A : f32 to vector<10000x128xf32>
    %max3A_22 = arith.maximumf %add3A_20, %max3A_21 : vector<10000x128xf32>
    %swap3A_23 = arith.constant 0 : index
    %swap3A_24 = arith.constant 0 : index
    %swap3A_25 = vector.load %arg6[%swap3A_23, %swap3A_24] : memref<10000x128xf32, #tpu.memory_space<vmem>>, vector<10000x128xf32>
    tpu.vector_store %arg6[%swap3A_23, %swap3A_24], %max3A_22 {strides = array<i32>} : memref<10000x128xf32, #tpu.memory_space<vmem>>, vector<10000x128xf32>,
    %jit3A = arith.constant 0 : i32
    %convert_element_type3A = arith.sitofp %jit3A : i32 to f32
    %pad3A = vector.broadcast %convert_element_type3A : f32 to vector<6x128xf32>
    %pad3A_26 = tpu.concatenate %dot_general3A_14, %pad3A in 0 : vector<2x128xf32>, vector<6x128xf32> -> vector<8x128xf32>
    %swap3A_27 = arith.constant 0 : index
    %swap3A_28 = arith.constant 0 : index
    %swap3A_29 = vector.load %arg7[%swap3A_27, %swap3A_28] : memref<8x128xf32, #tpu.memory_space<vmem>>, vector<8x128xf32>
    tpu.vector_store %arg7[%swap3A_27, %swap3A_28], %pad3A_26 {strides = array<i32>} : memref<8x128xf32, #tpu.memory_space<vmem>>, vector<8x128xf32>,
    return
  }
  func.func @transform_0(%arg0: i32) -> (i32, i32) {
    %c0_i32 = arith.constant 0 : i32
    %c0_i32_0 = arith.constant 0 : i32
    %c0_i32_1 = arith.constant 0 : i32
    return %c0_i32, %c0_i32_0 : i32, i32
  }
  func.func @transform_1(%arg0: i32) -> (i32, i32) {
    %c0_i32 = arith.constant 0 : i32
    %c0_i32_0 = arith.constant 0 : i32
    return %arg0, %c0_i32 : i32, i32
  }
  func.func @transform_2(%arg0: i32) -> (i32, i32) {
    %c0_i32 = arith.constant 0 : i32
    %c0_i32_0 = arith.constant 0 : i32
    return %c0_i32, %arg0 : i32, i32
  }
  func.func @transform_3(%arg0: i32) -> (i32, i32) {
    %c0_i32 = arith.constant 0 : i32
    %c0_i32_0 = arith.constant 0 : i32
    %c0_i32_1 = arith.constant 0 : i32
    return %c0_i32, %c0_i32_0 : i32, i32
  }
  func.func @transform_4(%arg0: i32) -> (i32, i32) {
    %c0_i32 = arith.constant 0 : i32
    %c0_i32_0 = arith.constant 0 : i32
    return %arg0, %c0_i32 : i32, i32
  }
  func.func @transform_5(%arg0: i32) -> (i32, i32) {
    %c0_i32 = arith.constant 0 : i32
    %c0_i32_0 = arith.constant 0 : i32
    return %arg0, %c0_i32 : i32, i32
  }
  func.func @transform_6(%arg0: i32) -> (i32, i32) {
    %c0_i32 = arith.constant 0 : i32
    %c0_i32_0 = arith.constant 0 : i32
    return %arg0, %c0_i32 : i32, i32
  }
}

</mosaic_0001>

<sc_bundles>
// kernel: kernel.4.cloned.1.call-start
scs
__scs_entry_jumppad:
0x0: {  	(pc) =	sbr.rel $0x88, $3  }
0x1: {  	(tag) =	ssettag $0x0;
	lr =	simm.s32 $0x1  }
0x2: {  	[smem:$0x3F9B] =	sst lr;
	_ =	strace $0xD0000000  }
0x3: {  	_ = 	snop  }
0x4: {  	_ = 	snop  }
0x5: {  	_ = 	snop  }
0x6: {  	_ = 	snop  }
0x7: {  	_ = 	snop  }
__scs_overlays_trampoline_lowered:
0x8: {  	[smem:$0x3FAA] =	sst s0  }
0x9: {  	[smem:$0x3FAB] =	sst s1  }
0xa: {  	[smem:$0x3FAC] =	sst s2  }
0xb: {  	[smem:$0x3FAD] =	sst s3  }
0xc: {  	[smem:$0x3FAE] =	sst s4  }
0xd: {  	[smem:$0x3FAF] =	sst s5  }
0xe: {  	[smem:$0x3FB0] =	sst s6  }
0xf: {  	[smem:$0x3FB1] =	sst s7  }
0x10: {  	[smem:$0x3FB2] =	sst s8  }
0x11: {  	[smem:$0x3FB3] =	sst s9;
	s0 =	simm.s32 @!p0 $0x0  }
0x12: {  	s1 =	sld [smem:$0x3F99];
	s0 =	simm.s32 @p0 $0x1  }
0x13: {  	[smem:$0x3FB4] =	sst s0;
	s0 =	simm.s32 @!p1 $0x0  }
0x14: {  	s2 =	sld [smem:$0x3F98];
	s0 =	simm.s32 @p1 $0x1  }
0x15: {  	[smem:$0x3FB5] =	sst s0;
	s0 =	simm.s32 @!p2 $0x0  }
0x16: {  	s3 =	sld [smem:$0x3FDB];
	s0 =	simm.s32 @p2 $0x1  }
0x17: {  	s4 =	simm.s32 $0x1BF5;
	[smem:$0x3FB7] =	sst s0  }
0x18: {  	s0 =	sld [smem:$0x3F9A];
	_ =	swait.ge [sflag:s4], $0x0  }
0x19: {  	s7 =	sld [smem:$0x3F9B]  }
0x1a: {  	s8 =	sadd.s32 $0xFFFFE003, lr  }
0x1b: {  	s9 =	sadd.s32 $0xFFFFFEF7, lr;
	s5 =	simm.s32 $0xFFFFFFFF;
	p2 =	slt.u32 s8, $0xFFFFF086  }
0x1c: {  	p1 =	slt.u32 s9, $0xF7A;
	s5 =	simm.s32 @!p2 $0x0  }
0x1d: {  	s5 =	simm.s32 @p1 $0x1;
	p0 =	seq.s32 s7, s2  }
0x1e: {  	s7 =	smul.u32 @!p0 $0xF7A, s2;
	p2 =	seq.s32 @!p0 s5, $0x0  }
0x1f: {  	s9 =	smul.u32 $0xF7A, s1;
	s8 =	simm.s32 @!p0 $0x1BF5;
	p2 =	por !p2, p0  }
0x20: {  	[sflag:s8] =	ssyncset.s32 @!p0 $0xFFFFF086;
	s6 =	sadd.s32 @!p0 s3, s7;
	s7 =	simm.s32 @!p0 $0x108  }
0x21: {  	s3 =	sadd.s32 s3, s9;
	s6 =	sadd.s32 @!p0 $0x88, s6;
	s7 =	simm.s32 @p2 $0x1082  }
0x22: {  	[simem:s7], [sflag:s8] =	dma.local @!p0 [hbm:s6], $0xF7A  }
0x23: {  	s9 =	sor.u32 $0xD0000000, s2;
	s6 =	simm.s32 $0x108;
	_ =	swait.ge @!p0 [sflag:s8], $0x0  }
0x24: {  	s3 =	sadd.s32 $0x88, s3;
	s6 =	simm.s32 @!p1 $0x1082;
	[sflag:s4] =	ssyncset.s32 $0xFFFFF086  }
0x25: {  	[simem:s6], [sflag:s4] =	dma.local [hbm:s3], $0xF7A  }
0x26: {  	[smem:$0x3F9B] =	sst s1;
	(tag) =	ssettag s2;
	_ =	strace s9  }
0x27: {  	s1 =	sld [smem:$0x3FAB]  }
0x28: {  	s2 =	sld [smem:$0x3FAC]  }
0x29: {  	s4 =	sld [smem:$0x3FAE]  }
0x2a: {  	p0 =	seq.s32 s5, $0x0;
	s5 =	sld [smem:$0x3FAF]  }
0x2b: {  	s6 =	sld [smem:$0x3FB0]  }
0x2c: {  	s7 =	sld [smem:$0x3FB1]  }
0x2d: {  	s3 =	simm.s32 $0x108;
	s8 =	sld [smem:$0x3FB2]  }
0x2e: {  	s3 =	simm.s32 @!p0 $0x1082;
	s9 =	sld [smem:$0x3FB3]  }
0x2f: {  	lr =	sadd.s32 s0, s3;
	s0 =	sld [smem:$0x3FAA]  }
0x30: {  	s3 =	sld [smem:$0x3FAD]  }
0x31: {  	[smem:$0x3FB6] =	sst s10  }
0x32: {  	s10 =	sld [smem:$0x3FB4];
	_ =	sdelay $0x3  }
0x33: {  	p0 =	seq.s32 s10, $0x1;
	s10 =	sld [smem:$0x3FB6];
	_ =	sdelay $0x3  }
0x34: {  	[smem:$0x3FB6] =	sst s10  }
0x35: {  	s10 =	sld [smem:$0x3FB5];
	_ =	sdelay $0x3  }
0x36: {  	p1 =	seq.s32 s10, $0x1;
	s10 =	sld [smem:$0x3FB6];
	_ =	sdelay $0x3  }
0x37: {  	[smem:$0x3FB6] =	sst s10  }
0x38: {  	s10 =	sld [smem:$0x3FB7]  }
0x39: {  	_ = 	snop;
	(pc) =	sbr.ind lr, $3  }
0x3a: {  	_ = 	snop  }
0x3b: {  	_ = 	snop  }
0x3c: {  	p2 =	seq.s32 s10, $0x1;
	s10 =	sld [smem:$0x3FB6]  }
0x3d: {  	_ =	shalt  }
0x3e: {  	_ =	shalt  }
0x3f: {  	_ =	shalt  }
0x40: {  	_ =	shalt  }
0x41: {  	_ =	shalt  }
0x42: {  	_ =	shalt  }
0x43: {  	_ =	shalt  }
0x44: {  	_ =	shalt  }
0x45: {  	_ =	shalt  }
0x46: {  	_ =	shalt  }
0x47: {  	_ =	shalt  }
0x48: {  	_ =	shalt  }
0x49: {  	_ =	shalt  }
0x4a: {  	_ =	shalt  }
0x4b: {  	_ =	shalt  }
0x4c: {  	_ =	shalt  }
0x4d: {  	_ =	shalt  }
0x4e: {  	_ =	shalt  }
0x4f: {  	_ =	shalt  }
0x50: {  	_ =	shalt  }
0x51: {  	_ =	shalt  }
0x52: {  	_ =	shalt  }
0x53: {  	_ =	shalt  }
0x54: {  	_ =	shalt  }
0x55: {  	_ =	shalt  }
0x56: {  	_ =	shalt  }
0x57: {  	_ =	shalt  }
0x58: {  	_ =	shalt  }
0x59: {  	_ =	shalt  }
0x5a: {  	_ =	shalt  }
0x5b: {  	_ =	shalt  }
0x5c: {  	_ =	shalt  }
0x5d: {  	_ =	shalt  }
0x5e: {  	_ =	shalt  }
0x5f: {  	_ =	shalt  }
0x60: {  	_ =	shalt  }
0x61: {  	_ =	shalt  }
0x62: {  	_ =	shalt  }
0x63: {  	_ =	shalt  }
0x64: {  	_ =	shalt  }
0x65: {  	_ =	shalt  }
0x66: {  	_ =	shalt  }
0x67: {  	_ =	shalt  }
0x68: {  	_ =	shalt  }
0x69: {  	_ =	shalt  }
0x6a: {  	_ =	shalt  }
0x6b: {  	_ =	shalt  }
0x6c: {  	_ =	shalt  }
0x6d: {  	_ =	shalt  }
0x6e: {  	_ =	shalt  }
0x6f: {  	_ =	shalt  }
0x70: {  	_ =	shalt  }
0x71: {  	_ =	shalt  }
0x72: {  	_ =	shalt  }
0x73: {  	_ =	shalt  }
0x74: {  	_ =	shalt  }
0x75: {  	_ =	shalt  }
0x76: {  	_ =	shalt  }
0x77: {  	_ =	shalt  }
0x78: {  	_ =	shalt  }
0x79: {  	_ =	shalt  }
0x7a: {  	_ =	shalt  }
0x7b: {  	_ =	shalt  }
0x7c: {  	_ =	shalt  }
0x7d: {  	_ =	shalt  }
0x7e: {  	_ =	shalt  }
0x7f: {  	_ =	shalt  }
0x80: {  	_ =	shalt  }
0x81: {  	_ =	shalt  }
0x82: {  	_ =	shalt  }
0x83: {  	_ =	shalt  }
0x84: {  	_ =	shalt  }
0x85: {  	_ =	shalt  }
0x86: {  	_ =	shalt  }
0x87: {  	_ =	shalt  }
.Lfunc_end0:
.L_simem_size_0:
called_computation_lowered:
.L_overlay_start_0:
0x88: {  	s2 =	sld [smem:$0x3FD9]  }
0x89: {  	s3 =	sld [smem:$0x3FFE];
	_ =	sdelay $0x1  }
0x8a: {  	s1 =	srdreg.scid  }
0x8b: {  	s0 =	sand.u32 $0x1, s1  }
0x8c: {  	s17 =	sshll.u32 s0, $0xA;
	s2 =	sadd.s32 s3, s2  }
0x8d: {  	s2 =	sadd.s32 s2, s17  }
0x8e: {  	[smem:$0x3FC2] =	sst s2  }
0x8f: {  	_ = 	snop  }
0x90: {  	s2 =	sld [smem:$0x3FD0];
	(tm) =	ssettm $0x1  }
0x91: {  	s18 =	sld [smem:$0x3FFB];
	_ =	sdelay $0x3  }
0x92: {  	_ =	strace s18  }
0x93: {  	s3 =	sld [smem:$0x3FFC];
	_ =	sdelay $0x3  }
0x94: {  	_ =	strace s3  }
0x95: {  	s3 =	sld [smem:$0x3FFD];
	_ =	sdelay $0x3  }
0x96: {  	_ =	strace s3  }
0x97: {  	_ =	strace $0x8FFFFFFF  }
0x98: {  	s19 =	sld [smem:$0x3FDB];
	_ =	sdelay $0x1  }
0x99: {  	s4 =	simm.s32 $_scs_section_size  }
0x9a: {  	s5 =	simm.s32 $_size__tile_overlayer_lowered;
	s6 =	simm.s32 $_tile_overlayer_lowered  }
0x9b: {  	s22 =	simm.s32 $0x1BFF;
	s21 =	sshll.u32 s6, $0x1;
	s3 =	sadd.s32 s4, s19  }
0x9c: {  	s7 =	simm.s32 $0x0;
	s20 =	sshll.u32 s5, $0x1;
	s5 =	sadd.s32 s21, s3  }
0x9d: {  	[timem:s7], [sflag:s22] =	dma.local [hbm:s5], s20  }
0x9e: {  	_ =	swait.ge [sflag:s22], s20  }
0x9f: {  	s4 =	ssub.s32 $0x0, s20;
	[sflag:s22] =	ssyncset.done $0x0  }
0xa0: {  	[sflag:s22] =	ssyncadd.s32 s4;
	_ =	sdelay $0x1  }
0xa1: {  	s23 =	simm.s32 $0x1B8B  }
0xa2: {  	_ =	swait.ge [sflag:s23], $0x1  }
0xa3: {  	[sflag:s23] =	ssyncset.done $0x0  }
0xa4: {  	s25 =	simm.s32 $0x1B8E;
	s24 =	sld [smem:$0x3FFE];
	[sflag:s23] =	ssyncadd.s32 $0xFFFFFFFF  }
0xa5: {  	s26 =	simm.s32 $execute0_lowered;
	[smem:$0x3FD2] =	sst s25  }
0xa6: {  	s5 =	sshll.u32 s26, $0x1;
	_ =	strace $0x80000046;
	[dreg:$0x1] =	wrdreg $0xFFFFFFFF  }
0xa7: {  	s28 =	simm.s32 $_size_execute0_lowered;
	s3 =	sadd.s32 s3, s5;
	[dreg:$0x0] =	wrdreg $0x0  }
0xa8: {  	s5 =	sshll.u32 s28, $0x1;
	[dreg:$0x2] =	wrdreg s3  }
0xa9: {  	[dreg:$0x3] =	wrdreg s5  }
0xaa: {  	[dreg:$0x4] =	wrdreg $0xC0  }
0xab: {  	_ =	task [dreg:s7], $0x5FFFF  }
0xac: {  	[dreg:$0x1] =	wrdreg $0xFFFFFFFF  }
0xad: {  	[dreg:$0x0] =	wrdreg $0x60  }
0xae: {  	[dreg:$0x2] =	wrdreg s24  }
0xaf: {  	[dreg:$0x3] =	wrdreg s2  }
0xb0: {  	[dreg:$0x4] =	wrdreg $0x8F800  }
0xb1: {  	[dreg:$0x5] =	wrdreg $0x9  }
0xb2: {  	_ =	task.clear_ibuf [dreg:s7], $0x6FFFF;
	_ =	strace $0x90000046  }
0xb3: {  	s29 =	simm.s32 $0x9;
	_ =	strace $0x80000048  }
0xb4: {  	_ =	swait.ge [sflag:s29], $0x1  }
0xb5: {  	[sflag:s29] =	ssyncadd.s32 $0xFFFFFFFF  }
0xb6: {  	_ =	strace $0x90000048  }
0xb7: {  	_ =	sfence  }
0xb8: {  	s30 =	sld [smem:$0x0];
	_ =	sdelay $0x2  }
0xb9: {  	s31 =	sshll.u32 s1, $0xD;
	s1 =	sshrl.u32 s1, $0x2  }
0xba: {  	s3 =	sand.u32 $0x4000, s31;
	s1 =	sadd.s32 s1, s30  }
0xbb: {  	s0 =	sor.u32 s3, s0;
	s1 =	sshll.u32 s1, $0x11  }
0xbc: {  	s0 =	sor.u32 s1, s0  }
0xbd: {  	s0 =	sadd.s32 $0x8F2B, s0  }
0xbe: {  	[sflag:s0] =	ssyncadd.remote.s32 $0x1  }
0xbf: {  	_ =	sfence.sel $0xFFFF  }
0xc0: {  	[dreg:$0x0] =	wrdreg $0xFFFFFFFF;
	(pc) =	sbr.abs _section_cstart, $3  }
0xc1: {  	[dreg:$0x1] =	wrdreg $0xFFFFFFFF  }
0xc2: {  	_ =	task.clear_ibuf [dreg:s7], $0x2FFFF;
	_ =	strace $0x9FFFFFFF  }
0xc3: {  	(tm) =	ssettm $0x7FFFFFFF  }
tec
execute0_lowered:
.L_overlay_start_1:
0x0: {  	(tag) =	ssettag $0x1  }
0x1: {  	s1 =	rddreg [dreg:$0x0]  }
0x2: {  	s5 =	rddreg [dreg:$0x1]  }
0x3: {  	s2 =	rddreg [dreg:$0x2]  }
0x4: {  	s3 =	simm.s32 $0x0;
	s7 =	srdreg.scid;
	s19 =	stileid.u32  }
0x5: {  	[smem:$0x7FF] =	sst s3;
	s12 =	smul.u32 $0x4E000, s19  }
0x6: {  	s0 =	sadd.s32 $0x5000, s1;
	s4 =	sadd.s32 $0xF000, s1;
	s15 =	smul.u32 $0x270, s19  }
0x7: {  	s6 =	sadd.s32 $0xA000, s1;
	s9 =	sand.u32 $0x1, s7;
	s31 =	smul.u32 $0x1380, s19  }
0x8: {  	s8 =	sadd.s32 $0xB0400, s1;
	s17 =	sshll.u32 s19, $0x6;
	s10 =	smul.u32 $0x2710, s9  }
0x9: {  	_ =	strace $0x80000047;
	s7 =	sshll.u32 s9, $0x7;
	s24 =	smul.u32 $0x138800, s9  }
0xa: {  	s23 =	ssub.s32 $0x2, s9;
	s9 =	smul.u32 $0x13880, s9;
	s29 =	sor.u32 $0x1C0D, s17  }
0xb: {  	s11 =	sadd.s32 s7, s1;
	s13 =	sshrl.u32 s23, $0x1;
	s12 =	sshrl.u32 s12, $0x2  }
0xc: {  	s7 =	smul.u32 $0x2700, s19;
	[dreg:$0x6] =	wrdreg s29;
	s16 =	ssub.s32 s23, s13  }
0xd: {  	s12 =	sadd.s32 s12, s2;
	s25 =	sadd.s32 s15, s10;
	s26 =	sshrl.u32 s24, $0x3  }
0xe: {  	s11 =	sadd.s32 $0x14C800, s11;
	[dreg:$0x4] =	wrdreg s12;
	s18 =	sadd.s32 $0x27000, s26  }
0xf: {  	[dreg:$0x8] =	wrdreg s11;
	s22 =	sshrl.u32 s7, $0x3;
	s21 =	sadd.s32 s8, s18  }
0x10: {  	s12 =	sshll.u32 s25, $0x4;
	s23 =	sadd.s32 s0, s22;
	[dreg:$0x7] =	wrdreg s21  }
0x11: {  	s14 =	sadd.s32 $0x14CA00, s1;
	s24 =	sadd.s32 s5, s12;
	[dreg:$0x9] =	wrdreg s23  }
0x12: {  	s13 =	sadd.s32 s31, s9;
	s5 =	sadd.s32 s5, s18;
	[dreg:$0xa] =	wrdreg s24  }
0x13: {  	s20 =	sadd.s32 s8, s12;
	s25 =	sadd.s32 s14, s12;
	[dreg:$0xb] =	wrdreg s5  }
0x14: {  	s8 =	sadd.s32 s8, s26;
	s26 =	sadd.s32 s14, s18;
	[dreg:$0xc] =	wrdreg s25  }
0x15: {  	s9 =	sadd.s32 s17, s9;
	s31 =	sadd.s32 s1, s22;
	[dreg:$0xd] =	wrdreg s26  }
0x16: {  	s17 =	sshll.u32 s19, $0x3;
	s12 =	sadd.s32 s4, s22;
	[dreg:$0xe] =	wrdreg s31  }
0x17: {  	s11 =	sor.u32 $0x4E00, s17;
	s14 =	sadd.s32 s6, s22;
	[dreg:$0xf] =	wrdreg s12  }
0x18: {  	s15 =	sor.u32 $0x8, s22;
	s22 =	sadd.s32 s0, s11;
	[dreg:$0x10] =	wrdreg s14  }
0x19: {  	s28 =	simm.s32 $0x2800;
	[dreg:$0x14] =	wrdreg s22  }
0x1a: {  	s30 =	simm.s32 $0x0;
	s18 =	sadd.s32 s1, s15;
	[dreg:$0x5] =	wrdreg s20  }
0x1b: {  	p0 =	sne.s32 s19, $0xF;
	s21 =	sadd.s32 s4, s15;
	[dreg:$0x11] =	wrdreg s18  }
0x1c: {  	p1 =	sgt.u32 s19, $0x3;
	s5 =	sadd.s32 s6, s15;
	[dreg:$0x12] =	wrdreg s21  }
0x1d: {  	p2 =	sgt.u32 s19, $0x1;
	s23 =	sadd.s32 s4, s11;
	[dreg:$0x13] =	wrdreg s5  }
0x1e: {  	s19 =	simm.s32 $0x40;
	s24 =	sadd.s32 s6, s11;
	[dreg:$0x15] =	wrdreg s23  }
0x1f: {  	v0 =	vmov s10;
	s10 =	simm.s32 $0xB;
	s25 =	sadd.s32 s1, s11;
	[dreg:$0x16] =	wrdreg s24  }
0x20: {  	s26 =	sshrl.u32 s13, $0x3;
	s8 =	sadd.s32 $0x75200, s8;
	[dreg:$0x17] =	wrdreg s25  }
0x21: {  	s9 =	sadd.s32 $0x13800, s9;
	[dreg:$0x18] =	wrdreg s8;
	s31 =	sadd.s32 s0, s26  }
0x22: {  	s15 =	sshrl.u32 s9, $0x3;
	s11 =	sadd.s32 s1, s26;
	[dreg:$0x19] =	wrdreg s31  }
0x23: {  	s9 =	simm.s32 $0x5;
	s12 =	sadd.s32 s4, s26;
	[dreg:$0x1a] =	wrdreg s11  }
0x24: {  	s14 =	sor.u32 $0x8, s26;
	s5 =	sadd.s32 s6, s26;
	[dreg:$0x1b] =	wrdreg s12  }
0x25: {  	s0 =	sadd.s32 s0, s15;
	s21 =	sadd.s32 s4, s15;
	[dreg:$0x1c] =	wrdreg s5  }
0x26: {  	s22 =	sadd.s32 s6, s15;
	s23 =	sadd.s32 s1, s15;
	[smem:$0x7F6] =	sst s0  }
0x27: {  	s24 =	smax.u32 s16, $0x1;
	s25 =	sadd.s32 $0x138000, s2;
	[smem:$0x7F7] =	sst s21  }
0x28: {  	s26 =	sadd.s32 $0x4E200, s20;
	s20 =	simm.s32 $0xD;
	[smem:$0x7F8] =	sst s22  }
0x29: {  	s16 =	simm.s32 $0x8;
	s15 =	simm.s32 $0x9;
	[smem:$0x7F9] =	sst s23  }
0x2a: {  	s17 =	sadd.s32 s1, s14;
	s18 =	sadd.s32 s4, s14;
	[smem:$0x7FA] =	sst s24  }
0x2b: {  	s8 =	sadd.s32 s6, s14;
	s12 =	sadd.s32 $0x14000, s1;
	[smem:$0x7FB] =	sst s25  }
0x2c: {  	[smem:$0x7FC] =	sst s26;
	s31 =	sadd.s32 $0x14C900, s1;
	s21 =	simm.s32 $0x2700  }
.Ltmp0:
0x2d: {  	s23 =	simm.s32 $0x4B80;
	s24 =	simm.s32 $0x2780;
	(pc) =	sbr.rel .LBB2_1-.Ltmp0, $4  }
0x2e: {  	s0 =	simm.s32 $0x1;
	s5 =	simm.s32 $0x7;
	[dreg:$0x1d] =	wrdreg s17  }
0x2f: {  	s25 =	simm.s32 $0x4;
	s26 =	simm.s32 $0x6B80;
	[dreg:$0x1e] =	wrdreg s18  }
0x30: {  	s14 =	simm.s32 $0x2;
	s22 =	simm.s32 $0x3;
	[dreg:$0x1f] =	wrdreg s8  }
0x31: {  	[smem:$0x7FD] =	sst s31;
	s18 =	simm.s32 $0xA;
	s8 =	simm.s32 $0x6  }
.LBB2_31:
0x32: {  	[bflag:$0x0] =	sbarrier.arrive $0xFFFF  }
0x33: {  	s17 =	sld [smem:$0x7F4]  }
0x34: {  	s29 =	rddreg [dreg:$0x6]  }
0x35: {  	s11 =	rddreg [dreg:$0xc]  }
0x36: {  	[hbm:s11], [sflag:s29] =	dma.local [spmem:s17], $0x2700  }
0x37: {  	_ =	swait.ge [sflag:s20], $0x2700  }
0x38: {  	s17 =	sld [smem:$0x7F5]  }
0x39: {  	[sflag:s20] =	ssyncset.done $0x0  }
0x3a: {  	s11 =	rddreg [dreg:$0xd];
	[sflag:s20] =	ssyncadd.s32 $0xFFFFD900  }
0x3b: {  	[hbm:s11], [sflag:s29] =	dma.local @!p0 [spmem:s17], $0x100  }
0x3c: {  	s11 =	simm.s32 @!p0 $0xD  }
0x3d: {  	_ =	swait.ge @!p0 [sflag:s11], $0x100  }
0x3e: {  	s31 =	sld [smem:$0x7FA];
	_ =	sdelay $0x1  }
0x3f: {  	s30 =	sadd.s32 $0x1, s30  }
0x40: {  	p3 =	sne.s32 s30, s31  }
.Ltmp1:
0x41: {  	_ = 	snop;
	(pc) =	sbr.rel @!p3 .LBB2_32-.Ltmp1, $3  }
0x42: {  	_ =	sdelay $0x1  }
0x43: {  	[sflag:s11] =	ssyncset.done @!p0 $0x0  }
0x44: {  	[sflag:s11] =	ssyncadd.s32 @!p0 $0xFFFFFF00  }
.LBB2_1:
0x45: {  	[smem:$0x7F3] =	sst s30  }
0x46: {  	s11 =	rddreg [dreg:$0x4]  }
0x47: {  	s31 =	rddreg [dreg:$0x5];
	s17 =	sshrl.u32 s11, $0x3  }
0x48: {  	[smem:$0x7F4] =	sst s17  }
0x49: {  	[spmem:s17], [sflag:s29] =	dma.local [hbm:s31], $0x2700  }
0x4a: {  	_ =	swait.ge [sflag:s20], $0x2700  }
0x4b: {  	s11 =	sld [smem:$0x7FB];
	_ =	sdelay $0x2  }
0x4c: {  	[sflag:s20] =	ssyncset.done $0x0;
	s17 =	sshrl.u32 @!p0 s11, $0x3;
	s11 =	rddreg [dreg:$0x7]  }
0x4d: {  	[sflag:s20] =	ssyncadd.s32 $0xFFFFD900;
	[smem:$0x7F5] =	sst s17  }
0x4e: {  	[spmem:s17], [sflag:s29] =	dma.local @!p0 [hbm:s11], $0x100  }
0x4f: {  	s11 =	simm.s32 @!p0 $0xD  }
0x50: {  	_ =	swait.ge @!p0 [sflag:s11], $0x100  }
0x51: {  	[sflag:s11] =	ssyncset.done @!p0 $0x0  }
0x52: {  	s30 =	simm.s32 $0x8B80;
	s29 =	rddreg [dreg:$0x8];
	[sflag:s11] =	ssyncadd.s32 @!p0 $0xFFFFFF00  }
0x53: {  	[tilespmem:s30], [sflag:$0xD] =	stream.linear.gather [hbm4b:s29+s3], $0x400, $0x38;
	[tilespmem:$0x1C800] =	vst v63  }
0x54: {  	_ =	swait.ge [sflag:s20], $0x400  }
0x55: {  	[sflag:s20] =	ssyncset.done $0x0  }
0x56: {  	s31 =	rddreg [dreg:$0x9];
	[sflag:s20] =	ssyncadd.s32 $0xFFFFFC00  }
0x57: {  	[tilespmem:s3], [sflag:$0xD] =	stream.linear.gather [hbm4b:s31+s3], $0x2700, $0x38;
	[tilespmem:$0x1C800] =	vst v63  }
0x58: {  	_ =	swait.ge [sflag:s20], $0x2700  }
0x59: {  	[sflag:s20] =	ssyncset.done $0x0  }
0x5a: {  	s17 =	simm.s32 $0x0;
	s11 =	simm.s32 $0x40;
	[sflag:s20] =	ssyncadd.s32 $0xFFFFD900  }
.LBB2_2:
0x5b: {  	p3 =	sne.s32 s11, $0x9BC0;
	v1 =	vld [tilespmem:s17+$0x0];
	_ =	sdelay $0x1  }
.Ltmp2:
0x5c: {  	(pc) =	sbr.rel @p3 .LBB2_2-.Ltmp2, $3  }
0x5d: {  	_ =	sdelay $0x1  }
0x5e: {  	v1 =	vadd.s32 v0, v1  }
0x5f: {  	[tilespmem:s17+$0x0] =	vst v1;
	s17 =	sshra.s32 s11, $0x2;
	s11 =	sadd.s32 $0x40, s11  }
0x60: {  	v1 =	vld [tilespmem:s17+$0x0];
	_ =	sdelay $0x4  }
0x61: {  	v1 =	vadd.s32 v0, v1  }
0x62: {  	[tilespmem:s17+$0x0] =	vst v1  }
0x63: {  	v1 =	vld [tilespmem:$0x8B80]  }
0x64: {  	v10 =	vld [tilespmem:$0x8B90]  }
0x65: {  	v11 =	vld [tilespmem:$0x8BA0]  }
0x66: {  	v12 =	vld [tilespmem:$0x8BB0]  }
0x67: {  	v13 =	vld [tilespmem:$0x8BC0]  }
0x68: {  	v7 =	vld [tilespmem:$0x8BD0]  }
0x69: {  	v5 =	vld [tilespmem:$0x8BE0]  }
0x6a: {  	v3 =	vld [tilespmem:$0x8BF0]  }
0x6b: {  	v2 =	vld [tilespmem:$0x8C00]  }
0x6c: {  	v14 =	vld [tilespmem:$0x8C10]  }
0x6d: {  	v16 =	vld [tilespmem:$0x8C20]  }
0x6e: {  	v15 =	vld [tilespmem:$0x8C30]  }
0x6f: {  	v9 =	vld [tilespmem:$0x8C40]  }
0x70: {  	v8 =	vld [tilespmem:$0x8C50]  }
0x71: {  	v6 =	vld [tilespmem:$0x8C60]  }
0x72: {  	s11 =	simm.s32 $0x2B80;
	s17 =	simm.s32 $0x0;
	v4 =	vld [tilespmem:$0x8C70];
	[bflag:$0x0] =	sbarrier.arrive $0xFFFF  }
0x73: {  	[tilespmem:s11], [sflag:$0x1] =	stream.indirect.gather [hbm4b:s12+s19], $0x80, s17, s19, $0xb8;
	[tilespmem:$0x1C800] =	vst v63  }
0x74: {  	s30 =	rddreg [dreg:$0xe]  }
0x75: {  	[tilespmem:s21], [sflag:$0x4] =	stream.linear.gather [hbm4b:s30+s17], $0x40, $0x38;
	[tilespmem:$0x1C800] =	vst v63  }
0x76: {  	s20 =	simm.s32 $0x2880;
	s31 =	rddreg [dreg:$0xf]  }
0x77: {  	[tilespmem:s20], [sflag:$0x7] =	stream.linear.gather [hbm4b:s31+s17], $0x40, $0x38;
	[tilespmem:$0x1C800] =	vst v63  }
0x78: {  	s29 =	rddreg [dreg:$0x10];
	s30 =	simm.s32 $0x2A00  }
0x79: {  	[tilespmem:s30], [sflag:$0x7] =	stream.linear.gather [hbm4b:s29+s17], $0x40, $0x38;
	[tilespmem:$0x1C800] =	vst v63  }
0x7a: {  	_ = 	snop  }
0x7b: {  	[tilespmem:s23], [sflag:$0x2] =	stream.indirect.gather [hbm4b:s12+s19], $0x80, s19, s19, $0xb8;
	[tilespmem:$0x1C800] =	vst v63  }
0x7c: {  	s31 =	rddreg [dreg:$0x11]  }
0x7d: {  	[tilespmem:s24], [sflag:$0x5] =	stream.linear.gather [hbm4b:s31+s17], $0x40, $0x38;
	[tilespmem:$0x1C800] =	vst v63  }
0x7e: {  	s20 =	rddreg [dreg:$0x12];
	s29 =	simm.s32 $0x2900  }
0x7f: {  	[tilespmem:s29], [sflag:$0x8] =	stream.linear.gather [hbm4b:s20+s17], $0x40, $0x38;
	[tilespmem:$0x1C800] =	vst v63  }
0x80: {  	s30 =	rddreg [dreg:$0x13];
	s31 =	simm.s32 $0x2A80  }
0x81: {  	[tilespmem:s31], [sflag:$0x8] =	stream.linear.gather [hbm4b:s30+s17], $0x40, $0x38;
	[tilespmem:$0x1C800] =	vst v63  }
.LBB2_4:
0x82: {  	_ =	swait.ge [sflag:s0], $0x2000  }
0x83: {  	[sflag:s0] =	ssyncset.done $0x0  }
0x84: {  	[sflag:s0] =	ssyncadd.s32 $0xFFFFE000  }
0x85: {  	_ =	swait.ge [sflag:s5], $0x40  }
0x86: {  	[sflag:s5] =	ssyncset.done $0x0  }
0x87: {  	[sflag:s5] =	ssyncadd.s32 $0xFFFFFFC0  }
0x88: {  	_ =	swait.ge [sflag:s5], $0x40  }
0x89: {  	[sflag:s5] =	ssyncset.done $0x0  }
0x8a: {  	s11 =	simm.s32 $0x0;
	[sflag:s5] =	ssyncadd.s32 $0xFFFFFFC0  }
0x8b: {  	v17 =	vld.msk [tilespmem:s11+$0x2880 ss:$0x0], $0xffff;
	_ =	sdelay $0x1  }
0x8c: {  	v19 =	vld.msk [tilespmem:s11+$0x2A00 ss:$0x0], $0xffff;
	_ =	sdelay $0x1  }
0x8d: {  	s30 =	simm.s32 $0x2BC0  }
0x8e: {  	v20 =	vld [tilespmem:s30+$0xFFFFFFE0];
	v23 =	vmul.f32 v17, v10;
	v24 =	vmul.f32 v17, v11  }
0x8f: {  	v18 =	vld [tilespmem:s30+$0xFFFFFFD0];
	v25 =	vmul.f32 v17, v12;
	v26 =	vmul.f32 v17, v13  }
0x90: {  	v21 =	vld [tilespmem:s30+$0xFFFFFFF0];
	v50 =	vmul.f32 v19, v16;
	v27 =	vmul.f32 v19, v14  }
0x91: {  	v22 =	vld [tilespmem:s30+$0x0];
	v52 =	vmul.f32 v19, v15;
	v53 =	vmul.f32 v19, v9  }
0x92: {  	v28 =	vld [tilespmem:s30+$0xFFFFFFC0];
	v55 =	vmul.f32 v17, v7;
	v57 =	vmul.f32 v19, v8  }
0x93: {  	v51 =	vld [tilespmem:s30+$0x10];
	v29 =	vmul.f32 v17, v5;
	v58 =	vmul.f32 v17, v3;
	v20 =	vadd.f32 v20, v24  }
0x94: {  	v54 =	vld [tilespmem:s30+$0x20];
	v60 =	vmul.f32 v19, v6;
	v17 =	vmul.f32 v17, v1;
	v18 =	vadd.f32 v18, v23  }
0x95: {  	v56 =	vld [tilespmem:s30+$0x30];
	v61 =	vmul.f32 v19, v4;
	v21 =	vadd.f32 v21, v25;
	v20 =	vadd.f32 v20, v50  }
0x96: {  	v19 =	vmul.f32 v19, v2;
	v22 =	vadd.f32 v22, v26;
	v18 =	vadd.f32 v18, v27  }
0x97: {  	v17 =	vadd.f32 v17, v28;
	v21 =	vadd.f32 v21, v52;
	v20 =	vmax.f32 v20, $0.0e+00  }
0x98: {  	v24 =	vadd.f32 v51, v55;
	v22 =	vadd.f32 v22, v53;
	v18 =	vmax.f32 v18, $0.0e+00;
	[tilespmem:s30+$0xFFFFFFE0] =	vst v20  }
0x99: {  	v59 =	vadd.f32 v54, v29;
	v17 =	vadd.f32 v19, v17;
	v21 =	vmax.f32 v21, $0.0e+00;
	[tilespmem:s30+$0xFFFFFFD0] =	vst v18  }
0x9a: {  	v62 =	vadd.f32 v56, v58;
	v22 =	vmax.f32 v22, $0.0e+00;
	v18 =	vadd.f32 v24, v57;
	[tilespmem:s30+$0xFFFFFFF0] =	vst v21  }
0x9b: {  	v17 =	vmax.f32 v17, $0.0e+00;
	v20 =	vadd.f32 v59, v60;
	[tilespmem:s30+$0x0] =	vst v22  }
0x9c: {  	v63 =	vadd.f32 v62, v61;
	[tilespmem:s30+$0xFFFFFFC0] =	vst v17;
	v18 =	vmax.f32 v18, $0.0e+00  }
0x9d: {  	[tilespmem:s30+$0x10] =	vst v18;
	v18 =	vmax.f32 v20, $0.0e+00  }
0x9e: {  	[tilespmem:s30+$0x20] =	vst v18;
	v18 =	vmax.f32 v63, $0.0e+00  }
0x9f: {  	s29 =	simm.s32 $0x1;
	s31 =	simm.s32 $0x8;
	[tilespmem:s30+$0x30] =	vst v18  }
.LBB2_5:
0xa0: {  	p3 =	sne.s32 s31, $0xFC;
	v17 =	vld.msk [tilespmem:s29+$0x2880 ss:$0x0], $0xffff;
	s30 =	sadd.s32 $0x80, s30  }
0xa1: {  	v18 =	vld [tilespmem:s30+$0xFFFFFFD0]  }
0xa2: {  	v19 =	vld.msk [tilespmem:s29+$0x2A00 ss:$0x0], $0xffff  }
0xa3: {  	v20 =	vld [tilespmem:s30+$0xFFFFFFE0]  }
0xa4: {  	v21 =	vld [tilespmem:s30+$0xFFFFFFF0]  }
0xa5: {  	v22 =	vld [tilespmem:s30+$0x0]  }
0xa6: {  	v23 =	vmul.f32 v17, v10;
	v24 =	vmul.f32 v17, v11  }
0xa7: {  	v25 =	vmul.f32 v17, v12;
	v26 =	vmul.f32 v17, v13  }
0xa8: {  	v18 =	vadd.f32 v18, v23;
	v23 =	vmul.f32 v19, v16;
	v20 =	vadd.f32 v20, v24;
	v24 =	vld [tilespmem:s30+$0x10]  }
0xa9: {  	v27 =	vmul.f32 v19, v14;
	v21 =	vadd.f32 v21, v25;
	v25 =	vmul.f32 v19, v15  }
0xaa: {  	v20 =	vadd.f32 v20, v23;
	v22 =	vadd.f32 v22, v26;
	v23 =	vmul.f32 v19, v9  }
0xab: {  	v18 =	vadd.f32 v18, v27;
	v21 =	vadd.f32 v21, v25;
	v25 =	vmul.f32 v17, v7;
	v26 =	vld [tilespmem:s30+$0x20]  }
0xac: {  	v20 =	vmax.f32 v20, $0.0e+00;
	v22 =	vadd.f32 v22, v23;
	v23 =	vmul.f32 v19, v8;
	v27 =	vld [tilespmem:s30+$0x30]  }
0xad: {  	v18 =	vmax.f32 v18, $0.0e+00;
	v28 =	vld [tilespmem:s30+$0xFFFFFFC0];
	[tilespmem:s30+$0xFFFFFFE0] =	vst v20;
	v20 =	vmax.f32 v21, $0.0e+00;
	v21 =	vadd.f32 v24, v25  }
0xae: {  	v24 =	vmul.f32 v19, v6;
	[tilespmem:s30+$0xFFFFFFD0] =	vst v18;
	v18 =	vmax.f32 v22, $0.0e+00;
	v22 =	vmul.f32 v17, v5  }
0xaf: {  	[tilespmem:s30+$0xFFFFFFF0] =	vst v20;
	v20 =	vadd.f32 v21, v23;
	v21 =	vmul.f32 v17, v3;
	v23 =	vmul.f32 v19, v4  }
0xb0: {  	v17 =	vmul.f32 v17, v1;
	v19 =	vmul.f32 v19, v2;
	[tilespmem:s30+$0x0] =	vst v18;
	v18 =	vadd.f32 v26, v22  }
0xb1: {  	v20 =	vmax.f32 v20, $0.0e+00;
	v21 =	vadd.f32 v27, v21  }
0xb2: {  	v17 =	vadd.f32 v17, v28;
	[tilespmem:s30+$0x10] =	vst v20;
	v18 =	vadd.f32 v18, v24  }
.Ltmp3:
0xb3: {  	v20 =	vadd.f32 v21, v23;
	(pc) =	sbr.rel @p3 .LBB2_5-.Ltmp3, $4  }
0xb4: {  	v17 =	vadd.f32 v19, v17;
	v18 =	vmax.f32 v18, $0.0e+00  }
0xb5: {  	[tilespmem:s30+$0x20] =	vst v18;
	v18 =	vmax.f32 v20, $0.0e+00  }
0xb6: {  	v17 =	vmax.f32 v17, $0.0e+00;
	[tilespmem:s30+$0x30] =	vst v18  }
0xb7: {  	s29 =	sshra.s32 s31, $0x2;
	s31 =	sadd.s32 $0x4, s31;
	[tilespmem:s30+$0xFFFFFFC0] =	vst v17  }
0xb8: {  	v17 =	vld.msk [tilespmem:s29+$0x2880 ss:$0x0], $0xffff;
	_ =	sdelay $0x1  }
0xb9: {  	v19 =	vld.msk [tilespmem:s29+$0x2A00 ss:$0x0], $0xffff;
	_ =	sdelay $0x1  }
0xba: {  	s11 =	sadd.s32 $0x80, s30  }
0xbb: {  	v20 =	vld [tilespmem:s11+$0xFFFFFFE0];
	v23 =	vmul.f32 v17, v10;
	v24 =	vmul.f32 v17, v11  }
0xbc: {  	v18 =	vld [tilespmem:s11+$0xFFFFFFD0];
	v25 =	vmul.f32 v17, v12;
	v26 =	vmul.f32 v17, v13  }
0xbd: {  	v21 =	vld [tilespmem:s11+$0xFFFFFFF0];
	v59 =	vmul.f32 v19, v16;
	v27 =	vmul.f32 v19, v14  }
0xbe: {  	v22 =	vld [tilespmem:s11+$0x0];
	v61 =	vmul.f32 v19, v15;
	v62 =	vmul.f32 v19, v9  }
0xbf: {  	v28 =	vld [tilespmem:s11+$0xFFFFFFC0];
	v32 =	vmul.f32 v17, v7;
	v34 =	vmul.f32 v19, v8  }
0xc0: {  	v60 =	vld [tilespmem:s11+$0x10];
	v29 =	vmul.f32 v17, v5;
	v35 =	vmul.f32 v17, v3;
	v20 =	vadd.f32 v20, v24  }
0xc1: {  	v63 =	vld [tilespmem:s11+$0x20];
	v36 =	vmul.f32 v19, v6;
	v17 =	vmul.f32 v17, v1;
	v18 =	vadd.f32 v18, v23  }
0xc2: {  	v33 =	vld [tilespmem:s11+$0x30];
	v37 =	vmul.f32 v19, v4;
	v21 =	vadd.f32 v21, v25;
	v20 =	vadd.f32 v20, v59  }
0xc3: {  	v19 =	vmul.f32 v19, v2;
	v22 =	vadd.f32 v22, v26;
	v18 =	vadd.f32 v18, v27  }
0xc4: {  	v17 =	vadd.f32 v17, v28;
	v21 =	vadd.f32 v21, v61;
	v20 =	vmax.f32 v20, $0.0e+00  }
0xc5: {  	v24 =	vadd.f32 v60, v32;
	v22 =	vadd.f32 v22, v62;
	v18 =	vmax.f32 v18, $0.0e+00;
	[tilespmem:s11+$0xFFFFFFE0] =	vst v20  }
0xc6: {  	v26 =	vadd.f32 v63, v29;
	v17 =	vadd.f32 v19, v17;
	v21 =	vmax.f32 v21, $0.0e+00;
	[tilespmem:s11+$0xFFFFFFD0] =	vst v18  }
0xc7: {  	v38 =	vadd.f32 v33, v35;
	v22 =	vmax.f32 v22, $0.0e+00;
	v18 =	vadd.f32 v24, v34;
	[tilespmem:s11+$0xFFFFFFF0] =	vst v21  }
0xc8: {  	v17 =	vmax.f32 v17, $0.0e+00;
	v20 =	vadd.f32 v26, v36;
	[tilespmem:s11+$0x0] =	vst v22  }
0xc9: {  	v39 =	vadd.f32 v38, v37;
	[tilespmem:s11+$0xFFFFFFC0] =	vst v17;
	v18 =	vmax.f32 v18, $0.0e+00  }
0xca: {  	[tilespmem:s11+$0x10] =	vst v18;
	v18 =	vmax.f32 v20, $0.0e+00  }
0xcb: {  	[tilespmem:s11+$0x20] =	vst v18;
	v18 =	vmax.f32 v39, $0.0e+00  }
0xcc: {  	[tilespmem:s11+$0x30] =	vst v18  }
0xcd: {  	_ =	swait.ge [sflag:s25], $0x40  }
0xce: {  	s20 =	simm.s32 $0x2B80;
	p3 =	seq.s32 s17, $0x0;
	[sflag:s25] =	ssyncset.done $0x0  }
0xcf: {  	s30 =	smul.u32 $0xC0, s17;
	s11 =	simm.s32 @!p3 $0xC;
	[sflag:s25] =	ssyncadd.s32 $0xFFFFFFC0  }
0xd0: {  	[spmem:s2] =	stream.indirect.scatter.add.f32 [tilespmem:s20], [sflag:$0xA], $0x80, s21, s19, $0xb8;
	[tilespmem:$0x1C800] =	vst v63  }
0xd1: {  	_ =	swait.ge @!p3 [sflag:s11], $0x2000  }
0xd2: {  	s20 =	sadd.s32 $0x80, s30;
	[sflag:s11] =	ssyncset.done @!p3 $0x0  }
0xd3: {  	[sflag:s11] =	ssyncadd.s32 @!p3 $0xFFFFE000;
	s11 =	sadd.s32 s7, s20  }
0xd4: {  	[tilespmem:s26], [sflag:$0x3] =	stream.indirect.gather [hbm4b:s12+s19], $0x80, s20, s19, $0xb8;
	[tilespmem:$0x1C800] =	vst v63  }
0xd5: {  	s11 =	sshrl.u32 s11, $0x3  }
0xd6: {  	s31 =	simm.s32 $0x0;
	s29 =	sadd.s32 s1, s11  }
0xd7: {  	[tilespmem:s28], [sflag:$0x6] =	stream.linear.gather [hbm4b:s29+s31], $0x40, $0x38;
	[tilespmem:$0x1C800] =	vst v63  }
0xd8: {  	s20 =	simm.s32 $0x2980;
	s29 =	sadd.s32 s4, s11  }
0xd9: {  	[tilespmem:s20], [sflag:$0x9] =	stream.linear.gather [hbm4b:s29+s31], $0x40, $0x38;
	[tilespmem:$0x1C800] =	vst v63  }
0xda: {  	s11 =	sadd.s32 s6, s11;
	s20 =	simm.s32 $0x2B00  }
0xdb: {  	[tilespmem:s20], [sflag:$0x9] =	stream.linear.gather [hbm4b:s11+s31], $0x40, $0x38;
	[tilespmem:$0x1C800] =	vst v63  }
0xdc: {  	_ =	swait.ge [sflag:s14], $0x2000  }
0xdd: {  	[sflag:s14] =	ssyncset.done $0x0  }
0xde: {  	[sflag:s14] =	ssyncadd.s32 $0xFFFFE000  }
0xdf: {  	_ =	swait.ge [sflag:s16], $0x40  }
0xe0: {  	[sflag:s16] =	ssyncset.done $0x0  }
0xe1: {  	[sflag:s16] =	ssyncadd.s32 $0xFFFFFFC0  }
0xe2: {  	_ =	swait.ge [sflag:s16], $0x40  }
0xe3: {  	[sflag:s16] =	ssyncset.done $0x0  }
0xe4: {  	s20 =	simm.s32 $0x0;
	[sflag:s16] =	ssyncadd.s32 $0xFFFFFFC0  }
0xe5: {  	v17 =	vld.msk [tilespmem:s20+$0x2900 ss:$0x0], $0xffff;
	_ =	sdelay $0x1  }
0xe6: {  	v19 =	vld.msk [tilespmem:s20+$0x2A80 ss:$0x0], $0xffff;
	_ =	sdelay $0x1  }
0xe7: {  	s31 =	simm.s32 $0x4BC0  }
0xe8: {  	v40 =	vld [tilespmem:s31+$0xFFFFFFE0];
	v43 =	vmul.f32 v17, v10;
	v44 =	vmul.f32 v17, v11  }
0xe9: {  	v18 =	vld [tilespmem:s31+$0xFFFFFFD0];
	v45 =	vmul.f32 v17, v12;
	v46 =	vmul.f32 v17, v13  }
0xea: {  	v41 =	vld [tilespmem:s31+$0xFFFFFFF0];
	v47 =	vmul.f32 v19, v16;
	v49 =	vmul.f32 v19, v14  }
0xeb: {  	v42 =	vld [tilespmem:s31+$0x0];
	v50 =	vmul.f32 v19, v15;
	v51 =	vmul.f32 v19, v9  }
0xec: {  	v56 =	vld [tilespmem:s31+$0xFFFFFFC0];
	v53 =	vmul.f32 v17, v7;
	v55 =	vmul.f32 v19, v8  }
0xed: {  	v48 =	vld [tilespmem:s31+$0x10];
	v57 =	vmul.f32 v17, v5;
	v58 =	vmul.f32 v17, v3;
	v20 =	vadd.f32 v40, v44  }
0xee: {  	v52 =	vld [tilespmem:s31+$0x20];
	v60 =	vmul.f32 v19, v6;
	v17 =	vmul.f32 v17, v1;
	v18 =	vadd.f32 v18, v43  }
0xef: {  	v54 =	vld [tilespmem:s31+$0x30];
	v61 =	vmul.f32 v19, v4;
	v21 =	vadd.f32 v41, v45;
	v20 =	vadd.f32 v20, v47  }
0xf0: {  	v19 =	vmul.f32 v19, v2;
	v22 =	vadd.f32 v42, v46;
	v18 =	vadd.f32 v18, v49  }
0xf1: {  	v17 =	vadd.f32 v17, v56;
	v21 =	vadd.f32 v21, v50;
	v20 =	vmax.f32 v20, $0.0e+00  }
0xf2: {  	v24 =	vadd.f32 v48, v53;
	v22 =	vadd.f32 v22, v51;
	v18 =	vmax.f32 v18, $0.0e+00;
	[tilespmem:s31+$0xFFFFFFE0] =	vst v20  }
0xf3: {  	v59 =	vadd.f32 v52, v57;
	v17 =	vadd.f32 v19, v17;
	v21 =	vmax.f32 v21, $0.0e+00;
	[tilespmem:s31+$0xFFFFFFD0] =	vst v18  }
0xf4: {  	v62 =	vadd.f32 v54, v58;
	v22 =	vmax.f32 v22, $0.0e+00;
	v18 =	vadd.f32 v24, v55;
	[tilespmem:s31+$0xFFFFFFF0] =	vst v21  }
0xf5: {  	v17 =	vmax.f32 v17, $0.0e+00;
	v20 =	vadd.f32 v59, v60;
	[tilespmem:s31+$0x0] =	vst v22  }
0xf6: {  	v63 =	vadd.f32 v62, v61;
	[tilespmem:s31+$0xFFFFFFC0] =	vst v17;
	v18 =	vmax.f32 v18, $0.0e+00  }
0xf7: {  	[tilespmem:s31+$0x10] =	vst v18;
	v18 =	vmax.f32 v20, $0.0e+00  }
0xf8: {  	[tilespmem:s31+$0x20] =	vst v18;
	v18 =	vmax.f32 v63, $0.0e+00  }
0xf9: {  	s29 =	simm.s32 $0x8;
	s11 =	simm.s32 $0x1;
	[tilespmem:s31+$0x30] =	vst v18  }
.LBB2_7:
0xfa: {  	p3 =	sne.s32 s29, $0xFC;
	v17 =	vld.msk [tilespmem:s11+$0x2900 ss:$0x0], $0xffff;
	s31 =	sadd.s32 $0x80, s31  }
0xfb: {  	v18 =	vld [tilespmem:s31+$0xFFFFFFD0]  }
0xfc: {  	v19 =	vld.msk [tilespmem:s11+$0x2A80 ss:$0x0], $0xffff  }
0xfd: {  	v20 =	vld [tilespmem:s31+$0xFFFFFFE0]  }
0xfe: {  	v21 =	vld [tilespmem:s31+$0xFFFFFFF0]  }
0xff: {  	v22 =	vld [tilespmem:s31+$0x0]  }
0x100: {  	v23 =	vmul.f32 v17, v10;
	v24 =	vmul.f32 v17, v11  }
0x101: {  	v25 =	vmul.f32 v17, v12;
	v26 =	vmul.f32 v17, v13  }
0x102: {  	v18 =	vadd.f32 v18, v23;
	v23 =	vmul.f32 v19, v16;
	v20 =	vadd.f32 v20, v24;
	v24 =	vld [tilespmem:s31+$0x10]  }
0x103: {  	v27 =	vmul.f32 v19, v14;
	v21 =	vadd.f32 v21, v25;
	v25 =	vmul.f32 v19, v15  }
0x104: {  	v20 =	vadd.f32 v20, v23;
	v22 =	vadd.f32 v22, v26;
	v23 =	vmul.f32 v19, v9  }
0x105: {  	v18 =	vadd.f32 v18, v27;
	v21 =	vadd.f32 v21, v25;
	v25 =	vmul.f32 v17, v7;
	v26 =	vld [tilespmem:s31+$0x20]  }
0x106: {  	v20 =	vmax.f32 v20, $0.0e+00;
	v22 =	vadd.f32 v22, v23;
	v23 =	vmul.f32 v19, v8;
	v27 =	vld [tilespmem:s31+$0x30]  }
0x107: {  	v18 =	vmax.f32 v18, $0.0e+00;
	v28 =	vld [tilespmem:s31+$0xFFFFFFC0];
	[tilespmem:s31+$0xFFFFFFE0] =	vst v20;
	v20 =	vmax.f32 v21, $0.0e+00;
	v21 =	vadd.f32 v24, v25  }
0x108: {  	v24 =	vmul.f32 v19, v6;
	[tilespmem:s31+$0xFFFFFFD0] =	vst v18;
	v18 =	vmax.f32 v22, $0.0e+00;
	v22 =	vmul.f32 v17, v5  }
0x109: {  	[tilespmem:s31+$0xFFFFFFF0] =	vst v20;
	v20 =	vadd.f32 v21, v23;
	v21 =	vmul.f32 v17, v3;
	v23 =	vmul.f32 v19, v4  }
0x10a: {  	v17 =	vmul.f32 v17, v1;
	v19 =	vmul.f32 v19, v2;
	[tilespmem:s31+$0x0] =	vst v18;
	v18 =	vadd.f32 v26, v22  }
0x10b: {  	v20 =	vmax.f32 v20, $0.0e+00;
	v21 =	vadd.f32 v27, v21  }
0x10c: {  	v17 =	vadd.f32 v17, v28;
	[tilespmem:s31+$0x10] =	vst v20;
	v18 =	vadd.f32 v18, v24  }
.Ltmp4:
0x10d: {  	v20 =	vadd.f32 v21, v23;
	(pc) =	sbr.rel @p3 .LBB2_7-.Ltmp4, $4  }
0x10e: {  	v17 =	vadd.f32 v19, v17;
	v18 =	vmax.f32 v18, $0.0e+00  }
0x10f: {  	[tilespmem:s31+$0x20] =	vst v18;
	v18 =	vmax.f32 v20, $0.0e+00  }
0x110: {  	v17 =	vmax.f32 v17, $0.0e+00;
	[tilespmem:s31+$0x30] =	vst v18  }
0x111: {  	s11 =	sshra.s32 s29, $0x2;
	s29 =	sadd.s32 $0x4, s29;
	[tilespmem:s31+$0xFFFFFFC0] =	vst v17  }
0x112: {  	v17 =	vld.msk [tilespmem:s11+$0x2900 ss:$0x0], $0xffff;
	_ =	sdelay $0x1  }
0x113: {  	v19 =	vld.msk [tilespmem:s11+$0x2A80 ss:$0x0], $0xffff;
	_ =	sdelay $0x1  }
0x114: {  	s29 =	sadd.s32 $0x80, s31  }
0x115: {  	v20 =	vld [tilespmem:s29+$0xFFFFFFE0];
	v23 =	vmul.f32 v17, v10;
	v24 =	vmul.f32 v17, v11  }
0x116: {  	v18 =	vld [tilespmem:s29+$0xFFFFFFD0];
	v25 =	vmul.f32 v17, v12;
	v26 =	vmul.f32 v17, v13  }
0x117: {  	v21 =	vld [tilespmem:s29+$0xFFFFFFF0];
	v59 =	vmul.f32 v19, v16;
	v27 =	vmul.f32 v19, v14  }
0x118: {  	v22 =	vld [tilespmem:s29+$0x0];
	v61 =	vmul.f32 v19, v15;
	v62 =	vmul.f32 v19, v9  }
0x119: {  	v28 =	vld [tilespmem:s29+$0xFFFFFFC0];
	v32 =	vmul.f32 v17, v7;
	v34 =	vmul.f32 v19, v8  }
0x11a: {  	v60 =	vld [tilespmem:s29+$0x10];
	v29 =	vmul.f32 v17, v5;
	v35 =	vmul.f32 v17, v3;
	v20 =	vadd.f32 v20, v24  }
0x11b: {  	v63 =	vld [tilespmem:s29+$0x20];
	v36 =	vmul.f32 v19, v6;
	v17 =	vmul.f32 v17, v1;
	v18 =	vadd.f32 v18, v23  }
0x11c: {  	v33 =	vld [tilespmem:s29+$0x30];
	v37 =	vmul.f32 v19, v4;
	v21 =	vadd.f32 v21, v25;
	v20 =	vadd.f32 v20, v59  }
0x11d: {  	v19 =	vmul.f32 v19, v2;
	v22 =	vadd.f32 v22, v26;
	v18 =	vadd.f32 v18, v27  }
0x11e: {  	v17 =	vadd.f32 v17, v28;
	v21 =	vadd.f32 v21, v61;
	v20 =	vmax.f32 v20, $0.0e+00  }
0x11f: {  	v24 =	vadd.f32 v60, v32;
	v22 =	vadd.f32 v22, v62;
	v18 =	vmax.f32 v18, $0.0e+00;
	[tilespmem:s29+$0xFFFFFFE0] =	vst v20  }
0x120: {  	v26 =	vadd.f32 v63, v29;
	v17 =	vadd.f32 v19, v17;
	v21 =	vmax.f32 v21, $0.0e+00;
	[tilespmem:s29+$0xFFFFFFD0] =	vst v18  }
0x121: {  	v38 =	vadd.f32 v33, v35;
	v22 =	vmax.f32 v22, $0.0e+00;
	v18 =	vadd.f32 v24, v34;
	[tilespmem:s29+$0xFFFFFFF0] =	vst v21  }
0x122: {  	v17 =	vmax.f32 v17, $0.0e+00;
	v20 =	vadd.f32 v26, v36;
	[tilespmem:s29+$0x0] =	vst v22  }
0x123: {  	v39 =	vadd.f32 v38, v37;
	[tilespmem:s29+$0xFFFFFFC0] =	vst v17;
	v18 =	vmax.f32 v18, $0.0e+00  }
0x124: {  	[tilespmem:s29+$0x10] =	vst v18;
	v18 =	vmax.f32 v20, $0.0e+00  }
0x125: {  	[tilespmem:s29+$0x20] =	vst v18;
	v18 =	vmax.f32 v39, $0.0e+00  }
0x126: {  	[tilespmem:s29+$0x30] =	vst v18  }
0x127: {  	_ =	swait.ge [sflag:s9], $0x40  }
0x128: {  	[sflag:s9] =	ssyncset.done $0x0  }
0x129: {  	[sflag:s9] =	ssyncadd.s32 $0xFFFFFFC0  }
0x12a: {  	[spmem:s2] =	stream.indirect.scatter.add.f32 [tilespmem:s23], [sflag:$0xB], $0x80, s24, s19, $0xb8;
	[tilespmem:$0x1C800] =	vst v63  }
0x12b: {  	p3 =	seq.s32 s17, $0x33;
	_ =	swait.ge [sflag:s18], $0x2000  }
0x12c: {  	s11 =	sadd.s32 @!p3 $0xC0, s30;
	[sflag:s18] =	ssyncset.done $0x0  }
0x12d: {  	s31 =	simm.s32 @!p3 $0x2B80;
	s29 =	simm.s32 @!p3 $0x40;
	[sflag:s18] =	ssyncadd.s32 $0xFFFFE000  }
0x12e: {  	[tilespmem:s31], [sflag:$0x1] =	stream.indirect.gather @!p3 [hbm4b:s12+s29], $0x80, s11, s29, $0xb8;
	[tilespmem:$0x1C800] =	vst v63  }
0x12f: {  	s11 =	sadd.s32 @!p3 s7, s11  }
0x130: {  	s11 =	sshrl.u32 @!p3 s11, $0x3  }
0x131: {  	s20 =	simm.s32 @!p3 $0x2700;
	s31 =	simm.s32 @!p3 $0x0;
	s29 =	sadd.s32 @!p3 s1, s11  }
0x132: {  	[tilespmem:s20], [sflag:$0x4] =	stream.linear.gather @!p3 [hbm4b:s29+s31], $0x40, $0x38;
	[tilespmem:$0x1C800] =	vst v63  }
0x133: {  	s20 =	sadd.s32 @!p3 s4, s11;
	s29 =	simm.s32 @!p3 $0x2880  }
0x134: {  	[tilespmem:s29], [sflag:$0x7] =	stream.linear.gather @!p3 [hbm4b:s20+s31], $0x40, $0x38;
	[tilespmem:$0x1C800] =	vst v63  }
0x135: {  	s11 =	sadd.s32 @!p3 s6, s11;
	s20 =	simm.s32 @!p3 $0x2A00  }
0x136: {  	[tilespmem:s20], [sflag:$0x7] =	stream.linear.gather @!p3 [hbm4b:s11+s31], $0x40, $0x38;
	[tilespmem:$0x1C800] =	vst v63  }
0x137: {  	_ =	swait.ge [sflag:s22], $0x2000  }
0x138: {  	[sflag:s22] =	ssyncset.done $0x0  }
0x139: {  	[sflag:s22] =	ssyncadd.s32 $0xFFFFE000  }
0x13a: {  	_ =	swait.ge [sflag:s15], $0x40  }
0x13b: {  	[sflag:s15] =	ssyncset.done $0x0  }
0x13c: {  	[sflag:s15] =	ssyncadd.s32 $0xFFFFFFC0  }
0x13d: {  	_ =	swait.ge [sflag:s15], $0x40  }
0x13e: {  	[sflag:s15] =	ssyncset.done $0x0  }
0x13f: {  	s20 =	simm.s32 $0x0;
	[sflag:s15] =	ssyncadd.s32 $0xFFFFFFC0  }
0x140: {  	v17 =	vld.msk [tilespmem:s20+$0x2980 ss:$0x0], $0xffff;
	_ =	sdelay $0x1  }
0x141: {  	v19 =	vld.msk [tilespmem:s20+$0x2B00 ss:$0x0], $0xffff;
	_ =	sdelay $0x1  }
0x142: {  	s31 =	simm.s32 $0x6BC0  }
0x143: {  	v40 =	vld [tilespmem:s31+$0xFFFFFFE0];
	v43 =	vmul.f32 v17, v10;
	v44 =	vmul.f32 v17, v11  }
0x144: {  	v18 =	vld [tilespmem:s31+$0xFFFFFFD0];
	v45 =	vmul.f32 v17, v12;
	v46 =	vmul.f32 v17, v13  }
0x145: {  	v41 =	vld [tilespmem:s31+$0xFFFFFFF0];
	v47 =	vmul.f32 v19, v16;
	v49 =	vmul.f32 v19, v14  }
0x146: {  	v42 =	vld [tilespmem:s31+$0x0];
	v50 =	vmul.f32 v19, v15;
	v51 =	vmul.f32 v19, v9  }
0x147: {  	v56 =	vld [tilespmem:s31+$0xFFFFFFC0];
	v53 =	vmul.f32 v17, v7;
	v55 =	vmul.f32 v19, v8  }
0x148: {  	v48 =	vld [tilespmem:s31+$0x10];
	v57 =	vmul.f32 v17, v5;
	v58 =	vmul.f32 v17, v3;
	v20 =	vadd.f32 v40, v44  }
0x149: {  	v52 =	vld [tilespmem:s31+$0x20];
	v60 =	vmul.f32 v19, v6;
	v17 =	vmul.f32 v17, v1;
	v18 =	vadd.f32 v18, v43  }
0x14a: {  	v54 =	vld [tilespmem:s31+$0x30];
	v61 =	vmul.f32 v19, v4;
	v21 =	vadd.f32 v41, v45;
	v20 =	vadd.f32 v20, v47  }
0x14b: {  	v19 =	vmul.f32 v19, v2;
	v22 =	vadd.f32 v42, v46;
	v18 =	vadd.f32 v18, v49  }
0x14c: {  	v17 =	vadd.f32 v17, v56;
	v21 =	vadd.f32 v21, v50;
	v20 =	vmax.f32 v20, $0.0e+00  }
0x14d: {  	v24 =	vadd.f32 v48, v53;
	v22 =	vadd.f32 v22, v51;
	v18 =	vmax.f32 v18, $0.0e+00;
	[tilespmem:s31+$0xFFFFFFE0] =	vst v20  }
0x14e: {  	v59 =	vadd.f32 v52, v57;
	v17 =	vadd.f32 v19, v17;
	v21 =	vmax.f32 v21, $0.0e+00;
	[tilespmem:s31+$0xFFFFFFD0] =	vst v18  }
0x14f: {  	v62 =	vadd.f32 v54, v58;
	v22 =	vmax.f32 v22, $0.0e+00;
	v18 =	vadd.f32 v24, v55;
	[tilespmem:s31+$0xFFFFFFF0] =	vst v21  }
0x150: {  	v17 =	vmax.f32 v17, $0.0e+00;
	v20 =	vadd.f32 v59, v60;
	[tilespmem:s31+$0x0] =	vst v22  }
0x151: {  	v63 =	vadd.f32 v62, v61;
	[tilespmem:s31+$0xFFFFFFC0] =	vst v17;
	v18 =	vmax.f32 v18, $0.0e+00  }
0x152: {  	[tilespmem:s31+$0x10] =	vst v18;
	v18 =	vmax.f32 v20, $0.0e+00  }
0x153: {  	[tilespmem:s31+$0x20] =	vst v18;
	v18 =	vmax.f32 v63, $0.0e+00  }
0x154: {  	s29 =	simm.s32 $0x8;
	s11 =	simm.s32 $0x1;
	[tilespmem:s31+$0x30] =	vst v18  }
.LBB2_9:
0x155: {  	p4 =	sne.s32 s29, $0xFC;
	v17 =	vld.msk [tilespmem:s11+$0x2980 ss:$0x0], $0xffff;
	s31 =	sadd.s32 $0x80, s31  }
0x156: {  	v18 =	vld [tilespmem:s31+$0xFFFFFFD0]  }
0x157: {  	v19 =	vld.msk [tilespmem:s11+$0x2B00 ss:$0x0], $0xffff  }
0x158: {  	v20 =	vld [tilespmem:s31+$0xFFFFFFE0]  }
0x159: {  	v21 =	vld [tilespmem:s31+$0xFFFFFFF0]  }
0x15a: {  	v22 =	vld [tilespmem:s31+$0x0]  }
0x15b: {  	v23 =	vmul.f32 v17, v10;
	v24 =	vmul.f32 v17, v11  }
0x15c: {  	v25 =	vmul.f32 v17, v12;
	v26 =	vmul.f32 v17, v13  }
0x15d: {  	v18 =	vadd.f32 v18, v23;
	v23 =	vmul.f32 v19, v16;
	v20 =	vadd.f32 v20, v24;
	v24 =	vld [tilespmem:s31+$0x10]  }
0x15e: {  	v27 =	vmul.f32 v19, v14;
	v21 =	vadd.f32 v21, v25;
	v25 =	vmul.f32 v19, v15  }
0x15f: {  	v20 =	vadd.f32 v20, v23;
	v22 =	vadd.f32 v22, v26;
	v23 =	vmul.f32 v19, v9  }
0x160: {  	v18 =	vadd.f32 v18, v27;
	v21 =	vadd.f32 v21, v25;
	v25 =	vmul.f32 v17, v7;
	v26 =	vld [tilespmem:s31+$0x20]  }
0x161: {  	v20 =	vmax.f32 v20, $0.0e+00;
	v22 =	vadd.f32 v22, v23;
	v23 =	vmul.f32 v19, v8;
	v27 =	vld [tilespmem:s31+$0x30]  }
0x162: {  	v18 =	vmax.f32 v18, $0.0e+00;
	v28 =	vld [tilespmem:s31+$0xFFFFFFC0];
	[tilespmem:s31+$0xFFFFFFE0] =	vst v20;
	v20 =	vmax.f32 v21, $0.0e+00;
	v21 =	vadd.f32 v24, v25  }
0x163: {  	v24 =	vmul.f32 v19, v6;
	[tilespmem:s31+$0xFFFFFFD0] =	vst v18;
	v18 =	vmax.f32 v22, $0.0e+00;
	v22 =	vmul.f32 v17, v5  }
0x164: {  	[tilespmem:s31+$0xFFFFFFF0] =	vst v20;
	v20 =	vadd.f32 v21, v23;
	v21 =	vmul.f32 v17, v3;
	v23 =	vmul.f32 v19, v4  }
0x165: {  	v17 =	vmul.f32 v17, v1;
	v19 =	vmul.f32 v19, v2;
	[tilespmem:s31+$0x0] =	vst v18;
	v18 =	vadd.f32 v26, v22  }
0x166: {  	v20 =	vmax.f32 v20, $0.0e+00;
	v21 =	vadd.f32 v27, v21  }
0x167: {  	v17 =	vadd.f32 v17, v28;
	[tilespmem:s31+$0x10] =	vst v20;
	v18 =	vadd.f32 v18, v24  }
.Ltmp5:
0x168: {  	v20 =	vadd.f32 v21, v23;
	(pc) =	sbr.rel @p4 .LBB2_9-.Ltmp5, $4  }
0x169: {  	v17 =	vadd.f32 v19, v17;
	v18 =	vmax.f32 v18, $0.0e+00  }
0x16a: {  	[tilespmem:s31+$0x20] =	vst v18;
	v18 =	vmax.f32 v20, $0.0e+00  }
0x16b: {  	v17 =	vmax.f32 v17, $0.0e+00;
	[tilespmem:s31+$0x30] =	vst v18  }
0x16c: {  	s11 =	sshra.s32 s29, $0x2;
	s29 =	sadd.s32 $0x4, s29;
	[tilespmem:s31+$0xFFFFFFC0] =	vst v17  }
0x16d: {  	v17 =	vld.msk [tilespmem:s11+$0x2980 ss:$0x0], $0xffff;
	_ =	sdelay $0x1  }
0x16e: {  	v19 =	vld.msk [tilespmem:s11+$0x2B00 ss:$0x0], $0xffff;
	_ =	sdelay $0x1  }
0x16f: {  	s20 =	sadd.s32 $0x80, s31  }
0x170: {  	v20 =	vld [tilespmem:s20+$0xFFFFFFE0];
	v23 =	vmul.f32 v17, v10;
	v24 =	vmul.f32 v17, v11  }
0x171: {  	v18 =	vld [tilespmem:s20+$0xFFFFFFD0];
	v25 =	vmul.f32 v17, v12;
	v26 =	vmul.f32 v17, v13  }
0x172: {  	v21 =	vld [tilespmem:s20+$0xFFFFFFF0];
	v50 =	vmul.f32 v19, v16;
	v27 =	vmul.f32 v19, v14  }
0x173: {  	v22 =	vld [tilespmem:s20+$0x0];
	v52 =	vmul.f32 v19, v15;
	v53 =	vmul.f32 v19, v9  }
0x174: {  	v28 =	vld [tilespmem:s20+$0xFFFFFFC0];
	v55 =	vmul.f32 v17, v7;
	v57 =	vmul.f32 v19, v8  }
0x175: {  	v51 =	vld [tilespmem:s20+$0x10];
	v29 =	vmul.f32 v17, v5;
	v58 =	vmul.f32 v17, v3;
	v20 =	vadd.f32 v20, v24  }
0x176: {  	v54 =	vld [tilespmem:s20+$0x20];
	v60 =	vmul.f32 v19, v6;
	v17 =	vmul.f32 v17, v1;
	v18 =	vadd.f32 v18, v23  }
0x177: {  	v56 =	vld [tilespmem:s20+$0x30];
	v61 =	vmul.f32 v19, v4;
	v21 =	vadd.f32 v21, v25;
	v20 =	vadd.f32 v20, v50  }
0x178: {  	v19 =	vmul.f32 v19, v2;
	v22 =	vadd.f32 v22, v26;
	v18 =	vadd.f32 v18, v27  }
0x179: {  	v17 =	vadd.f32 v17, v28;
	v21 =	vadd.f32 v21, v52;
	v20 =	vmax.f32 v20, $0.0e+00  }
0x17a: {  	v24 =	vadd.f32 v51, v55;
	v22 =	vadd.f32 v22, v53;
	v18 =	vmax.f32 v18, $0.0e+00;
	[tilespmem:s20+$0xFFFFFFE0] =	vst v20  }
0x17b: {  	v59 =	vadd.f32 v54, v29;
	v17 =	vadd.f32 v19, v17;
	v21 =	vmax.f32 v21, $0.0e+00;
	[tilespmem:s20+$0xFFFFFFD0] =	vst v18  }
0x17c: {  	v62 =	vadd.f32 v56, v58;
	v22 =	vmax.f32 v22, $0.0e+00;
	v18 =	vadd.f32 v24, v57;
	[tilespmem:s20+$0xFFFFFFF0] =	vst v21  }
0x17d: {  	v17 =	vmax.f32 v17, $0.0e+00;
	v20 =	vadd.f32 v59, v60;
	[tilespmem:s20+$0x0] =	vst v22  }
0x17e: {  	v63 =	vadd.f32 v62, v61;
	[tilespmem:s20+$0xFFFFFFC0] =	vst v17;
	v18 =	vmax.f32 v18, $0.0e+00  }
0x17f: {  	[tilespmem:s20+$0x10] =	vst v18;
	v18 =	vmax.f32 v20, $0.0e+00  }
0x180: {  	[tilespmem:s20+$0x20] =	vst v18;
	v18 =	vmax.f32 v63, $0.0e+00  }
0x181: {  	[tilespmem:s20+$0x30] =	vst v18  }
0x182: {  	_ =	swait.ge [sflag:s8], $0x40  }
0x183: {  	[sflag:s8] =	ssyncset.done $0x0  }
.Ltmp6:
0x184: {  	[sflag:s8] =	ssyncadd.s32 $0xFFFFFFC0;
	(pc) =	sbr.rel @p3 .LBB2_12-.Ltmp6, $4  }
0x185: {  	[spmem:s2] =	stream.indirect.scatter.add.f32 [tilespmem:s26], [sflag:$0xC], $0x80, s28, s19, $0xb8;
	[tilespmem:$0x1C800] =	vst v63  }
0x186: {  	_ =	swait.ge [sflag:s10], $0x2000  }
0x187: {  	[sflag:s10] =	ssyncset.done $0x0  }
0x188: {  	[sflag:s10] =	ssyncadd.s32 $0xFFFFE000  }
0x189: {  	s11 =	sadd.s32 $0x100, s30  }
0x18a: {  	[tilespmem:s23], [sflag:$0x2] =	stream.indirect.gather [hbm4b:s12+s19], $0x80, s11, s19, $0xb8;
	[tilespmem:$0x1C800] =	vst v63  }
0x18b: {  	s11 =	sadd.s32 s7, s11  }
0x18c: {  	s11 =	sshrl.u32 s11, $0x3  }
0x18d: {  	s20 =	sadd.s32 s1, s11  }
0x18e: {  	[tilespmem:s24], [sflag:$0x5] =	stream.linear.gather [hbm4b:s20+s3], $0x40, $0x38;
	[tilespmem:$0x1C800] =	vst v63  }
.Ltmp7:
0x18f: {  	_ = 	snop;
	(pc) =	sbr.rel .LBB2_4-.Ltmp7, $4  }
0x190: {  	s29 =	simm.s32 $0x2900;
	s30 =	sadd.s32 s4, s11  }
0x191: {  	[tilespmem:s29], [sflag:$0x8] =	stream.linear.gather [hbm4b:s30+s3], $0x40, $0x38;
	[tilespmem:$0x1C800] =	vst v63  }
0x192: {  	s31 =	simm.s32 $0x2A80;
	s17 =	sadd.s32 $0x1, s17;
	s11 =	sadd.s32 s6, s11  }
0x193: {  	[tilespmem:s31], [sflag:$0x8] =	stream.linear.gather [hbm4b:s11+s3], $0x40, $0x38;
	[tilespmem:$0x1C800] =	vst v63  }
.LBB2_12:
.Ltmp8:
0x194: {  	(pc) =	sbr.rel @p1 .LBB2_16-.Ltmp8, $4  }
0x195: {  	s11 =	simm.s32 $0xC  }
0x196: {  	_ =	swait.ge [sflag:s11], $0x2000  }
0x197: {  	[sflag:s11] =	ssyncset.done $0x0  }
0x198: {  	s30 =	simm.s32 $0xD;
	[sflag:s11] =	ssyncadd.s32 $0xFFFFE000  }
0x199: {  	s11 =	simm.s32 $0x0;
	s17 =	rddreg [dreg:$0x14]  }
0x19a: {  	[tilespmem:s11], [sflag:$0xD] =	stream.linear.gather [hbm4b:s17+s11], $0x40, $0x38;
	[tilespmem:$0x1C800] =	vst v63  }
0x19b: {  	_ =	swait.ge [sflag:s30], $0x40  }
0x19c: {  	[sflag:s30] =	ssyncset.done $0x0  }
0x19d: {  	s20 =	simm.s32 $0x2880;
	s31 =	rddreg [dreg:$0x15];
	[sflag:s30] =	ssyncadd.s32 $0xFFFFFFC0  }
0x19e: {  	[tilespmem:s20], [sflag:$0xD] =	stream.linear.gather [hbm4b:s31+s11], $0x40, $0x38;
	[tilespmem:$0x1C800] =	vst v63  }
0x19f: {  	_ =	swait.ge [sflag:s30], $0x40  }
0x1a0: {  	[sflag:s30] =	ssyncset.done $0x0  }
0x1a1: {  	s31 =	simm.s32 $0x2A00;
	s20 =	rddreg [dreg:$0x16];
	[sflag:s30] =	ssyncadd.s32 $0xFFFFFFC0  }
0x1a2: {  	[tilespmem:s31], [sflag:$0xD] =	stream.linear.gather [hbm4b:s20+s11], $0x40, $0x38;
	[tilespmem:$0x1C800] =	vst v63  }
0x1a3: {  	_ =	swait.ge [sflag:s30], $0x40  }
0x1a4: {  	[sflag:s30] =	ssyncset.done $0x0  }
0x1a5: {  	[sflag:s30] =	ssyncadd.s32 $0xFFFFFFC0  }
0x1a6: {  	v17 =	vld [tilespmem:$0x0]  }
0x1a7: {  	v18 =	vld [tilespmem:$0x10]  }
0x1a8: {  	v19 =	vld [tilespmem:$0x20]  }
0x1a9: {  	v20 =	vld [tilespmem:$0x30];
	_ =	sdelay $0x1  }
0x1aa: {  	v17 =	vadd.s32 v0, v17  }
0x1ab: {  	[tilespmem:$0x0] =	vst v17;
	v17 =	vadd.s32 v0, v18  }
0x1ac: {  	[tilespmem:$0x10] =	vst v17;
	v17 =	vadd.s32 v0, v19  }
0x1ad: {  	[tilespmem:$0x20] =	vst v17;
	v17 =	vadd.s32 v0, v20  }
0x1ae: {  	s20 =	simm.s32 $0x2B80;
	[tilespmem:$0x30] =	vst v17  }
0x1af: {  	[tilespmem:s20], [sflag:$0x1] =	stream.indirect.gather [hbm4b:s12+s19], $0x80, s11, s19, $0xb8;
	[tilespmem:$0x1C800] =	vst v63  }
0x1b0: {  	_ =	swait.ge [sflag:s0], $0x2000  }
0x1b1: {  	[sflag:s0] =	ssyncset.done $0x0  }
0x1b2: {  	s31 =	simm.s32 $0x0;
	[sflag:s0] =	ssyncadd.s32 $0xFFFFE000  }
0x1b3: {  	v17 =	vld.msk [tilespmem:s31+$0x2880 ss:$0x0], $0xffff;
	_ =	sdelay $0x1  }
0x1b4: {  	v19 =	vld.msk [tilespmem:s31+$0x2A00 ss:$0x0], $0xffff;
	_ =	sdelay $0x1  }
0x1b5: {  	s17 =	simm.s32 $0x2BC0  }
0x1b6: {  	v49 =	vld [tilespmem:s17+$0xFFFFFFE0];
	v23 =	vmul.f32 v17, v10;
	v24 =	vmul.f32 v17, v11  }
0x1b7: {  	v18 =	vld [tilespmem:s17+$0xFFFFFFD0];
	v25 =	vmul.f32 v17, v12;
	v26 =	vmul.f32 v17, v13  }
0x1b8: {  	v21 =	vld [tilespmem:s17+$0xFFFFFFF0];
	v50 =	vmul.f32 v19, v16;
	v27 =	vmul.f32 v19, v14  }
0x1b9: {  	v22 =	vld [tilespmem:s17+$0x0];
	v52 =	vmul.f32 v19, v15;
	v53 =	vmul.f32 v19, v9  }
0x1ba: {  	v28 =	vld [tilespmem:s17+$0xFFFFFFC0];
	v55 =	vmul.f32 v17, v7;
	v57 =	vmul.f32 v19, v8  }
0x1bb: {  	v51 =	vld [tilespmem:s17+$0x10];
	v29 =	vmul.f32 v17, v5;
	v58 =	vmul.f32 v17, v3;
	v20 =	vadd.f32 v49, v24  }
0x1bc: {  	v54 =	vld [tilespmem:s17+$0x20];
	v60 =	vmul.f32 v19, v6;
	v17 =	vmul.f32 v17, v1;
	v18 =	vadd.f32 v18, v23  }
0x1bd: {  	v56 =	vld [tilespmem:s17+$0x30];
	v61 =	vmul.f32 v19, v4;
	v21 =	vadd.f32 v21, v25;
	v20 =	vadd.f32 v20, v50  }
0x1be: {  	v19 =	vmul.f32 v19, v2;
	v22 =	vadd.f32 v22, v26;
	v18 =	vadd.f32 v18, v27  }
0x1bf: {  	v17 =	vadd.f32 v17, v28;
	v21 =	vadd.f32 v21, v52;
	v20 =	vmax.f32 v20, $0.0e+00  }
0x1c0: {  	v24 =	vadd.f32 v51, v55;
	v22 =	vadd.f32 v22, v53;
	v18 =	vmax.f32 v18, $0.0e+00;
	[tilespmem:s17+$0xFFFFFFE0] =	vst v20  }
0x1c1: {  	v59 =	vadd.f32 v54, v29;
	v17 =	vadd.f32 v19, v17;
	v21 =	vmax.f32 v21, $0.0e+00;
	[tilespmem:s17+$0xFFFFFFD0] =	vst v18  }
0x1c2: {  	v62 =	vadd.f32 v56, v58;
	v22 =	vmax.f32 v22, $0.0e+00;
	v18 =	vadd.f32 v24, v57;
	[tilespmem:s17+$0xFFFFFFF0] =	vst v21  }
0x1c3: {  	v17 =	vmax.f32 v17, $0.0e+00;
	v20 =	vadd.f32 v59, v60;
	[tilespmem:s17+$0x0] =	vst v22  }
0x1c4: {  	v63 =	vadd.f32 v62, v61;
	[tilespmem:s17+$0xFFFFFFC0] =	vst v17;
	v18 =	vmax.f32 v18, $0.0e+00  }
0x1c5: {  	[tilespmem:s17+$0x10] =	vst v18;
	v18 =	vmax.f32 v20, $0.0e+00  }
0x1c6: {  	[tilespmem:s17+$0x20] =	vst v18;
	v18 =	vmax.f32 v63, $0.0e+00  }
0x1c7: {  	s29 =	simm.s32 $0x8;
	s11 =	simm.s32 $0x1;
	[tilespmem:s17+$0x30] =	vst v18  }
.LBB2_14:
0x1c8: {  	p3 =	sne.s32 s29, $0xFC;
	v17 =	vld.msk [tilespmem:s11+$0x2880 ss:$0x0], $0xffff;
	s17 =	sadd.s32 $0x80, s17  }
0x1c9: {  	v18 =	vld [tilespmem:s17+$0xFFFFFFD0]  }
0x1ca: {  	v19 =	vld.msk [tilespmem:s11+$0x2A00 ss:$0x0], $0xffff  }
0x1cb: {  	v20 =	vld [tilespmem:s17+$0xFFFFFFE0]  }
0x1cc: {  	v21 =	vld [tilespmem:s17+$0xFFFFFFF0]  }
0x1cd: {  	v22 =	vld [tilespmem:s17+$0x0]  }
0x1ce: {  	v23 =	vmul.f32 v17, v10;
	v24 =	vmul.f32 v17, v11  }
0x1cf: {  	v25 =	vmul.f32 v17, v12;
	v26 =	vmul.f32 v17, v13  }
0x1d0: {  	v18 =	vadd.f32 v18, v23;
	v23 =	vmul.f32 v19, v16;
	v20 =	vadd.f32 v20, v24;
	v24 =	vld [tilespmem:s17+$0x10]  }
0x1d1: {  	v27 =	vmul.f32 v19, v14;
	v21 =	vadd.f32 v21, v25;
	v25 =	vmul.f32 v19, v15  }
0x1d2: {  	v20 =	vadd.f32 v20, v23;
	v22 =	vadd.f32 v22, v26;
	v23 =	vmul.f32 v19, v9  }
0x1d3: {  	v18 =	vadd.f32 v18, v27;
	v21 =	vadd.f32 v21, v25;
	v25 =	vmul.f32 v17, v7;
	v26 =	vld [tilespmem:s17+$0x20]  }
0x1d4: {  	v20 =	vmax.f32 v20, $0.0e+00;
	v22 =	vadd.f32 v22, v23;
	v23 =	vmul.f32 v19, v8;
	v27 =	vld [tilespmem:s17+$0x30]  }
0x1d5: {  	v18 =	vmax.f32 v18, $0.0e+00;
	v28 =	vld [tilespmem:s17+$0xFFFFFFC0];
	[tilespmem:s17+$0xFFFFFFE0] =	vst v20;
	v20 =	vmax.f32 v21, $0.0e+00;
	v21 =	vadd.f32 v24, v25  }
0x1d6: {  	v24 =	vmul.f32 v19, v6;
	[tilespmem:s17+$0xFFFFFFD0] =	vst v18;
	v18 =	vmax.f32 v22, $0.0e+00;
	v22 =	vmul.f32 v17, v5  }
0x1d7: {  	[tilespmem:s17+$0xFFFFFFF0] =	vst v20;
	v20 =	vadd.f32 v21, v23;
	v21 =	vmul.f32 v17, v3;
	v23 =	vmul.f32 v19, v4  }
0x1d8: {  	v17 =	vmul.f32 v17, v1;
	v19 =	vmul.f32 v19, v2;
	[tilespmem:s17+$0x0] =	vst v18;
	v18 =	vadd.f32 v26, v22  }
0x1d9: {  	v20 =	vmax.f32 v20, $0.0e+00;
	v21 =	vadd.f32 v27, v21  }
0x1da: {  	v17 =	vadd.f32 v17, v28;
	[tilespmem:s17+$0x10] =	vst v20;
	v18 =	vadd.f32 v18, v24  }
.Ltmp9:
0x1db: {  	v20 =	vadd.f32 v21, v23;
	(pc) =	sbr.rel @p3 .LBB2_14-.Ltmp9, $4  }
0x1dc: {  	v17 =	vadd.f32 v19, v17;
	v18 =	vmax.f32 v18, $0.0e+00  }
0x1dd: {  	[tilespmem:s17+$0x20] =	vst v18;
	v18 =	vmax.f32 v20, $0.0e+00  }
0x1de: {  	v17 =	vmax.f32 v17, $0.0e+00;
	[tilespmem:s17+$0x30] =	vst v18  }
0x1df: {  	s11 =	sshra.s32 s29, $0x2;
	s29 =	sadd.s32 $0x4, s29;
	[tilespmem:s17+$0xFFFFFFC0] =	vst v17  }
0x1e0: {  	v17 =	vld.msk [tilespmem:s11+$0x2880 ss:$0x0], $0xffff;
	_ =	sdelay $0x1  }
0x1e1: {  	v19 =	vld.msk [tilespmem:s11+$0x2A00 ss:$0x0], $0xffff;
	_ =	sdelay $0x1  }
0x1e2: {  	s17 =	sadd.s32 $0x80, s17  }
0x1e3: {  	v20 =	vld [tilespmem:s17+$0xFFFFFFE0];
	v10 =	vmul.f32 v17, v10;
	v11 =	vmul.f32 v17, v11  }
0x1e4: {  	v18 =	vld [tilespmem:s17+$0xFFFFFFD0];
	v12 =	vmul.f32 v17, v12;
	v13 =	vmul.f32 v17, v13  }
0x1e5: {  	v21 =	vld [tilespmem:s17+$0xFFFFFFF0];
	v16 =	vmul.f32 v19, v16;
	v14 =	vmul.f32 v19, v14  }
0x1e6: {  	v22 =	vld [tilespmem:s17+$0x0];
	v15 =	vmul.f32 v19, v15;
	v9 =	vmul.f32 v19, v9  }
0x1e7: {  	v59 =	vld [tilespmem:s17+$0x10];
	v7 =	vmul.f32 v17, v7;
	v8 =	vmul.f32 v19, v8  }
0x1e8: {  	v60 =	vld [tilespmem:s17+$0x20];
	v5 =	vmul.f32 v17, v5;
	v3 =	vmul.f32 v17, v3;
	v11 =	vadd.f32 v20, v11  }
0x1e9: {  	v62 =	vld [tilespmem:s17+$0xFFFFFFC0];
	v6 =	vmul.f32 v19, v6;
	v1 =	vmul.f32 v17, v1;
	v10 =	vadd.f32 v18, v10  }
0x1ea: {  	v61 =	vld [tilespmem:s17+$0x30];
	v4 =	vmul.f32 v19, v4;
	v12 =	vadd.f32 v21, v12;
	v11 =	vadd.f32 v11, v16  }
0x1eb: {  	v2 =	vmul.f32 v19, v2;
	v13 =	vadd.f32 v22, v13;
	v10 =	vadd.f32 v10, v14  }
0x1ec: {  	v7 =	vadd.f32 v59, v7;
	v12 =	vadd.f32 v12, v15;
	v11 =	vmax.f32 v11, $0.0e+00  }
0x1ed: {  	v5 =	vadd.f32 v60, v5;
	v9 =	vadd.f32 v13, v9;
	v10 =	vmax.f32 v10, $0.0e+00;
	[tilespmem:s17+$0xFFFFFFE0] =	vst v11  }
0x1ee: {  	v1 =	vadd.f32 v1, v62;
	v7 =	vadd.f32 v7, v8;
	v12 =	vmax.f32 v12, $0.0e+00;
	[tilespmem:s17+$0xFFFFFFD0] =	vst v10  }
0x1ef: {  	v3 =	vadd.f32 v61, v3;
	v5 =	vadd.f32 v5, v6;
	v9 =	vmax.f32 v9, $0.0e+00;
	[tilespmem:s17+$0xFFFFFFF0] =	vst v12  }
0x1f0: {  	v1 =	vadd.f32 v2, v1;
	v63 =	vmax.f32 v7, $0.0e+00;
	[tilespmem:s17+$0x0] =	vst v9  }
0x1f1: {  	v3 =	vadd.f32 v3, v4;
	v2 =	vmax.f32 v5, $0.0e+00;
	[tilespmem:s17+$0x10] =	vst v63  }
0x1f2: {  	v1 =	vmax.f32 v1, $0.0e+00;
	[tilespmem:s17+$0x20] =	vst v2  }
0x1f3: {  	v2 =	vmax.f32 v3, $0.0e+00;
	[tilespmem:s17+$0xFFFFFFC0] =	vst v1  }
0x1f4: {  	s29 =	rddreg [dreg:$0x17];
	[tilespmem:s17+$0x30] =	vst v2  }
0x1f5: {  	[tilespmem:s21], [sflag:$0xD] =	stream.linear.gather [hbm4b:s29+s3], $0x40, $0x38;
	[tilespmem:$0x1C800] =	vst v63  }
0x1f6: {  	_ =	swait.ge [sflag:s30], $0x40  }
0x1f7: {  	[sflag:s30] =	ssyncset.done $0x0  }
0x1f8: {  	s31 =	simm.s32 $0x2B80;
	[sflag:s30] =	ssyncadd.s32 $0xFFFFFFC0  }
0x1f9: {  	[spmem:s2] =	stream.indirect.scatter.add.f32 [tilespmem:s31], [sflag:$0xD], $0x80, s21, s19, $0xb8;
	[tilespmem:$0x1C800] =	vst v63  }
0x1fa: {  	_ =	swait.ge [sflag:s30], $0x2000  }
0x1fb: {  	[sflag:s30] =	ssyncset.done $0x0  }
0x1fc: {  	[sflag:s30] =	ssyncadd.s32 $0xFFFFE000  }
.LBB2_16:
0x1fd: {  	[bflag:$0x0] =	sbarrier.arrive $0xFFFF  }
0x1fe: {  	s17 =	sld [smem:$0x7F4]  }
0x1ff: {  	s20 =	rddreg [dreg:$0x6]  }
0x200: {  	s11 =	rddreg [dreg:$0xa]  }
0x201: {  	[hbm:s11], [sflag:s20] =	dma.local [spmem:s17], $0x2700  }
0x202: {  	_ =	swait.ge [sflag:s30], $0x2700  }
0x203: {  	s29 =	sld [smem:$0x7FC]  }
0x204: {  	[sflag:s30] =	ssyncset.done $0x0;
	s17 =	rddreg [dreg:$0x4]  }
0x205: {  	[sflag:s30] =	ssyncadd.s32 $0xFFFFD900;
	s11 =	sshrl.u32 @p0 s17, $0x3  }
0x206: {  	[spmem:s11], [sflag:s20] =	dma.local @p0 [hbm:s29], $0x2700  }
0x207: {  	s11 =	simm.s32 @p0 $0xD  }
0x208: {  	_ =	swait.ge @p0 [sflag:s11], $0x2700  }
0x209: {  	s31 =	sld [smem:$0x7F5]  }
0x20a: {  	[sflag:s11] =	ssyncset.done @p0 $0x0  }
0x20b: {  	[sflag:s11] =	ssyncadd.s32 @p0 $0xFFFFD900;
	s11 =	rddreg [dreg:$0xb]  }
0x20c: {  	[hbm:s11], [sflag:s20] =	dma.local @!p0 [spmem:s31], $0x100  }
0x20d: {  	s11 =	simm.s32 @!p0 $0xD  }
0x20e: {  	_ =	swait.ge @!p0 [sflag:s11], $0x100  }
0x20f: {  	[sflag:s11] =	ssyncset.done @!p0 $0x0  }
0x210: {  	s17 =	sshrl.u32 @!p0 s17, $0x3;
	[sflag:s11] =	ssyncadd.s32 @!p0 $0xFFFFFF00  }
0x211: {  	[spmem:s17], [sflag:s20] =	dma.local @!p0 [hbm:s29], $0x2700  }
0x212: {  	_ =	swait.ge @!p0 [sflag:s11], $0x2700  }
0x213: {  	[sflag:s11] =	ssyncset.done @!p0 $0x0  }
0x214: {  	s17 =	rddreg [dreg:$0x18];
	[sflag:s11] =	ssyncadd.s32 @!p0 $0xFFFFD900  }
0x215: {  	[spmem:s31], [sflag:s20] =	dma.local @!p0 [hbm:s17], $0x100  }
0x216: {  	_ =	swait.ge @!p0 [sflag:s11], $0x100  }
0x217: {  	s20 =	sld [smem:$0x7FD]  }
0x218: {  	[sflag:s11] =	ssyncset.done @!p0 $0x0  }
0x219: {  	s29 =	simm.s32 $0x8B80;
	[sflag:s11] =	ssyncadd.s32 @!p0 $0xFFFFFF00;
	s11 =	simm.s32 $0x0  }
0x21a: {  	[tilespmem:s29], [sflag:$0xD] =	stream.linear.gather [hbm4b:s20+s11], $0x400, $0x38;
	[tilespmem:$0x1C800] =	vst v63  }
0x21b: {  	_ =	swait.ge [sflag:s30], $0x400  }
0x21c: {  	[sflag:s30] =	ssyncset.done $0x0  }
0x21d: {  	s31 =	rddreg [dreg:$0x19];
	[sflag:s30] =	ssyncadd.s32 $0xFFFFFC00  }
0x21e: {  	[tilespmem:s11], [sflag:$0xD] =	stream.linear.gather [hbm4b:s31+s11], $0x1380, $0x38;
	[tilespmem:$0x1C800] =	vst v63  }
0x21f: {  	_ =	swait.ge [sflag:s30], $0x1380  }
0x220: {  	[sflag:s30] =	ssyncset.done $0x0  }
0x221: {  	s17 =	simm.s32 $0x40;
	s11 =	simm.s32 $0x0;
	[sflag:s30] =	ssyncadd.s32 $0xFFFFEC80  }
.LBB2_17:
0x222: {  	p3 =	sne.s32 s17, $0x4DC0;
	v1 =	vld [tilespmem:s11+$0x0];
	_ =	sdelay $0x1  }
.Ltmp10:
0x223: {  	(pc) =	sbr.rel @p3 .LBB2_17-.Ltmp10, $3  }
0x224: {  	_ =	sdelay $0x1  }
0x225: {  	v1 =	vadd.s32 $0x4E20, v1  }
0x226: {  	[tilespmem:s11+$0x0] =	vst v1;
	s11 =	sshra.s32 s17, $0x2;
	s17 =	sadd.s32 $0x40, s17  }
0x227: {  	v1 =	vld [tilespmem:s11+$0x0];
	_ =	sdelay $0x4  }
0x228: {  	v1 =	vadd.s32 $0x4E20, v1  }
0x229: {  	[tilespmem:s11+$0x0] =	vst v1  }
0x22a: {  	v1 =	vld [tilespmem:$0x8B80]  }
0x22b: {  	v10 =	vld [tilespmem:$0x8B90]  }
0x22c: {  	v11 =	vld [tilespmem:$0x8BA0]  }
0x22d: {  	v12 =	vld [tilespmem:$0x8BB0]  }
0x22e: {  	v13 =	vld [tilespmem:$0x8BC0]  }
0x22f: {  	v7 =	vld [tilespmem:$0x8BD0]  }
0x230: {  	v5 =	vld [tilespmem:$0x8BE0]  }
0x231: {  	v3 =	vld [tilespmem:$0x8BF0]  }
0x232: {  	v2 =	vld [tilespmem:$0x8C00]  }
0x233: {  	v14 =	vld [tilespmem:$0x8C10]  }
0x234: {  	v16 =	vld [tilespmem:$0x8C20]  }
0x235: {  	v15 =	vld [tilespmem:$0x8C30]  }
0x236: {  	v9 =	vld [tilespmem:$0x8C40]  }
0x237: {  	v8 =	vld [tilespmem:$0x8C50]  }
0x238: {  	v6 =	vld [tilespmem:$0x8C60]  }
0x239: {  	s17 =	simm.s32 $0x0;
	s29 =	simm.s32 $0x2B80;
	v4 =	vld [tilespmem:$0x8C70];
	[bflag:$0x0] =	sbarrier.arrive $0xFFFF  }
0x23a: {  	[tilespmem:s29], [sflag:$0x1] =	stream.indirect.gather [hbm4b:s12+s19], $0x80, s17, s19, $0xb8;
	[tilespmem:$0x1C800] =	vst v63  }
0x23b: {  	s30 =	rddreg [dreg:$0x1a]  }
0x23c: {  	[tilespmem:s21], [sflag:$0x4] =	stream.linear.gather [hbm4b:s30+s17], $0x40, $0x38;
	[tilespmem:$0x1C800] =	vst v63  }
0x23d: {  	s20 =	simm.s32 $0x2880;
	s31 =	rddreg [dreg:$0x1b]  }
0x23e: {  	[tilespmem:s20], [sflag:$0x7] =	stream.linear.gather [hbm4b:s31+s17], $0x40, $0x38;
	[tilespmem:$0x1C800] =	vst v63  }
0x23f: {  	s29 =	rddreg [dreg:$0x1c];
	s30 =	simm.s32 $0x2A00  }
0x240: {  	[tilespmem:s30], [sflag:$0x7] =	stream.linear.gather [hbm4b:s29+s17], $0x40, $0x38;
	[tilespmem:$0x1C800] =	vst v63  }
0x241: {  	_ = 	snop  }
0x242: {  	[tilespmem:s23], [sflag:$0x2] =	stream.indirect.gather [hbm4b:s12+s19], $0x80, s19, s19, $0xb8;
	[tilespmem:$0x1C800] =	vst v63  }
0x243: {  	s31 =	rddreg [dreg:$0x1d]  }
0x244: {  	[tilespmem:s24], [sflag:$0x5] =	stream.linear.gather [hbm4b:s31+s17], $0x40, $0x38;
	[tilespmem:$0x1C800] =	vst v63  }
0x245: {  	s20 =	rddreg [dreg:$0x1e];
	s29 =	simm.s32 $0x2900  }
0x246: {  	[tilespmem:s29], [sflag:$0x8] =	stream.linear.gather [hbm4b:s20+s17], $0x40, $0x38;
	[tilespmem:$0x1C800] =	vst v63  }
0x247: {  	s30 =	rddreg [dreg:$0x1f];
	s31 =	simm.s32 $0x2A80  }
0x248: {  	[tilespmem:s31], [sflag:$0x8] =	stream.linear.gather [hbm4b:s30+s17], $0x40, $0x38;
	[tilespmem:$0x1C800] =	vst v63  }
.LBB2_19:
0x249: {  	_ =	swait.ge [sflag:s0], $0x2000  }
0x24a: {  	[sflag:s0] =	ssyncset.done $0x0  }
0x24b: {  	[sflag:s0] =	ssyncadd.s32 $0xFFFFE000  }
0x24c: {  	_ =	swait.ge [sflag:s5], $0x40  }
0x24d: {  	[sflag:s5] =	ssyncset.done $0x0  }
0x24e: {  	[sflag:s5] =	ssyncadd.s32 $0xFFFFFFC0  }
0x24f: {  	_ =	swait.ge [sflag:s5], $0x40  }
0x250: {  	[sflag:s5] =	ssyncset.done $0x0  }
0x251: {  	s11 =	simm.s32 $0x0;
	[sflag:s5] =	ssyncadd.s32 $0xFFFFFFC0  }
0x252: {  	v17 =	vld.msk [tilespmem:s11+$0x2880 ss:$0x0], $0xffff;
	_ =	sdelay $0x1  }
0x253: {  	v19 =	vld.msk [tilespmem:s11+$0x2A00 ss:$0x0], $0xffff;
	_ =	sdelay $0x1  }
0x254: {  	s30 =	simm.s32 $0x2BC0  }
0x255: {  	v20 =	vld [tilespmem:s30+$0xFFFFFFE0];
	v23 =	vmul.f32 v17, v10;
	v24 =	vmul.f32 v17, v11  }
0x256: {  	v18 =	vld [tilespmem:s30+$0xFFFFFFD0];
	v25 =	vmul.f32 v17, v12;
	v26 =	vmul.f32 v17, v13  }
0x257: {  	v21 =	vld [tilespmem:s30+$0xFFFFFFF0];
	v50 =	vmul.f32 v19, v16;
	v27 =	vmul.f32 v19, v14  }
0x258: {  	v22 =	vld [tilespmem:s30+$0x0];
	v52 =	vmul.f32 v19, v15;
	v53 =	vmul.f32 v19, v9  }
0x259: {  	v28 =	vld [tilespmem:s30+$0xFFFFFFC0];
	v55 =	vmul.f32 v17, v7;
	v57 =	vmul.f32 v19, v8  }
0x25a: {  	v51 =	vld [tilespmem:s30+$0x10];
	v29 =	vmul.f32 v17, v5;
	v58 =	vmul.f32 v17, v3;
	v20 =	vadd.f32 v20, v24  }
0x25b: {  	v54 =	vld [tilespmem:s30+$0x20];
	v60 =	vmul.f32 v19, v6;
	v17 =	vmul.f32 v17, v1;
	v18 =	vadd.f32 v18, v23  }
0x25c: {  	v56 =	vld [tilespmem:s30+$0x30];
	v61 =	vmul.f32 v19, v4;
	v21 =	vadd.f32 v21, v25;
	v20 =	vadd.f32 v20, v50  }
0x25d: {  	v19 =	vmul.f32 v19, v2;
	v22 =	vadd.f32 v22, v26;
	v18 =	vadd.f32 v18, v27  }
0x25e: {  	v17 =	vadd.f32 v17, v28;
	v21 =	vadd.f32 v21, v52;
	v20 =	vmax.f32 v20, $0.0e+00  }
0x25f: {  	v24 =	vadd.f32 v51, v55;
	v22 =	vadd.f32 v22, v53;
	v18 =	vmax.f32 v18, $0.0e+00;
	[tilespmem:s30+$0xFFFFFFE0] =	vst v20  }
0x260: {  	v59 =	vadd.f32 v54, v29;
	v17 =	vadd.f32 v19, v17;
	v21 =	vmax.f32 v21, $0.0e+00;
	[tilespmem:s30+$0xFFFFFFD0] =	vst v18  }
0x261: {  	v62 =	vadd.f32 v56, v58;
	v22 =	vmax.f32 v22, $0.0e+00;
	v18 =	vadd.f32 v24, v57;
	[tilespmem:s30+$0xFFFFFFF0] =	vst v21  }
0x262: {  	v17 =	vmax.f32 v17, $0.0e+00;
	v20 =	vadd.f32 v59, v60;
	[tilespmem:s30+$0x0] =	vst v22  }
0x263: {  	v63 =	vadd.f32 v62, v61;
	[tilespmem:s30+$0xFFFFFFC0] =	vst v17;
	v18 =	vmax.f32 v18, $0.0e+00  }
0x264: {  	[tilespmem:s30+$0x10] =	vst v18;
	v18 =	vmax.f32 v20, $0.0e+00  }
0x265: {  	[tilespmem:s30+$0x20] =	vst v18;
	v18 =	vmax.f32 v63, $0.0e+00  }
0x266: {  	s29 =	simm.s32 $0x8;
	s11 =	simm.s32 $0x1;
	[tilespmem:s30+$0x30] =	vst v18  }
.LBB2_20:
0x267: {  	p3 =	sne.s32 s29, $0xFC;
	v17 =	vld.msk [tilespmem:s11+$0x2880 ss:$0x0], $0xffff;
	s30 =	sadd.s32 $0x80, s30  }
0x268: {  	v18 =	vld [tilespmem:s30+$0xFFFFFFD0]  }
0x269: {  	v19 =	vld.msk [tilespmem:s11+$0x2A00 ss:$0x0], $0xffff  }
0x26a: {  	v20 =	vld [tilespmem:s30+$0xFFFFFFE0]  }
0x26b: {  	v21 =	vld [tilespmem:s30+$0xFFFFFFF0]  }
0x26c: {  	v22 =	vld [tilespmem:s30+$0x0]  }
0x26d: {  	v23 =	vmul.f32 v17, v10;
	v24 =	vmul.f32 v17, v11  }
0x26e: {  	v25 =	vmul.f32 v17, v12;
	v26 =	vmul.f32 v17, v13  }
0x26f: {  	v18 =	vadd.f32 v18, v23;
	v23 =	vmul.f32 v19, v16;
	v20 =	vadd.f32 v20, v24;
	v24 =	vld [tilespmem:s30+$0x10]  }
0x270: {  	v27 =	vmul.f32 v19, v14;
	v21 =	vadd.f32 v21, v25;
	v25 =	vmul.f32 v19, v15  }
0x271: {  	v20 =	vadd.f32 v20, v23;
	v22 =	vadd.f32 v22, v26;
	v23 =	vmul.f32 v19, v9  }
0x272: {  	v18 =	vadd.f32 v18, v27;
	v21 =	vadd.f32 v21, v25;
	v25 =	vmul.f32 v17, v7;
	v26 =	vld [tilespmem:s30+$0x20]  }
0x273: {  	v20 =	vmax.f32 v20, $0.0e+00;
	v22 =	vadd.f32 v22, v23;
	v23 =	vmul.f32 v19, v8;
	v27 =	vld [tilespmem:s30+$0x30]  }
0x274: {  	v18 =	vmax.f32 v18, $0.0e+00;
	v28 =	vld [tilespmem:s30+$0xFFFFFFC0];
	[tilespmem:s30+$0xFFFFFFE0] =	vst v20;
	v20 =	vmax.f32 v21, $0.0e+00;
	v21 =	vadd.f32 v24, v25  }
0x275: {  	v24 =	vmul.f32 v19, v6;
	[tilespmem:s30+$0xFFFFFFD0] =	vst v18;
	v18 =	vmax.f32 v22, $0.0e+00;
	v22 =	vmul.f32 v17, v5  }
0x276: {  	[tilespmem:s30+$0xFFFFFFF0] =	vst v20;
	v20 =	vadd.f32 v21, v23;
	v21 =	vmul.f32 v17, v3;
	v23 =	vmul.f32 v19, v4  }
0x277: {  	v17 =	vmul.f32 v17, v1;
	v19 =	vmul.f32 v19, v2;
	[tilespmem:s30+$0x0] =	vst v18;
	v18 =	vadd.f32 v26, v22  }
0x278: {  	v20 =	vmax.f32 v20, $0.0e+00;
	v21 =	vadd.f32 v27, v21  }
0x279: {  	v17 =	vadd.f32 v17, v28;
	[tilespmem:s30+$0x10] =	vst v20;
	v18 =	vadd.f32 v18, v24  }
.Ltmp11:
0x27a: {  	v20 =	vadd.f32 v21, v23;
	(pc) =	sbr.rel @p3 .LBB2_20-.Ltmp11, $4  }
0x27b: {  	v17 =	vadd.f32 v19, v17;
	v18 =	vmax.f32 v18, $0.0e+00  }
0x27c: {  	[tilespmem:s30+$0x20] =	vst v18;
	v18 =	vmax.f32 v20, $0.0e+00  }
0x27d: {  	v17 =	vmax.f32 v17, $0.0e+00;
	[tilespmem:s30+$0x30] =	vst v18  }
0x27e: {  	s11 =	sshra.s32 s29, $0x2;
	s29 =	sadd.s32 $0x4, s29;
	[tilespmem:s30+$0xFFFFFFC0] =	vst v17  }
0x27f: {  	v17 =	vld.msk [tilespmem:s11+$0x2880 ss:$0x0], $0xffff;
	_ =	sdelay $0x1  }
0x280: {  	v19 =	vld.msk [tilespmem:s11+$0x2A00 ss:$0x0], $0xffff;
	_ =	sdelay $0x1  }
0x281: {  	s20 =	sadd.s32 $0x80, s30  }
0x282: {  	v20 =	vld [tilespmem:s20+$0xFFFFFFE0];
	v23 =	vmul.f32 v17, v10;
	v24 =	vmul.f32 v17, v11  }
0x283: {  	v18 =	vld [tilespmem:s20+$0xFFFFFFD0];
	v25 =	vmul.f32 v17, v12;
	v26 =	vmul.f32 v17, v13  }
0x284: {  	v21 =	vld [tilespmem:s20+$0xFFFFFFF0];
	v59 =	vmul.f32 v19, v16;
	v27 =	vmul.f32 v19, v14  }
0x285: {  	v22 =	vld [tilespmem:s20+$0x0];
	v61 =	vmul.f32 v19, v15;
	v62 =	vmul.f32 v19, v9  }
0x286: {  	v28 =	vld [tilespmem:s20+$0xFFFFFFC0];
	v32 =	vmul.f32 v17, v7;
	v34 =	vmul.f32 v19, v8  }
0x287: {  	v60 =	vld [tilespmem:s20+$0x10];
	v29 =	vmul.f32 v17, v5;
	v35 =	vmul.f32 v17, v3;
	v20 =	vadd.f32 v20, v24  }
0x288: {  	v63 =	vld [tilespmem:s20+$0x20];
	v36 =	vmul.f32 v19, v6;
	v17 =	vmul.f32 v17, v1;
	v18 =	vadd.f32 v18, v23  }
0x289: {  	v33 =	vld [tilespmem:s20+$0x30];
	v37 =	vmul.f32 v19, v4;
	v21 =	vadd.f32 v21, v25;
	v20 =	vadd.f32 v20, v59  }
0x28a: {  	v19 =	vmul.f32 v19, v2;
	v22 =	vadd.f32 v22, v26;
	v18 =	vadd.f32 v18, v27  }
0x28b: {  	v17 =	vadd.f32 v17, v28;
	v21 =	vadd.f32 v21, v61;
	v20 =	vmax.f32 v20, $0.0e+00  }
0x28c: {  	v24 =	vadd.f32 v60, v32;
	v22 =	vadd.f32 v22, v62;
	v18 =	vmax.f32 v18, $0.0e+00;
	[tilespmem:s20+$0xFFFFFFE0] =	vst v20  }
0x28d: {  	v26 =	vadd.f32 v63, v29;
	v17 =	vadd.f32 v19, v17;
	v21 =	vmax.f32 v21, $0.0e+00;
	[tilespmem:s20+$0xFFFFFFD0] =	vst v18  }
0x28e: {  	v38 =	vadd.f32 v33, v35;
	v22 =	vmax.f32 v22, $0.0e+00;
	v18 =	vadd.f32 v24, v34;
	[tilespmem:s20+$0xFFFFFFF0] =	vst v21  }
0x28f: {  	v17 =	vmax.f32 v17, $0.0e+00;
	v20 =	vadd.f32 v26, v36;
	[tilespmem:s20+$0x0] =	vst v22  }
0x290: {  	v39 =	vadd.f32 v38, v37;
	[tilespmem:s20+$0xFFFFFFC0] =	vst v17;
	v18 =	vmax.f32 v18, $0.0e+00  }
0x291: {  	[tilespmem:s20+$0x10] =	vst v18;
	v18 =	vmax.f32 v20, $0.0e+00  }
0x292: {  	[tilespmem:s20+$0x20] =	vst v18;
	v18 =	vmax.f32 v39, $0.0e+00  }
0x293: {  	[tilespmem:s20+$0x30] =	vst v18  }
0x294: {  	_ =	swait.ge [sflag:s25], $0x40  }
0x295: {  	p3 =	seq.s32 s17, $0x0;
	s30 =	smul.u32 $0xC0, s17;
	[sflag:s25] =	ssyncset.done $0x0  }
0x296: {  	s11 =	simm.s32 @!p3 $0xC;
	s20 =	simm.s32 $0x2B80;
	[sflag:s25] =	ssyncadd.s32 $0xFFFFFFC0  }
0x297: {  	[spmem:s2] =	stream.indirect.scatter.add.f32 [tilespmem:s20], [sflag:$0xA], $0x80, s21, s19, $0xb8;
	[tilespmem:$0x1C800] =	vst v63  }
0x298: {  	_ =	swait.ge @!p3 [sflag:s11], $0x2000  }
0x299: {  	s20 =	sadd.s32 $0x80, s30;
	[sflag:s11] =	ssyncset.done @!p3 $0x0  }
0x29a: {  	[sflag:s11] =	ssyncadd.s32 @!p3 $0xFFFFE000;
	s11 =	sadd.s32 s13, s20  }
0x29b: {  	[tilespmem:s26], [sflag:$0x3] =	stream.indirect.gather [hbm4b:s12+s19], $0x80, s20, s19, $0xb8;
	[tilespmem:$0x1C800] =	vst v63  }
0x29c: {  	s11 =	sshrl.u32 s11, $0x3  }
0x29d: {  	s29 =	simm.s32 $0x0;
	s20 =	sadd.s32 s1, s11  }
0x29e: {  	[tilespmem:s28], [sflag:$0x6] =	stream.linear.gather [hbm4b:s20+s29], $0x40, $0x38;
	[tilespmem:$0x1C800] =	vst v63  }
0x29f: {  	s31 =	simm.s32 $0x2980;
	s20 =	sadd.s32 s4, s11  }
0x2a0: {  	[tilespmem:s31], [sflag:$0x9] =	stream.linear.gather [hbm4b:s20+s29], $0x40, $0x38;
	[tilespmem:$0x1C800] =	vst v63  }
0x2a1: {  	s11 =	sadd.s32 s6, s11;
	s20 =	simm.s32 $0x2B00  }
0x2a2: {  	[tilespmem:s20], [sflag:$0x9] =	stream.linear.gather [hbm4b:s11+s29], $0x40, $0x38;
	[tilespmem:$0x1C800] =	vst v63  }
0x2a3: {  	_ =	swait.ge [sflag:s14], $0x2000  }
0x2a4: {  	[sflag:s14] =	ssyncset.done $0x0  }
0x2a5: {  	[sflag:s14] =	ssyncadd.s32 $0xFFFFE000  }
0x2a6: {  	_ =	swait.ge [sflag:s16], $0x40  }
0x2a7: {  	[sflag:s16] =	ssyncset.done $0x0  }
0x2a8: {  	[sflag:s16] =	ssyncadd.s32 $0xFFFFFFC0  }
0x2a9: {  	_ =	swait.ge [sflag:s16], $0x40  }
0x2aa: {  	[sflag:s16] =	ssyncset.done $0x0  }
0x2ab: {  	s20 =	simm.s32 $0x0;
	[sflag:s16] =	ssyncadd.s32 $0xFFFFFFC0  }
0x2ac: {  	v17 =	vld.msk [tilespmem:s20+$0x2900 ss:$0x0], $0xffff;
	_ =	sdelay $0x1  }
0x2ad: {  	v19 =	vld.msk [tilespmem:s20+$0x2A80 ss:$0x0], $0xffff;
	_ =	sdelay $0x1  }
0x2ae: {  	s31 =	simm.s32 $0x4BC0  }
0x2af: {  	v40 =	vld [tilespmem:s31+$0xFFFFFFE0];
	v43 =	vmul.f32 v17, v10;
	v44 =	vmul.f32 v17, v11  }
0x2b0: {  	v18 =	vld [tilespmem:s31+$0xFFFFFFD0];
	v45 =	vmul.f32 v17, v12;
	v46 =	vmul.f32 v17, v13  }
0x2b1: {  	v41 =	vld [tilespmem:s31+$0xFFFFFFF0];
	v47 =	vmul.f32 v19, v16;
	v49 =	vmul.f32 v19, v14  }
0x2b2: {  	v42 =	vld [tilespmem:s31+$0x0];
	v50 =	vmul.f32 v19, v15;
	v51 =	vmul.f32 v19, v9  }
0x2b3: {  	v56 =	vld [tilespmem:s31+$0xFFFFFFC0];
	v53 =	vmul.f32 v17, v7;
	v55 =	vmul.f32 v19, v8  }
0x2b4: {  	v48 =	vld [tilespmem:s31+$0x10];
	v57 =	vmul.f32 v17, v5;
	v58 =	vmul.f32 v17, v3;
	v20 =	vadd.f32 v40, v44  }
0x2b5: {  	v52 =	vld [tilespmem:s31+$0x20];
	v60 =	vmul.f32 v19, v6;
	v17 =	vmul.f32 v17, v1;
	v18 =	vadd.f32 v18, v43  }
0x2b6: {  	v54 =	vld [tilespmem:s31+$0x30];
	v61 =	vmul.f32 v19, v4;
	v21 =	vadd.f32 v41, v45;
	v20 =	vadd.f32 v20, v47  }
0x2b7: {  	v19 =	vmul.f32 v19, v2;
	v22 =	vadd.f32 v42, v46;
	v18 =	vadd.f32 v18, v49  }
0x2b8: {  	v17 =	vadd.f32 v17, v56;
	v21 =	vadd.f32 v21, v50;
	v20 =	vmax.f32 v20, $0.0e+00  }
0x2b9: {  	v24 =	vadd.f32 v48, v53;
	v22 =	vadd.f32 v22, v51;
	v18 =	vmax.f32 v18, $0.0e+00;
	[tilespmem:s31+$0xFFFFFFE0] =	vst v20  }
0x2ba: {  	v59 =	vadd.f32 v52, v57;
	v17 =	vadd.f32 v19, v17;
	v21 =	vmax.f32 v21, $0.0e+00;
	[tilespmem:s31+$0xFFFFFFD0] =	vst v18  }
0x2bb: {  	v62 =	vadd.f32 v54, v58;
	v22 =	vmax.f32 v22, $0.0e+00;
	v18 =	vadd.f32 v24, v55;
	[tilespmem:s31+$0xFFFFFFF0] =	vst v21  }
0x2bc: {  	v17 =	vmax.f32 v17, $0.0e+00;
	v20 =	vadd.f32 v59, v60;
	[tilespmem:s31+$0x0] =	vst v22  }
0x2bd: {  	v63 =	vadd.f32 v62, v61;
	[tilespmem:s31+$0xFFFFFFC0] =	vst v17;
	v18 =	vmax.f32 v18, $0.0e+00  }
0x2be: {  	[tilespmem:s31+$0x10] =	vst v18;
	v18 =	vmax.f32 v20, $0.0e+00  }
0x2bf: {  	[tilespmem:s31+$0x20] =	vst v18;
	v18 =	vmax.f32 v63, $0.0e+00  }
0x2c0: {  	s11 =	simm.s32 $0x1;
	s29 =	simm.s32 $0x8;
	[tilespmem:s31+$0x30] =	vst v18  }
.LBB2_22:
0x2c1: {  	p3 =	sne.s32 s29, $0xFC;
	v17 =	vld.msk [tilespmem:s11+$0x2900 ss:$0x0], $0xffff;
	s31 =	sadd.s32 $0x80, s31  }
0x2c2: {  	v18 =	vld [tilespmem:s31+$0xFFFFFFD0]  }
0x2c3: {  	v19 =	vld.msk [tilespmem:s11+$0x2A80 ss:$0x0], $0xffff  }
0x2c4: {  	v20 =	vld [tilespmem:s31+$0xFFFFFFE0]  }
0x2c5: {  	v21 =	vld [tilespmem:s31+$0xFFFFFFF0]  }
0x2c6: {  	v22 =	vld [tilespmem:s31+$0x0]  }
0x2c7: {  	v23 =	vmul.f32 v17, v10;
	v24 =	vmul.f32 v17, v11  }
0x2c8: {  	v25 =	vmul.f32 v17, v12;
	v26 =	vmul.f32 v17, v13  }
0x2c9: {  	v18 =	vadd.f32 v18, v23;
	v23 =	vmul.f32 v19, v16;
	v20 =	vadd.f32 v20, v24;
	v24 =	vld [tilespmem:s31+$0x10]  }
0x2ca: {  	v27 =	vmul.f32 v19, v14;
	v21 =	vadd.f32 v21, v25;
	v25 =	vmul.f32 v19, v15  }
0x2cb: {  	v20 =	vadd.f32 v20, v23;
	v22 =	vadd.f32 v22, v26;
	v23 =	vmul.f32 v19, v9  }
0x2cc: {  	v18 =	vadd.f32 v18, v27;
	v21 =	vadd.f32 v21, v25;
	v25 =	vmul.f32 v17, v7;
	v26 =	vld [tilespmem:s31+$0x20]  }
0x2cd: {  	v20 =	vmax.f32 v20, $0.0e+00;
	v22 =	vadd.f32 v22, v23;
	v23 =	vmul.f32 v19, v8;
	v27 =	vld [tilespmem:s31+$0x30]  }
0x2ce: {  	v18 =	vmax.f32 v18, $0.0e+00;
	v28 =	vld [tilespmem:s31+$0xFFFFFFC0];
	[tilespmem:s31+$0xFFFFFFE0] =	vst v20;
	v20 =	vmax.f32 v21, $0.0e+00;
	v21 =	vadd.f32 v24, v25  }
0x2cf: {  	v24 =	vmul.f32 v19, v6;
	[tilespmem:s31+$0xFFFFFFD0] =	vst v18;
	v18 =	vmax.f32 v22, $0.0e+00;
	v22 =	vmul.f32 v17, v5  }
0x2d0: {  	[tilespmem:s31+$0xFFFFFFF0] =	vst v20;
	v20 =	vadd.f32 v21, v23;
	v21 =	vmul.f32 v17, v3;
	v23 =	vmul.f32 v19, v4  }
0x2d1: {  	v17 =	vmul.f32 v17, v1;
	v19 =	vmul.f32 v19, v2;
	[tilespmem:s31+$0x0] =	vst v18;
	v18 =	vadd.f32 v26, v22  }
0x2d2: {  	v20 =	vmax.f32 v20, $0.0e+00;
	v21 =	vadd.f32 v27, v21  }
0x2d3: {  	v17 =	vadd.f32 v17, v28;
	[tilespmem:s31+$0x10] =	vst v20;
	v18 =	vadd.f32 v18, v24  }
.Ltmp12:
0x2d4: {  	v20 =	vadd.f32 v21, v23;
	(pc) =	sbr.rel @p3 .LBB2_22-.Ltmp12, $4  }
0x2d5: {  	v17 =	vadd.f32 v19, v17;
	v18 =	vmax.f32 v18, $0.0e+00  }
0x2d6: {  	[tilespmem:s31+$0x20] =	vst v18;
	v18 =	vmax.f32 v20, $0.0e+00  }
0x2d7: {  	v17 =	vmax.f32 v17, $0.0e+00;
	[tilespmem:s31+$0x30] =	vst v18  }
0x2d8: {  	s11 =	sshra.s32 s29, $0x2;
	s29 =	sadd.s32 $0x4, s29;
	[tilespmem:s31+$0xFFFFFFC0] =	vst v17  }
0x2d9: {  	v17 =	vld.msk [tilespmem:s11+$0x2900 ss:$0x0], $0xffff;
	_ =	sdelay $0x1  }
0x2da: {  	v19 =	vld.msk [tilespmem:s11+$0x2A80 ss:$0x0], $0xffff;
	_ =	sdelay $0x1  }
0x2db: {  	s20 =	sadd.s32 $0x80, s31  }
0x2dc: {  	v20 =	vld [tilespmem:s20+$0xFFFFFFE0];
	v23 =	vmul.f32 v17, v10;
	v24 =	vmul.f32 v17, v11  }
0x2dd: {  	v18 =	vld [tilespmem:s20+$0xFFFFFFD0];
	v25 =	vmul.f32 v17, v12;
	v26 =	vmul.f32 v17, v13  }
0x2de: {  	v21 =	vld [tilespmem:s20+$0xFFFFFFF0];
	v59 =	vmul.f32 v19, v16;
	v27 =	vmul.f32 v19, v14  }
0x2df: {  	v22 =	vld [tilespmem:s20+$0x0];
	v61 =	vmul.f32 v19, v15;
	v62 =	vmul.f32 v19, v9  }
0x2e0: {  	v28 =	vld [tilespmem:s20+$0xFFFFFFC0];
	v32 =	vmul.f32 v17, v7;
	v34 =	vmul.f32 v19, v8  }
0x2e1: {  	v60 =	vld [tilespmem:s20+$0x10];
	v29 =	vmul.f32 v17, v5;
	v35 =	vmul.f32 v17, v3;
	v20 =	vadd.f32 v20, v24  }
0x2e2: {  	v63 =	vld [tilespmem:s20+$0x20];
	v36 =	vmul.f32 v19, v6;
	v17 =	vmul.f32 v17, v1;
	v18 =	vadd.f32 v18, v23  }
0x2e3: {  	v33 =	vld [tilespmem:s20+$0x30];
	v37 =	vmul.f32 v19, v4;
	v21 =	vadd.f32 v21, v25;
	v20 =	vadd.f32 v20, v59  }
0x2e4: {  	v19 =	vmul.f32 v19, v2;
	v22 =	vadd.f32 v22, v26;
	v18 =	vadd.f32 v18, v27  }
0x2e5: {  	v17 =	vadd.f32 v17, v28;
	v21 =	vadd.f32 v21, v61;
	v20 =	vmax.f32 v20, $0.0e+00  }
0x2e6: {  	v24 =	vadd.f32 v60, v32;
	v22 =	vadd.f32 v22, v62;
	v18 =	vmax.f32 v18, $0.0e+00;
	[tilespmem:s20+$0xFFFFFFE0] =	vst v20  }
0x2e7: {  	v26 =	vadd.f32 v63, v29;
	v17 =	vadd.f32 v19, v17;
	v21 =	vmax.f32 v21, $0.0e+00;
	[tilespmem:s20+$0xFFFFFFD0] =	vst v18  }
0x2e8: {  	v38 =	vadd.f32 v33, v35;
	v22 =	vmax.f32 v22, $0.0e+00;
	v18 =	vadd.f32 v24, v34;
	[tilespmem:s20+$0xFFFFFFF0] =	vst v21  }
0x2e9: {  	v17 =	vmax.f32 v17, $0.0e+00;
	v20 =	vadd.f32 v26, v36;
	[tilespmem:s20+$0x0] =	vst v22  }
0x2ea: {  	v39 =	vadd.f32 v38, v37;
	[tilespmem:s20+$0xFFFFFFC0] =	vst v17;
	v18 =	vmax.f32 v18, $0.0e+00  }
0x2eb: {  	[tilespmem:s20+$0x10] =	vst v18;
	v18 =	vmax.f32 v20, $0.0e+00  }
0x2ec: {  	[tilespmem:s20+$0x20] =	vst v18;
	v18 =	vmax.f32 v39, $0.0e+00  }
0x2ed: {  	[tilespmem:s20+$0x30] =	vst v18  }
0x2ee: {  	_ =	swait.ge [sflag:s9], $0x40  }
0x2ef: {  	[sflag:s9] =	ssyncset.done $0x0  }
0x2f0: {  	[sflag:s9] =	ssyncadd.s32 $0xFFFFFFC0  }
0x2f1: {  	[spmem:s2] =	stream.indirect.scatter.add.f32 [tilespmem:s23], [sflag:$0xB], $0x80, s24, s19, $0xb8;
	[tilespmem:$0x1C800] =	vst v63  }
0x2f2: {  	p3 =	seq.s32 s17, $0x19;
	_ =	swait.ge [sflag:s18], $0x2000  }
0x2f3: {  	s11 =	sadd.s32 @!p3 $0xC0, s30;
	[sflag:s18] =	ssyncset.done $0x0  }
0x2f4: {  	s29 =	simm.s32 @!p3 $0x2B80;
	s20 =	simm.s32 @!p3 $0x40;
	[sflag:s18] =	ssyncadd.s32 $0xFFFFE000  }
0x2f5: {  	[tilespmem:s29], [sflag:$0x1] =	stream.indirect.gather @!p3 [hbm4b:s12+s20], $0x80, s11, s20, $0xb8;
	[tilespmem:$0x1C800] =	vst v63  }
0x2f6: {  	s11 =	sadd.s32 @!p3 s13, s11  }
0x2f7: {  	s11 =	sshrl.u32 @!p3 s11, $0x3  }
0x2f8: {  	s31 =	simm.s32 @!p3 $0x2700;
	s29 =	simm.s32 @!p3 $0x0;
	s20 =	sadd.s32 @!p3 s1, s11  }
0x2f9: {  	[tilespmem:s31], [sflag:$0x4] =	stream.linear.gather @!p3 [hbm4b:s20+s29], $0x40, $0x38;
	[tilespmem:$0x1C800] =	vst v63  }
0x2fa: {  	s20 =	sadd.s32 @!p3 s4, s11;
	s31 =	simm.s32 @!p3 $0x2880  }
0x2fb: {  	[tilespmem:s31], [sflag:$0x7] =	stream.linear.gather @!p3 [hbm4b:s20+s29], $0x40, $0x38;
	[tilespmem:$0x1C800] =	vst v63  }
0x2fc: {  	s11 =	sadd.s32 @!p3 s6, s11;
	s20 =	simm.s32 @!p3 $0x2A00  }
0x2fd: {  	[tilespmem:s20], [sflag:$0x7] =	stream.linear.gather @!p3 [hbm4b:s11+s29], $0x40, $0x38;
	[tilespmem:$0x1C800] =	vst v63  }
0x2fe: {  	_ =	swait.ge [sflag:s22], $0x2000  }
0x2ff: {  	[sflag:s22] =	ssyncset.done $0x0  }
0x300: {  	[sflag:s22] =	ssyncadd.s32 $0xFFFFE000  }
0x301: {  	_ =	swait.ge [sflag:s15], $0x40  }
0x302: {  	[sflag:s15] =	ssyncset.done $0x0  }
0x303: {  	[sflag:s15] =	ssyncadd.s32 $0xFFFFFFC0  }
0x304: {  	_ =	swait.ge [sflag:s15], $0x40  }
0x305: {  	[sflag:s15] =	ssyncset.done $0x0  }
0x306: {  	s20 =	simm.s32 $0x0;
	[sflag:s15] =	ssyncadd.s32 $0xFFFFFFC0  }
0x307: {  	v17 =	vld.msk [tilespmem:s20+$0x2980 ss:$0x0], $0xffff;
	_ =	sdelay $0x1  }
0x308: {  	v19 =	vld.msk [tilespmem:s20+$0x2B00 ss:$0x0], $0xffff;
	_ =	sdelay $0x1  }
0x309: {  	s31 =	simm.s32 $0x6BC0  }
0x30a: {  	v40 =	vld [tilespmem:s31+$0xFFFFFFE0];
	v43 =	vmul.f32 v17, v10;
	v44 =	vmul.f32 v17, v11  }
0x30b: {  	v18 =	vld [tilespmem:s31+$0xFFFFFFD0];
	v45 =	vmul.f32 v17, v12;
	v46 =	vmul.f32 v17, v13  }
0x30c: {  	v41 =	vld [tilespmem:s31+$0xFFFFFFF0];
	v47 =	vmul.f32 v19, v16;
	v49 =	vmul.f32 v19, v14  }
0x30d: {  	v42 =	vld [tilespmem:s31+$0x0];
	v50 =	vmul.f32 v19, v15;
	v51 =	vmul.f32 v19, v9  }
0x30e: {  	v56 =	vld [tilespmem:s31+$0xFFFFFFC0];
	v53 =	vmul.f32 v17, v7;
	v55 =	vmul.f32 v19, v8  }
0x30f: {  	v48 =	vld [tilespmem:s31+$0x10];
	v57 =	vmul.f32 v17, v5;
	v58 =	vmul.f32 v17, v3;
	v20 =	vadd.f32 v40, v44  }
0x310: {  	v52 =	vld [tilespmem:s31+$0x20];
	v60 =	vmul.f32 v19, v6;
	v17 =	vmul.f32 v17, v1;
	v18 =	vadd.f32 v18, v43  }
0x311: {  	v54 =	vld [tilespmem:s31+$0x30];
	v61 =	vmul.f32 v19, v4;
	v21 =	vadd.f32 v41, v45;
	v20 =	vadd.f32 v20, v47  }
0x312: {  	v19 =	vmul.f32 v19, v2;
	v22 =	vadd.f32 v42, v46;
	v18 =	vadd.f32 v18, v49  }
0x313: {  	v17 =	vadd.f32 v17, v56;
	v21 =	vadd.f32 v21, v50;
	v20 =	vmax.f32 v20, $0.0e+00  }
0x314: {  	v24 =	vadd.f32 v48, v53;
	v22 =	vadd.f32 v22, v51;
	v18 =	vmax.f32 v18, $0.0e+00;
	[tilespmem:s31+$0xFFFFFFE0] =	vst v20  }
0x315: {  	v59 =	vadd.f32 v52, v57;
	v17 =	vadd.f32 v19, v17;
	v21 =	vmax.f32 v21, $0.0e+00;
	[tilespmem:s31+$0xFFFFFFD0] =	vst v18  }
0x316: {  	v62 =	vadd.f32 v54, v58;
	v22 =	vmax.f32 v22, $0.0e+00;
	v18 =	vadd.f32 v24, v55;
	[tilespmem:s31+$0xFFFFFFF0] =	vst v21  }
0x317: {  	v17 =	vmax.f32 v17, $0.0e+00;
	v20 =	vadd.f32 v59, v60;
	[tilespmem:s31+$0x0] =	vst v22  }
0x318: {  	v63 =	vadd.f32 v62, v61;
	[tilespmem:s31+$0xFFFFFFC0] =	vst v17;
	v18 =	vmax.f32 v18, $0.0e+00  }
0x319: {  	[tilespmem:s31+$0x10] =	vst v18;
	v18 =	vmax.f32 v20, $0.0e+00  }
0x31a: {  	[tilespmem:s31+$0x20] =	vst v18;
	v18 =	vmax.f32 v63, $0.0e+00  }
0x31b: {  	s11 =	simm.s32 $0x1;
	s29 =	simm.s32 $0x8;
	[tilespmem:s31+$0x30] =	vst v18  }
.LBB2_24:
0x31c: {  	p4 =	sne.s32 s29, $0xFC;
	v17 =	vld.msk [tilespmem:s11+$0x2980 ss:$0x0], $0xffff;
	s31 =	sadd.s32 $0x80, s31  }
0x31d: {  	v18 =	vld [tilespmem:s31+$0xFFFFFFD0]  }
0x31e: {  	v19 =	vld.msk [tilespmem:s11+$0x2B00 ss:$0x0], $0xffff  }
0x31f: {  	v20 =	vld [tilespmem:s31+$0xFFFFFFE0]  }
0x320: {  	v21 =	vld [tilespmem:s31+$0xFFFFFFF0]  }
0x321: {  	v22 =	vld [tilespmem:s31+$0x0]  }
0x322: {  	v23 =	vmul.f32 v17, v10;
	v24 =	vmul.f32 v17, v11  }
0x323: {  	v25 =	vmul.f32 v17, v12;
	v26 =	vmul.f32 v17, v13  }
0x324: {  	v18 =	vadd.f32 v18, v23;
	v23 =	vmul.f32 v19, v16;
	v20 =	vadd.f32 v20, v24;
	v24 =	vld [tilespmem:s31+$0x10]  }
0x325: {  	v27 =	vmul.f32 v19, v14;
	v21 =	vadd.f32 v21, v25;
	v25 =	vmul.f32 v19, v15  }
0x326: {  	v20 =	vadd.f32 v20, v23;
	v22 =	vadd.f32 v22, v26;
	v23 =	vmul.f32 v19, v9  }
0x327: {  	v18 =	vadd.f32 v18, v27;
	v21 =	vadd.f32 v21, v25;
	v25 =	vmul.f32 v17, v7;
	v26 =	vld [tilespmem:s31+$0x20]  }
0x328: {  	v20 =	vmax.f32 v20, $0.0e+00;
	v22 =	vadd.f32 v22, v23;
	v23 =	vmul.f32 v19, v8;
	v27 =	vld [tilespmem:s31+$0x30]  }
0x329: {  	v18 =	vmax.f32 v18, $0.0e+00;
	v28 =	vld [tilespmem:s31+$0xFFFFFFC0];
	[tilespmem:s31+$0xFFFFFFE0] =	vst v20;
	v20 =	vmax.f32 v21, $0.0e+00;
	v21 =	vadd.f32 v24, v25  }
0x32a: {  	v24 =	vmul.f32 v19, v6;
	[tilespmem:s31+$0xFFFFFFD0] =	vst v18;
	v18 =	vmax.f32 v22, $0.0e+00;
	v22 =	vmul.f32 v17, v5  }
0x32b: {  	[tilespmem:s31+$0xFFFFFFF0] =	vst v20;
	v20 =	vadd.f32 v21, v23;
	v21 =	vmul.f32 v17, v3;
	v23 =	vmul.f32 v19, v4  }
0x32c: {  	v17 =	vmul.f32 v17, v1;
	v19 =	vmul.f32 v19, v2;
	[tilespmem:s31+$0x0] =	vst v18;
	v18 =	vadd.f32 v26, v22  }
0x32d: {  	v20 =	vmax.f32 v20, $0.0e+00;
	v21 =	vadd.f32 v27, v21  }
0x32e: {  	v17 =	vadd.f32 v17, v28;
	[tilespmem:s31+$0x10] =	vst v20;
	v18 =	vadd.f32 v18, v24  }
.Ltmp13:
0x32f: {  	v20 =	vadd.f32 v21, v23;
	(pc) =	sbr.rel @p4 .LBB2_24-.Ltmp13, $4  }
0x330: {  	v17 =	vadd.f32 v19, v17;
	v18 =	vmax.f32 v18, $0.0e+00  }
0x331: {  	[tilespmem:s31+$0x20] =	vst v18;
	v18 =	vmax.f32 v20, $0.0e+00  }
0x332: {  	v17 =	vmax.f32 v17, $0.0e+00;
	[tilespmem:s31+$0x30] =	vst v18  }
0x333: {  	s11 =	sshra.s32 s29, $0x2;
	s29 =	sadd.s32 $0x4, s29;
	[tilespmem:s31+$0xFFFFFFC0] =	vst v17  }
0x334: {  	v17 =	vld.msk [tilespmem:s11+$0x2980 ss:$0x0], $0xffff;
	_ =	sdelay $0x1  }
0x335: {  	v19 =	vld.msk [tilespmem:s11+$0x2B00 ss:$0x0], $0xffff;
	_ =	sdelay $0x1  }
0x336: {  	s20 =	sadd.s32 $0x80, s31  }
0x337: {  	v20 =	vld [tilespmem:s20+$0xFFFFFFE0];
	v23 =	vmul.f32 v17, v10;
	v24 =	vmul.f32 v17, v11  }
0x338: {  	v18 =	vld [tilespmem:s20+$0xFFFFFFD0];
	v25 =	vmul.f32 v17, v12;
	v26 =	vmul.f32 v17, v13  }
0x339: {  	v21 =	vld [tilespmem:s20+$0xFFFFFFF0];
	v50 =	vmul.f32 v19, v16;
	v27 =	vmul.f32 v19, v14  }
0x33a: {  	v22 =	vld [tilespmem:s20+$0x0];
	v52 =	vmul.f32 v19, v15;
	v53 =	vmul.f32 v19, v9  }
0x33b: {  	v28 =	vld [tilespmem:s20+$0xFFFFFFC0];
	v55 =	vmul.f32 v17, v7;
	v57 =	vmul.f32 v19, v8  }
0x33c: {  	v51 =	vld [tilespmem:s20+$0x10];
	v29 =	vmul.f32 v17, v5;
	v58 =	vmul.f32 v17, v3;
	v20 =	vadd.f32 v20, v24  }
0x33d: {  	v54 =	vld [tilespmem:s20+$0x20];
	v60 =	vmul.f32 v19, v6;
	v17 =	vmul.f32 v17, v1;
	v18 =	vadd.f32 v18, v23  }
0x33e: {  	v56 =	vld [tilespmem:s20+$0x30];
	v61 =	vmul.f32 v19, v4;
	v21 =	vadd.f32 v21, v25;
	v20 =	vadd.f32 v20, v50  }
0x33f: {  	v19 =	vmul.f32 v19, v2;
	v22 =	vadd.f32 v22, v26;
	v18 =	vadd.f32 v18, v27  }
0x340: {  	v17 =	vadd.f32 v17, v28;
	v21 =	vadd.f32 v21, v52;
	v20 =	vmax.f32 v20, $0.0e+00  }
0x341: {  	v24 =	vadd.f32 v51, v55;
	v22 =	vadd.f32 v22, v53;
	v18 =	vmax.f32 v18, $0.0e+00;
	[tilespmem:s20+$0xFFFFFFE0] =	vst v20  }
0x342: {  	v59 =	vadd.f32 v54, v29;
	v17 =	vadd.f32 v19, v17;
	v21 =	vmax.f32 v21, $0.0e+00;
	[tilespmem:s20+$0xFFFFFFD0] =	vst v18  }
0x343: {  	v62 =	vadd.f32 v56, v58;
	v22 =	vmax.f32 v22, $0.0e+00;
	v18 =	vadd.f32 v24, v57;
	[tilespmem:s20+$0xFFFFFFF0] =	vst v21  }
0x344: {  	v17 =	vmax.f32 v17, $0.0e+00;
	v20 =	vadd.f32 v59, v60;
	[tilespmem:s20+$0x0] =	vst v22  }
0x345: {  	v63 =	vadd.f32 v62, v61;
	[tilespmem:s20+$0xFFFFFFC0] =	vst v17;
	v18 =	vmax.f32 v18, $0.0e+00  }
0x346: {  	[tilespmem:s20+$0x10] =	vst v18;
	v18 =	vmax.f32 v20, $0.0e+00  }
0x347: {  	[tilespmem:s20+$0x20] =	vst v18;
	v18 =	vmax.f32 v63, $0.0e+00  }
0x348: {  	[tilespmem:s20+$0x30] =	vst v18  }
0x349: {  	_ =	swait.ge [sflag:s8], $0x40  }
0x34a: {  	[sflag:s8] =	ssyncset.done $0x0  }
.Ltmp14:
0x34b: {  	[sflag:s8] =	ssyncadd.s32 $0xFFFFFFC0;
	(pc) =	sbr.rel @p3 .LBB2_27-.Ltmp14, $4  }
0x34c: {  	[spmem:s2] =	stream.indirect.scatter.add.f32 [tilespmem:s26], [sflag:$0xC], $0x80, s28, s19, $0xb8;
	[tilespmem:$0x1C800] =	vst v63  }
0x34d: {  	_ =	swait.ge [sflag:s10], $0x2000  }
0x34e: {  	[sflag:s10] =	ssyncset.done $0x0  }
0x34f: {  	[sflag:s10] =	ssyncadd.s32 $0xFFFFE000  }
0x350: {  	s11 =	sadd.s32 $0x100, s30  }
0x351: {  	[tilespmem:s23], [sflag:$0x2] =	stream.indirect.gather [hbm4b:s12+s19], $0x80, s11, s19, $0xb8;
	[tilespmem:$0x1C800] =	vst v63  }
0x352: {  	s11 =	sadd.s32 s13, s11  }
0x353: {  	s11 =	sshrl.u32 s11, $0x3  }
0x354: {  	s20 =	sadd.s32 s1, s11  }
0x355: {  	[tilespmem:s24], [sflag:$0x5] =	stream.linear.gather [hbm4b:s20+s3], $0x40, $0x38;
	[tilespmem:$0x1C800] =	vst v63  }
.Ltmp15:
0x356: {  	_ = 	snop;
	(pc) =	sbr.rel .LBB2_19-.Ltmp15, $4  }
0x357: {  	s29 =	simm.s32 $0x2900;
	s30 =	sadd.s32 s4, s11  }
0x358: {  	[tilespmem:s29], [sflag:$0x8] =	stream.linear.gather [hbm4b:s30+s3], $0x40, $0x38;
	[tilespmem:$0x1C800] =	vst v63  }
0x359: {  	s31 =	simm.s32 $0x2A80;
	s17 =	sadd.s32 $0x1, s17;
	s11 =	sadd.s32 s6, s11  }
0x35a: {  	[tilespmem:s31], [sflag:$0x8] =	stream.linear.gather [hbm4b:s11+s3], $0x40, $0x38;
	[tilespmem:$0x1C800] =	vst v63  }
.LBB2_27:
.Ltmp16:
0x35b: {  	(pc) =	sbr.rel @p2 .LBB2_31-.Ltmp16, $4  }
0x35c: {  	s11 =	simm.s32 $0xC  }
0x35d: {  	_ =	swait.ge [sflag:s11], $0x2000  }
0x35e: {  	[sflag:s11] =	ssyncset.done $0x0  }
0x35f: {  	s20 =	simm.s32 $0xD;
	s30 =	sld [smem:$0x7F3];
	[sflag:s11] =	ssyncadd.s32 $0xFFFFE000  }
0x360: {  	s17 =	sld [smem:$0x7F6];
	_ =	sdelay $0x1  }
0x361: {  	s11 =	simm.s32 $0x0  }
0x362: {  	[tilespmem:s11], [sflag:$0xD] =	stream.linear.gather [hbm4b:s17+s11], $0x40, $0x38;
	[tilespmem:$0x1C800] =	vst v63  }
0x363: {  	_ =	swait.ge [sflag:s20], $0x40  }
0x364: {  	s31 =	sld [smem:$0x7F7]  }
0x365: {  	[sflag:s20] =	ssyncset.done $0x0  }
0x366: {  	s29 =	simm.s32 $0x2880;
	[sflag:s20] =	ssyncadd.s32 $0xFFFFFFC0  }
0x367: {  	[tilespmem:s29], [sflag:$0xD] =	stream.linear.gather [hbm4b:s31+s11], $0x40, $0x38;
	[tilespmem:$0x1C800] =	vst v63  }
0x368: {  	_ =	swait.ge [sflag:s20], $0x40  }
0x369: {  	s31 =	sld [smem:$0x7F8]  }
0x36a: {  	[sflag:s20] =	ssyncset.done $0x0  }
0x36b: {  	s29 =	simm.s32 $0x2A00;
	[sflag:s20] =	ssyncadd.s32 $0xFFFFFFC0  }
0x36c: {  	[tilespmem:s29], [sflag:$0xD] =	stream.linear.gather [hbm4b:s31+s11], $0x40, $0x38;
	[tilespmem:$0x1C800] =	vst v63  }
0x36d: {  	_ =	swait.ge [sflag:s20], $0x40  }
0x36e: {  	[sflag:s20] =	ssyncset.done $0x0  }
0x36f: {  	[sflag:s20] =	ssyncadd.s32 $0xFFFFFFC0  }
0x370: {  	v17 =	vld [tilespmem:$0x0]  }
0x371: {  	v18 =	vld [tilespmem:$0x10]  }
0x372: {  	v19 =	vld [tilespmem:$0x20]  }
0x373: {  	v20 =	vld [tilespmem:$0x30];
	_ =	sdelay $0x1  }
0x374: {  	v17 =	vadd.s32 $0x4E20, v17  }
0x375: {  	[tilespmem:$0x0] =	vst v17;
	v17 =	vadd.s32 $0x4E20, v18  }
0x376: {  	[tilespmem:$0x10] =	vst v17;
	v17 =	vadd.s32 $0x4E20, v19  }
0x377: {  	[tilespmem:$0x20] =	vst v17;
	v17 =	vadd.s32 $0x4E20, v20  }
0x378: {  	s31 =	simm.s32 $0x2B80;
	[tilespmem:$0x30] =	vst v17  }
0x379: {  	[tilespmem:s31], [sflag:$0x1] =	stream.indirect.gather [hbm4b:s12+s19], $0x80, s11, s19, $0xb8;
	[tilespmem:$0x1C800] =	vst v63  }
0x37a: {  	_ =	swait.ge [sflag:s0], $0x2000  }
0x37b: {  	[sflag:s0] =	ssyncset.done $0x0  }
0x37c: {  	s31 =	simm.s32 $0x0;
	[sflag:s0] =	ssyncadd.s32 $0xFFFFE000  }
0x37d: {  	v17 =	vld.msk [tilespmem:s31+$0x2880 ss:$0x0], $0xffff;
	_ =	sdelay $0x1  }
0x37e: {  	v19 =	vld.msk [tilespmem:s31+$0x2A00 ss:$0x0], $0xffff;
	_ =	sdelay $0x1  }
0x37f: {  	s17 =	simm.s32 $0x2BC0  }
0x380: {  	v49 =	vld [tilespmem:s17+$0xFFFFFFE0];
	v23 =	vmul.f32 v17, v10;
	v24 =	vmul.f32 v17, v11  }
0x381: {  	v18 =	vld [tilespmem:s17+$0xFFFFFFD0];
	v25 =	vmul.f32 v17, v12;
	v26 =	vmul.f32 v17, v13  }
0x382: {  	v21 =	vld [tilespmem:s17+$0xFFFFFFF0];
	v50 =	vmul.f32 v19, v16;
	v27 =	vmul.f32 v19, v14  }
0x383: {  	v22 =	vld [tilespmem:s17+$0x0];
	v52 =	vmul.f32 v19, v15;
	v53 =	vmul.f32 v19, v9  }
0x384: {  	v28 =	vld [tilespmem:s17+$0xFFFFFFC0];
	v55 =	vmul.f32 v17, v7;
	v57 =	vmul.f32 v19, v8  }
0x385: {  	v51 =	vld [tilespmem:s17+$0x10];
	v29 =	vmul.f32 v17, v5;
	v58 =	vmul.f32 v17, v3;
	v20 =	vadd.f32 v49, v24  }
0x386: {  	v54 =	vld [tilespmem:s17+$0x20];
	v60 =	vmul.f32 v19, v6;
	v17 =	vmul.f32 v17, v1;
	v18 =	vadd.f32 v18, v23  }
0x387: {  	v56 =	vld [tilespmem:s17+$0x30];
	v61 =	vmul.f32 v19, v4;
	v21 =	vadd.f32 v21, v25;
	v20 =	vadd.f32 v20, v50  }
0x388: {  	v19 =	vmul.f32 v19, v2;
	v22 =	vadd.f32 v22, v26;
	v18 =	vadd.f32 v18, v27  }
0x389: {  	v17 =	vadd.f32 v17, v28;
	v21 =	vadd.f32 v21, v52;
	v20 =	vmax.f32 v20, $0.0e+00  }
0x38a: {  	v24 =	vadd.f32 v51, v55;
	v22 =	vadd.f32 v22, v53;
	v18 =	vmax.f32 v18, $0.0e+00;
	[tilespmem:s17+$0xFFFFFFE0] =	vst v20  }
0x38b: {  	v59 =	vadd.f32 v54, v29;
	v17 =	vadd.f32 v19, v17;
	v21 =	vmax.f32 v21, $0.0e+00;
	[tilespmem:s17+$0xFFFFFFD0] =	vst v18  }
0x38c: {  	v62 =	vadd.f32 v56, v58;
	v22 =	vmax.f32 v22, $0.0e+00;
	v18 =	vadd.f32 v24, v57;
	[tilespmem:s17+$0xFFFFFFF0] =	vst v21  }
0x38d: {  	v17 =	vmax.f32 v17, $0.0e+00;
	v20 =	vadd.f32 v59, v60;
	[tilespmem:s17+$0x0] =	vst v22  }
0x38e: {  	v63 =	vadd.f32 v62, v61;
	[tilespmem:s17+$0xFFFFFFC0] =	vst v17;
	v18 =	vmax.f32 v18, $0.0e+00  }
0x38f: {  	[tilespmem:s17+$0x10] =	vst v18;
	v18 =	vmax.f32 v20, $0.0e+00  }
0x390: {  	[tilespmem:s17+$0x20] =	vst v18;
	v18 =	vmax.f32 v63, $0.0e+00  }
0x391: {  	s29 =	simm.s32 $0x8;
	s11 =	simm.s32 $0x1;
	[tilespmem:s17+$0x30] =	vst v18  }
.LBB2_29:
0x392: {  	p3 =	sne.s32 s29, $0xFC;
	v17 =	vld.msk [tilespmem:s11+$0x2880 ss:$0x0], $0xffff;
	s17 =	sadd.s32 $0x80, s17  }
0x393: {  	v18 =	vld [tilespmem:s17+$0xFFFFFFD0]  }
0x394: {  	v19 =	vld.msk [tilespmem:s11+$0x2A00 ss:$0x0], $0xffff  }
0x395: {  	v20 =	vld [tilespmem:s17+$0xFFFFFFE0]  }
0x396: {  	v21 =	vld [tilespmem:s17+$0xFFFFFFF0]  }
0x397: {  	v22 =	vld [tilespmem:s17+$0x0]  }
0x398: {  	v23 =	vmul.f32 v17, v10;
	v24 =	vmul.f32 v17, v11  }
0x399: {  	v25 =	vmul.f32 v17, v12;
	v26 =	vmul.f32 v17, v13  }
0x39a: {  	v18 =	vadd.f32 v18, v23;
	v23 =	vmul.f32 v19, v16;
	v20 =	vadd.f32 v20, v24;
	v24 =	vld [tilespmem:s17+$0x10]  }
0x39b: {  	v27 =	vmul.f32 v19, v14;
	v21 =	vadd.f32 v21, v25;
	v25 =	vmul.f32 v19, v15  }
0x39c: {  	v20 =	vadd.f32 v20, v23;
	v22 =	vadd.f32 v22, v26;
	v23 =	vmul.f32 v19, v9  }
0x39d: {  	v18 =	vadd.f32 v18, v27;
	v21 =	vadd.f32 v21, v25;
	v25 =	vmul.f32 v17, v7;
	v26 =	vld [tilespmem:s17+$0x20]  }
0x39e: {  	v20 =	vmax.f32 v20, $0.0e+00;
	v22 =	vadd.f32 v22, v23;
	v23 =	vmul.f32 v19, v8;
	v27 =	vld [tilespmem:s17+$0x30]  }
0x39f: {  	v18 =	vmax.f32 v18, $0.0e+00;
	v28 =	vld [tilespmem:s17+$0xFFFFFFC0];
	[tilespmem:s17+$0xFFFFFFE0] =	vst v20;
	v20 =	vmax.f32 v21, $0.0e+00;
	v21 =	vadd.f32 v24, v25  }
0x3a0: {  	v24 =	vmul.f32 v19, v6;
	[tilespmem:s17+$0xFFFFFFD0] =	vst v18;
	v18 =	vmax.f32 v22, $0.0e+00;
	v22 =	vmul.f32 v17, v5  }
0x3a1: {  	[tilespmem:s17+$0xFFFFFFF0] =	vst v20;
	v20 =	vadd.f32 v21, v23;
	v21 =	vmul.f32 v17, v3;
	v23 =	vmul.f32 v19, v4  }
0x3a2: {  	v17 =	vmul.f32 v17, v1;
	v19 =	vmul.f32 v19, v2;
	[tilespmem:s17+$0x0] =	vst v18;
	v18 =	vadd.f32 v26, v22  }
0x3a3: {  	v20 =	vmax.f32 v20, $0.0e+00;
	v21 =	vadd.f32 v27, v21  }
0x3a4: {  	v17 =	vadd.f32 v17, v28;
	[tilespmem:s17+$0x10] =	vst v20;
	v18 =	vadd.f32 v18, v24  }
.Ltmp17:
0x3a5: {  	v20 =	vadd.f32 v21, v23;
	(pc) =	sbr.rel @p3 .LBB2_29-.Ltmp17, $4  }
0x3a6: {  	v17 =	vadd.f32 v19, v17;
	v18 =	vmax.f32 v18, $0.0e+00  }
0x3a7: {  	[tilespmem:s17+$0x20] =	vst v18;
	v18 =	vmax.f32 v20, $0.0e+00  }
0x3a8: {  	v17 =	vmax.f32 v17, $0.0e+00;
	[tilespmem:s17+$0x30] =	vst v18  }
0x3a9: {  	s11 =	sshra.s32 s29, $0x2;
	s29 =	sadd.s32 $0x4, s29;
	[tilespmem:s17+$0xFFFFFFC0] =	vst v17  }
0x3aa: {  	v17 =	vld.msk [tilespmem:s11+$0x2880 ss:$0x0], $0xffff;
	_ =	sdelay $0x1  }
0x3ab: {  	v19 =	vld.msk [tilespmem:s11+$0x2A00 ss:$0x0], $0xffff;
	_ =	sdelay $0x1  }
0x3ac: {  	s17 =	sadd.s32 $0x80, s17  }
0x3ad: {  	v20 =	vld [tilespmem:s17+$0xFFFFFFE0];
	v10 =	vmul.f32 v17, v10;
	v11 =	vmul.f32 v17, v11  }
0x3ae: {  	v18 =	vld [tilespmem:s17+$0xFFFFFFD0];
	v12 =	vmul.f32 v17, v12;
	v13 =	vmul.f32 v17, v13  }
0x3af: {  	v21 =	vld [tilespmem:s17+$0xFFFFFFF0];
	v16 =	vmul.f32 v19, v16;
	v14 =	vmul.f32 v19, v14  }
0x3b0: {  	v22 =	vld [tilespmem:s17+$0x0];
	v15 =	vmul.f32 v19, v15;
	v9 =	vmul.f32 v19, v9  }
0x3b1: {  	v59 =	vld [tilespmem:s17+$0x10];
	v7 =	vmul.f32 v17, v7;
	v8 =	vmul.f32 v19, v8  }
0x3b2: {  	v60 =	vld [tilespmem:s17+$0x20];
	v5 =	vmul.f32 v17, v5;
	v3 =	vmul.f32 v17, v3;
	v11 =	vadd.f32 v20, v11  }
0x3b3: {  	v62 =	vld [tilespmem:s17+$0xFFFFFFC0];
	v6 =	vmul.f32 v19, v6;
	v1 =	vmul.f32 v17, v1;
	v10 =	vadd.f32 v18, v10  }
0x3b4: {  	v61 =	vld [tilespmem:s17+$0x30];
	v4 =	vmul.f32 v19, v4;
	v12 =	vadd.f32 v21, v12;
	v11 =	vadd.f32 v11, v16  }
0x3b5: {  	v2 =	vmul.f32 v19, v2;
	v13 =	vadd.f32 v22, v13;
	v10 =	vadd.f32 v10, v14  }
0x3b6: {  	v7 =	vadd.f32 v59, v7;
	v12 =	vadd.f32 v12, v15;
	v11 =	vmax.f32 v11, $0.0e+00  }
0x3b7: {  	v5 =	vadd.f32 v60, v5;
	v9 =	vadd.f32 v13, v9;
	v10 =	vmax.f32 v10, $0.0e+00;
	[tilespmem:s17+$0xFFFFFFE0] =	vst v11  }
0x3b8: {  	v1 =	vadd.f32 v1, v62;
	v7 =	vadd.f32 v7, v8;
	v12 =	vmax.f32 v12, $0.0e+00;
	[tilespmem:s17+$0xFFFFFFD0] =	vst v10  }
0x3b9: {  	v3 =	vadd.f32 v61, v3;
	v5 =	vadd.f32 v5, v6;
	v9 =	vmax.f32 v9, $0.0e+00;
	[tilespmem:s17+$0xFFFFFFF0] =	vst v12  }
0x3ba: {  	v1 =	vadd.f32 v2, v1;
	v63 =	vmax.f32 v7, $0.0e+00;
	[tilespmem:s17+$0x0] =	vst v9  }
0x3bb: {  	v3 =	vadd.f32 v3, v4;
	v2 =	vmax.f32 v5, $0.0e+00;
	[tilespmem:s17+$0x10] =	vst v63  }
0x3bc: {  	s29 =	sld [smem:$0x7F9];
	v1 =	vmax.f32 v1, $0.0e+00;
	[tilespmem:s17+$0x20] =	vst v2  }
0x3bd: {  	v2 =	vmax.f32 v3, $0.0e+00;
	[tilespmem:s17+$0xFFFFFFC0] =	vst v1  }
0x3be: {  	[tilespmem:s17+$0x30] =	vst v2  }
0x3bf: {  	[tilespmem:s21], [sflag:$0xD] =	stream.linear.gather [hbm4b:s29+s3], $0x40, $0x38;
	[tilespmem:$0x1C800] =	vst v63  }
0x3c0: {  	_ =	swait.ge [sflag:s20], $0x40  }
0x3c1: {  	[sflag:s20] =	ssyncset.done $0x0  }
.Ltmp18:
0x3c2: {  	s31 =	simm.s32 $0x2B80;
	[sflag:s20] =	ssyncadd.s32 $0xFFFFFFC0;
	(pc) =	sbr.rel .LBB2_31-.Ltmp18, $4  }
0x3c3: {  	[spmem:s2] =	stream.indirect.scatter.add.f32 [tilespmem:s31], [sflag:$0xD], $0x80, s21, s19, $0xb8;
	[tilespmem:$0x1C800] =	vst v63  }
0x3c4: {  	_ =	swait.ge [sflag:s20], $0x2000  }
0x3c5: {  	[sflag:s20] =	ssyncset.done $0x0  }
0x3c6: {  	[sflag:s20] =	ssyncadd.s32 $0xFFFFE000  }
.LBB2_32:
0x3c7: {  	_ =	sfence.sel $0x180000  }
0x3c8: {  	[bflag:$0x0] =	sbarrier.arrive $0xFFFF  }
0x3c9: {  	_ =	strace $0x90000047  }
0x3ca: {  	s0 =	stileid.u32;
	[bflag:$0x2] =	sbarrier.arrive $0xFFFF  }
0x3cb: {  	p0 =	sne.s32 s0, $0x0;
	s0 =	rddreg [dreg:$0x3]  }
0x3cc: {  	s0 =	sadd.s32 @!p0 $0x100000, s0  }
0x3cd: {  	[sflag:s0] =	ssyncadd.tile.s32 @!p0 $0x1;
	_ =	shalt  }
.Lfunc_end2:
_tile_overlayer_lowered:
.L_overlay_start_2:
0x3ce: {  	(tag) =	ssettag $0x2  }
0x3cf: {  	s0 =	rddreg [dreg:$0x0];
	s2 =	stileid.u32  }
0x3d0: {  	s1 =	rddreg [dreg:$0x1];
	p0 =	sne.s32 s2, $0x0  }
0x3d1: {  	s3 =	rddreg [dreg:$0x2];
	[bflag:$0x3] =	sbarrier.arrive $0xFFFF;
	s2 =	simm.s32 @!p0 $0x1C0D  }
0x3d2: {  	[timem:s3], [sflag:s2] =	dma.local @!p0 [hbm:s0], s1  }
0x3d3: {  	s0 =	simm.s32 @!p0 $0xD  }
0x3d4: {  	_ =	swait.ge @!p0 [sflag:s0], s1  }
0x3d5: {  	s1 =	ssub.s32 @!p0 $0x0, s1;
	[sflag:s0] =	ssyncset.done @!p0 $0x0  }
0x3d6: {  	[sflag:s0] =	ssyncadd.s32 @!p0 s1  }
0x3d7: {  	[bflag:$0x3] =	sbarrier.arrive $0xFFFF  }
0x3d8: {  	_ =	shalt  }

</sc_bundles>
